<compile_context>
chip_gen: v7x
topology: tpu7x:2x2x1
jax: 0.10.2.dev20260603
libtpu: 0.0.44.dev20260713+nightly
codegen_flags: <defaults>
</compile_context>

<pallas_src>
import functools

import jax
import jax.numpy as jnp
from jax import lax
from jax.experimental import pallas as pl
from jax.experimental.pallas import tpu as pltpu
from jax.experimental.pallas import tpu_sc as plsc

_NC = 2
_NS = 16
_NW = _NC * _NS
_LANES = 128


@functools.lru_cache(maxsize=None)
def _build(B, S, V, D):
    td_n = D // 8
    mesh = plsc.VectorSubcoreMesh(core_axis_name="c", subcore_axis_name="s")

    @functools.partial(
        pl.kernel,
        mesh=mesh,
        out_type=jax.ShapeDtypeStruct((S, td_n, _NW, 8, _LANES), jnp.float32),
        scratch_types=[
            pltpu.VMEM((V * (D + 1),), jnp.float32),
            pltpu.VMEM((S, _LANES), jnp.int32),
            pltpu.VMEM((2, td_n, 8, _LANES), jnp.float32),
            pltpu.SemaphoreType.DMA((2,)),
        ],
        compiler_params=pltpu.CompilerParams(use_tc_tiling_on_sc=False,
                                             needs_layout_passes=False),
    )
    def k(tbl_flat, ids3, out, tbl_v, idx_v, buf2, sems):
        wid = lax.axis_index("s") * _NC + lax.axis_index("c")
        pltpu.sync_copy(tbl_flat, tbl_v)
        pltpu.sync_copy(ids3.at[wid], idx_v)

        def build_block(s, par):
            for g in range(_LANES // 16):
                base = idx_v[s, pl.ds(g * 16, 16)] * (D + 1)

                @plsc.parallel_loop(0, D, unroll=8)
                def _(d):
                    vals = plsc.load_gather(tbl_v, [base + d])
                    buf2[par, d // 8, d % 8, pl.ds(g * 16, 16)] = vals

        def dma_start(s, par):
            pltpu.async_copy(buf2.at[par], out.at[s, :, wid], sems.at[par])

        def dma_wait(s, par):
            pltpu.make_async_copy(buf2.at[par], out.at[s, :, wid],
                                  sems.at[par]).wait()

        for par in range(2):
            build_block(par, par)
            dma_start(par, par)

        def body(s2, carry):
            for par in range(2):
                s = s2 * 2 + par
                dma_wait(s - 2, par)
                build_block(s, par)
                dma_start(s, par)
            return carry

        lax.fori_loop(1, S // 2, body, 0)

        for par in range(2):
            dma_wait(S - 2 + par, par)

    return k


def kernel(ids, emb_table):
    B, S = ids.shape
    V, D = emb_table.shape
    ids3 = (ids.astype(jnp.int32).T
            .reshape(S, _NW, _LANES).transpose(1, 0, 2))
    tbl_skew = jnp.pad(emb_table, ((0, 0), (0, 1))).reshape(-1)
    out5 = _build(B, S, V, D)(tbl_skew, ids3)
    return out5.transpose(2, 4, 0, 1, 3).reshape(B, S, D)

# --- scband reference (transcript-rebuilt; emitter-appended) ---
"""Pipeline reference for scband-fake-text-encoder-18433999634790 (READ-ONLY COPY).

The authoritative reference and input builder live on the scoring server;
editing this copy changes nothing except your own understanding.
"""

import jax, jax.numpy as jnp
import numpy as np

VOCAB = 1024
HIDDEN_DIM = 64
BATCH = 4096
SEQ = 200

def setup_inputs(seed: int = 0) -> dict:
    key = jax.random.key(seed)
    k_ids, k_emb = jax.random.split(key)
    ids = jax.random.randint(k_ids, (BATCH, SEQ), 0, VOCAB, dtype=jnp.int64) if jax.config.jax_enable_x64 else jax.random.randint(k_ids, (BATCH, SEQ), 0, VOCAB, dtype=jnp.int32)
    emb_table = jax.random.normal(k_emb, (VOCAB, HIDDEN_DIM), dtype=jnp.float32)
    return {"ids": ids, "emb_table": emb_table}

def reference(ids, emb_table):
    # Faithful translation of FakeTextEncoder.forward with output_hidden_states=False:
    #   x = self.emb(ids); return (x,)
    x = jnp.take(emb_table, ids, axis=0)
    return x

if __name__ == "__main__":
    import jax
    _d = setup_inputs()
    print(jax.jit(kernel)(*tuple(_d.values())))

</pallas_src>

<mosaic_0001>
#map = affine_map<(d0, d1) -> (0)>
#map1 = affine_map<(d0, d1) -> (0, 0, 0)>
#map2 = affine_map<(d0, d1) -> (0, 0, 0, 0, 0)>
module attributes {stable_mosaic.version = 14 : i64} {
  func.func @k(%arg0: i32, %arg1: i32, %arg2: memref<66560xf32, #tpu.memory_space<hbm>>, %arg3: memref<32x200x128xi32, #tpu.memory_space<hbm>>, %arg4: memref<200x8x32x8x128xf32, #tpu.memory_space<hbm>>, %arg5: memref<66560xf32, #tpu.memory_space<vmem>>, %arg6: memref<200x128xi32, #tpu.memory_space<vmem>>, %arg7: memref<2x8x8x128xf32, #tpu.memory_space<vmem>>, %arg8: memref<2x!tpu.dma_semaphore, #tpu.memory_space<semaphore_mem>>) attributes {dimension_semantics = [#tpu.dimension_semantics<core_parallel>, #tpu.dimension_semantics<subcore_parallel>], iteration_bounds = array<i64: 2, 16>, scalar_prefetch = 0 : i64, scratch_operands = 4 : i64, tpu.core_type = #tpu.core_type<sc_vector_subcore>, window_params = [{transform_indices = #map}, {transform_indices = #map1}, {transform_indices = #map2}]} {
    %mul3A = arith.constant 2 : i32
    %mul3A_0 = arith.muli %arg1, %mul3A : i32
    %add3A = arith.addi %mul3A_0, %arg0 : i32
    "tpu.region"() ({
      %run_scoped3A = tpu.sem_alloc : memref<!tpu.dma_semaphore, #tpu.memory_space<semaphore_mem>>
      tpu.enqueue_dma source(%arg2 : memref<66560xf32, #tpu.memory_space<hbm>>) target(%arg5 : memref<66560xf32, #tpu.memory_space<vmem>>) target_semaphore(%run_scoped3A : memref<!tpu.dma_semaphore, #tpu.memory_space<semaphore_mem>>)
      tpu.wait_dma2 semaphore(%run_scoped3A : memref<!tpu.dma_semaphore, #tpu.memory_space<semaphore_mem>>) src(%arg2 : memref<66560xf32, #tpu.memory_space<hbm>>) dst(%arg5 : memref<66560xf32, #tpu.memory_space<vmem>>)
      tpu.yield
    }) : () -> ()
    "tpu.region"() ({
      %run_scoped3A = tpu.sem_alloc : memref<!tpu.dma_semaphore, #tpu.memory_space<semaphore_mem>>
      %dma_start3A_262 = arith.constant 0 : i32
      %dma_start3A_263 = arith.constant 0 : i32
      %dma_start3A_264 = tpu.memref_slice %arg3[%add3A, %dma_start3A_262, %dma_start3A_263] : memref<32x200x128xi32, #tpu.memory_space<hbm>> -> memref<1x200x128xi32, #tpu.memory_space<hbm>>
      %dma_start3A_265 = tpu.memref_squeeze %dma_start3A_264 : memref<1x200x128xi32, #tpu.memory_space<hbm>> -> memref<200x128xi32, #tpu.memory_space<hbm>>
      %dma_start3A_266 = arith.constant 0 : i32
      %dma_start3A_267 = arith.constant 0 : i32
      %dma_start3A_268 = tpu.memref_slice %arg3[%add3A, %dma_start3A_266, %dma_start3A_267] : memref<32x200x128xi32, #tpu.memory_space<hbm>> -> memref<1x200x128xi32, #tpu.memory_space<hbm>>
      %dma_start3A_269 = tpu.memref_squeeze %dma_start3A_268 : memref<1x200x128xi32, #tpu.memory_space<hbm>> -> memref<200x128xi32, #tpu.memory_space<hbm>>
      tpu.enqueue_dma source(%dma_start3A_269 : memref<200x128xi32, #tpu.memory_space<hbm>>) target(%arg6 : memref<200x128xi32, #tpu.memory_space<vmem>>) target_semaphore(%run_scoped3A : memref<!tpu.dma_semaphore, #tpu.memory_space<semaphore_mem>>)
      %dma_wait3A_270 = arith.constant 0 : i32
      %dma_wait3A_271 = arith.constant 0 : i32
      %dma_wait3A_272 = tpu.memref_slice %arg3[%add3A, %dma_wait3A_270, %dma_wait3A_271] : memref<32x200x128xi32, #tpu.memory_space<hbm>> -> memref<1x200x128xi32, #tpu.memory_space<hbm>>
      %dma_wait3A_273 = tpu.memref_squeeze %dma_wait3A_272 : memref<1x200x128xi32, #tpu.memory_space<hbm>> -> memref<200x128xi32, #tpu.memory_space<hbm>>
      %dma_wait3A_274 = arith.constant 0 : i32
      %dma_wait3A_275 = arith.constant 0 : i32
      %dma_wait3A_276 = tpu.memref_slice %arg3[%add3A, %dma_wait3A_274, %dma_wait3A_275] : memref<32x200x128xi32, #tpu.memory_space<hbm>> -> memref<1x200x128xi32, #tpu.memory_space<hbm>>
      %dma_wait3A_277 = tpu.memref_squeeze %dma_wait3A_276 : memref<1x200x128xi32, #tpu.memory_space<hbm>> -> memref<200x128xi32, #tpu.memory_space<hbm>>
      tpu.wait_dma2 semaphore(%run_scoped3A : memref<!tpu.dma_semaphore, #tpu.memory_space<semaphore_mem>>) src(%dma_wait3A_277 : memref<200x128xi32, #tpu.memory_space<hbm>>) dst(%arg6 : memref<200x128xi32, #tpu.memory_space<vmem>>)
      tpu.yield
    }) : () -> ()
    %get3A = arith.constant 0 : i32
    %get3A_1 = arith.index_cast %get3A : i32 to index
    %get3A_2 = arith.constant 0 : index
    %get3A_3 = tpu.vector_load %arg6[%get3A_1, %get3A_2] {strides = array<i32>} : memref<200x128xi32, #tpu.memory_space<vmem>>, vector<16xi32>,
    %mul3A_4 = arith.constant 65 : i32
    %mul3A_5 = vector.broadcast %mul3A_4 : i32 to vector<16xi32>
    %mul3A_6 = arith.muli %get3A_3, %mul3A_5 : vector<16xi32>
    %parallel_loop3A = arith.constant 0 : i32
    %parallel_loop3A_7 = arith.constant 64 : i32
    %parallel_loop3A_8 = arith.constant 1 : i32
    scf.for %parallel_loop3A_262 = %parallel_loop3A to %parallel_loop3A_7 step %parallel_loop3A_8  : i32 {
      %parallel_loop3A_263 = vector.broadcast %parallel_loop3A_262 : i32 to vector<16xi32>
      %parallel_loop3A_264 = arith.addi %mul3A_6, %parallel_loop3A_263 : vector<16xi32>
      %parallel_loop3A_265 = tpu.vector_load_idx %arg5[%parallel_loop3A_264] : memref<66560xf32, #tpu.memory_space<vmem>>[vector<16xi32>], vector<16xf32>,
      %parallel_loop3A_266 = arith.constant 8 : i32
      %parallel_loop3A_267 = arith.divsi %parallel_loop3A_262, %parallel_loop3A_266 : i32
      %parallel_loop3A_268 = arith.constant 0 : i32
      %parallel_loop3A_269 = arith.cmpi sgt, %parallel_loop3A_262, %parallel_loop3A_268 : i32
      %parallel_loop3A_270 = arith.extui %parallel_loop3A_269 : i1 to i32
      %parallel_loop3A_271 = arith.constant 0 : i32
      %parallel_loop3A_272 = arith.cmpi slt, %parallel_loop3A_262, %parallel_loop3A_271 : i32
      %parallel_loop3A_273 = arith.extui %parallel_loop3A_272 : i1 to i32
      %parallel_loop3A_274 = arith.subi %parallel_loop3A_270, %parallel_loop3A_273 : i32
      %parallel_loop3A_275 = arith.constant 0 : i32
      %parallel_loop3A_276 = arith.cmpi sgt, %parallel_loop3A_266, %parallel_loop3A_275 : i32
      %parallel_loop3A_277 = arith.extui %parallel_loop3A_276 : i1 to i32
      %parallel_loop3A_278 = arith.constant 0 : i32
      %parallel_loop3A_279 = arith.cmpi slt, %parallel_loop3A_266, %parallel_loop3A_278 : i32
      %parallel_loop3A_280 = arith.extui %parallel_loop3A_279 : i1 to i32
      %parallel_loop3A_281 = arith.subi %parallel_loop3A_277, %parallel_loop3A_280 : i32
      %parallel_loop3A_282 = arith.cmpi ne, %parallel_loop3A_274, %parallel_loop3A_281 : i32
      %parallel_loop3A_283 = arith.remsi %parallel_loop3A_262, %parallel_loop3A_266 : i32
      %parallel_loop3A_284 = arith.constant 0 : i32
      %parallel_loop3A_285 = arith.cmpi ne, %parallel_loop3A_283, %parallel_loop3A_284 : i32
      %parallel_loop3A_286 = arith.andi %parallel_loop3A_282, %parallel_loop3A_285 : i1
      %parallel_loop3A_287 = arith.constant 1 : i32
      %parallel_loop3A_288 = arith.subi %parallel_loop3A_267, %parallel_loop3A_287 : i32
      %parallel_loop3A_289 = arith.select %parallel_loop3A_286, %parallel_loop3A_288, %parallel_loop3A_267 : i32
      %parallel_loop3A_290 = arith.constant 8 : i32
      %parallel_loop3A_291 = arith.constant 0 : i32
      %parallel_loop3A_292 = arith.cmpi eq, %parallel_loop3A_290, %parallel_loop3A_291 : i32
      %parallel_loop3A_293 = arith.constant 1 : i32
      %parallel_loop3A_294 = arith.select %parallel_loop3A_292, %parallel_loop3A_293, %parallel_loop3A_290 : i32
      %parallel_loop3A_295 = arith.remsi %parallel_loop3A_262, %parallel_loop3A_294 : i32
      %parallel_loop3A_296 = arith.constant 0 : i32
      %parallel_loop3A_297 = arith.cmpi ne, %parallel_loop3A_295, %parallel_loop3A_296 : i32
      %parallel_loop3A_298 = arith.constant 0 : i32
      %parallel_loop3A_299 = arith.cmpi slt, %parallel_loop3A_295, %parallel_loop3A_298 : i32
      %parallel_loop3A_300 = arith.constant 0 : i32
      %parallel_loop3A_301 = arith.cmpi slt, %parallel_loop3A_294, %parallel_loop3A_300 : i32
      %parallel_loop3A_302 = arith.xori %parallel_loop3A_299, %parallel_loop3A_301 : i1
      %parallel_loop3A_303 = arith.andi %parallel_loop3A_302, %parallel_loop3A_297 : i1
      %parallel_loop3A_304 = arith.addi %parallel_loop3A_295, %parallel_loop3A_294 : i32
      %parallel_loop3A_305 = arith.select %parallel_loop3A_303, %parallel_loop3A_304, %parallel_loop3A_295 : i32
      %parallel_loop3A_306 = arith.constant 0 : i32
      %parallel_loop3A_307 = arith.index_cast %parallel_loop3A_306 : i32 to index
      %parallel_loop3A_308 = arith.index_cast %parallel_loop3A_289 : i32 to index
      %parallel_loop3A_309 = arith.index_cast %parallel_loop3A_305 : i32 to index
      %parallel_loop3A_310 = arith.constant 0 : index
      %parallel_loop3A_311 = tpu.vector_load %arg7[%parallel_loop3A_307, %parallel_loop3A_308, %parallel_loop3A_309, %parallel_loop3A_310] {strides = array<i32>} : memref<2x8x8x128xf32, #tpu.memory_space<vmem>>, vector<16xf32>,
      tpu.vector_store %arg7[%parallel_loop3A_307, %parallel_loop3A_308, %parallel_loop3A_309, %parallel_loop3A_310], %parallel_loop3A_265 {strides = array<i32>} : memref<2x8x8x128xf32, #tpu.memory_space<vmem>>, vector<16xf32>,
    } {sc.loop_unroll_factor = 8 : i64, sc.parallel_access}
    %get3A_9 = arith.constant 0 : i32
    %get3A_10 = arith.index_cast %get3A_9 : i32 to index
    %get3A_11 = arith.constant 16 : index
    %get3A_12 = tpu.vector_load %arg6[%get3A_10, %get3A_11] {strides = array<i32>} : memref<200x128xi32, #tpu.memory_space<vmem>>, vector<16xi32>,
    %mul3A_13 = arith.constant 65 : i32
    %mul3A_14 = vector.broadcast %mul3A_13 : i32 to vector<16xi32>
    %mul3A_15 = arith.muli %get3A_12, %mul3A_14 : vector<16xi32>
    %parallel_loop3A_16 = arith.constant 0 : i32
    %parallel_loop3A_17 = arith.constant 64 : i32
    %parallel_loop3A_18 = arith.constant 1 : i32
    scf.for %parallel_loop3A_262 = %parallel_loop3A_16 to %parallel_loop3A_17 step %parallel_loop3A_18  : i32 {
      %parallel_loop3A_263 = vector.broadcast %parallel_loop3A_262 : i32 to vector<16xi32>
      %parallel_loop3A_264 = arith.addi %mul3A_15, %parallel_loop3A_263 : vector<16xi32>
      %parallel_loop3A_265 = tpu.vector_load_idx %arg5[%parallel_loop3A_264] : memref<66560xf32, #tpu.memory_space<vmem>>[vector<16xi32>], vector<16xf32>,
      %parallel_loop3A_266 = arith.constant 8 : i32
      %parallel_loop3A_267 = arith.divsi %parallel_loop3A_262, %parallel_loop3A_266 : i32
      %parallel_loop3A_268 = arith.constant 0 : i32
      %parallel_loop3A_269 = arith.cmpi sgt, %parallel_loop3A_262, %parallel_loop3A_268 : i32
      %parallel_loop3A_270 = arith.extui %parallel_loop3A_269 : i1 to i32
      %parallel_loop3A_271 = arith.constant 0 : i32
      %parallel_loop3A_272 = arith.cmpi slt, %parallel_loop3A_262, %parallel_loop3A_271 : i32
      %parallel_loop3A_273 = arith.extui %parallel_loop3A_272 : i1 to i32
      %parallel_loop3A_274 = arith.subi %parallel_loop3A_270, %parallel_loop3A_273 : i32
      %parallel_loop3A_275 = arith.constant 0 : i32
      %parallel_loop3A_276 = arith.cmpi sgt, %parallel_loop3A_266, %parallel_loop3A_275 : i32
      %parallel_loop3A_277 = arith.extui %parallel_loop3A_276 : i1 to i32
      %parallel_loop3A_278 = arith.constant 0 : i32
      %parallel_loop3A_279 = arith.cmpi slt, %parallel_loop3A_266, %parallel_loop3A_278 : i32
      %parallel_loop3A_280 = arith.extui %parallel_loop3A_279 : i1 to i32
      %parallel_loop3A_281 = arith.subi %parallel_loop3A_277, %parallel_loop3A_280 : i32
      %parallel_loop3A_282 = arith.cmpi ne, %parallel_loop3A_274, %parallel_loop3A_281 : i32
      %parallel_loop3A_283 = arith.remsi %parallel_loop3A_262, %parallel_loop3A_266 : i32
      %parallel_loop3A_284 = arith.constant 0 : i32
      %parallel_loop3A_285 = arith.cmpi ne, %parallel_loop3A_283, %parallel_loop3A_284 : i32
      %parallel_loop3A_286 = arith.andi %parallel_loop3A_282, %parallel_loop3A_285 : i1
      %parallel_loop3A_287 = arith.constant 1 : i32
      %parallel_loop3A_288 = arith.subi %parallel_loop3A_267, %parallel_loop3A_287 : i32
      %parallel_loop3A_289 = arith.select %parallel_loop3A_286, %parallel_loop3A_288, %parallel_loop3A_267 : i32
      %parallel_loop3A_290 = arith.constant 8 : i32
      %parallel_loop3A_291 = arith.constant 0 : i32
      %parallel_loop3A_292 = arith.cmpi eq, %parallel_loop3A_290, %parallel_loop3A_291 : i32
      %parallel_loop3A_293 = arith.constant 1 : i32
      %parallel_loop3A_294 = arith.select %parallel_loop3A_292, %parallel_loop3A_293, %parallel_loop3A_290 : i32
      %parallel_loop3A_295 = arith.remsi %parallel_loop3A_262, %parallel_loop3A_294 : i32
      %parallel_loop3A_296 = arith.constant 0 : i32
      %parallel_loop3A_297 = arith.cmpi ne, %parallel_loop3A_295, %parallel_loop3A_296 : i32
      %parallel_loop3A_298 = arith.constant 0 : i32
      %parallel_loop3A_299 = arith.cmpi slt, %parallel_loop3A_295, %parallel_loop3A_298 : i32
      %parallel_loop3A_300 = arith.constant 0 : i32
      %parallel_loop3A_301 = arith.cmpi slt, %parallel_loop3A_294, %parallel_loop3A_300 : i32
      %parallel_loop3A_302 = arith.xori %parallel_loop3A_299, %parallel_loop3A_301 : i1
      %parallel_loop3A_303 = arith.andi %parallel_loop3A_302, %parallel_loop3A_297 : i1
      %parallel_loop3A_304 = arith.addi %parallel_loop3A_295, %parallel_loop3A_294 : i32
      %parallel_loop3A_305 = arith.select %parallel_loop3A_303, %parallel_loop3A_304, %parallel_loop3A_295 : i32
      %parallel_loop3A_306 = arith.constant 0 : i32
      %parallel_loop3A_307 = arith.index_cast %parallel_loop3A_306 : i32 to index
      %parallel_loop3A_308 = arith.index_cast %parallel_loop3A_289 : i32 to index
      %parallel_loop3A_309 = arith.index_cast %parallel_loop3A_305 : i32 to index
      %parallel_loop3A_310 = arith.constant 16 : index
      %parallel_loop3A_311 = tpu.vector_load %arg7[%parallel_loop3A_307, %parallel_loop3A_308, %parallel_loop3A_309, %parallel_loop3A_310] {strides = array<i32>} : memref<2x8x8x128xf32, #tpu.memory_space<vmem>>, vector<16xf32>,
      tpu.vector_store %arg7[%parallel_loop3A_307, %parallel_loop3A_308, %parallel_loop3A_309, %parallel_loop3A_310], %parallel_loop3A_265 {strides = array<i32>} : memref<2x8x8x128xf32, #tpu.memory_space<vmem>>, vector<16xf32>,
    } {sc.loop_unroll_factor = 8 : i64, sc.parallel_access}
    %get3A_19 = arith.constant 0 : i32
    %get3A_20 = arith.index_cast %get3A_19 : i32 to index
    %get3A_21 = arith.constant 32 : index
    %get3A_22 = tpu.vector_load %arg6[%get3A_20, %get3A_21] {strides = array<i32>} : memref<200x128xi32, #tpu.memory_space<vmem>>, vector<16xi32>,
    %mul3A_23 = arith.constant 65 : i32
    %mul3A_24 = vector.broadcast %mul3A_23 : i32 to vector<16xi32>
    %mul3A_25 = arith.muli %get3A_22, %mul3A_24 : vector<16xi32>
    %parallel_loop3A_26 = arith.constant 0 : i32
    %parallel_loop3A_27 = arith.constant 64 : i32
    %parallel_loop3A_28 = arith.constant 1 : i32
    scf.for %parallel_loop3A_262 = %parallel_loop3A_26 to %parallel_loop3A_27 step %parallel_loop3A_28  : i32 {
      %parallel_loop3A_263 = vector.broadcast %parallel_loop3A_262 : i32 to vector<16xi32>
      %parallel_loop3A_264 = arith.addi %mul3A_25, %parallel_loop3A_263 : vector<16xi32>
      %parallel_loop3A_265 = tpu.vector_load_idx %arg5[%parallel_loop3A_264] : memref<66560xf32, #tpu.memory_space<vmem>>[vector<16xi32>], vector<16xf32>,
      %parallel_loop3A_266 = arith.constant 8 : i32
      %parallel_loop3A_267 = arith.divsi %parallel_loop3A_262, %parallel_loop3A_266 : i32
      %parallel_loop3A_268 = arith.constant 0 : i32
      %parallel_loop3A_269 = arith.cmpi sgt, %parallel_loop3A_262, %parallel_loop3A_268 : i32
      %parallel_loop3A_270 = arith.extui %parallel_loop3A_269 : i1 to i32
      %parallel_loop3A_271 = arith.constant 0 : i32
      %parallel_loop3A_272 = arith.cmpi slt, %parallel_loop3A_262, %parallel_loop3A_271 : i32
      %parallel_loop3A_273 = arith.extui %parallel_loop3A_272 : i1 to i32
      %parallel_loop3A_274 = arith.subi %parallel_loop3A_270, %parallel_loop3A_273 : i32
      %parallel_loop3A_275 = arith.constant 0 : i32
      %parallel_loop3A_276 = arith.cmpi sgt, %parallel_loop3A_266, %parallel_loop3A_275 : i32
      %parallel_loop3A_277 = arith.extui %parallel_loop3A_276 : i1 to i32
      %parallel_loop3A_278 = arith.constant 0 : i32
      %parallel_loop3A_279 = arith.cmpi slt, %parallel_loop3A_266, %parallel_loop3A_278 : i32
      %parallel_loop3A_280 = arith.extui %parallel_loop3A_279 : i1 to i32
      %parallel_loop3A_281 = arith.subi %parallel_loop3A_277, %parallel_loop3A_280 : i32
      %parallel_loop3A_282 = arith.cmpi ne, %parallel_loop3A_274, %parallel_loop3A_281 : i32
      %parallel_loop3A_283 = arith.remsi %parallel_loop3A_262, %parallel_loop3A_266 : i32
      %parallel_loop3A_284 = arith.constant 0 : i32
      %parallel_loop3A_285 = arith.cmpi ne, %parallel_loop3A_283, %parallel_loop3A_284 : i32
      %parallel_loop3A_286 = arith.andi %parallel_loop3A_282, %parallel_loop3A_285 : i1
      %parallel_loop3A_287 = arith.constant 1 : i32
      %parallel_loop3A_288 = arith.subi %parallel_loop3A_267, %parallel_loop3A_287 : i32
      %parallel_loop3A_289 = arith.select %parallel_loop3A_286, %parallel_loop3A_288, %parallel_loop3A_267 : i32
      %parallel_loop3A_290 = arith.constant 8 : i32
      %parallel_loop3A_291 = arith.constant 0 : i32
      %parallel_loop3A_292 = arith.cmpi eq, %parallel_loop3A_290, %parallel_loop3A_291 : i32
      %parallel_loop3A_293 = arith.constant 1 : i32
      %parallel_loop3A_294 = arith.select %parallel_loop3A_292, %parallel_loop3A_293, %parallel_loop3A_290 : i32
      %parallel_loop3A_295 = arith.remsi %parallel_loop3A_262, %parallel_loop3A_294 : i32
      %parallel_loop3A_296 = arith.constant 0 : i32
      %parallel_loop3A_297 = arith.cmpi ne, %parallel_loop3A_295, %parallel_loop3A_296 : i32
      %parallel_loop3A_298 = arith.constant 0 : i32
      %parallel_loop3A_299 = arith.cmpi slt, %parallel_loop3A_295, %parallel_loop3A_298 : i32
      %parallel_loop3A_300 = arith.constant 0 : i32
      %parallel_loop3A_301 = arith.cmpi slt, %parallel_loop3A_294, %parallel_loop3A_300 : i32
      %parallel_loop3A_302 = arith.xori %parallel_loop3A_299, %parallel_loop3A_301 : i1
      %parallel_loop3A_303 = arith.andi %parallel_loop3A_302, %parallel_loop3A_297 : i1
      %parallel_loop3A_304 = arith.addi %parallel_loop3A_295, %parallel_loop3A_294 : i32
      %parallel_loop3A_305 = arith.select %parallel_loop3A_303, %parallel_loop3A_304, %parallel_loop3A_295 : i32
      %parallel_loop3A_306 = arith.constant 0 : i32
      %parallel_loop3A_307 = arith.index_cast %parallel_loop3A_306 : i32 to index
      %parallel_loop3A_308 = arith.index_cast %parallel_loop3A_289 : i32 to index
      %parallel_loop3A_309 = arith.index_cast %parallel_loop3A_305 : i32 to index
      %parallel_loop3A_310 = arith.constant 32 : index
      %parallel_loop3A_311 = tpu.vector_load %arg7[%parallel_loop3A_307, %parallel_loop3A_308, %parallel_loop3A_309, %parallel_loop3A_310] {strides = array<i32>} : memref<2x8x8x128xf32, #tpu.memory_space<vmem>>, vector<16xf32>,
      tpu.vector_store %arg7[%parallel_loop3A_307, %parallel_loop3A_308, %parallel_loop3A_309, %parallel_loop3A_310], %parallel_loop3A_265 {strides = array<i32>} : memref<2x8x8x128xf32, #tpu.memory_space<vmem>>, vector<16xf32>,
    } {sc.loop_unroll_factor = 8 : i64, sc.parallel_access}
    %get3A_29 = arith.constant 0 : i32
    %get3A_30 = arith.index_cast %get3A_29 : i32 to index
    %get3A_31 = arith.constant 48 : index
    %get3A_32 = tpu.vector_load %arg6[%get3A_30, %get3A_31] {strides = array<i32>} : memref<200x128xi32, #tpu.memory_space<vmem>>, vector<16xi32>,
    %mul3A_33 = arith.constant 65 : i32
    %mul3A_34 = vector.broadcast %mul3A_33 : i32 to vector<16xi32>
    %mul3A_35 = arith.muli %get3A_32, %mul3A_34 : vector<16xi32>
    %parallel_loop3A_36 = arith.constant 0 : i32
    %parallel_loop3A_37 = arith.constant 64 : i32
    %parallel_loop3A_38 = arith.constant 1 : i32
    scf.for %parallel_loop3A_262 = %parallel_loop3A_36 to %parallel_loop3A_37 step %parallel_loop3A_38  : i32 {
      %parallel_loop3A_263 = vector.broadcast %parallel_loop3A_262 : i32 to vector<16xi32>
      %parallel_loop3A_264 = arith.addi %mul3A_35, %parallel_loop3A_263 : vector<16xi32>
      %parallel_loop3A_265 = tpu.vector_load_idx %arg5[%parallel_loop3A_264] : memref<66560xf32, #tpu.memory_space<vmem>>[vector<16xi32>], vector<16xf32>,
      %parallel_loop3A_266 = arith.constant 8 : i32
      %parallel_loop3A_267 = arith.divsi %parallel_loop3A_262, %parallel_loop3A_266 : i32
      %parallel_loop3A_268 = arith.constant 0 : i32
      %parallel_loop3A_269 = arith.cmpi sgt, %parallel_loop3A_262, %parallel_loop3A_268 : i32
      %parallel_loop3A_270 = arith.extui %parallel_loop3A_269 : i1 to i32
      %parallel_loop3A_271 = arith.constant 0 : i32
      %parallel_loop3A_272 = arith.cmpi slt, %parallel_loop3A_262, %parallel_loop3A_271 : i32
      %parallel_loop3A_273 = arith.extui %parallel_loop3A_272 : i1 to i32
      %parallel_loop3A_274 = arith.subi %parallel_loop3A_270, %parallel_loop3A_273 : i32
      %parallel_loop3A_275 = arith.constant 0 : i32
      %parallel_loop3A_276 = arith.cmpi sgt, %parallel_loop3A_266, %parallel_loop3A_275 : i32
      %parallel_loop3A_277 = arith.extui %parallel_loop3A_276 : i1 to i32
      %parallel_loop3A_278 = arith.constant 0 : i32
      %parallel_loop3A_279 = arith.cmpi slt, %parallel_loop3A_266, %parallel_loop3A_278 : i32
      %parallel_loop3A_280 = arith.extui %parallel_loop3A_279 : i1 to i32
      %parallel_loop3A_281 = arith.subi %parallel_loop3A_277, %parallel_loop3A_280 : i32
      %parallel_loop3A_282 = arith.cmpi ne, %parallel_loop3A_274, %parallel_loop3A_281 : i32
      %parallel_loop3A_283 = arith.remsi %parallel_loop3A_262, %parallel_loop3A_266 : i32
      %parallel_loop3A_284 = arith.constant 0 : i32
      %parallel_loop3A_285 = arith.cmpi ne, %parallel_loop3A_283, %parallel_loop3A_284 : i32
      %parallel_loop3A_286 = arith.andi %parallel_loop3A_282, %parallel_loop3A_285 : i1
      %parallel_loop3A_287 = arith.constant 1 : i32
      %parallel_loop3A_288 = arith.subi %parallel_loop3A_267, %parallel_loop3A_287 : i32
      %parallel_loop3A_289 = arith.select %parallel_loop3A_286, %parallel_loop3A_288, %parallel_loop3A_267 : i32
      %parallel_loop3A_290 = arith.constant 8 : i32
      %parallel_loop3A_291 = arith.constant 0 : i32
      %parallel_loop3A_292 = arith.cmpi eq, %parallel_loop3A_290, %parallel_loop3A_291 : i32
      %parallel_loop3A_293 = arith.constant 1 : i32
      %parallel_loop3A_294 = arith.select %parallel_loop3A_292, %parallel_loop3A_293, %parallel_loop3A_290 : i32
      %parallel_loop3A_295 = arith.remsi %parallel_loop3A_262, %parallel_loop3A_294 : i32
      %parallel_loop3A_296 = arith.constant 0 : i32
      %parallel_loop3A_297 = arith.cmpi ne, %parallel_loop3A_295, %parallel_loop3A_296 : i32
      %parallel_loop3A_298 = arith.constant 0 : i32
      %parallel_loop3A_299 = arith.cmpi slt, %parallel_loop3A_295, %parallel_loop3A_298 : i32
      %parallel_loop3A_300 = arith.constant 0 : i32
      %parallel_loop3A_301 = arith.cmpi slt, %parallel_loop3A_294, %parallel_loop3A_300 : i32
      %parallel_loop3A_302 = arith.xori %parallel_loop3A_299, %parallel_loop3A_301 : i1
      %parallel_loop3A_303 = arith.andi %parallel_loop3A_302, %parallel_loop3A_297 : i1
      %parallel_loop3A_304 = arith.addi %parallel_loop3A_295, %parallel_loop3A_294 : i32
      %parallel_loop3A_305 = arith.select %parallel_loop3A_303, %parallel_loop3A_304, %parallel_loop3A_295 : i32
      %parallel_loop3A_306 = arith.constant 0 : i32
      %parallel_loop3A_307 = arith.index_cast %parallel_loop3A_306 : i32 to index
      %parallel_loop3A_308 = arith.index_cast %parallel_loop3A_289 : i32 to index
      %parallel_loop3A_309 = arith.index_cast %parallel_loop3A_305 : i32 to index
      %parallel_loop3A_310 = arith.constant 48 : index
      %parallel_loop3A_311 = tpu.vector_load %arg7[%parallel_loop3A_307, %parallel_loop3A_308, %parallel_loop3A_309, %parallel_loop3A_310] {strides = array<i32>} : memref<2x8x8x128xf32, #tpu.memory_space<vmem>>, vector<16xf32>,
      tpu.vector_store %arg7[%parallel_loop3A_307, %parallel_loop3A_308, %parallel_loop3A_309, %parallel_loop3A_310], %parallel_loop3A_265 {strides = array<i32>} : memref<2x8x8x128xf32, #tpu.memory_space<vmem>>, vector<16xf32>,
    } {sc.loop_unroll_factor = 8 : i64, sc.parallel_access}
    %get3A_39 = arith.constant 0 : i32
    %get3A_40 = arith.index_cast %get3A_39 : i32 to index
    %get3A_41 = arith.constant 64 : index
    %get3A_42 = tpu.vector_load %arg6[%get3A_40, %get3A_41] {strides = array<i32>} : memref<200x128xi32, #tpu.memory_space<vmem>>, vector<16xi32>,
    %mul3A_43 = arith.constant 65 : i32
    %mul3A_44 = vector.broadcast %mul3A_43 : i32 to vector<16xi32>
    %mul3A_45 = arith.muli %get3A_42, %mul3A_44 : vector<16xi32>
    %parallel_loop3A_46 = arith.constant 0 : i32
    %parallel_loop3A_47 = arith.constant 64 : i32
    %parallel_loop3A_48 = arith.constant 1 : i32
    scf.for %parallel_loop3A_262 = %parallel_loop3A_46 to %parallel_loop3A_47 step %parallel_loop3A_48  : i32 {
      %parallel_loop3A_263 = vector.broadcast %parallel_loop3A_262 : i32 to vector<16xi32>
      %parallel_loop3A_264 = arith.addi %mul3A_45, %parallel_loop3A_263 : vector<16xi32>
      %parallel_loop3A_265 = tpu.vector_load_idx %arg5[%parallel_loop3A_264] : memref<66560xf32, #tpu.memory_space<vmem>>[vector<16xi32>], vector<16xf32>,
      %parallel_loop3A_266 = arith.constant 8 : i32
      %parallel_loop3A_267 = arith.divsi %parallel_loop3A_262, %parallel_loop3A_266 : i32
      %parallel_loop3A_268 = arith.constant 0 : i32
      %parallel_loop3A_269 = arith.cmpi sgt, %parallel_loop3A_262, %parallel_loop3A_268 : i32
      %parallel_loop3A_270 = arith.extui %parallel_loop3A_269 : i1 to i32
      %parallel_loop3A_271 = arith.constant 0 : i32
      %parallel_loop3A_272 = arith.cmpi slt, %parallel_loop3A_262, %parallel_loop3A_271 : i32
      %parallel_loop3A_273 = arith.extui %parallel_loop3A_272 : i1 to i32
      %parallel_loop3A_274 = arith.subi %parallel_loop3A_270, %parallel_loop3A_273 : i32
      %parallel_loop3A_275 = arith.constant 0 : i32
      %parallel_loop3A_276 = arith.cmpi sgt, %parallel_loop3A_266, %parallel_loop3A_275 : i32
      %parallel_loop3A_277 = arith.extui %parallel_loop3A_276 : i1 to i32
      %parallel_loop3A_278 = arith.constant 0 : i32
      %parallel_loop3A_279 = arith.cmpi slt, %parallel_loop3A_266, %parallel_loop3A_278 : i32
      %parallel_loop3A_280 = arith.extui %parallel_loop3A_279 : i1 to i32
      %parallel_loop3A_281 = arith.subi %parallel_loop3A_277, %parallel_loop3A_280 : i32
      %parallel_loop3A_282 = arith.cmpi ne, %parallel_loop3A_274, %parallel_loop3A_281 : i32
      %parallel_loop3A_283 = arith.remsi %parallel_loop3A_262, %parallel_loop3A_266 : i32
      %parallel_loop3A_284 = arith.constant 0 : i32
      %parallel_loop3A_285 = arith.cmpi ne, %parallel_loop3A_283, %parallel_loop3A_284 : i32
      %parallel_loop3A_286 = arith.andi %parallel_loop3A_282, %parallel_loop3A_285 : i1
      %parallel_loop3A_287 = arith.constant 1 : i32
      %parallel_loop3A_288 = arith.subi %parallel_loop3A_267, %parallel_loop3A_287 : i32
      %parallel_loop3A_289 = arith.select %parallel_loop3A_286, %parallel_loop3A_288, %parallel_loop3A_267 : i32
      %parallel_loop3A_290 = arith.constant 8 : i32
      %parallel_loop3A_291 = arith.constant 0 : i32
      %parallel_loop3A_292 = arith.cmpi eq, %parallel_loop3A_290, %parallel_loop3A_291 : i32
      %parallel_loop3A_293 = arith.constant 1 : i32
      %parallel_loop3A_294 = arith.select %parallel_loop3A_292, %parallel_loop3A_293, %parallel_loop3A_290 : i32
      %parallel_loop3A_295 = arith.remsi %parallel_loop3A_262, %parallel_loop3A_294 : i32
      %parallel_loop3A_296 = arith.constant 0 : i32
      %parallel_loop3A_297 = arith.cmpi ne, %parallel_loop3A_295, %parallel_loop3A_296 : i32
      %parallel_loop3A_298 = arith.constant 0 : i32
      %parallel_loop3A_299 = arith.cmpi slt, %parallel_loop3A_295, %parallel_loop3A_298 : i32
      %parallel_loop3A_300 = arith.constant 0 : i32
      %parallel_loop3A_301 = arith.cmpi slt, %parallel_loop3A_294, %parallel_loop3A_300 : i32
      %parallel_loop3A_302 = arith.xori %parallel_loop3A_299, %parallel_loop3A_301 : i1
      %parallel_loop3A_303 = arith.andi %parallel_loop3A_302, %parallel_loop3A_297 : i1
      %parallel_loop3A_304 = arith.addi %parallel_loop3A_295, %parallel_loop3A_294 : i32
      %parallel_loop3A_305 = arith.select %parallel_loop3A_303, %parallel_loop3A_304, %parallel_loop3A_295 : i32
      %parallel_loop3A_306 = arith.constant 0 : i32
      %parallel_loop3A_307 = arith.index_cast %parallel_loop3A_306 : i32 to index
      %parallel_loop3A_308 = arith.index_cast %parallel_loop3A_289 : i32 to index
      %parallel_loop3A_309 = arith.index_cast %parallel_loop3A_305 : i32 to index
      %parallel_loop3A_310 = arith.constant 64 : index
      %parallel_loop3A_311 = tpu.vector_load %arg7[%parallel_loop3A_307, %parallel_loop3A_308, %parallel_loop3A_309, %parallel_loop3A_310] {strides = array<i32>} : memref<2x8x8x128xf32, #tpu.memory_space<vmem>>, vector<16xf32>,
      tpu.vector_store %arg7[%parallel_loop3A_307, %parallel_loop3A_308, %parallel_loop3A_309, %parallel_loop3A_310], %parallel_loop3A_265 {strides = array<i32>} : memref<2x8x8x128xf32, #tpu.memory_space<vmem>>, vector<16xf32>,
    } {sc.loop_unroll_factor = 8 : i64, sc.parallel_access}
    %get3A_49 = arith.constant 0 : i32
    %get3A_50 = arith.index_cast %get3A_49 : i32 to index
    %get3A_51 = arith.constant 80 : index
    %get3A_52 = tpu.vector_load %arg6[%get3A_50, %get3A_51] {strides = array<i32>} : memref<200x128xi32, #tpu.memory_space<vmem>>, vector<16xi32>,
    %mul3A_53 = arith.constant 65 : i32
    %mul3A_54 = vector.broadcast %mul3A_53 : i32 to vector<16xi32>
    %mul3A_55 = arith.muli %get3A_52, %mul3A_54 : vector<16xi32>
    %parallel_loop3A_56 = arith.constant 0 : i32
    %parallel_loop3A_57 = arith.constant 64 : i32
    %parallel_loop3A_58 = arith.constant 1 : i32
    scf.for %parallel_loop3A_262 = %parallel_loop3A_56 to %parallel_loop3A_57 step %parallel_loop3A_58  : i32 {
      %parallel_loop3A_263 = vector.broadcast %parallel_loop3A_262 : i32 to vector<16xi32>
      %parallel_loop3A_264 = arith.addi %mul3A_55, %parallel_loop3A_263 : vector<16xi32>
      %parallel_loop3A_265 = tpu.vector_load_idx %arg5[%parallel_loop3A_264] : memref<66560xf32, #tpu.memory_space<vmem>>[vector<16xi32>], vector<16xf32>,
      %parallel_loop3A_266 = arith.constant 8 : i32
      %parallel_loop3A_267 = arith.divsi %parallel_loop3A_262, %parallel_loop3A_266 : i32
      %parallel_loop3A_268 = arith.constant 0 : i32
      %parallel_loop3A_269 = arith.cmpi sgt, %parallel_loop3A_262, %parallel_loop3A_268 : i32
      %parallel_loop3A_270 = arith.extui %parallel_loop3A_269 : i1 to i32
      %parallel_loop3A_271 = arith.constant 0 : i32
      %parallel_loop3A_272 = arith.cmpi slt, %parallel_loop3A_262, %parallel_loop3A_271 : i32
      %parallel_loop3A_273 = arith.extui %parallel_loop3A_272 : i1 to i32
      %parallel_loop3A_274 = arith.subi %parallel_loop3A_270, %parallel_loop3A_273 : i32
      %parallel_loop3A_275 = arith.constant 0 : i32
      %parallel_loop3A_276 = arith.cmpi sgt, %parallel_loop3A_266, %parallel_loop3A_275 : i32
      %parallel_loop3A_277 = arith.extui %parallel_loop3A_276 : i1 to i32
      %parallel_loop3A_278 = arith.constant 0 : i32
      %parallel_loop3A_279 = arith.cmpi slt, %parallel_loop3A_266, %parallel_loop3A_278 : i32
      %parallel_loop3A_280 = arith.extui %parallel_loop3A_279 : i1 to i32
      %parallel_loop3A_281 = arith.subi %parallel_loop3A_277, %parallel_loop3A_280 : i32
      %parallel_loop3A_282 = arith.cmpi ne, %parallel_loop3A_274, %parallel_loop3A_281 : i32
      %parallel_loop3A_283 = arith.remsi %parallel_loop3A_262, %parallel_loop3A_266 : i32
      %parallel_loop3A_284 = arith.constant 0 : i32
      %parallel_loop3A_285 = arith.cmpi ne, %parallel_loop3A_283, %parallel_loop3A_284 : i32
      %parallel_loop3A_286 = arith.andi %parallel_loop3A_282, %parallel_loop3A_285 : i1
      %parallel_loop3A_287 = arith.constant 1 : i32
      %parallel_loop3A_288 = arith.subi %parallel_loop3A_267, %parallel_loop3A_287 : i32
      %parallel_loop3A_289 = arith.select %parallel_loop3A_286, %parallel_loop3A_288, %parallel_loop3A_267 : i32
      %parallel_loop3A_290 = arith.constant 8 : i32
      %parallel_loop3A_291 = arith.constant 0 : i32
      %parallel_loop3A_292 = arith.cmpi eq, %parallel_loop3A_290, %parallel_loop3A_291 : i32
      %parallel_loop3A_293 = arith.constant 1 : i32
      %parallel_loop3A_294 = arith.select %parallel_loop3A_292, %parallel_loop3A_293, %parallel_loop3A_290 : i32
      %parallel_loop3A_295 = arith.remsi %parallel_loop3A_262, %parallel_loop3A_294 : i32
      %parallel_loop3A_296 = arith.constant 0 : i32
      %parallel_loop3A_297 = arith.cmpi ne, %parallel_loop3A_295, %parallel_loop3A_296 : i32
      %parallel_loop3A_298 = arith.constant 0 : i32
      %parallel_loop3A_299 = arith.cmpi slt, %parallel_loop3A_295, %parallel_loop3A_298 : i32
      %parallel_loop3A_300 = arith.constant 0 : i32
      %parallel_loop3A_301 = arith.cmpi slt, %parallel_loop3A_294, %parallel_loop3A_300 : i32
      %parallel_loop3A_302 = arith.xori %parallel_loop3A_299, %parallel_loop3A_301 : i1
      %parallel_loop3A_303 = arith.andi %parallel_loop3A_302, %parallel_loop3A_297 : i1
      %parallel_loop3A_304 = arith.addi %parallel_loop3A_295, %parallel_loop3A_294 : i32
      %parallel_loop3A_305 = arith.select %parallel_loop3A_303, %parallel_loop3A_304, %parallel_loop3A_295 : i32
      %parallel_loop3A_306 = arith.constant 0 : i32
      %parallel_loop3A_307 = arith.index_cast %parallel_loop3A_306 : i32 to index
      %parallel_loop3A_308 = arith.index_cast %parallel_loop3A_289 : i32 to index
      %parallel_loop3A_309 = arith.index_cast %parallel_loop3A_305 : i32 to index
      %parallel_loop3A_310 = arith.constant 80 : index
      %parallel_loop3A_311 = tpu.vector_load %arg7[%parallel_loop3A_307, %parallel_loop3A_308, %parallel_loop3A_309, %parallel_loop3A_310] {strides = array<i32>} : memref<2x8x8x128xf32, #tpu.memory_space<vmem>>, vector<16xf32>,
      tpu.vector_store %arg7[%parallel_loop3A_307, %parallel_loop3A_308, %parallel_loop3A_309, %parallel_loop3A_310], %parallel_loop3A_265 {strides = array<i32>} : memref<2x8x8x128xf32, #tpu.memory_space<vmem>>, vector<16xf32>,
    } {sc.loop_unroll_factor = 8 : i64, sc.parallel_access}
    %get3A_59 = arith.constant 0 : i32
    %get3A_60 = arith.index_cast %get3A_59 : i32 to index
    %get3A_61 = arith.constant 96 : index
    %get3A_62 = tpu.vector_load %arg6[%get3A_60, %get3A_61] {strides = array<i32>} : memref<200x128xi32, #tpu.memory_space<vmem>>, vector<16xi32>,
    %mul3A_63 = arith.constant 65 : i32
    %mul3A_64 = vector.broadcast %mul3A_63 : i32 to vector<16xi32>
    %mul3A_65 = arith.muli %get3A_62, %mul3A_64 : vector<16xi32>
    %parallel_loop3A_66 = arith.constant 0 : i32
    %parallel_loop3A_67 = arith.constant 64 : i32
    %parallel_loop3A_68 = arith.constant 1 : i32
    scf.for %parallel_loop3A_262 = %parallel_loop3A_66 to %parallel_loop3A_67 step %parallel_loop3A_68  : i32 {
      %parallel_loop3A_263 = vector.broadcast %parallel_loop3A_262 : i32 to vector<16xi32>
      %parallel_loop3A_264 = arith.addi %mul3A_65, %parallel_loop3A_263 : vector<16xi32>
      %parallel_loop3A_265 = tpu.vector_load_idx %arg5[%parallel_loop3A_264] : memref<66560xf32, #tpu.memory_space<vmem>>[vector<16xi32>], vector<16xf32>,
      %parallel_loop3A_266 = arith.constant 8 : i32
      %parallel_loop3A_267 = arith.divsi %parallel_loop3A_262, %parallel_loop3A_266 : i32
      %parallel_loop3A_268 = arith.constant 0 : i32
      %parallel_loop3A_269 = arith.cmpi sgt, %parallel_loop3A_262, %parallel_loop3A_268 : i32
      %parallel_loop3A_270 = arith.extui %parallel_loop3A_269 : i1 to i32
      %parallel_loop3A_271 = arith.constant 0 : i32
      %parallel_loop3A_272 = arith.cmpi slt, %parallel_loop3A_262, %parallel_loop3A_271 : i32
      %parallel_loop3A_273 = arith.extui %parallel_loop3A_272 : i1 to i32
      %parallel_loop3A_274 = arith.subi %parallel_loop3A_270, %parallel_loop3A_273 : i32
      %parallel_loop3A_275 = arith.constant 0 : i32
      %parallel_loop3A_276 = arith.cmpi sgt, %parallel_loop3A_266, %parallel_loop3A_275 : i32
      %parallel_loop3A_277 = arith.extui %parallel_loop3A_276 : i1 to i32
      %parallel_loop3A_278 = arith.constant 0 : i32
      %parallel_loop3A_279 = arith.cmpi slt, %parallel_loop3A_266, %parallel_loop3A_278 : i32
      %parallel_loop3A_280 = arith.extui %parallel_loop3A_279 : i1 to i32
      %parallel_loop3A_281 = arith.subi %parallel_loop3A_277, %parallel_loop3A_280 : i32
      %parallel_loop3A_282 = arith.cmpi ne, %parallel_loop3A_274, %parallel_loop3A_281 : i32
      %parallel_loop3A_283 = arith.remsi %parallel_loop3A_262, %parallel_loop3A_266 : i32
      %parallel_loop3A_284 = arith.constant 0 : i32
      %parallel_loop3A_285 = arith.cmpi ne, %parallel_loop3A_283, %parallel_loop3A_284 : i32
      %parallel_loop3A_286 = arith.andi %parallel_loop3A_282, %parallel_loop3A_285 : i1
      %parallel_loop3A_287 = arith.constant 1 : i32
      %parallel_loop3A_288 = arith.subi %parallel_loop3A_267, %parallel_loop3A_287 : i32
      %parallel_loop3A_289 = arith.select %parallel_loop3A_286, %parallel_loop3A_288, %parallel_loop3A_267 : i32
      %parallel_loop3A_290 = arith.constant 8 : i32
      %parallel_loop3A_291 = arith.constant 0 : i32
      %parallel_loop3A_292 = arith.cmpi eq, %parallel_loop3A_290, %parallel_loop3A_291 : i32
      %parallel_loop3A_293 = arith.constant 1 : i32
      %parallel_loop3A_294 = arith.select %parallel_loop3A_292, %parallel_loop3A_293, %parallel_loop3A_290 : i32
      %parallel_loop3A_295 = arith.remsi %parallel_loop3A_262, %parallel_loop3A_294 : i32
      %parallel_loop3A_296 = arith.constant 0 : i32
      %parallel_loop3A_297 = arith.cmpi ne, %parallel_loop3A_295, %parallel_loop3A_296 : i32
      %parallel_loop3A_298 = arith.constant 0 : i32
      %parallel_loop3A_299 = arith.cmpi slt, %parallel_loop3A_295, %parallel_loop3A_298 : i32
      %parallel_loop3A_300 = arith.constant 0 : i32
      %parallel_loop3A_301 = arith.cmpi slt, %parallel_loop3A_294, %parallel_loop3A_300 : i32
      %parallel_loop3A_302 = arith.xori %parallel_loop3A_299, %parallel_loop3A_301 : i1
      %parallel_loop3A_303 = arith.andi %parallel_loop3A_302, %parallel_loop3A_297 : i1
      %parallel_loop3A_304 = arith.addi %parallel_loop3A_295, %parallel_loop3A_294 : i32
      %parallel_loop3A_305 = arith.select %parallel_loop3A_303, %parallel_loop3A_304, %parallel_loop3A_295 : i32
      %parallel_loop3A_306 = arith.constant 0 : i32
      %parallel_loop3A_307 = arith.index_cast %parallel_loop3A_306 : i32 to index
      %parallel_loop3A_308 = arith.index_cast %parallel_loop3A_289 : i32 to index
      %parallel_loop3A_309 = arith.index_cast %parallel_loop3A_305 : i32 to index
      %parallel_loop3A_310 = arith.constant 96 : index
      %parallel_loop3A_311 = tpu.vector_load %arg7[%parallel_loop3A_307, %parallel_loop3A_308, %parallel_loop3A_309, %parallel_loop3A_310] {strides = array<i32>} : memref<2x8x8x128xf32, #tpu.memory_space<vmem>>, vector<16xf32>,
      tpu.vector_store %arg7[%parallel_loop3A_307, %parallel_loop3A_308, %parallel_loop3A_309, %parallel_loop3A_310], %parallel_loop3A_265 {strides = array<i32>} : memref<2x8x8x128xf32, #tpu.memory_space<vmem>>, vector<16xf32>,
    } {sc.loop_unroll_factor = 8 : i64, sc.parallel_access}
    %get3A_69 = arith.constant 0 : i32
    %get3A_70 = arith.index_cast %get3A_69 : i32 to index
    %get3A_71 = arith.constant 112 : index
    %get3A_72 = tpu.vector_load %arg6[%get3A_70, %get3A_71] {strides = array<i32>} : memref<200x128xi32, #tpu.memory_space<vmem>>, vector<16xi32>,
    %mul3A_73 = arith.constant 65 : i32
    %mul3A_74 = vector.broadcast %mul3A_73 : i32 to vector<16xi32>
    %mul3A_75 = arith.muli %get3A_72, %mul3A_74 : vector<16xi32>
    %parallel_loop3A_76 = arith.constant 0 : i32
    %parallel_loop3A_77 = arith.constant 64 : i32
    %parallel_loop3A_78 = arith.constant 1 : i32
    scf.for %parallel_loop3A_262 = %parallel_loop3A_76 to %parallel_loop3A_77 step %parallel_loop3A_78  : i32 {
      %parallel_loop3A_263 = vector.broadcast %parallel_loop3A_262 : i32 to vector<16xi32>
      %parallel_loop3A_264 = arith.addi %mul3A_75, %parallel_loop3A_263 : vector<16xi32>
      %parallel_loop3A_265 = tpu.vector_load_idx %arg5[%parallel_loop3A_264] : memref<66560xf32, #tpu.memory_space<vmem>>[vector<16xi32>], vector<16xf32>,
      %parallel_loop3A_266 = arith.constant 8 : i32
      %parallel_loop3A_267 = arith.divsi %parallel_loop3A_262, %parallel_loop3A_266 : i32
      %parallel_loop3A_268 = arith.constant 0 : i32
      %parallel_loop3A_269 = arith.cmpi sgt, %parallel_loop3A_262, %parallel_loop3A_268 : i32
      %parallel_loop3A_270 = arith.extui %parallel_loop3A_269 : i1 to i32
      %parallel_loop3A_271 = arith.constant 0 : i32
      %parallel_loop3A_272 = arith.cmpi slt, %parallel_loop3A_262, %parallel_loop3A_271 : i32
      %parallel_loop3A_273 = arith.extui %parallel_loop3A_272 : i1 to i32
      %parallel_loop3A_274 = arith.subi %parallel_loop3A_270, %parallel_loop3A_273 : i32
      %parallel_loop3A_275 = arith.constant 0 : i32
      %parallel_loop3A_276 = arith.cmpi sgt, %parallel_loop3A_266, %parallel_loop3A_275 : i32
      %parallel_loop3A_277 = arith.extui %parallel_loop3A_276 : i1 to i32
      %parallel_loop3A_278 = arith.constant 0 : i32
      %parallel_loop3A_279 = arith.cmpi slt, %parallel_loop3A_266, %parallel_loop3A_278 : i32
      %parallel_loop3A_280 = arith.extui %parallel_loop3A_279 : i1 to i32
      %parallel_loop3A_281 = arith.subi %parallel_loop3A_277, %parallel_loop3A_280 : i32
      %parallel_loop3A_282 = arith.cmpi ne, %parallel_loop3A_274, %parallel_loop3A_281 : i32
      %parallel_loop3A_283 = arith.remsi %parallel_loop3A_262, %parallel_loop3A_266 : i32
      %parallel_loop3A_284 = arith.constant 0 : i32
      %parallel_loop3A_285 = arith.cmpi ne, %parallel_loop3A_283, %parallel_loop3A_284 : i32
      %parallel_loop3A_286 = arith.andi %parallel_loop3A_282, %parallel_loop3A_285 : i1
      %parallel_loop3A_287 = arith.constant 1 : i32
      %parallel_loop3A_288 = arith.subi %parallel_loop3A_267, %parallel_loop3A_287 : i32
      %parallel_loop3A_289 = arith.select %parallel_loop3A_286, %parallel_loop3A_288, %parallel_loop3A_267 : i32
      %parallel_loop3A_290 = arith.constant 8 : i32
      %parallel_loop3A_291 = arith.constant 0 : i32
      %parallel_loop3A_292 = arith.cmpi eq, %parallel_loop3A_290, %parallel_loop3A_291 : i32
      %parallel_loop3A_293 = arith.constant 1 : i32
      %parallel_loop3A_294 = arith.select %parallel_loop3A_292, %parallel_loop3A_293, %parallel_loop3A_290 : i32
      %parallel_loop3A_295 = arith.remsi %parallel_loop3A_262, %parallel_loop3A_294 : i32
      %parallel_loop3A_296 = arith.constant 0 : i32
      %parallel_loop3A_297 = arith.cmpi ne, %parallel_loop3A_295, %parallel_loop3A_296 : i32
      %parallel_loop3A_298 = arith.constant 0 : i32
      %parallel_loop3A_299 = arith.cmpi slt, %parallel_loop3A_295, %parallel_loop3A_298 : i32
      %parallel_loop3A_300 = arith.constant 0 : i32
      %parallel_loop3A_301 = arith.cmpi slt, %parallel_loop3A_294, %parallel_loop3A_300 : i32
      %parallel_loop3A_302 = arith.xori %parallel_loop3A_299, %parallel_loop3A_301 : i1
      %parallel_loop3A_303 = arith.andi %parallel_loop3A_302, %parallel_loop3A_297 : i1
      %parallel_loop3A_304 = arith.addi %parallel_loop3A_295, %parallel_loop3A_294 : i32
      %parallel_loop3A_305 = arith.select %parallel_loop3A_303, %parallel_loop3A_304, %parallel_loop3A_295 : i32
      %parallel_loop3A_306 = arith.constant 0 : i32
      %parallel_loop3A_307 = arith.index_cast %parallel_loop3A_306 : i32 to index
      %parallel_loop3A_308 = arith.index_cast %parallel_loop3A_289 : i32 to index
      %parallel_loop3A_309 = arith.index_cast %parallel_loop3A_305 : i32 to index
      %parallel_loop3A_310 = arith.constant 112 : index
      %parallel_loop3A_311 = tpu.vector_load %arg7[%parallel_loop3A_307, %parallel_loop3A_308, %parallel_loop3A_309, %parallel_loop3A_310] {strides = array<i32>} : memref<2x8x8x128xf32, #tpu.memory_space<vmem>>, vector<16xf32>,
      tpu.vector_store %arg7[%parallel_loop3A_307, %parallel_loop3A_308, %parallel_loop3A_309, %parallel_loop3A_310], %parallel_loop3A_265 {strides = array<i32>} : memref<2x8x8x128xf32, #tpu.memory_space<vmem>>, vector<16xf32>,
    } {sc.loop_unroll_factor = 8 : i64, sc.parallel_access}
    %dma_start3A = arith.constant 0 : i32
    %dma_start3A_79 = arith.constant 0 : i32
    %dma_start3A_80 = arith.constant 0 : i32
    %dma_start3A_81 = arith.constant 0 : i32
    %dma_start3A_82 = arith.constant 0 : i32
    %dma_start3A_83 = arith.constant 0 : i32
    %dma_start3A_84 = tpu.memref_slice %arg7[%dma_start3A, %dma_start3A_81, %dma_start3A_82, %dma_start3A_83] : memref<2x8x8x128xf32, #tpu.memory_space<vmem>> -> memref<1x8x8x128xf32, #tpu.memory_space<vmem>>
    %dma_start3A_85 = tpu.memref_squeeze %dma_start3A_84 : memref<1x8x8x128xf32, #tpu.memory_space<vmem>> -> memref<8x8x128xf32, #tpu.memory_space<vmem>>
    %dma_start3A_86 = arith.constant 0 : i32
    %dma_start3A_87 = arith.constant 0 : i32
    %dma_start3A_88 = arith.constant 0 : i32
    %dma_start3A_89 = tpu.memref_slice %arg4[%dma_start3A_79, %dma_start3A_86, %add3A, %dma_start3A_87, %dma_start3A_88] : memref<200x8x32x8x128xf32, #tpu.memory_space<hbm>> -> memref<1x8x1x8x128xf32, #tpu.memory_space<hbm>>
    %dma_start3A_90 = tpu.memref_squeeze %dma_start3A_89 : memref<1x8x1x8x128xf32, #tpu.memory_space<hbm>> -> memref<8x8x128xf32, #tpu.memory_space<hbm>>
    %dma_start3A_91 = tpu.memref_slice %arg8[%dma_start3A_80] : memref<2x!tpu.dma_semaphore, #tpu.memory_space<semaphore_mem>> -> memref<1x!tpu.dma_semaphore, #tpu.memory_space<semaphore_mem>>
    %dma_start3A_92 = tpu.memref_squeeze %dma_start3A_91 : memref<1x!tpu.dma_semaphore, #tpu.memory_space<semaphore_mem>> -> memref<!tpu.dma_semaphore, #tpu.memory_space<semaphore_mem>>
    %dma_start3A_93 = arith.constant 0 : i32
    %dma_start3A_94 = arith.constant 0 : i32
    %dma_start3A_95 = arith.constant 0 : i32
    %dma_start3A_96 = tpu.memref_slice %arg4[%dma_start3A_79, %dma_start3A_93, %add3A, %dma_start3A_94, %dma_start3A_95] : memref<200x8x32x8x128xf32, #tpu.memory_space<hbm>> -> memref<1x8x1x8x128xf32, #tpu.memory_space<hbm>>
    %dma_start3A_97 = tpu.memref_squeeze %dma_start3A_96 : memref<1x8x1x8x128xf32, #tpu.memory_space<hbm>> -> memref<8x8x128xf32, #tpu.memory_space<hbm>>
    %dma_start3A_98 = arith.constant 0 : i32
    %dma_start3A_99 = arith.constant 0 : i32
    %dma_start3A_100 = arith.constant 0 : i32
    %dma_start3A_101 = tpu.memref_slice %arg7[%dma_start3A, %dma_start3A_98, %dma_start3A_99, %dma_start3A_100] : memref<2x8x8x128xf32, #tpu.memory_space<vmem>> -> memref<1x8x8x128xf32, #tpu.memory_space<vmem>>
    %dma_start3A_102 = tpu.memref_squeeze %dma_start3A_101 : memref<1x8x8x128xf32, #tpu.memory_space<vmem>> -> memref<8x8x128xf32, #tpu.memory_space<vmem>>
    tpu.enqueue_dma source(%dma_start3A_102 : memref<8x8x128xf32, #tpu.memory_space<vmem>>) target(%dma_start3A_97 : memref<8x8x128xf32, #tpu.memory_space<hbm>>) target_semaphore(%dma_start3A_92 : memref<!tpu.dma_semaphore, #tpu.memory_space<semaphore_mem>>)
    %get3A_103 = arith.constant 1 : i32
    %get3A_104 = arith.index_cast %get3A_103 : i32 to index
    %get3A_105 = arith.constant 0 : index
    %get3A_106 = tpu.vector_load %arg6[%get3A_104, %get3A_105] {strides = array<i32>} : memref<200x128xi32, #tpu.memory_space<vmem>>, vector<16xi32>,
    %mul3A_107 = arith.constant 65 : i32
    %mul3A_108 = vector.broadcast %mul3A_107 : i32 to vector<16xi32>
    %mul3A_109 = arith.muli %get3A_106, %mul3A_108 : vector<16xi32>
    %parallel_loop3A_110 = arith.constant 0 : i32
    %parallel_loop3A_111 = arith.constant 64 : i32
    %parallel_loop3A_112 = arith.constant 1 : i32
    scf.for %parallel_loop3A_262 = %parallel_loop3A_110 to %parallel_loop3A_111 step %parallel_loop3A_112  : i32 {
      %parallel_loop3A_263 = vector.broadcast %parallel_loop3A_262 : i32 to vector<16xi32>
      %parallel_loop3A_264 = arith.addi %mul3A_109, %parallel_loop3A_263 : vector<16xi32>
      %parallel_loop3A_265 = tpu.vector_load_idx %arg5[%parallel_loop3A_264] : memref<66560xf32, #tpu.memory_space<vmem>>[vector<16xi32>], vector<16xf32>,
      %parallel_loop3A_266 = arith.constant 8 : i32
      %parallel_loop3A_267 = arith.divsi %parallel_loop3A_262, %parallel_loop3A_266 : i32
      %parallel_loop3A_268 = arith.constant 0 : i32
      %parallel_loop3A_269 = arith.cmpi sgt, %parallel_loop3A_262, %parallel_loop3A_268 : i32
      %parallel_loop3A_270 = arith.extui %parallel_loop3A_269 : i1 to i32
      %parallel_loop3A_271 = arith.constant 0 : i32
      %parallel_loop3A_272 = arith.cmpi slt, %parallel_loop3A_262, %parallel_loop3A_271 : i32
      %parallel_loop3A_273 = arith.extui %parallel_loop3A_272 : i1 to i32
      %parallel_loop3A_274 = arith.subi %parallel_loop3A_270, %parallel_loop3A_273 : i32
      %parallel_loop3A_275 = arith.constant 0 : i32
      %parallel_loop3A_276 = arith.cmpi sgt, %parallel_loop3A_266, %parallel_loop3A_275 : i32
      %parallel_loop3A_277 = arith.extui %parallel_loop3A_276 : i1 to i32
      %parallel_loop3A_278 = arith.constant 0 : i32
      %parallel_loop3A_279 = arith.cmpi slt, %parallel_loop3A_266, %parallel_loop3A_278 : i32
      %parallel_loop3A_280 = arith.extui %parallel_loop3A_279 : i1 to i32
      %parallel_loop3A_281 = arith.subi %parallel_loop3A_277, %parallel_loop3A_280 : i32
      %parallel_loop3A_282 = arith.cmpi ne, %parallel_loop3A_274, %parallel_loop3A_281 : i32
      %parallel_loop3A_283 = arith.remsi %parallel_loop3A_262, %parallel_loop3A_266 : i32
      %parallel_loop3A_284 = arith.constant 0 : i32
      %parallel_loop3A_285 = arith.cmpi ne, %parallel_loop3A_283, %parallel_loop3A_284 : i32
      %parallel_loop3A_286 = arith.andi %parallel_loop3A_282, %parallel_loop3A_285 : i1
      %parallel_loop3A_287 = arith.constant 1 : i32
      %parallel_loop3A_288 = arith.subi %parallel_loop3A_267, %parallel_loop3A_287 : i32
      %parallel_loop3A_289 = arith.select %parallel_loop3A_286, %parallel_loop3A_288, %parallel_loop3A_267 : i32
      %parallel_loop3A_290 = arith.constant 8 : i32
      %parallel_loop3A_291 = arith.constant 0 : i32
      %parallel_loop3A_292 = arith.cmpi eq, %parallel_loop3A_290, %parallel_loop3A_291 : i32
      %parallel_loop3A_293 = arith.constant 1 : i32
      %parallel_loop3A_294 = arith.select %parallel_loop3A_292, %parallel_loop3A_293, %parallel_loop3A_290 : i32
      %parallel_loop3A_295 = arith.remsi %parallel_loop3A_262, %parallel_loop3A_294 : i32
      %parallel_loop3A_296 = arith.constant 0 : i32
      %parallel_loop3A_297 = arith.cmpi ne, %parallel_loop3A_295, %parallel_loop3A_296 : i32
      %parallel_loop3A_298 = arith.constant 0 : i32
      %parallel_loop3A_299 = arith.cmpi slt, %parallel_loop3A_295, %parallel_loop3A_298 : i32
      %parallel_loop3A_300 = arith.constant 0 : i32
      %parallel_loop3A_301 = arith.cmpi slt, %parallel_loop3A_294, %parallel_loop3A_300 : i32
      %parallel_loop3A_302 = arith.xori %parallel_loop3A_299, %parallel_loop3A_301 : i1
      %parallel_loop3A_303 = arith.andi %parallel_loop3A_302, %parallel_loop3A_297 : i1
      %parallel_loop3A_304 = arith.addi %parallel_loop3A_295, %parallel_loop3A_294 : i32
      %parallel_loop3A_305 = arith.select %parallel_loop3A_303, %parallel_loop3A_304, %parallel_loop3A_295 : i32
      %parallel_loop3A_306 = arith.constant 1 : i32
      %parallel_loop3A_307 = arith.index_cast %parallel_loop3A_306 : i32 to index
      %parallel_loop3A_308 = arith.index_cast %parallel_loop3A_289 : i32 to index
      %parallel_loop3A_309 = arith.index_cast %parallel_loop3A_305 : i32 to index
      %parallel_loop3A_310 = arith.constant 0 : index
      %parallel_loop3A_311 = tpu.vector_load %arg7[%parallel_loop3A_307, %parallel_loop3A_308, %parallel_loop3A_309, %parallel_loop3A_310] {strides = array<i32>} : memref<2x8x8x128xf32, #tpu.memory_space<vmem>>, vector<16xf32>,
      tpu.vector_store %arg7[%parallel_loop3A_307, %parallel_loop3A_308, %parallel_loop3A_309, %parallel_loop3A_310], %parallel_loop3A_265 {strides = array<i32>} : memref<2x8x8x128xf32, #tpu.memory_space<vmem>>, vector<16xf32>,
    } {sc.loop_unroll_factor = 8 : i64, sc.parallel_access}
    %get3A_113 = arith.constant 1 : i32
    %get3A_114 = arith.index_cast %get3A_113 : i32 to index
    %get3A_115 = arith.constant 16 : index
    %get3A_116 = tpu.vector_load %arg6[%get3A_114, %get3A_115] {strides = array<i32>} : memref<200x128xi32, #tpu.memory_space<vmem>>, vector<16xi32>,
    %mul3A_117 = arith.constant 65 : i32
    %mul3A_118 = vector.broadcast %mul3A_117 : i32 to vector<16xi32>
    %mul3A_119 = arith.muli %get3A_116, %mul3A_118 : vector<16xi32>
    %parallel_loop3A_120 = arith.constant 0 : i32
    %parallel_loop3A_121 = arith.constant 64 : i32
    %parallel_loop3A_122 = arith.constant 1 : i32
    scf.for %parallel_loop3A_262 = %parallel_loop3A_120 to %parallel_loop3A_121 step %parallel_loop3A_122  : i32 {
      %parallel_loop3A_263 = vector.broadcast %parallel_loop3A_262 : i32 to vector<16xi32>
      %parallel_loop3A_264 = arith.addi %mul3A_119, %parallel_loop3A_263 : vector<16xi32>
      %parallel_loop3A_265 = tpu.vector_load_idx %arg5[%parallel_loop3A_264] : memref<66560xf32, #tpu.memory_space<vmem>>[vector<16xi32>], vector<16xf32>,
      %parallel_loop3A_266 = arith.constant 8 : i32
      %parallel_loop3A_267 = arith.divsi %parallel_loop3A_262, %parallel_loop3A_266 : i32
      %parallel_loop3A_268 = arith.constant 0 : i32
      %parallel_loop3A_269 = arith.cmpi sgt, %parallel_loop3A_262, %parallel_loop3A_268 : i32
      %parallel_loop3A_270 = arith.extui %parallel_loop3A_269 : i1 to i32
      %parallel_loop3A_271 = arith.constant 0 : i32
      %parallel_loop3A_272 = arith.cmpi slt, %parallel_loop3A_262, %parallel_loop3A_271 : i32
      %parallel_loop3A_273 = arith.extui %parallel_loop3A_272 : i1 to i32
      %parallel_loop3A_274 = arith.subi %parallel_loop3A_270, %parallel_loop3A_273 : i32
      %parallel_loop3A_275 = arith.constant 0 : i32
      %parallel_loop3A_276 = arith.cmpi sgt, %parallel_loop3A_266, %parallel_loop3A_275 : i32
      %parallel_loop3A_277 = arith.extui %parallel_loop3A_276 : i1 to i32
      %parallel_loop3A_278 = arith.constant 0 : i32
      %parallel_loop3A_279 = arith.cmpi slt, %parallel_loop3A_266, %parallel_loop3A_278 : i32
      %parallel_loop3A_280 = arith.extui %parallel_loop3A_279 : i1 to i32
      %parallel_loop3A_281 = arith.subi %parallel_loop3A_277, %parallel_loop3A_280 : i32
      %parallel_loop3A_282 = arith.cmpi ne, %parallel_loop3A_274, %parallel_loop3A_281 : i32
      %parallel_loop3A_283 = arith.remsi %parallel_loop3A_262, %parallel_loop3A_266 : i32
      %parallel_loop3A_284 = arith.constant 0 : i32
      %parallel_loop3A_285 = arith.cmpi ne, %parallel_loop3A_283, %parallel_loop3A_284 : i32
      %parallel_loop3A_286 = arith.andi %parallel_loop3A_282, %parallel_loop3A_285 : i1
      %parallel_loop3A_287 = arith.constant 1 : i32
      %parallel_loop3A_288 = arith.subi %parallel_loop3A_267, %parallel_loop3A_287 : i32
      %parallel_loop3A_289 = arith.select %parallel_loop3A_286, %parallel_loop3A_288, %parallel_loop3A_267 : i32
      %parallel_loop3A_290 = arith.constant 8 : i32
      %parallel_loop3A_291 = arith.constant 0 : i32
      %parallel_loop3A_292 = arith.cmpi eq, %parallel_loop3A_290, %parallel_loop3A_291 : i32
      %parallel_loop3A_293 = arith.constant 1 : i32
      %parallel_loop3A_294 = arith.select %parallel_loop3A_292, %parallel_loop3A_293, %parallel_loop3A_290 : i32
      %parallel_loop3A_295 = arith.remsi %parallel_loop3A_262, %parallel_loop3A_294 : i32
      %parallel_loop3A_296 = arith.constant 0 : i32
      %parallel_loop3A_297 = arith.cmpi ne, %parallel_loop3A_295, %parallel_loop3A_296 : i32
      %parallel_loop3A_298 = arith.constant 0 : i32
      %parallel_loop3A_299 = arith.cmpi slt, %parallel_loop3A_295, %parallel_loop3A_298 : i32
      %parallel_loop3A_300 = arith.constant 0 : i32
      %parallel_loop3A_301 = arith.cmpi slt, %parallel_loop3A_294, %parallel_loop3A_300 : i32
      %parallel_loop3A_302 = arith.xori %parallel_loop3A_299, %parallel_loop3A_301 : i1
      %parallel_loop3A_303 = arith.andi %parallel_loop3A_302, %parallel_loop3A_297 : i1
      %parallel_loop3A_304 = arith.addi %parallel_loop3A_295, %parallel_loop3A_294 : i32
      %parallel_loop3A_305 = arith.select %parallel_loop3A_303, %parallel_loop3A_304, %parallel_loop3A_295 : i32
      %parallel_loop3A_306 = arith.constant 1 : i32
      %parallel_loop3A_307 = arith.index_cast %parallel_loop3A_306 : i32 to index
      %parallel_loop3A_308 = arith.index_cast %parallel_loop3A_289 : i32 to index
      %parallel_loop3A_309 = arith.index_cast %parallel_loop3A_305 : i32 to index
      %parallel_loop3A_310 = arith.constant 16 : index
      %parallel_loop3A_311 = tpu.vector_load %arg7[%parallel_loop3A_307, %parallel_loop3A_308, %parallel_loop3A_309, %parallel_loop3A_310] {strides = array<i32>} : memref<2x8x8x128xf32, #tpu.memory_space<vmem>>, vector<16xf32>,
      tpu.vector_store %arg7[%parallel_loop3A_307, %parallel_loop3A_308, %parallel_loop3A_309, %parallel_loop3A_310], %parallel_loop3A_265 {strides = array<i32>} : memref<2x8x8x128xf32, #tpu.memory_space<vmem>>, vector<16xf32>,
    } {sc.loop_unroll_factor = 8 : i64, sc.parallel_access}
    %get3A_123 = arith.constant 1 : i32
    %get3A_124 = arith.index_cast %get3A_123 : i32 to index
    %get3A_125 = arith.constant 32 : index
    %get3A_126 = tpu.vector_load %arg6[%get3A_124, %get3A_125] {strides = array<i32>} : memref<200x128xi32, #tpu.memory_space<vmem>>, vector<16xi32>,
    %mul3A_127 = arith.constant 65 : i32
    %mul3A_128 = vector.broadcast %mul3A_127 : i32 to vector<16xi32>
    %mul3A_129 = arith.muli %get3A_126, %mul3A_128 : vector<16xi32>
    %parallel_loop3A_130 = arith.constant 0 : i32
    %parallel_loop3A_131 = arith.constant 64 : i32
    %parallel_loop3A_132 = arith.constant 1 : i32
    scf.for %parallel_loop3A_262 = %parallel_loop3A_130 to %parallel_loop3A_131 step %parallel_loop3A_132  : i32 {
      %parallel_loop3A_263 = vector.broadcast %parallel_loop3A_262 : i32 to vector<16xi32>
      %parallel_loop3A_264 = arith.addi %mul3A_129, %parallel_loop3A_263 : vector<16xi32>
      %parallel_loop3A_265 = tpu.vector_load_idx %arg5[%parallel_loop3A_264] : memref<66560xf32, #tpu.memory_space<vmem>>[vector<16xi32>], vector<16xf32>,
      %parallel_loop3A_266 = arith.constant 8 : i32
      %parallel_loop3A_267 = arith.divsi %parallel_loop3A_262, %parallel_loop3A_266 : i32
      %parallel_loop3A_268 = arith.constant 0 : i32
      %parallel_loop3A_269 = arith.cmpi sgt, %parallel_loop3A_262, %parallel_loop3A_268 : i32
      %parallel_loop3A_270 = arith.extui %parallel_loop3A_269 : i1 to i32
      %parallel_loop3A_271 = arith.constant 0 : i32
      %parallel_loop3A_272 = arith.cmpi slt, %parallel_loop3A_262, %parallel_loop3A_271 : i32
      %parallel_loop3A_273 = arith.extui %parallel_loop3A_272 : i1 to i32
      %parallel_loop3A_274 = arith.subi %parallel_loop3A_270, %parallel_loop3A_273 : i32
      %parallel_loop3A_275 = arith.constant 0 : i32
      %parallel_loop3A_276 = arith.cmpi sgt, %parallel_loop3A_266, %parallel_loop3A_275 : i32
      %parallel_loop3A_277 = arith.extui %parallel_loop3A_276 : i1 to i32
      %parallel_loop3A_278 = arith.constant 0 : i32
      %parallel_loop3A_279 = arith.cmpi slt, %parallel_loop3A_266, %parallel_loop3A_278 : i32
      %parallel_loop3A_280 = arith.extui %parallel_loop3A_279 : i1 to i32
      %parallel_loop3A_281 = arith.subi %parallel_loop3A_277, %parallel_loop3A_280 : i32
      %parallel_loop3A_282 = arith.cmpi ne, %parallel_loop3A_274, %parallel_loop3A_281 : i32
      %parallel_loop3A_283 = arith.remsi %parallel_loop3A_262, %parallel_loop3A_266 : i32
      %parallel_loop3A_284 = arith.constant 0 : i32
      %parallel_loop3A_285 = arith.cmpi ne, %parallel_loop3A_283, %parallel_loop3A_284 : i32
      %parallel_loop3A_286 = arith.andi %parallel_loop3A_282, %parallel_loop3A_285 : i1
      %parallel_loop3A_287 = arith.constant 1 : i32
      %parallel_loop3A_288 = arith.subi %parallel_loop3A_267, %parallel_loop3A_287 : i32
      %parallel_loop3A_289 = arith.select %parallel_loop3A_286, %parallel_loop3A_288, %parallel_loop3A_267 : i32
      %parallel_loop3A_290 = arith.constant 8 : i32
      %parallel_loop3A_291 = arith.constant 0 : i32
      %parallel_loop3A_292 = arith.cmpi eq, %parallel_loop3A_290, %parallel_loop3A_291 : i32
      %parallel_loop3A_293 = arith.constant 1 : i32
      %parallel_loop3A_294 = arith.select %parallel_loop3A_292, %parallel_loop3A_293, %parallel_loop3A_290 : i32
      %parallel_loop3A_295 = arith.remsi %parallel_loop3A_262, %parallel_loop3A_294 : i32
      %parallel_loop3A_296 = arith.constant 0 : i32
      %parallel_loop3A_297 = arith.cmpi ne, %parallel_loop3A_295, %parallel_loop3A_296 : i32
      %parallel_loop3A_298 = arith.constant 0 : i32
      %parallel_loop3A_299 = arith.cmpi slt, %parallel_loop3A_295, %parallel_loop3A_298 : i32
      %parallel_loop3A_300 = arith.constant 0 : i32
      %parallel_loop3A_301 = arith.cmpi slt, %parallel_loop3A_294, %parallel_loop3A_300 : i32
      %parallel_loop3A_302 = arith.xori %parallel_loop3A_299, %parallel_loop3A_301 : i1
      %parallel_loop3A_303 = arith.andi %parallel_loop3A_302, %parallel_loop3A_297 : i1
      %parallel_loop3A_304 = arith.addi %parallel_loop3A_295, %parallel_loop3A_294 : i32
      %parallel_loop3A_305 = arith.select %parallel_loop3A_303, %parallel_loop3A_304, %parallel_loop3A_295 : i32
      %parallel_loop3A_306 = arith.constant 1 : i32
      %parallel_loop3A_307 = arith.index_cast %parallel_loop3A_306 : i32 to index
      %parallel_loop3A_308 = arith.index_cast %parallel_loop3A_289 : i32 to index
      %parallel_loop3A_309 = arith.index_cast %parallel_loop3A_305 : i32 to index
      %parallel_loop3A_310 = arith.constant 32 : index
      %parallel_loop3A_311 = tpu.vector_load %arg7[%parallel_loop3A_307, %parallel_loop3A_308, %parallel_loop3A_309, %parallel_loop3A_310] {strides = array<i32>} : memref<2x8x8x128xf32, #tpu.memory_space<vmem>>, vector<16xf32>,
      tpu.vector_store %arg7[%parallel_loop3A_307, %parallel_loop3A_308, %parallel_loop3A_309, %parallel_loop3A_310], %parallel_loop3A_265 {strides = array<i32>} : memref<2x8x8x128xf32, #tpu.memory_space<vmem>>, vector<16xf32>,
    } {sc.loop_unroll_factor = 8 : i64, sc.parallel_access}
    %get3A_133 = arith.constant 1 : i32
    %get3A_134 = arith.index_cast %get3A_133 : i32 to index
    %get3A_135 = arith.constant 48 : index
    %get3A_136 = tpu.vector_load %arg6[%get3A_134, %get3A_135] {strides = array<i32>} : memref<200x128xi32, #tpu.memory_space<vmem>>, vector<16xi32>,
    %mul3A_137 = arith.constant 65 : i32
    %mul3A_138 = vector.broadcast %mul3A_137 : i32 to vector<16xi32>
    %mul3A_139 = arith.muli %get3A_136, %mul3A_138 : vector<16xi32>
    %parallel_loop3A_140 = arith.constant 0 : i32
    %parallel_loop3A_141 = arith.constant 64 : i32
    %parallel_loop3A_142 = arith.constant 1 : i32
    scf.for %parallel_loop3A_262 = %parallel_loop3A_140 to %parallel_loop3A_141 step %parallel_loop3A_142  : i32 {
      %parallel_loop3A_263 = vector.broadcast %parallel_loop3A_262 : i32 to vector<16xi32>
      %parallel_loop3A_264 = arith.addi %mul3A_139, %parallel_loop3A_263 : vector<16xi32>
      %parallel_loop3A_265 = tpu.vector_load_idx %arg5[%parallel_loop3A_264] : memref<66560xf32, #tpu.memory_space<vmem>>[vector<16xi32>], vector<16xf32>,
      %parallel_loop3A_266 = arith.constant 8 : i32
      %parallel_loop3A_267 = arith.divsi %parallel_loop3A_262, %parallel_loop3A_266 : i32
      %parallel_loop3A_268 = arith.constant 0 : i32
      %parallel_loop3A_269 = arith.cmpi sgt, %parallel_loop3A_262, %parallel_loop3A_268 : i32
      %parallel_loop3A_270 = arith.extui %parallel_loop3A_269 : i1 to i32
      %parallel_loop3A_271 = arith.constant 0 : i32
      %parallel_loop3A_272 = arith.cmpi slt, %parallel_loop3A_262, %parallel_loop3A_271 : i32
      %parallel_loop3A_273 = arith.extui %parallel_loop3A_272 : i1 to i32
      %parallel_loop3A_274 = arith.subi %parallel_loop3A_270, %parallel_loop3A_273 : i32
      %parallel_loop3A_275 = arith.constant 0 : i32
      %parallel_loop3A_276 = arith.cmpi sgt, %parallel_loop3A_266, %parallel_loop3A_275 : i32
      %parallel_loop3A_277 = arith.extui %parallel_loop3A_276 : i1 to i32
      %parallel_loop3A_278 = arith.constant 0 : i32
      %parallel_loop3A_279 = arith.cmpi slt, %parallel_loop3A_266, %parallel_loop3A_278 : i32
      %parallel_loop3A_280 = arith.extui %parallel_loop3A_279 : i1 to i32
      %parallel_loop3A_281 = arith.subi %parallel_loop3A_277, %parallel_loop3A_280 : i32
      %parallel_loop3A_282 = arith.cmpi ne, %parallel_loop3A_274, %parallel_loop3A_281 : i32
      %parallel_loop3A_283 = arith.remsi %parallel_loop3A_262, %parallel_loop3A_266 : i32
      %parallel_loop3A_284 = arith.constant 0 : i32
      %parallel_loop3A_285 = arith.cmpi ne, %parallel_loop3A_283, %parallel_loop3A_284 : i32
      %parallel_loop3A_286 = arith.andi %parallel_loop3A_282, %parallel_loop3A_285 : i1
      %parallel_loop3A_287 = arith.constant 1 : i32
      %parallel_loop3A_288 = arith.subi %parallel_loop3A_267, %parallel_loop3A_287 : i32
      %parallel_loop3A_289 = arith.select %parallel_loop3A_286, %parallel_loop3A_288, %parallel_loop3A_267 : i32
      %parallel_loop3A_290 = arith.constant 8 : i32
      %parallel_loop3A_291 = arith.constant 0 : i32
      %parallel_loop3A_292 = arith.cmpi eq, %parallel_loop3A_290, %parallel_loop3A_291 : i32
      %parallel_loop3A_293 = arith.constant 1 : i32
      %parallel_loop3A_294 = arith.select %parallel_loop3A_292, %parallel_loop3A_293, %parallel_loop3A_290 : i32
      %parallel_loop3A_295 = arith.remsi %parallel_loop3A_262, %parallel_loop3A_294 : i32
      %parallel_loop3A_296 = arith.constant 0 : i32
      %parallel_loop3A_297 = arith.cmpi ne, %parallel_loop3A_295, %parallel_loop3A_296 : i32
      %parallel_loop3A_298 = arith.constant 0 : i32
      %parallel_loop3A_299 = arith.cmpi slt, %parallel_loop3A_295, %parallel_loop3A_298 : i32
      %parallel_loop3A_300 = arith.constant 0 : i32
      %parallel_loop3A_301 = arith.cmpi slt, %parallel_loop3A_294, %parallel_loop3A_300 : i32
      %parallel_loop3A_302 = arith.xori %parallel_loop3A_299, %parallel_loop3A_301 : i1
      %parallel_loop3A_303 = arith.andi %parallel_loop3A_302, %parallel_loop3A_297 : i1
      %parallel_loop3A_304 = arith.addi %parallel_loop3A_295, %parallel_loop3A_294 : i32
      %parallel_loop3A_305 = arith.select %parallel_loop3A_303, %parallel_loop3A_304, %parallel_loop3A_295 : i32
      %parallel_loop3A_306 = arith.constant 1 : i32
      %parallel_loop3A_307 = arith.index_cast %parallel_loop3A_306 : i32 to index
      %parallel_loop3A_308 = arith.index_cast %parallel_loop3A_289 : i32 to index
      %parallel_loop3A_309 = arith.index_cast %parallel_loop3A_305 : i32 to index
      %parallel_loop3A_310 = arith.constant 48 : index
      %parallel_loop3A_311 = tpu.vector_load %arg7[%parallel_loop3A_307, %parallel_loop3A_308, %parallel_loop3A_309, %parallel_loop3A_310] {strides = array<i32>} : memref<2x8x8x128xf32, #tpu.memory_space<vmem>>, vector<16xf32>,
      tpu.vector_store %arg7[%parallel_loop3A_307, %parallel_loop3A_308, %parallel_loop3A_309, %parallel_loop3A_310], %parallel_loop3A_265 {strides = array<i32>} : memref<2x8x8x128xf32, #tpu.memory_space<vmem>>, vector<16xf32>,
    } {sc.loop_unroll_factor = 8 : i64, sc.parallel_access}
    %get3A_143 = arith.constant 1 : i32
    %get3A_144 = arith.index_cast %get3A_143 : i32 to index
    %get3A_145 = arith.constant 64 : index
    %get3A_146 = tpu.vector_load %arg6[%get3A_144, %get3A_145] {strides = array<i32>} : memref<200x128xi32, #tpu.memory_space<vmem>>, vector<16xi32>,
    %mul3A_147 = arith.constant 65 : i32
    %mul3A_148 = vector.broadcast %mul3A_147 : i32 to vector<16xi32>
    %mul3A_149 = arith.muli %get3A_146, %mul3A_148 : vector<16xi32>
    %parallel_loop3A_150 = arith.constant 0 : i32
    %parallel_loop3A_151 = arith.constant 64 : i32
    %parallel_loop3A_152 = arith.constant 1 : i32
    scf.for %parallel_loop3A_262 = %parallel_loop3A_150 to %parallel_loop3A_151 step %parallel_loop3A_152  : i32 {
      %parallel_loop3A_263 = vector.broadcast %parallel_loop3A_262 : i32 to vector<16xi32>
      %parallel_loop3A_264 = arith.addi %mul3A_149, %parallel_loop3A_263 : vector<16xi32>
      %parallel_loop3A_265 = tpu.vector_load_idx %arg5[%parallel_loop3A_264] : memref<66560xf32, #tpu.memory_space<vmem>>[vector<16xi32>], vector<16xf32>,
      %parallel_loop3A_266 = arith.constant 8 : i32
      %parallel_loop3A_267 = arith.divsi %parallel_loop3A_262, %parallel_loop3A_266 : i32
      %parallel_loop3A_268 = arith.constant 0 : i32
      %parallel_loop3A_269 = arith.cmpi sgt, %parallel_loop3A_262, %parallel_loop3A_268 : i32
      %parallel_loop3A_270 = arith.extui %parallel_loop3A_269 : i1 to i32
      %parallel_loop3A_271 = arith.constant 0 : i32
      %parallel_loop3A_272 = arith.cmpi slt, %parallel_loop3A_262, %parallel_loop3A_271 : i32
      %parallel_loop3A_273 = arith.extui %parallel_loop3A_272 : i1 to i32
      %parallel_loop3A_274 = arith.subi %parallel_loop3A_270, %parallel_loop3A_273 : i32
      %parallel_loop3A_275 = arith.constant 0 : i32
      %parallel_loop3A_276 = arith.cmpi sgt, %parallel_loop3A_266, %parallel_loop3A_275 : i32
      %parallel_loop3A_277 = arith.extui %parallel_loop3A_276 : i1 to i32
      %parallel_loop3A_278 = arith.constant 0 : i32
      %parallel_loop3A_279 = arith.cmpi slt, %parallel_loop3A_266, %parallel_loop3A_278 : i32
      %parallel_loop3A_280 = arith.extui %parallel_loop3A_279 : i1 to i32
      %parallel_loop3A_281 = arith.subi %parallel_loop3A_277, %parallel_loop3A_280 : i32
      %parallel_loop3A_282 = arith.cmpi ne, %parallel_loop3A_274, %parallel_loop3A_281 : i32
      %parallel_loop3A_283 = arith.remsi %parallel_loop3A_262, %parallel_loop3A_266 : i32
      %parallel_loop3A_284 = arith.constant 0 : i32
      %parallel_loop3A_285 = arith.cmpi ne, %parallel_loop3A_283, %parallel_loop3A_284 : i32
      %parallel_loop3A_286 = arith.andi %parallel_loop3A_282, %parallel_loop3A_285 : i1
      %parallel_loop3A_287 = arith.constant 1 : i32
      %parallel_loop3A_288 = arith.subi %parallel_loop3A_267, %parallel_loop3A_287 : i32
      %parallel_loop3A_289 = arith.select %parallel_loop3A_286, %parallel_loop3A_288, %parallel_loop3A_267 : i32
      %parallel_loop3A_290 = arith.constant 8 : i32
      %parallel_loop3A_291 = arith.constant 0 : i32
      %parallel_loop3A_292 = arith.cmpi eq, %parallel_loop3A_290, %parallel_loop3A_291 : i32
      %parallel_loop3A_293 = arith.constant 1 : i32
      %parallel_loop3A_294 = arith.select %parallel_loop3A_292, %parallel_loop3A_293, %parallel_loop3A_290 : i32
      %parallel_loop3A_295 = arith.remsi %parallel_loop3A_262, %parallel_loop3A_294 : i32
      %parallel_loop3A_296 = arith.constant 0 : i32
      %parallel_loop3A_297 = arith.cmpi ne, %parallel_loop3A_295, %parallel_loop3A_296 : i32
      %parallel_loop3A_298 = arith.constant 0 : i32
      %parallel_loop3A_299 = arith.cmpi slt, %parallel_loop3A_295, %parallel_loop3A_298 : i32
      %parallel_loop3A_300 = arith.constant 0 : i32
      %parallel_loop3A_301 = arith.cmpi slt, %parallel_loop3A_294, %parallel_loop3A_300 : i32
      %parallel_loop3A_302 = arith.xori %parallel_loop3A_299, %parallel_loop3A_301 : i1
      %parallel_loop3A_303 = arith.andi %parallel_loop3A_302, %parallel_loop3A_297 : i1
      %parallel_loop3A_304 = arith.addi %parallel_loop3A_295, %parallel_loop3A_294 : i32
      %parallel_loop3A_305 = arith.select %parallel_loop3A_303, %parallel_loop3A_304, %parallel_loop3A_295 : i32
      %parallel_loop3A_306 = arith.constant 1 : i32
      %parallel_loop3A_307 = arith.index_cast %parallel_loop3A_306 : i32 to index
      %parallel_loop3A_308 = arith.index_cast %parallel_loop3A_289 : i32 to index
      %parallel_loop3A_309 = arith.index_cast %parallel_loop3A_305 : i32 to index
      %parallel_loop3A_310 = arith.constant 64 : index
      %parallel_loop3A_311 = tpu.vector_load %arg7[%parallel_loop3A_307, %parallel_loop3A_308, %parallel_loop3A_309, %parallel_loop3A_310] {strides = array<i32>} : memref<2x8x8x128xf32, #tpu.memory_space<vmem>>, vector<16xf32>,
      tpu.vector_store %arg7[%parallel_loop3A_307, %parallel_loop3A_308, %parallel_loop3A_309, %parallel_loop3A_310], %parallel_loop3A_265 {strides = array<i32>} : memref<2x8x8x128xf32, #tpu.memory_space<vmem>>, vector<16xf32>,
    } {sc.loop_unroll_factor = 8 : i64, sc.parallel_access}
    %get3A_153 = arith.constant 1 : i32
    %get3A_154 = arith.index_cast %get3A_153 : i32 to index
    %get3A_155 = arith.constant 80 : index
    %get3A_156 = tpu.vector_load %arg6[%get3A_154, %get3A_155] {strides = array<i32>} : memref<200x128xi32, #tpu.memory_space<vmem>>, vector<16xi32>,
    %mul3A_157 = arith.constant 65 : i32
    %mul3A_158 = vector.broadcast %mul3A_157 : i32 to vector<16xi32>
    %mul3A_159 = arith.muli %get3A_156, %mul3A_158 : vector<16xi32>
    %parallel_loop3A_160 = arith.constant 0 : i32
    %parallel_loop3A_161 = arith.constant 64 : i32
    %parallel_loop3A_162 = arith.constant 1 : i32
    scf.for %parallel_loop3A_262 = %parallel_loop3A_160 to %parallel_loop3A_161 step %parallel_loop3A_162  : i32 {
      %parallel_loop3A_263 = vector.broadcast %parallel_loop3A_262 : i32 to vector<16xi32>
      %parallel_loop3A_264 = arith.addi %mul3A_159, %parallel_loop3A_263 : vector<16xi32>
      %parallel_loop3A_265 = tpu.vector_load_idx %arg5[%parallel_loop3A_264] : memref<66560xf32, #tpu.memory_space<vmem>>[vector<16xi32>], vector<16xf32>,
      %parallel_loop3A_266 = arith.constant 8 : i32
      %parallel_loop3A_267 = arith.divsi %parallel_loop3A_262, %parallel_loop3A_266 : i32
      %parallel_loop3A_268 = arith.constant 0 : i32
      %parallel_loop3A_269 = arith.cmpi sgt, %parallel_loop3A_262, %parallel_loop3A_268 : i32
      %parallel_loop3A_270 = arith.extui %parallel_loop3A_269 : i1 to i32
      %parallel_loop3A_271 = arith.constant 0 : i32
      %parallel_loop3A_272 = arith.cmpi slt, %parallel_loop3A_262, %parallel_loop3A_271 : i32
      %parallel_loop3A_273 = arith.extui %parallel_loop3A_272 : i1 to i32
      %parallel_loop3A_274 = arith.subi %parallel_loop3A_270, %parallel_loop3A_273 : i32
      %parallel_loop3A_275 = arith.constant 0 : i32
      %parallel_loop3A_276 = arith.cmpi sgt, %parallel_loop3A_266, %parallel_loop3A_275 : i32
      %parallel_loop3A_277 = arith.extui %parallel_loop3A_276 : i1 to i32
      %parallel_loop3A_278 = arith.constant 0 : i32
      %parallel_loop3A_279 = arith.cmpi slt, %parallel_loop3A_266, %parallel_loop3A_278 : i32
      %parallel_loop3A_280 = arith.extui %parallel_loop3A_279 : i1 to i32
      %parallel_loop3A_281 = arith.subi %parallel_loop3A_277, %parallel_loop3A_280 : i32
      %parallel_loop3A_282 = arith.cmpi ne, %parallel_loop3A_274, %parallel_loop3A_281 : i32
      %parallel_loop3A_283 = arith.remsi %parallel_loop3A_262, %parallel_loop3A_266 : i32
      %parallel_loop3A_284 = arith.constant 0 : i32
      %parallel_loop3A_285 = arith.cmpi ne, %parallel_loop3A_283, %parallel_loop3A_284 : i32
      %parallel_loop3A_286 = arith.andi %parallel_loop3A_282, %parallel_loop3A_285 : i1
      %parallel_loop3A_287 = arith.constant 1 : i32
      %parallel_loop3A_288 = arith.subi %parallel_loop3A_267, %parallel_loop3A_287 : i32
      %parallel_loop3A_289 = arith.select %parallel_loop3A_286, %parallel_loop3A_288, %parallel_loop3A_267 : i32
      %parallel_loop3A_290 = arith.constant 8 : i32
      %parallel_loop3A_291 = arith.constant 0 : i32
      %parallel_loop3A_292 = arith.cmpi eq, %parallel_loop3A_290, %parallel_loop3A_291 : i32
      %parallel_loop3A_293 = arith.constant 1 : i32
      %parallel_loop3A_294 = arith.select %parallel_loop3A_292, %parallel_loop3A_293, %parallel_loop3A_290 : i32
      %parallel_loop3A_295 = arith.remsi %parallel_loop3A_262, %parallel_loop3A_294 : i32
      %parallel_loop3A_296 = arith.constant 0 : i32
      %parallel_loop3A_297 = arith.cmpi ne, %parallel_loop3A_295, %parallel_loop3A_296 : i32
      %parallel_loop3A_298 = arith.constant 0 : i32
      %parallel_loop3A_299 = arith.cmpi slt, %parallel_loop3A_295, %parallel_loop3A_298 : i32
      %parallel_loop3A_300 = arith.constant 0 : i32
      %parallel_loop3A_301 = arith.cmpi slt, %parallel_loop3A_294, %parallel_loop3A_300 : i32
      %parallel_loop3A_302 = arith.xori %parallel_loop3A_299, %parallel_loop3A_301 : i1
      %parallel_loop3A_303 = arith.andi %parallel_loop3A_302, %parallel_loop3A_297 : i1
      %parallel_loop3A_304 = arith.addi %parallel_loop3A_295, %parallel_loop3A_294 : i32
      %parallel_loop3A_305 = arith.select %parallel_loop3A_303, %parallel_loop3A_304, %parallel_loop3A_295 : i32
      %parallel_loop3A_306 = arith.constant 1 : i32
      %parallel_loop3A_307 = arith.index_cast %parallel_loop3A_306 : i32 to index
      %parallel_loop3A_308 = arith.index_cast %parallel_loop3A_289 : i32 to index
      %parallel_loop3A_309 = arith.index_cast %parallel_loop3A_305 : i32 to index
      %parallel_loop3A_310 = arith.constant 80 : index
      %parallel_loop3A_311 = tpu.vector_load %arg7[%parallel_loop3A_307, %parallel_loop3A_308, %parallel_loop3A_309, %parallel_loop3A_310] {strides = array<i32>} : memref<2x8x8x128xf32, #tpu.memory_space<vmem>>, vector<16xf32>,
      tpu.vector_store %arg7[%parallel_loop3A_307, %parallel_loop3A_308, %parallel_loop3A_309, %parallel_loop3A_310], %parallel_loop3A_265 {strides = array<i32>} : memref<2x8x8x128xf32, #tpu.memory_space<vmem>>, vector<16xf32>,
    } {sc.loop_unroll_factor = 8 : i64, sc.parallel_access}
    %get3A_163 = arith.constant 1 : i32
    %get3A_164 = arith.index_cast %get3A_163 : i32 to index
    %get3A_165 = arith.constant 96 : index
    %get3A_166 = tpu.vector_load %arg6[%get3A_164, %get3A_165] {strides = array<i32>} : memref<200x128xi32, #tpu.memory_space<vmem>>, vector<16xi32>,
    %mul3A_167 = arith.constant 65 : i32
    %mul3A_168 = vector.broadcast %mul3A_167 : i32 to vector<16xi32>
    %mul3A_169 = arith.muli %get3A_166, %mul3A_168 : vector<16xi32>
    %parallel_loop3A_170 = arith.constant 0 : i32
    %parallel_loop3A_171 = arith.constant 64 : i32
    %parallel_loop3A_172 = arith.constant 1 : i32
    scf.for %parallel_loop3A_262 = %parallel_loop3A_170 to %parallel_loop3A_171 step %parallel_loop3A_172  : i32 {
      %parallel_loop3A_263 = vector.broadcast %parallel_loop3A_262 : i32 to vector<16xi32>
      %parallel_loop3A_264 = arith.addi %mul3A_169, %parallel_loop3A_263 : vector<16xi32>
      %parallel_loop3A_265 = tpu.vector_load_idx %arg5[%parallel_loop3A_264] : memref<66560xf32, #tpu.memory_space<vmem>>[vector<16xi32>], vector<16xf32>,
      %parallel_loop3A_266 = arith.constant 8 : i32
      %parallel_loop3A_267 = arith.divsi %parallel_loop3A_262, %parallel_loop3A_266 : i32
      %parallel_loop3A_268 = arith.constant 0 : i32
      %parallel_loop3A_269 = arith.cmpi sgt, %parallel_loop3A_262, %parallel_loop3A_268 : i32
      %parallel_loop3A_270 = arith.extui %parallel_loop3A_269 : i1 to i32
      %parallel_loop3A_271 = arith.constant 0 : i32
      %parallel_loop3A_272 = arith.cmpi slt, %parallel_loop3A_262, %parallel_loop3A_271 : i32
      %parallel_loop3A_273 = arith.extui %parallel_loop3A_272 : i1 to i32
      %parallel_loop3A_274 = arith.subi %parallel_loop3A_270, %parallel_loop3A_273 : i32
      %parallel_loop3A_275 = arith.constant 0 : i32
      %parallel_loop3A_276 = arith.cmpi sgt, %parallel_loop3A_266, %parallel_loop3A_275 : i32
      %parallel_loop3A_277 = arith.extui %parallel_loop3A_276 : i1 to i32
      %parallel_loop3A_278 = arith.constant 0 : i32
      %parallel_loop3A_279 = arith.cmpi slt, %parallel_loop3A_266, %parallel_loop3A_278 : i32
      %parallel_loop3A_280 = arith.extui %parallel_loop3A_279 : i1 to i32
      %parallel_loop3A_281 = arith.subi %parallel_loop3A_277, %parallel_loop3A_280 : i32
      %parallel_loop3A_282 = arith.cmpi ne, %parallel_loop3A_274, %parallel_loop3A_281 : i32
      %parallel_loop3A_283 = arith.remsi %parallel_loop3A_262, %parallel_loop3A_266 : i32
      %parallel_loop3A_284 = arith.constant 0 : i32
      %parallel_loop3A_285 = arith.cmpi ne, %parallel_loop3A_283, %parallel_loop3A_284 : i32
      %parallel_loop3A_286 = arith.andi %parallel_loop3A_282, %parallel_loop3A_285 : i1
      %parallel_loop3A_287 = arith.constant 1 : i32
      %parallel_loop3A_288 = arith.subi %parallel_loop3A_267, %parallel_loop3A_287 : i32
      %parallel_loop3A_289 = arith.select %parallel_loop3A_286, %parallel_loop3A_288, %parallel_loop3A_267 : i32
      %parallel_loop3A_290 = arith.constant 8 : i32
      %parallel_loop3A_291 = arith.constant 0 : i32
      %parallel_loop3A_292 = arith.cmpi eq, %parallel_loop3A_290, %parallel_loop3A_291 : i32
      %parallel_loop3A_293 = arith.constant 1 : i32
      %parallel_loop3A_294 = arith.select %parallel_loop3A_292, %parallel_loop3A_293, %parallel_loop3A_290 : i32
      %parallel_loop3A_295 = arith.remsi %parallel_loop3A_262, %parallel_loop3A_294 : i32
      %parallel_loop3A_296 = arith.constant 0 : i32
      %parallel_loop3A_297 = arith.cmpi ne, %parallel_loop3A_295, %parallel_loop3A_296 : i32
      %parallel_loop3A_298 = arith.constant 0 : i32
      %parallel_loop3A_299 = arith.cmpi slt, %parallel_loop3A_295, %parallel_loop3A_298 : i32
      %parallel_loop3A_300 = arith.constant 0 : i32
      %parallel_loop3A_301 = arith.cmpi slt, %parallel_loop3A_294, %parallel_loop3A_300 : i32
      %parallel_loop3A_302 = arith.xori %parallel_loop3A_299, %parallel_loop3A_301 : i1
      %parallel_loop3A_303 = arith.andi %parallel_loop3A_302, %parallel_loop3A_297 : i1
      %parallel_loop3A_304 = arith.addi %parallel_loop3A_295, %parallel_loop3A_294 : i32
      %parallel_loop3A_305 = arith.select %parallel_loop3A_303, %parallel_loop3A_304, %parallel_loop3A_295 : i32
      %parallel_loop3A_306 = arith.constant 1 : i32
      %parallel_loop3A_307 = arith.index_cast %parallel_loop3A_306 : i32 to index
      %parallel_loop3A_308 = arith.index_cast %parallel_loop3A_289 : i32 to index
      %parallel_loop3A_309 = arith.index_cast %parallel_loop3A_305 : i32 to index
      %parallel_loop3A_310 = arith.constant 96 : index
      %parallel_loop3A_311 = tpu.vector_load %arg7[%parallel_loop3A_307, %parallel_loop3A_308, %parallel_loop3A_309, %parallel_loop3A_310] {strides = array<i32>} : memref<2x8x8x128xf32, #tpu.memory_space<vmem>>, vector<16xf32>,
      tpu.vector_store %arg7[%parallel_loop3A_307, %parallel_loop3A_308, %parallel_loop3A_309, %parallel_loop3A_310], %parallel_loop3A_265 {strides = array<i32>} : memref<2x8x8x128xf32, #tpu.memory_space<vmem>>, vector<16xf32>,
    } {sc.loop_unroll_factor = 8 : i64, sc.parallel_access}
    %get3A_173 = arith.constant 1 : i32
    %get3A_174 = arith.index_cast %get3A_173 : i32 to index
    %get3A_175 = arith.constant 112 : index
    %get3A_176 = tpu.vector_load %arg6[%get3A_174, %get3A_175] {strides = array<i32>} : memref<200x128xi32, #tpu.memory_space<vmem>>, vector<16xi32>,
    %mul3A_177 = arith.constant 65 : i32
    %mul3A_178 = vector.broadcast %mul3A_177 : i32 to vector<16xi32>
    %mul3A_179 = arith.muli %get3A_176, %mul3A_178 : vector<16xi32>
    %parallel_loop3A_180 = arith.constant 0 : i32
    %parallel_loop3A_181 = arith.constant 64 : i32
    %parallel_loop3A_182 = arith.constant 1 : i32
    scf.for %parallel_loop3A_262 = %parallel_loop3A_180 to %parallel_loop3A_181 step %parallel_loop3A_182  : i32 {
      %parallel_loop3A_263 = vector.broadcast %parallel_loop3A_262 : i32 to vector<16xi32>
      %parallel_loop3A_264 = arith.addi %mul3A_179, %parallel_loop3A_263 : vector<16xi32>
      %parallel_loop3A_265 = tpu.vector_load_idx %arg5[%parallel_loop3A_264] : memref<66560xf32, #tpu.memory_space<vmem>>[vector<16xi32>], vector<16xf32>,
      %parallel_loop3A_266 = arith.constant 8 : i32
      %parallel_loop3A_267 = arith.divsi %parallel_loop3A_262, %parallel_loop3A_266 : i32
      %parallel_loop3A_268 = arith.constant 0 : i32
      %parallel_loop3A_269 = arith.cmpi sgt, %parallel_loop3A_262, %parallel_loop3A_268 : i32
      %parallel_loop3A_270 = arith.extui %parallel_loop3A_269 : i1 to i32
      %parallel_loop3A_271 = arith.constant 0 : i32
      %parallel_loop3A_272 = arith.cmpi slt, %parallel_loop3A_262, %parallel_loop3A_271 : i32
      %parallel_loop3A_273 = arith.extui %parallel_loop3A_272 : i1 to i32
      %parallel_loop3A_274 = arith.subi %parallel_loop3A_270, %parallel_loop3A_273 : i32
      %parallel_loop3A_275 = arith.constant 0 : i32
      %parallel_loop3A_276 = arith.cmpi sgt, %parallel_loop3A_266, %parallel_loop3A_275 : i32
      %parallel_loop3A_277 = arith.extui %parallel_loop3A_276 : i1 to i32
      %parallel_loop3A_278 = arith.constant 0 : i32
      %parallel_loop3A_279 = arith.cmpi slt, %parallel_loop3A_266, %parallel_loop3A_278 : i32
      %parallel_loop3A_280 = arith.extui %parallel_loop3A_279 : i1 to i32
      %parallel_loop3A_281 = arith.subi %parallel_loop3A_277, %parallel_loop3A_280 : i32
      %parallel_loop3A_282 = arith.cmpi ne, %parallel_loop3A_274, %parallel_loop3A_281 : i32
      %parallel_loop3A_283 = arith.remsi %parallel_loop3A_262, %parallel_loop3A_266 : i32
      %parallel_loop3A_284 = arith.constant 0 : i32
      %parallel_loop3A_285 = arith.cmpi ne, %parallel_loop3A_283, %parallel_loop3A_284 : i32
      %parallel_loop3A_286 = arith.andi %parallel_loop3A_282, %parallel_loop3A_285 : i1
      %parallel_loop3A_287 = arith.constant 1 : i32
      %parallel_loop3A_288 = arith.subi %parallel_loop3A_267, %parallel_loop3A_287 : i32
      %parallel_loop3A_289 = arith.select %parallel_loop3A_286, %parallel_loop3A_288, %parallel_loop3A_267 : i32
      %parallel_loop3A_290 = arith.constant 8 : i32
      %parallel_loop3A_291 = arith.constant 0 : i32
      %parallel_loop3A_292 = arith.cmpi eq, %parallel_loop3A_290, %parallel_loop3A_291 : i32
      %parallel_loop3A_293 = arith.constant 1 : i32
      %parallel_loop3A_294 = arith.select %parallel_loop3A_292, %parallel_loop3A_293, %parallel_loop3A_290 : i32
      %parallel_loop3A_295 = arith.remsi %parallel_loop3A_262, %parallel_loop3A_294 : i32
      %parallel_loop3A_296 = arith.constant 0 : i32
      %parallel_loop3A_297 = arith.cmpi ne, %parallel_loop3A_295, %parallel_loop3A_296 : i32
      %parallel_loop3A_298 = arith.constant 0 : i32
      %parallel_loop3A_299 = arith.cmpi slt, %parallel_loop3A_295, %parallel_loop3A_298 : i32
      %parallel_loop3A_300 = arith.constant 0 : i32
      %parallel_loop3A_301 = arith.cmpi slt, %parallel_loop3A_294, %parallel_loop3A_300 : i32
      %parallel_loop3A_302 = arith.xori %parallel_loop3A_299, %parallel_loop3A_301 : i1
      %parallel_loop3A_303 = arith.andi %parallel_loop3A_302, %parallel_loop3A_297 : i1
      %parallel_loop3A_304 = arith.addi %parallel_loop3A_295, %parallel_loop3A_294 : i32
      %parallel_loop3A_305 = arith.select %parallel_loop3A_303, %parallel_loop3A_304, %parallel_loop3A_295 : i32
      %parallel_loop3A_306 = arith.constant 1 : i32
      %parallel_loop3A_307 = arith.index_cast %parallel_loop3A_306 : i32 to index
      %parallel_loop3A_308 = arith.index_cast %parallel_loop3A_289 : i32 to index
      %parallel_loop3A_309 = arith.index_cast %parallel_loop3A_305 : i32 to index
      %parallel_loop3A_310 = arith.constant 112 : index
      %parallel_loop3A_311 = tpu.vector_load %arg7[%parallel_loop3A_307, %parallel_loop3A_308, %parallel_loop3A_309, %parallel_loop3A_310] {strides = array<i32>} : memref<2x8x8x128xf32, #tpu.memory_space<vmem>>, vector<16xf32>,
      tpu.vector_store %arg7[%parallel_loop3A_307, %parallel_loop3A_308, %parallel_loop3A_309, %parallel_loop3A_310], %parallel_loop3A_265 {strides = array<i32>} : memref<2x8x8x128xf32, #tpu.memory_space<vmem>>, vector<16xf32>,
    } {sc.loop_unroll_factor = 8 : i64, sc.parallel_access}
    %dma_start3A_183 = arith.constant 1 : i32
    %dma_start3A_184 = arith.constant 1 : i32
    %dma_start3A_185 = arith.constant 1 : i32
    %dma_start3A_186 = arith.constant 0 : i32
    %dma_start3A_187 = arith.constant 0 : i32
    %dma_start3A_188 = arith.constant 0 : i32
    %dma_start3A_189 = tpu.memref_slice %arg7[%dma_start3A_183, %dma_start3A_186, %dma_start3A_187, %dma_start3A_188] : memref<2x8x8x128xf32, #tpu.memory_space<vmem>> -> memref<1x8x8x128xf32, #tpu.memory_space<vmem>>
    %dma_start3A_190 = tpu.memref_squeeze %dma_start3A_189 : memref<1x8x8x128xf32, #tpu.memory_space<vmem>> -> memref<8x8x128xf32, #tpu.memory_space<vmem>>
    %dma_start3A_191 = arith.constant 0 : i32
    %dma_start3A_192 = arith.constant 0 : i32
    %dma_start3A_193 = arith.constant 0 : i32
    %dma_start3A_194 = tpu.memref_slice %arg4[%dma_start3A_184, %dma_start3A_191, %add3A, %dma_start3A_192, %dma_start3A_193] : memref<200x8x32x8x128xf32, #tpu.memory_space<hbm>> -> memref<1x8x1x8x128xf32, #tpu.memory_space<hbm>>
    %dma_start3A_195 = tpu.memref_squeeze %dma_start3A_194 : memref<1x8x1x8x128xf32, #tpu.memory_space<hbm>> -> memref<8x8x128xf32, #tpu.memory_space<hbm>>
    %dma_start3A_196 = tpu.memref_slice %arg8[%dma_start3A_185] : memref<2x!tpu.dma_semaphore, #tpu.memory_space<semaphore_mem>> -> memref<1x!tpu.dma_semaphore, #tpu.memory_space<semaphore_mem>>
    %dma_start3A_197 = tpu.memref_squeeze %dma_start3A_196 : memref<1x!tpu.dma_semaphore, #tpu.memory_space<semaphore_mem>> -> memref<!tpu.dma_semaphore, #tpu.memory_space<semaphore_mem>>
    %dma_start3A_198 = arith.constant 0 : i32
    %dma_start3A_199 = arith.constant 0 : i32
    %dma_start3A_200 = arith.constant 0 : i32
    %dma_start3A_201 = tpu.memref_slice %arg4[%dma_start3A_184, %dma_start3A_198, %add3A, %dma_start3A_199, %dma_start3A_200] : memref<200x8x32x8x128xf32, #tpu.memory_space<hbm>> -> memref<1x8x1x8x128xf32, #tpu.memory_space<hbm>>
    %dma_start3A_202 = tpu.memref_squeeze %dma_start3A_201 : memref<1x8x1x8x128xf32, #tpu.memory_space<hbm>> -> memref<8x8x128xf32, #tpu.memory_space<hbm>>
    %dma_start3A_203 = arith.constant 0 : i32
    %dma_start3A_204 = arith.constant 0 : i32
    %dma_start3A_205 = arith.constant 0 : i32
    %dma_start3A_206 = tpu.memref_slice %arg7[%dma_start3A_183, %dma_start3A_203, %dma_start3A_204, %dma_start3A_205] : memref<2x8x8x128xf32, #tpu.memory_space<vmem>> -> memref<1x8x8x128xf32, #tpu.memory_space<vmem>>
    %dma_start3A_207 = tpu.memref_squeeze %dma_start3A_206 : memref<1x8x8x128xf32, #tpu.memory_space<vmem>> -> memref<8x8x128xf32, #tpu.memory_space<vmem>>
    tpu.enqueue_dma source(%dma_start3A_207 : memref<8x8x128xf32, #tpu.memory_space<vmem>>) target(%dma_start3A_202 : memref<8x8x128xf32, #tpu.memory_space<hbm>>) target_semaphore(%dma_start3A_197 : memref<!tpu.dma_semaphore, #tpu.memory_space<semaphore_mem>>)
    %scan3A = arith.constant 0 : i32
    %scan3A_208 = arith.constant 1 : i32
    %scan3A_209 = arith.constant 99 : i32
    %scan3A_210 = arith.addi %scan3A_208, %scan3A_209 : i32
    %scan3A_211 = arith.constant 1 : i32
    scf.for %scan3A_262 = %scan3A_208 to %scan3A_210 step %scan3A_211  : i32 {
      %mul3A_263 = arith.constant 2 : i32
      %mul3A_264 = arith.muli %scan3A_262, %mul3A_263 : i32
      %add3A_265 = arith.constant 0 : i32
      %add3A_266 = arith.addi %mul3A_264, %add3A_265 : i32
      %sub3A = arith.constant 2 : i32
      %sub3A_267 = arith.subi %add3A_266, %sub3A : i32
      %dma_wait3A_268 = arith.constant 0 : i32
      %dma_wait3A_269 = arith.constant 0 : i32
      %dma_wait3A_270 = arith.constant 0 : i32
      %dma_wait3A_271 = arith.constant 0 : i32
      %dma_wait3A_272 = arith.constant 0 : i32
      %dma_wait3A_273 = tpu.memref_slice %arg7[%dma_wait3A_268, %dma_wait3A_270, %dma_wait3A_271, %dma_wait3A_272] : memref<2x8x8x128xf32, #tpu.memory_space<vmem>> -> memref<1x8x8x128xf32, #tpu.memory_space<vmem>>
      %dma_wait3A_274 = tpu.memref_squeeze %dma_wait3A_273 : memref<1x8x8x128xf32, #tpu.memory_space<vmem>> -> memref<8x8x128xf32, #tpu.memory_space<vmem>>
      %dma_wait3A_275 = arith.constant 0 : i32
      %dma_wait3A_276 = arith.constant 0 : i32
      %dma_wait3A_277 = arith.constant 0 : i32
      %dma_wait3A_278 = tpu.memref_slice %arg4[%sub3A_267, %dma_wait3A_275, %add3A, %dma_wait3A_276, %dma_wait3A_277] : memref<200x8x32x8x128xf32, #tpu.memory_space<hbm>> -> memref<1x8x1x8x128xf32, #tpu.memory_space<hbm>>
      %dma_wait3A_279 = tpu.memref_squeeze %dma_wait3A_278 : memref<1x8x1x8x128xf32, #tpu.memory_space<hbm>> -> memref<8x8x128xf32, #tpu.memory_space<hbm>>
      %dma_wait3A_280 = tpu.memref_slice %arg8[%dma_wait3A_269] : memref<2x!tpu.dma_semaphore, #tpu.memory_space<semaphore_mem>> -> memref<1x!tpu.dma_semaphore, #tpu.memory_space<semaphore_mem>>
      %dma_wait3A_281 = tpu.memref_squeeze %dma_wait3A_280 : memref<1x!tpu.dma_semaphore, #tpu.memory_space<semaphore_mem>> -> memref<!tpu.dma_semaphore, #tpu.memory_space<semaphore_mem>>
      %dma_wait3A_282 = arith.constant 0 : i32
      %dma_wait3A_283 = arith.constant 0 : i32
      %dma_wait3A_284 = arith.constant 0 : i32
      %dma_wait3A_285 = tpu.memref_slice %arg4[%sub3A_267, %dma_wait3A_282, %add3A, %dma_wait3A_283, %dma_wait3A_284] : memref<200x8x32x8x128xf32, #tpu.memory_space<hbm>> -> memref<1x8x1x8x128xf32, #tpu.memory_space<hbm>>
      %dma_wait3A_286 = tpu.memref_squeeze %dma_wait3A_285 : memref<1x8x1x8x128xf32, #tpu.memory_space<hbm>> -> memref<8x8x128xf32, #tpu.memory_space<hbm>>
      %dma_wait3A_287 = arith.constant 0 : i32
      %dma_wait3A_288 = arith.constant 0 : i32
      %dma_wait3A_289 = arith.constant 0 : i32
      %dma_wait3A_290 = tpu.memref_slice %arg7[%dma_wait3A_268, %dma_wait3A_287, %dma_wait3A_288, %dma_wait3A_289] : memref<2x8x8x128xf32, #tpu.memory_space<vmem>> -> memref<1x8x8x128xf32, #tpu.memory_space<vmem>>
      %dma_wait3A_291 = tpu.memref_squeeze %dma_wait3A_290 : memref<1x8x8x128xf32, #tpu.memory_space<vmem>> -> memref<8x8x128xf32, #tpu.memory_space<vmem>>
      tpu.wait_dma2 semaphore(%dma_wait3A_281 : memref<!tpu.dma_semaphore, #tpu.memory_space<semaphore_mem>>) src(%dma_wait3A_291 : memref<8x8x128xf32, #tpu.memory_space<vmem>>) dst(%dma_wait3A_286 : memref<8x8x128xf32, #tpu.memory_space<hbm>>)
      %get3A_292 = arith.index_cast %add3A_266 : i32 to index
      %get3A_293 = arith.constant 0 : index
      %get3A_294 = tpu.vector_load %arg6[%get3A_292, %get3A_293] {strides = array<i32>} : memref<200x128xi32, #tpu.memory_space<vmem>>, vector<16xi32>,
      %mul3A_295 = arith.constant 65 : i32
      %mul3A_296 = vector.broadcast %mul3A_295 : i32 to vector<16xi32>
      %mul3A_297 = arith.muli %get3A_294, %mul3A_296 : vector<16xi32>
      %parallel_loop3A_298 = arith.constant 0 : i32
      %parallel_loop3A_299 = arith.constant 64 : i32
      %parallel_loop3A_300 = arith.constant 1 : i32
      scf.for %parallel_loop3A_514 = %parallel_loop3A_298 to %parallel_loop3A_299 step %parallel_loop3A_300  : i32 {
        %parallel_loop3A_515 = vector.broadcast %parallel_loop3A_514 : i32 to vector<16xi32>
        %parallel_loop3A_516 = arith.addi %mul3A_297, %parallel_loop3A_515 : vector<16xi32>
        %parallel_loop3A_517 = tpu.vector_load_idx %arg5[%parallel_loop3A_516] : memref<66560xf32, #tpu.memory_space<vmem>>[vector<16xi32>], vector<16xf32>,
        %parallel_loop3A_518 = arith.constant 8 : i32
        %parallel_loop3A_519 = arith.divsi %parallel_loop3A_514, %parallel_loop3A_518 : i32
        %parallel_loop3A_520 = arith.constant 0 : i32
        %parallel_loop3A_521 = arith.cmpi sgt, %parallel_loop3A_514, %parallel_loop3A_520 : i32
        %parallel_loop3A_522 = arith.extui %parallel_loop3A_521 : i1 to i32
        %parallel_loop3A_523 = arith.constant 0 : i32
        %parallel_loop3A_524 = arith.cmpi slt, %parallel_loop3A_514, %parallel_loop3A_523 : i32
        %parallel_loop3A_525 = arith.extui %parallel_loop3A_524 : i1 to i32
        %parallel_loop3A_526 = arith.subi %parallel_loop3A_522, %parallel_loop3A_525 : i32
        %parallel_loop3A_527 = arith.constant 0 : i32
        %parallel_loop3A_528 = arith.cmpi sgt, %parallel_loop3A_518, %parallel_loop3A_527 : i32
        %parallel_loop3A_529 = arith.extui %parallel_loop3A_528 : i1 to i32
        %parallel_loop3A_530 = arith.constant 0 : i32
        %parallel_loop3A_531 = arith.cmpi slt, %parallel_loop3A_518, %parallel_loop3A_530 : i32
        %parallel_loop3A_532 = arith.extui %parallel_loop3A_531 : i1 to i32
        %parallel_loop3A_533 = arith.subi %parallel_loop3A_529, %parallel_loop3A_532 : i32
        %parallel_loop3A_534 = arith.cmpi ne, %parallel_loop3A_526, %parallel_loop3A_533 : i32
        %parallel_loop3A_535 = arith.remsi %parallel_loop3A_514, %parallel_loop3A_518 : i32
        %parallel_loop3A_536 = arith.constant 0 : i32
        %parallel_loop3A_537 = arith.cmpi ne, %parallel_loop3A_535, %parallel_loop3A_536 : i32
        %parallel_loop3A_538 = arith.andi %parallel_loop3A_534, %parallel_loop3A_537 : i1
        %parallel_loop3A_539 = arith.constant 1 : i32
        %parallel_loop3A_540 = arith.subi %parallel_loop3A_519, %parallel_loop3A_539 : i32
        %parallel_loop3A_541 = arith.select %parallel_loop3A_538, %parallel_loop3A_540, %parallel_loop3A_519 : i32
        %parallel_loop3A_542 = arith.constant 8 : i32
        %parallel_loop3A_543 = arith.constant 0 : i32
        %parallel_loop3A_544 = arith.cmpi eq, %parallel_loop3A_542, %parallel_loop3A_543 : i32
        %parallel_loop3A_545 = arith.constant 1 : i32
        %parallel_loop3A_546 = arith.select %parallel_loop3A_544, %parallel_loop3A_545, %parallel_loop3A_542 : i32
        %parallel_loop3A_547 = arith.remsi %parallel_loop3A_514, %parallel_loop3A_546 : i32
        %parallel_loop3A_548 = arith.constant 0 : i32
        %parallel_loop3A_549 = arith.cmpi ne, %parallel_loop3A_547, %parallel_loop3A_548 : i32
        %parallel_loop3A_550 = arith.constant 0 : i32
        %parallel_loop3A_551 = arith.cmpi slt, %parallel_loop3A_547, %parallel_loop3A_550 : i32
        %parallel_loop3A_552 = arith.constant 0 : i32
        %parallel_loop3A_553 = arith.cmpi slt, %parallel_loop3A_546, %parallel_loop3A_552 : i32
        %parallel_loop3A_554 = arith.xori %parallel_loop3A_551, %parallel_loop3A_553 : i1
        %parallel_loop3A_555 = arith.andi %parallel_loop3A_554, %parallel_loop3A_549 : i1
        %parallel_loop3A_556 = arith.addi %parallel_loop3A_547, %parallel_loop3A_546 : i32
        %parallel_loop3A_557 = arith.select %parallel_loop3A_555, %parallel_loop3A_556, %parallel_loop3A_547 : i32
        %parallel_loop3A_558 = arith.constant 0 : i32
        %parallel_loop3A_559 = arith.index_cast %parallel_loop3A_558 : i32 to index
        %parallel_loop3A_560 = arith.index_cast %parallel_loop3A_541 : i32 to index
        %parallel_loop3A_561 = arith.index_cast %parallel_loop3A_557 : i32 to index
        %parallel_loop3A_562 = arith.constant 0 : index
        %parallel_loop3A_563 = tpu.vector_load %arg7[%parallel_loop3A_559, %parallel_loop3A_560, %parallel_loop3A_561, %parallel_loop3A_562] {strides = array<i32>} : memref<2x8x8x128xf32, #tpu.memory_space<vmem>>, vector<16xf32>,
        tpu.vector_store %arg7[%parallel_loop3A_559, %parallel_loop3A_560, %parallel_loop3A_561, %parallel_loop3A_562], %parallel_loop3A_517 {strides = array<i32>} : memref<2x8x8x128xf32, #tpu.memory_space<vmem>>, vector<16xf32>,
      } {sc.loop_unroll_factor = 8 : i64, sc.parallel_access}
      %get3A_301 = arith.index_cast %add3A_266 : i32 to index
      %get3A_302 = arith.constant 16 : index
      %get3A_303 = tpu.vector_load %arg6[%get3A_301, %get3A_302] {strides = array<i32>} : memref<200x128xi32, #tpu.memory_space<vmem>>, vector<16xi32>,
      %mul3A_304 = arith.constant 65 : i32
      %mul3A_305 = vector.broadcast %mul3A_304 : i32 to vector<16xi32>
      %mul3A_306 = arith.muli %get3A_303, %mul3A_305 : vector<16xi32>
      %parallel_loop3A_307 = arith.constant 0 : i32
      %parallel_loop3A_308 = arith.constant 64 : i32
      %parallel_loop3A_309 = arith.constant 1 : i32
      scf.for %parallel_loop3A_514 = %parallel_loop3A_307 to %parallel_loop3A_308 step %parallel_loop3A_309  : i32 {
        %parallel_loop3A_515 = vector.broadcast %parallel_loop3A_514 : i32 to vector<16xi32>
        %parallel_loop3A_516 = arith.addi %mul3A_306, %parallel_loop3A_515 : vector<16xi32>
        %parallel_loop3A_517 = tpu.vector_load_idx %arg5[%parallel_loop3A_516] : memref<66560xf32, #tpu.memory_space<vmem>>[vector<16xi32>], vector<16xf32>,
        %parallel_loop3A_518 = arith.constant 8 : i32
        %parallel_loop3A_519 = arith.divsi %parallel_loop3A_514, %parallel_loop3A_518 : i32
        %parallel_loop3A_520 = arith.constant 0 : i32
        %parallel_loop3A_521 = arith.cmpi sgt, %parallel_loop3A_514, %parallel_loop3A_520 : i32
        %parallel_loop3A_522 = arith.extui %parallel_loop3A_521 : i1 to i32
        %parallel_loop3A_523 = arith.constant 0 : i32
        %parallel_loop3A_524 = arith.cmpi slt, %parallel_loop3A_514, %parallel_loop3A_523 : i32
        %parallel_loop3A_525 = arith.extui %parallel_loop3A_524 : i1 to i32
        %parallel_loop3A_526 = arith.subi %parallel_loop3A_522, %parallel_loop3A_525 : i32
        %parallel_loop3A_527 = arith.constant 0 : i32
        %parallel_loop3A_528 = arith.cmpi sgt, %parallel_loop3A_518, %parallel_loop3A_527 : i32
        %parallel_loop3A_529 = arith.extui %parallel_loop3A_528 : i1 to i32
        %parallel_loop3A_530 = arith.constant 0 : i32
        %parallel_loop3A_531 = arith.cmpi slt, %parallel_loop3A_518, %parallel_loop3A_530 : i32
        %parallel_loop3A_532 = arith.extui %parallel_loop3A_531 : i1 to i32
        %parallel_loop3A_533 = arith.subi %parallel_loop3A_529, %parallel_loop3A_532 : i32
        %parallel_loop3A_534 = arith.cmpi ne, %parallel_loop3A_526, %parallel_loop3A_533 : i32
        %parallel_loop3A_535 = arith.remsi %parallel_loop3A_514, %parallel_loop3A_518 : i32
        %parallel_loop3A_536 = arith.constant 0 : i32
        %parallel_loop3A_537 = arith.cmpi ne, %parallel_loop3A_535, %parallel_loop3A_536 : i32
        %parallel_loop3A_538 = arith.andi %parallel_loop3A_534, %parallel_loop3A_537 : i1
        %parallel_loop3A_539 = arith.constant 1 : i32
        %parallel_loop3A_540 = arith.subi %parallel_loop3A_519, %parallel_loop3A_539 : i32
        %parallel_loop3A_541 = arith.select %parallel_loop3A_538, %parallel_loop3A_540, %parallel_loop3A_519 : i32
        %parallel_loop3A_542 = arith.constant 8 : i32
        %parallel_loop3A_543 = arith.constant 0 : i32
        %parallel_loop3A_544 = arith.cmpi eq, %parallel_loop3A_542, %parallel_loop3A_543 : i32
        %parallel_loop3A_545 = arith.constant 1 : i32
        %parallel_loop3A_546 = arith.select %parallel_loop3A_544, %parallel_loop3A_545, %parallel_loop3A_542 : i32
        %parallel_loop3A_547 = arith.remsi %parallel_loop3A_514, %parallel_loop3A_546 : i32
        %parallel_loop3A_548 = arith.constant 0 : i32
        %parallel_loop3A_549 = arith.cmpi ne, %parallel_loop3A_547, %parallel_loop3A_548 : i32
        %parallel_loop3A_550 = arith.constant 0 : i32
        %parallel_loop3A_551 = arith.cmpi slt, %parallel_loop3A_547, %parallel_loop3A_550 : i32
        %parallel_loop3A_552 = arith.constant 0 : i32
        %parallel_loop3A_553 = arith.cmpi slt, %parallel_loop3A_546, %parallel_loop3A_552 : i32
        %parallel_loop3A_554 = arith.xori %parallel_loop3A_551, %parallel_loop3A_553 : i1
        %parallel_loop3A_555 = arith.andi %parallel_loop3A_554, %parallel_loop3A_549 : i1
        %parallel_loop3A_556 = arith.addi %parallel_loop3A_547, %parallel_loop3A_546 : i32
        %parallel_loop3A_557 = arith.select %parallel_loop3A_555, %parallel_loop3A_556, %parallel_loop3A_547 : i32
        %parallel_loop3A_558 = arith.constant 0 : i32
        %parallel_loop3A_559 = arith.index_cast %parallel_loop3A_558 : i32 to index
        %parallel_loop3A_560 = arith.index_cast %parallel_loop3A_541 : i32 to index
        %parallel_loop3A_561 = arith.index_cast %parallel_loop3A_557 : i32 to index
        %parallel_loop3A_562 = arith.constant 16 : index
        %parallel_loop3A_563 = tpu.vector_load %arg7[%parallel_loop3A_559, %parallel_loop3A_560, %parallel_loop3A_561, %parallel_loop3A_562] {strides = array<i32>} : memref<2x8x8x128xf32, #tpu.memory_space<vmem>>, vector<16xf32>,
        tpu.vector_store %arg7[%parallel_loop3A_559, %parallel_loop3A_560, %parallel_loop3A_561, %parallel_loop3A_562], %parallel_loop3A_517 {strides = array<i32>} : memref<2x8x8x128xf32, #tpu.memory_space<vmem>>, vector<16xf32>,
      } {sc.loop_unroll_factor = 8 : i64, sc.parallel_access}
      %get3A_310 = arith.index_cast %add3A_266 : i32 to index
      %get3A_311 = arith.constant 32 : index
      %get3A_312 = tpu.vector_load %arg6[%get3A_310, %get3A_311] {strides = array<i32>} : memref<200x128xi32, #tpu.memory_space<vmem>>, vector<16xi32>,
      %mul3A_313 = arith.constant 65 : i32
      %mul3A_314 = vector.broadcast %mul3A_313 : i32 to vector<16xi32>
      %mul3A_315 = arith.muli %get3A_312, %mul3A_314 : vector<16xi32>
      %parallel_loop3A_316 = arith.constant 0 : i32
      %parallel_loop3A_317 = arith.constant 64 : i32
      %parallel_loop3A_318 = arith.constant 1 : i32
      scf.for %parallel_loop3A_514 = %parallel_loop3A_316 to %parallel_loop3A_317 step %parallel_loop3A_318  : i32 {
        %parallel_loop3A_515 = vector.broadcast %parallel_loop3A_514 : i32 to vector<16xi32>
        %parallel_loop3A_516 = arith.addi %mul3A_315, %parallel_loop3A_515 : vector<16xi32>
        %parallel_loop3A_517 = tpu.vector_load_idx %arg5[%parallel_loop3A_516] : memref<66560xf32, #tpu.memory_space<vmem>>[vector<16xi32>], vector<16xf32>,
        %parallel_loop3A_518 = arith.constant 8 : i32
        %parallel_loop3A_519 = arith.divsi %parallel_loop3A_514, %parallel_loop3A_518 : i32
        %parallel_loop3A_520 = arith.constant 0 : i32
        %parallel_loop3A_521 = arith.cmpi sgt, %parallel_loop3A_514, %parallel_loop3A_520 : i32
        %parallel_loop3A_522 = arith.extui %parallel_loop3A_521 : i1 to i32
        %parallel_loop3A_523 = arith.constant 0 : i32
        %parallel_loop3A_524 = arith.cmpi slt, %parallel_loop3A_514, %parallel_loop3A_523 : i32
        %parallel_loop3A_525 = arith.extui %parallel_loop3A_524 : i1 to i32
        %parallel_loop3A_526 = arith.subi %parallel_loop3A_522, %parallel_loop3A_525 : i32
        %parallel_loop3A_527 = arith.constant 0 : i32
        %parallel_loop3A_528 = arith.cmpi sgt, %parallel_loop3A_518, %parallel_loop3A_527 : i32
        %parallel_loop3A_529 = arith.extui %parallel_loop3A_528 : i1 to i32
        %parallel_loop3A_530 = arith.constant 0 : i32
        %parallel_loop3A_531 = arith.cmpi slt, %parallel_loop3A_518, %parallel_loop3A_530 : i32
        %parallel_loop3A_532 = arith.extui %parallel_loop3A_531 : i1 to i32
        %parallel_loop3A_533 = arith.subi %parallel_loop3A_529, %parallel_loop3A_532 : i32
        %parallel_loop3A_534 = arith.cmpi ne, %parallel_loop3A_526, %parallel_loop3A_533 : i32
        %parallel_loop3A_535 = arith.remsi %parallel_loop3A_514, %parallel_loop3A_518 : i32
        %parallel_loop3A_536 = arith.constant 0 : i32
        %parallel_loop3A_537 = arith.cmpi ne, %parallel_loop3A_535, %parallel_loop3A_536 : i32
        %parallel_loop3A_538 = arith.andi %parallel_loop3A_534, %parallel_loop3A_537 : i1
        %parallel_loop3A_539 = arith.constant 1 : i32
        %parallel_loop3A_540 = arith.subi %parallel_loop3A_519, %parallel_loop3A_539 : i32
        %parallel_loop3A_541 = arith.select %parallel_loop3A_538, %parallel_loop3A_540, %parallel_loop3A_519 : i32
        %parallel_loop3A_542 = arith.constant 8 : i32
        %parallel_loop3A_543 = arith.constant 0 : i32
        %parallel_loop3A_544 = arith.cmpi eq, %parallel_loop3A_542, %parallel_loop3A_543 : i32
        %parallel_loop3A_545 = arith.constant 1 : i32
        %parallel_loop3A_546 = arith.select %parallel_loop3A_544, %parallel_loop3A_545, %parallel_loop3A_542 : i32
        %parallel_loop3A_547 = arith.remsi %parallel_loop3A_514, %parallel_loop3A_546 : i32
        %parallel_loop3A_548 = arith.constant 0 : i32
        %parallel_loop3A_549 = arith.cmpi ne, %parallel_loop3A_547, %parallel_loop3A_548 : i32
        %parallel_loop3A_550 = arith.constant 0 : i32
        %parallel_loop3A_551 = arith.cmpi slt, %parallel_loop3A_547, %parallel_loop3A_550 : i32
        %parallel_loop3A_552 = arith.constant 0 : i32
        %parallel_loop3A_553 = arith.cmpi slt, %parallel_loop3A_546, %parallel_loop3A_552 : i32
        %parallel_loop3A_554 = arith.xori %parallel_loop3A_551, %parallel_loop3A_553 : i1
        %parallel_loop3A_555 = arith.andi %parallel_loop3A_554, %parallel_loop3A_549 : i1
        %parallel_loop3A_556 = arith.addi %parallel_loop3A_547, %parallel_loop3A_546 : i32
        %parallel_loop3A_557 = arith.select %parallel_loop3A_555, %parallel_loop3A_556, %parallel_loop3A_547 : i32
        %parallel_loop3A_558 = arith.constant 0 : i32
        %parallel_loop3A_559 = arith.index_cast %parallel_loop3A_558 : i32 to index
        %parallel_loop3A_560 = arith.index_cast %parallel_loop3A_541 : i32 to index
        %parallel_loop3A_561 = arith.index_cast %parallel_loop3A_557 : i32 to index
        %parallel_loop3A_562 = arith.constant 32 : index
        %parallel_loop3A_563 = tpu.vector_load %arg7[%parallel_loop3A_559, %parallel_loop3A_560, %parallel_loop3A_561, %parallel_loop3A_562] {strides = array<i32>} : memref<2x8x8x128xf32, #tpu.memory_space<vmem>>, vector<16xf32>,
        tpu.vector_store %arg7[%parallel_loop3A_559, %parallel_loop3A_560, %parallel_loop3A_561, %parallel_loop3A_562], %parallel_loop3A_517 {strides = array<i32>} : memref<2x8x8x128xf32, #tpu.memory_space<vmem>>, vector<16xf32>,
      } {sc.loop_unroll_factor = 8 : i64, sc.parallel_access}
      %get3A_319 = arith.index_cast %add3A_266 : i32 to index
      %get3A_320 = arith.constant 48 : index
      %get3A_321 = tpu.vector_load %arg6[%get3A_319, %get3A_320] {strides = array<i32>} : memref<200x128xi32, #tpu.memory_space<vmem>>, vector<16xi32>,
      %mul3A_322 = arith.constant 65 : i32
      %mul3A_323 = vector.broadcast %mul3A_322 : i32 to vector<16xi32>
      %mul3A_324 = arith.muli %get3A_321, %mul3A_323 : vector<16xi32>
      %parallel_loop3A_325 = arith.constant 0 : i32
      %parallel_loop3A_326 = arith.constant 64 : i32
      %parallel_loop3A_327 = arith.constant 1 : i32
      scf.for %parallel_loop3A_514 = %parallel_loop3A_325 to %parallel_loop3A_326 step %parallel_loop3A_327  : i32 {
        %parallel_loop3A_515 = vector.broadcast %parallel_loop3A_514 : i32 to vector<16xi32>
        %parallel_loop3A_516 = arith.addi %mul3A_324, %parallel_loop3A_515 : vector<16xi32>
        %parallel_loop3A_517 = tpu.vector_load_idx %arg5[%parallel_loop3A_516] : memref<66560xf32, #tpu.memory_space<vmem>>[vector<16xi32>], vector<16xf32>,
        %parallel_loop3A_518 = arith.constant 8 : i32
        %parallel_loop3A_519 = arith.divsi %parallel_loop3A_514, %parallel_loop3A_518 : i32
        %parallel_loop3A_520 = arith.constant 0 : i32
        %parallel_loop3A_521 = arith.cmpi sgt, %parallel_loop3A_514, %parallel_loop3A_520 : i32
        %parallel_loop3A_522 = arith.extui %parallel_loop3A_521 : i1 to i32
        %parallel_loop3A_523 = arith.constant 0 : i32
        %parallel_loop3A_524 = arith.cmpi slt, %parallel_loop3A_514, %parallel_loop3A_523 : i32
        %parallel_loop3A_525 = arith.extui %parallel_loop3A_524 : i1 to i32
        %parallel_loop3A_526 = arith.subi %parallel_loop3A_522, %parallel_loop3A_525 : i32
        %parallel_loop3A_527 = arith.constant 0 : i32
        %parallel_loop3A_528 = arith.cmpi sgt, %parallel_loop3A_518, %parallel_loop3A_527 : i32
        %parallel_loop3A_529 = arith.extui %parallel_loop3A_528 : i1 to i32
        %parallel_loop3A_530 = arith.constant 0 : i32
        %parallel_loop3A_531 = arith.cmpi slt, %parallel_loop3A_518, %parallel_loop3A_530 : i32
        %parallel_loop3A_532 = arith.extui %parallel_loop3A_531 : i1 to i32
        %parallel_loop3A_533 = arith.subi %parallel_loop3A_529, %parallel_loop3A_532 : i32
        %parallel_loop3A_534 = arith.cmpi ne, %parallel_loop3A_526, %parallel_loop3A_533 : i32
        %parallel_loop3A_535 = arith.remsi %parallel_loop3A_514, %parallel_loop3A_518 : i32
        %parallel_loop3A_536 = arith.constant 0 : i32
        %parallel_loop3A_537 = arith.cmpi ne, %parallel_loop3A_535, %parallel_loop3A_536 : i32
        %parallel_loop3A_538 = arith.andi %parallel_loop3A_534, %parallel_loop3A_537 : i1
        %parallel_loop3A_539 = arith.constant 1 : i32
        %parallel_loop3A_540 = arith.subi %parallel_loop3A_519, %parallel_loop3A_539 : i32
        %parallel_loop3A_541 = arith.select %parallel_loop3A_538, %parallel_loop3A_540, %parallel_loop3A_519 : i32
        %parallel_loop3A_542 = arith.constant 8 : i32
        %parallel_loop3A_543 = arith.constant 0 : i32
        %parallel_loop3A_544 = arith.cmpi eq, %parallel_loop3A_542, %parallel_loop3A_543 : i32
        %parallel_loop3A_545 = arith.constant 1 : i32
        %parallel_loop3A_546 = arith.select %parallel_loop3A_544, %parallel_loop3A_545, %parallel_loop3A_542 : i32
        %parallel_loop3A_547 = arith.remsi %parallel_loop3A_514, %parallel_loop3A_546 : i32
        %parallel_loop3A_548 = arith.constant 0 : i32
        %parallel_loop3A_549 = arith.cmpi ne, %parallel_loop3A_547, %parallel_loop3A_548 : i32
        %parallel_loop3A_550 = arith.constant 0 : i32
        %parallel_loop3A_551 = arith.cmpi slt, %parallel_loop3A_547, %parallel_loop3A_550 : i32
        %parallel_loop3A_552 = arith.constant 0 : i32
        %parallel_loop3A_553 = arith.cmpi slt, %parallel_loop3A_546, %parallel_loop3A_552 : i32
        %parallel_loop3A_554 = arith.xori %parallel_loop3A_551, %parallel_loop3A_553 : i1
        %parallel_loop3A_555 = arith.andi %parallel_loop3A_554, %parallel_loop3A_549 : i1
        %parallel_loop3A_556 = arith.addi %parallel_loop3A_547, %parallel_loop3A_546 : i32
        %parallel_loop3A_557 = arith.select %parallel_loop3A_555, %parallel_loop3A_556, %parallel_loop3A_547 : i32
        %parallel_loop3A_558 = arith.constant 0 : i32
        %parallel_loop3A_559 = arith.index_cast %parallel_loop3A_558 : i32 to index
        %parallel_loop3A_560 = arith.index_cast %parallel_loop3A_541 : i32 to index
        %parallel_loop3A_561 = arith.index_cast %parallel_loop3A_557 : i32 to index
        %parallel_loop3A_562 = arith.constant 48 : index
        %parallel_loop3A_563 = tpu.vector_load %arg7[%parallel_loop3A_559, %parallel_loop3A_560, %parallel_loop3A_561, %parallel_loop3A_562] {strides = array<i32>} : memref<2x8x8x128xf32, #tpu.memory_space<vmem>>, vector<16xf32>,
        tpu.vector_store %arg7[%parallel_loop3A_559, %parallel_loop3A_560, %parallel_loop3A_561, %parallel_loop3A_562], %parallel_loop3A_517 {strides = array<i32>} : memref<2x8x8x128xf32, #tpu.memory_space<vmem>>, vector<16xf32>,
      } {sc.loop_unroll_factor = 8 : i64, sc.parallel_access}
      %get3A_328 = arith.index_cast %add3A_266 : i32 to index
      %get3A_329 = arith.constant 64 : index
      %get3A_330 = tpu.vector_load %arg6[%get3A_328, %get3A_329] {strides = array<i32>} : memref<200x128xi32, #tpu.memory_space<vmem>>, vector<16xi32>,
      %mul3A_331 = arith.constant 65 : i32
      %mul3A_332 = vector.broadcast %mul3A_331 : i32 to vector<16xi32>
      %mul3A_333 = arith.muli %get3A_330, %mul3A_332 : vector<16xi32>
      %parallel_loop3A_334 = arith.constant 0 : i32
      %parallel_loop3A_335 = arith.constant 64 : i32
      %parallel_loop3A_336 = arith.constant 1 : i32
      scf.for %parallel_loop3A_514 = %parallel_loop3A_334 to %parallel_loop3A_335 step %parallel_loop3A_336  : i32 {
        %parallel_loop3A_515 = vector.broadcast %parallel_loop3A_514 : i32 to vector<16xi32>
        %parallel_loop3A_516 = arith.addi %mul3A_333, %parallel_loop3A_515 : vector<16xi32>
        %parallel_loop3A_517 = tpu.vector_load_idx %arg5[%parallel_loop3A_516] : memref<66560xf32, #tpu.memory_space<vmem>>[vector<16xi32>], vector<16xf32>,
        %parallel_loop3A_518 = arith.constant 8 : i32
        %parallel_loop3A_519 = arith.divsi %parallel_loop3A_514, %parallel_loop3A_518 : i32
        %parallel_loop3A_520 = arith.constant 0 : i32
        %parallel_loop3A_521 = arith.cmpi sgt, %parallel_loop3A_514, %parallel_loop3A_520 : i32
        %parallel_loop3A_522 = arith.extui %parallel_loop3A_521 : i1 to i32
        %parallel_loop3A_523 = arith.constant 0 : i32
        %parallel_loop3A_524 = arith.cmpi slt, %parallel_loop3A_514, %parallel_loop3A_523 : i32
        %parallel_loop3A_525 = arith.extui %parallel_loop3A_524 : i1 to i32
        %parallel_loop3A_526 = arith.subi %parallel_loop3A_522, %parallel_loop3A_525 : i32
        %parallel_loop3A_527 = arith.constant 0 : i32
        %parallel_loop3A_528 = arith.cmpi sgt, %parallel_loop3A_518, %parallel_loop3A_527 : i32
        %parallel_loop3A_529 = arith.extui %parallel_loop3A_528 : i1 to i32
        %parallel_loop3A_530 = arith.constant 0 : i32
        %parallel_loop3A_531 = arith.cmpi slt, %parallel_loop3A_518, %parallel_loop3A_530 : i32
        %parallel_loop3A_532 = arith.extui %parallel_loop3A_531 : i1 to i32
        %parallel_loop3A_533 = arith.subi %parallel_loop3A_529, %parallel_loop3A_532 : i32
        %parallel_loop3A_534 = arith.cmpi ne, %parallel_loop3A_526, %parallel_loop3A_533 : i32
        %parallel_loop3A_535 = arith.remsi %parallel_loop3A_514, %parallel_loop3A_518 : i32
        %parallel_loop3A_536 = arith.constant 0 : i32
        %parallel_loop3A_537 = arith.cmpi ne, %parallel_loop3A_535, %parallel_loop3A_536 : i32
        %parallel_loop3A_538 = arith.andi %parallel_loop3A_534, %parallel_loop3A_537 : i1
        %parallel_loop3A_539 = arith.constant 1 : i32
        %parallel_loop3A_540 = arith.subi %parallel_loop3A_519, %parallel_loop3A_539 : i32
        %parallel_loop3A_541 = arith.select %parallel_loop3A_538, %parallel_loop3A_540, %parallel_loop3A_519 : i32
        %parallel_loop3A_542 = arith.constant 8 : i32
        %parallel_loop3A_543 = arith.constant 0 : i32
        %parallel_loop3A_544 = arith.cmpi eq, %parallel_loop3A_542, %parallel_loop3A_543 : i32
        %parallel_loop3A_545 = arith.constant 1 : i32
        %parallel_loop3A_546 = arith.select %parallel_loop3A_544, %parallel_loop3A_545, %parallel_loop3A_542 : i32
        %parallel_loop3A_547 = arith.remsi %parallel_loop3A_514, %parallel_loop3A_546 : i32
        %parallel_loop3A_548 = arith.constant 0 : i32
        %parallel_loop3A_549 = arith.cmpi ne, %parallel_loop3A_547, %parallel_loop3A_548 : i32
        %parallel_loop3A_550 = arith.constant 0 : i32
        %parallel_loop3A_551 = arith.cmpi slt, %parallel_loop3A_547, %parallel_loop3A_550 : i32
        %parallel_loop3A_552 = arith.constant 0 : i32
        %parallel_loop3A_553 = arith.cmpi slt, %parallel_loop3A_546, %parallel_loop3A_552 : i32
        %parallel_loop3A_554 = arith.xori %parallel_loop3A_551, %parallel_loop3A_553 : i1
        %parallel_loop3A_555 = arith.andi %parallel_loop3A_554, %parallel_loop3A_549 : i1
        %parallel_loop3A_556 = arith.addi %parallel_loop3A_547, %parallel_loop3A_546 : i32
        %parallel_loop3A_557 = arith.select %parallel_loop3A_555, %parallel_loop3A_556, %parallel_loop3A_547 : i32
        %parallel_loop3A_558 = arith.constant 0 : i32
        %parallel_loop3A_559 = arith.index_cast %parallel_loop3A_558 : i32 to index
        %parallel_loop3A_560 = arith.index_cast %parallel_loop3A_541 : i32 to index
        %parallel_loop3A_561 = arith.index_cast %parallel_loop3A_557 : i32 to index
        %parallel_loop3A_562 = arith.constant 64 : index
        %parallel_loop3A_563 = tpu.vector_load %arg7[%parallel_loop3A_559, %parallel_loop3A_560, %parallel_loop3A_561, %parallel_loop3A_562] {strides = array<i32>} : memref<2x8x8x128xf32, #tpu.memory_space<vmem>>, vector<16xf32>,
        tpu.vector_store %arg7[%parallel_loop3A_559, %parallel_loop3A_560, %parallel_loop3A_561, %parallel_loop3A_562], %parallel_loop3A_517 {strides = array<i32>} : memref<2x8x8x128xf32, #tpu.memory_space<vmem>>, vector<16xf32>,
      } {sc.loop_unroll_factor = 8 : i64, sc.parallel_access}
      %get3A_337 = arith.index_cast %add3A_266 : i32 to index
      %get3A_338 = arith.constant 80 : index
      %get3A_339 = tpu.vector_load %arg6[%get3A_337, %get3A_338] {strides = array<i32>} : memref<200x128xi32, #tpu.memory_space<vmem>>, vector<16xi32>,
      %mul3A_340 = arith.constant 65 : i32
      %mul3A_341 = vector.broadcast %mul3A_340 : i32 to vector<16xi32>
      %mul3A_342 = arith.muli %get3A_339, %mul3A_341 : vector<16xi32>
      %parallel_loop3A_343 = arith.constant 0 : i32
      %parallel_loop3A_344 = arith.constant 64 : i32
      %parallel_loop3A_345 = arith.constant 1 : i32
      scf.for %parallel_loop3A_514 = %parallel_loop3A_343 to %parallel_loop3A_344 step %parallel_loop3A_345  : i32 {
        %parallel_loop3A_515 = vector.broadcast %parallel_loop3A_514 : i32 to vector<16xi32>
        %parallel_loop3A_516 = arith.addi %mul3A_342, %parallel_loop3A_515 : vector<16xi32>
        %parallel_loop3A_517 = tpu.vector_load_idx %arg5[%parallel_loop3A_516] : memref<66560xf32, #tpu.memory_space<vmem>>[vector<16xi32>], vector<16xf32>,
        %parallel_loop3A_518 = arith.constant 8 : i32
        %parallel_loop3A_519 = arith.divsi %parallel_loop3A_514, %parallel_loop3A_518 : i32
        %parallel_loop3A_520 = arith.constant 0 : i32
        %parallel_loop3A_521 = arith.cmpi sgt, %parallel_loop3A_514, %parallel_loop3A_520 : i32
        %parallel_loop3A_522 = arith.extui %parallel_loop3A_521 : i1 to i32
        %parallel_loop3A_523 = arith.constant 0 : i32
        %parallel_loop3A_524 = arith.cmpi slt, %parallel_loop3A_514, %parallel_loop3A_523 : i32
        %parallel_loop3A_525 = arith.extui %parallel_loop3A_524 : i1 to i32
        %parallel_loop3A_526 = arith.subi %parallel_loop3A_522, %parallel_loop3A_525 : i32
        %parallel_loop3A_527 = arith.constant 0 : i32
        %parallel_loop3A_528 = arith.cmpi sgt, %parallel_loop3A_518, %parallel_loop3A_527 : i32
        %parallel_loop3A_529 = arith.extui %parallel_loop3A_528 : i1 to i32
        %parallel_loop3A_530 = arith.constant 0 : i32
        %parallel_loop3A_531 = arith.cmpi slt, %parallel_loop3A_518, %parallel_loop3A_530 : i32
        %parallel_loop3A_532 = arith.extui %parallel_loop3A_531 : i1 to i32
        %parallel_loop3A_533 = arith.subi %parallel_loop3A_529, %parallel_loop3A_532 : i32
        %parallel_loop3A_534 = arith.cmpi ne, %parallel_loop3A_526, %parallel_loop3A_533 : i32
        %parallel_loop3A_535 = arith.remsi %parallel_loop3A_514, %parallel_loop3A_518 : i32
        %parallel_loop3A_536 = arith.constant 0 : i32
        %parallel_loop3A_537 = arith.cmpi ne, %parallel_loop3A_535, %parallel_loop3A_536 : i32
        %parallel_loop3A_538 = arith.andi %parallel_loop3A_534, %parallel_loop3A_537 : i1
        %parallel_loop3A_539 = arith.constant 1 : i32
        %parallel_loop3A_540 = arith.subi %parallel_loop3A_519, %parallel_loop3A_539 : i32
        %parallel_loop3A_541 = arith.select %parallel_loop3A_538, %parallel_loop3A_540, %parallel_loop3A_519 : i32
        %parallel_loop3A_542 = arith.constant 8 : i32
        %parallel_loop3A_543 = arith.constant 0 : i32
        %parallel_loop3A_544 = arith.cmpi eq, %parallel_loop3A_542, %parallel_loop3A_543 : i32
        %parallel_loop3A_545 = arith.constant 1 : i32
        %parallel_loop3A_546 = arith.select %parallel_loop3A_544, %parallel_loop3A_545, %parallel_loop3A_542 : i32
        %parallel_loop3A_547 = arith.remsi %parallel_loop3A_514, %parallel_loop3A_546 : i32
        %parallel_loop3A_548 = arith.constant 0 : i32
        %parallel_loop3A_549 = arith.cmpi ne, %parallel_loop3A_547, %parallel_loop3A_548 : i32
        %parallel_loop3A_550 = arith.constant 0 : i32
        %parallel_loop3A_551 = arith.cmpi slt, %parallel_loop3A_547, %parallel_loop3A_550 : i32
        %parallel_loop3A_552 = arith.constant 0 : i32
        %parallel_loop3A_553 = arith.cmpi slt, %parallel_loop3A_546, %parallel_loop3A_552 : i32
        %parallel_loop3A_554 = arith.xori %parallel_loop3A_551, %parallel_loop3A_553 : i1
        %parallel_loop3A_555 = arith.andi %parallel_loop3A_554, %parallel_loop3A_549 : i1
        %parallel_loop3A_556 = arith.addi %parallel_loop3A_547, %parallel_loop3A_546 : i32
        %parallel_loop3A_557 = arith.select %parallel_loop3A_555, %parallel_loop3A_556, %parallel_loop3A_547 : i32
        %parallel_loop3A_558 = arith.constant 0 : i32
        %parallel_loop3A_559 = arith.index_cast %parallel_loop3A_558 : i32 to index
        %parallel_loop3A_560 = arith.index_cast %parallel_loop3A_541 : i32 to index
        %parallel_loop3A_561 = arith.index_cast %parallel_loop3A_557 : i32 to index
        %parallel_loop3A_562 = arith.constant 80 : index
        %parallel_loop3A_563 = tpu.vector_load %arg7[%parallel_loop3A_559, %parallel_loop3A_560, %parallel_loop3A_561, %parallel_loop3A_562] {strides = array<i32>} : memref<2x8x8x128xf32, #tpu.memory_space<vmem>>, vector<16xf32>,
        tpu.vector_store %arg7[%parallel_loop3A_559, %parallel_loop3A_560, %parallel_loop3A_561, %parallel_loop3A_562], %parallel_loop3A_517 {strides = array<i32>} : memref<2x8x8x128xf32, #tpu.memory_space<vmem>>, vector<16xf32>,
      } {sc.loop_unroll_factor = 8 : i64, sc.parallel_access}
      %get3A_346 = arith.index_cast %add3A_266 : i32 to index
      %get3A_347 = arith.constant 96 : index
      %get3A_348 = tpu.vector_load %arg6[%get3A_346, %get3A_347] {strides = array<i32>} : memref<200x128xi32, #tpu.memory_space<vmem>>, vector<16xi32>,
      %mul3A_349 = arith.constant 65 : i32
      %mul3A_350 = vector.broadcast %mul3A_349 : i32 to vector<16xi32>
      %mul3A_351 = arith.muli %get3A_348, %mul3A_350 : vector<16xi32>
      %parallel_loop3A_352 = arith.constant 0 : i32
      %parallel_loop3A_353 = arith.constant 64 : i32
      %parallel_loop3A_354 = arith.constant 1 : i32
      scf.for %parallel_loop3A_514 = %parallel_loop3A_352 to %parallel_loop3A_353 step %parallel_loop3A_354  : i32 {
        %parallel_loop3A_515 = vector.broadcast %parallel_loop3A_514 : i32 to vector<16xi32>
        %parallel_loop3A_516 = arith.addi %mul3A_351, %parallel_loop3A_515 : vector<16xi32>
        %parallel_loop3A_517 = tpu.vector_load_idx %arg5[%parallel_loop3A_516] : memref<66560xf32, #tpu.memory_space<vmem>>[vector<16xi32>], vector<16xf32>,
        %parallel_loop3A_518 = arith.constant 8 : i32
        %parallel_loop3A_519 = arith.divsi %parallel_loop3A_514, %parallel_loop3A_518 : i32
        %parallel_loop3A_520 = arith.constant 0 : i32
        %parallel_loop3A_521 = arith.cmpi sgt, %parallel_loop3A_514, %parallel_loop3A_520 : i32
        %parallel_loop3A_522 = arith.extui %parallel_loop3A_521 : i1 to i32
        %parallel_loop3A_523 = arith.constant 0 : i32
        %parallel_loop3A_524 = arith.cmpi slt, %parallel_loop3A_514, %parallel_loop3A_523 : i32
        %parallel_loop3A_525 = arith.extui %parallel_loop3A_524 : i1 to i32
        %parallel_loop3A_526 = arith.subi %parallel_loop3A_522, %parallel_loop3A_525 : i32
        %parallel_loop3A_527 = arith.constant 0 : i32
        %parallel_loop3A_528 = arith.cmpi sgt, %parallel_loop3A_518, %parallel_loop3A_527 : i32
        %parallel_loop3A_529 = arith.extui %parallel_loop3A_528 : i1 to i32
        %parallel_loop3A_530 = arith.constant 0 : i32
        %parallel_loop3A_531 = arith.cmpi slt, %parallel_loop3A_518, %parallel_loop3A_530 : i32
        %parallel_loop3A_532 = arith.extui %parallel_loop3A_531 : i1 to i32
        %parallel_loop3A_533 = arith.subi %parallel_loop3A_529, %parallel_loop3A_532 : i32
        %parallel_loop3A_534 = arith.cmpi ne, %parallel_loop3A_526, %parallel_loop3A_533 : i32
        %parallel_loop3A_535 = arith.remsi %parallel_loop3A_514, %parallel_loop3A_518 : i32
        %parallel_loop3A_536 = arith.constant 0 : i32
        %parallel_loop3A_537 = arith.cmpi ne, %parallel_loop3A_535, %parallel_loop3A_536 : i32
        %parallel_loop3A_538 = arith.andi %parallel_loop3A_534, %parallel_loop3A_537 : i1
        %parallel_loop3A_539 = arith.constant 1 : i32
        %parallel_loop3A_540 = arith.subi %parallel_loop3A_519, %parallel_loop3A_539 : i32
        %parallel_loop3A_541 = arith.select %parallel_loop3A_538, %parallel_loop3A_540, %parallel_loop3A_519 : i32
        %parallel_loop3A_542 = arith.constant 8 : i32
        %parallel_loop3A_543 = arith.constant 0 : i32
        %parallel_loop3A_544 = arith.cmpi eq, %parallel_loop3A_542, %parallel_loop3A_543 : i32
        %parallel_loop3A_545 = arith.constant 1 : i32
        %parallel_loop3A_546 = arith.select %parallel_loop3A_544, %parallel_loop3A_545, %parallel_loop3A_542 : i32
        %parallel_loop3A_547 = arith.remsi %parallel_loop3A_514, %parallel_loop3A_546 : i32
        %parallel_loop3A_548 = arith.constant 0 : i32
        %parallel_loop3A_549 = arith.cmpi ne, %parallel_loop3A_547, %parallel_loop3A_548 : i32
        %parallel_loop3A_550 = arith.constant 0 : i32
        %parallel_loop3A_551 = arith.cmpi slt, %parallel_loop3A_547, %parallel_loop3A_550 : i32
        %parallel_loop3A_552 = arith.constant 0 : i32
        %parallel_loop3A_553 = arith.cmpi slt, %parallel_loop3A_546, %parallel_loop3A_552 : i32
        %parallel_loop3A_554 = arith.xori %parallel_loop3A_551, %parallel_loop3A_553 : i1
        %parallel_loop3A_555 = arith.andi %parallel_loop3A_554, %parallel_loop3A_549 : i1
        %parallel_loop3A_556 = arith.addi %parallel_loop3A_547, %parallel_loop3A_546 : i32
        %parallel_loop3A_557 = arith.select %parallel_loop3A_555, %parallel_loop3A_556, %parallel_loop3A_547 : i32
        %parallel_loop3A_558 = arith.constant 0 : i32
        %parallel_loop3A_559 = arith.index_cast %parallel_loop3A_558 : i32 to index
        %parallel_loop3A_560 = arith.index_cast %parallel_loop3A_541 : i32 to index
        %parallel_loop3A_561 = arith.index_cast %parallel_loop3A_557 : i32 to index
        %parallel_loop3A_562 = arith.constant 96 : index
        %parallel_loop3A_563 = tpu.vector_load %arg7[%parallel_loop3A_559, %parallel_loop3A_560, %parallel_loop3A_561, %parallel_loop3A_562] {strides = array<i32>} : memref<2x8x8x128xf32, #tpu.memory_space<vmem>>, vector<16xf32>,
        tpu.vector_store %arg7[%parallel_loop3A_559, %parallel_loop3A_560, %parallel_loop3A_561, %parallel_loop3A_562], %parallel_loop3A_517 {strides = array<i32>} : memref<2x8x8x128xf32, #tpu.memory_space<vmem>>, vector<16xf32>,
      } {sc.loop_unroll_factor = 8 : i64, sc.parallel_access}
      %get3A_355 = arith.index_cast %add3A_266 : i32 to index
      %get3A_356 = arith.constant 112 : index
      %get3A_357 = tpu.vector_load %arg6[%get3A_355, %get3A_356] {strides = array<i32>} : memref<200x128xi32, #tpu.memory_space<vmem>>, vector<16xi32>,
      %mul3A_358 = arith.constant 65 : i32
      %mul3A_359 = vector.broadcast %mul3A_358 : i32 to vector<16xi32>
      %mul3A_360 = arith.muli %get3A_357, %mul3A_359 : vector<16xi32>
      %parallel_loop3A_361 = arith.constant 0 : i32
      %parallel_loop3A_362 = arith.constant 64 : i32
      %parallel_loop3A_363 = arith.constant 1 : i32
      scf.for %parallel_loop3A_514 = %parallel_loop3A_361 to %parallel_loop3A_362 step %parallel_loop3A_363  : i32 {
        %parallel_loop3A_515 = vector.broadcast %parallel_loop3A_514 : i32 to vector<16xi32>
        %parallel_loop3A_516 = arith.addi %mul3A_360, %parallel_loop3A_515 : vector<16xi32>
        %parallel_loop3A_517 = tpu.vector_load_idx %arg5[%parallel_loop3A_516] : memref<66560xf32, #tpu.memory_space<vmem>>[vector<16xi32>], vector<16xf32>,
        %parallel_loop3A_518 = arith.constant 8 : i32
        %parallel_loop3A_519 = arith.divsi %parallel_loop3A_514, %parallel_loop3A_518 : i32
        %parallel_loop3A_520 = arith.constant 0 : i32
        %parallel_loop3A_521 = arith.cmpi sgt, %parallel_loop3A_514, %parallel_loop3A_520 : i32
        %parallel_loop3A_522 = arith.extui %parallel_loop3A_521 : i1 to i32
        %parallel_loop3A_523 = arith.constant 0 : i32
        %parallel_loop3A_524 = arith.cmpi slt, %parallel_loop3A_514, %parallel_loop3A_523 : i32
        %parallel_loop3A_525 = arith.extui %parallel_loop3A_524 : i1 to i32
        %parallel_loop3A_526 = arith.subi %parallel_loop3A_522, %parallel_loop3A_525 : i32
        %parallel_loop3A_527 = arith.constant 0 : i32
        %parallel_loop3A_528 = arith.cmpi sgt, %parallel_loop3A_518, %parallel_loop3A_527 : i32
        %parallel_loop3A_529 = arith.extui %parallel_loop3A_528 : i1 to i32
        %parallel_loop3A_530 = arith.constant 0 : i32
        %parallel_loop3A_531 = arith.cmpi slt, %parallel_loop3A_518, %parallel_loop3A_530 : i32
        %parallel_loop3A_532 = arith.extui %parallel_loop3A_531 : i1 to i32
        %parallel_loop3A_533 = arith.subi %parallel_loop3A_529, %parallel_loop3A_532 : i32
        %parallel_loop3A_534 = arith.cmpi ne, %parallel_loop3A_526, %parallel_loop3A_533 : i32
        %parallel_loop3A_535 = arith.remsi %parallel_loop3A_514, %parallel_loop3A_518 : i32
        %parallel_loop3A_536 = arith.constant 0 : i32
        %parallel_loop3A_537 = arith.cmpi ne, %parallel_loop3A_535, %parallel_loop3A_536 : i32
        %parallel_loop3A_538 = arith.andi %parallel_loop3A_534, %parallel_loop3A_537 : i1
        %parallel_loop3A_539 = arith.constant 1 : i32
        %parallel_loop3A_540 = arith.subi %parallel_loop3A_519, %parallel_loop3A_539 : i32
        %parallel_loop3A_541 = arith.select %parallel_loop3A_538, %parallel_loop3A_540, %parallel_loop3A_519 : i32
        %parallel_loop3A_542 = arith.constant 8 : i32
        %parallel_loop3A_543 = arith.constant 0 : i32
        %parallel_loop3A_544 = arith.cmpi eq, %parallel_loop3A_542, %parallel_loop3A_543 : i32
        %parallel_loop3A_545 = arith.constant 1 : i32
        %parallel_loop3A_546 = arith.select %parallel_loop3A_544, %parallel_loop3A_545, %parallel_loop3A_542 : i32
        %parallel_loop3A_547 = arith.remsi %parallel_loop3A_514, %parallel_loop3A_546 : i32
        %parallel_loop3A_548 = arith.constant 0 : i32
        %parallel_loop3A_549 = arith.cmpi ne, %parallel_loop3A_547, %parallel_loop3A_548 : i32
        %parallel_loop3A_550 = arith.constant 0 : i32
        %parallel_loop3A_551 = arith.cmpi slt, %parallel_loop3A_547, %parallel_loop3A_550 : i32
        %parallel_loop3A_552 = arith.constant 0 : i32
        %parallel_loop3A_553 = arith.cmpi slt, %parallel_loop3A_546, %parallel_loop3A_552 : i32
        %parallel_loop3A_554 = arith.xori %parallel_loop3A_551, %parallel_loop3A_553 : i1
        %parallel_loop3A_555 = arith.andi %parallel_loop3A_554, %parallel_loop3A_549 : i1
        %parallel_loop3A_556 = arith.addi %parallel_loop3A_547, %parallel_loop3A_546 : i32
        %parallel_loop3A_557 = arith.select %parallel_loop3A_555, %parallel_loop3A_556, %parallel_loop3A_547 : i32
        %parallel_loop3A_558 = arith.constant 0 : i32
        %parallel_loop3A_559 = arith.index_cast %parallel_loop3A_558 : i32 to index
        %parallel_loop3A_560 = arith.index_cast %parallel_loop3A_541 : i32 to index
        %parallel_loop3A_561 = arith.index_cast %parallel_loop3A_557 : i32 to index
        %parallel_loop3A_562 = arith.constant 112 : index
        %parallel_loop3A_563 = tpu.vector_load %arg7[%parallel_loop3A_559, %parallel_loop3A_560, %parallel_loop3A_561, %parallel_loop3A_562] {strides = array<i32>} : memref<2x8x8x128xf32, #tpu.memory_space<vmem>>, vector<16xf32>,
        tpu.vector_store %arg7[%parallel_loop3A_559, %parallel_loop3A_560, %parallel_loop3A_561, %parallel_loop3A_562], %parallel_loop3A_517 {strides = array<i32>} : memref<2x8x8x128xf32, #tpu.memory_space<vmem>>, vector<16xf32>,
      } {sc.loop_unroll_factor = 8 : i64, sc.parallel_access}
      %dma_start3A_364 = arith.constant 0 : i32
      %dma_start3A_365 = arith.constant 0 : i32
      %dma_start3A_366 = arith.constant 0 : i32
      %dma_start3A_367 = arith.constant 0 : i32
      %dma_start3A_368 = arith.constant 0 : i32
      %dma_start3A_369 = tpu.memref_slice %arg7[%dma_start3A_364, %dma_start3A_366, %dma_start3A_367, %dma_start3A_368] : memref<2x8x8x128xf32, #tpu.memory_space<vmem>> -> memref<1x8x8x128xf32, #tpu.memory_space<vmem>>
      %dma_start3A_370 = tpu.memref_squeeze %dma_start3A_369 : memref<1x8x8x128xf32, #tpu.memory_space<vmem>> -> memref<8x8x128xf32, #tpu.memory_space<vmem>>
      %dma_start3A_371 = arith.constant 0 : i32
      %dma_start3A_372 = arith.constant 0 : i32
      %dma_start3A_373 = arith.constant 0 : i32
      %dma_start3A_374 = tpu.memref_slice %arg4[%add3A_266, %dma_start3A_371, %add3A, %dma_start3A_372, %dma_start3A_373] : memref<200x8x32x8x128xf32, #tpu.memory_space<hbm>> -> memref<1x8x1x8x128xf32, #tpu.memory_space<hbm>>
      %dma_start3A_375 = tpu.memref_squeeze %dma_start3A_374 : memref<1x8x1x8x128xf32, #tpu.memory_space<hbm>> -> memref<8x8x128xf32, #tpu.memory_space<hbm>>
      %dma_start3A_376 = tpu.memref_slice %arg8[%dma_start3A_365] : memref<2x!tpu.dma_semaphore, #tpu.memory_space<semaphore_mem>> -> memref<1x!tpu.dma_semaphore, #tpu.memory_space<semaphore_mem>>
      %dma_start3A_377 = tpu.memref_squeeze %dma_start3A_376 : memref<1x!tpu.dma_semaphore, #tpu.memory_space<semaphore_mem>> -> memref<!tpu.dma_semaphore, #tpu.memory_space<semaphore_mem>>
      %dma_start3A_378 = arith.constant 0 : i32
      %dma_start3A_379 = arith.constant 0 : i32
      %dma_start3A_380 = arith.constant 0 : i32
      %dma_start3A_381 = tpu.memref_slice %arg4[%add3A_266, %dma_start3A_378, %add3A, %dma_start3A_379, %dma_start3A_380] : memref<200x8x32x8x128xf32, #tpu.memory_space<hbm>> -> memref<1x8x1x8x128xf32, #tpu.memory_space<hbm>>
      %dma_start3A_382 = tpu.memref_squeeze %dma_start3A_381 : memref<1x8x1x8x128xf32, #tpu.memory_space<hbm>> -> memref<8x8x128xf32, #tpu.memory_space<hbm>>
      %dma_start3A_383 = arith.constant 0 : i32
      %dma_start3A_384 = arith.constant 0 : i32
      %dma_start3A_385 = arith.constant 0 : i32
      %dma_start3A_386 = tpu.memref_slice %arg7[%dma_start3A_364, %dma_start3A_383, %dma_start3A_384, %dma_start3A_385] : memref<2x8x8x128xf32, #tpu.memory_space<vmem>> -> memref<1x8x8x128xf32, #tpu.memory_space<vmem>>
      %dma_start3A_387 = tpu.memref_squeeze %dma_start3A_386 : memref<1x8x8x128xf32, #tpu.memory_space<vmem>> -> memref<8x8x128xf32, #tpu.memory_space<vmem>>
      tpu.enqueue_dma source(%dma_start3A_387 : memref<8x8x128xf32, #tpu.memory_space<vmem>>) target(%dma_start3A_382 : memref<8x8x128xf32, #tpu.memory_space<hbm>>) target_semaphore(%dma_start3A_377 : memref<!tpu.dma_semaphore, #tpu.memory_space<semaphore_mem>>)
      %mul3A_388 = arith.constant 2 : i32
      %mul3A_389 = arith.muli %scan3A_262, %mul3A_388 : i32
      %add3A_390 = arith.constant 1 : i32
      %add3A_391 = arith.addi %mul3A_389, %add3A_390 : i32
      %sub3A_392 = arith.constant 2 : i32
      %sub3A_393 = arith.subi %add3A_391, %sub3A_392 : i32
      %dma_wait3A_394 = arith.constant 1 : i32
      %dma_wait3A_395 = arith.constant 1 : i32
      %dma_wait3A_396 = arith.constant 0 : i32
      %dma_wait3A_397 = arith.constant 0 : i32
      %dma_wait3A_398 = arith.constant 0 : i32
      %dma_wait3A_399 = tpu.memref_slice %arg7[%dma_wait3A_394, %dma_wait3A_396, %dma_wait3A_397, %dma_wait3A_398] : memref<2x8x8x128xf32, #tpu.memory_space<vmem>> -> memref<1x8x8x128xf32, #tpu.memory_space<vmem>>
      %dma_wait3A_400 = tpu.memref_squeeze %dma_wait3A_399 : memref<1x8x8x128xf32, #tpu.memory_space<vmem>> -> memref<8x8x128xf32, #tpu.memory_space<vmem>>
      %dma_wait3A_401 = arith.constant 0 : i32
      %dma_wait3A_402 = arith.constant 0 : i32
      %dma_wait3A_403 = arith.constant 0 : i32
      %dma_wait3A_404 = tpu.memref_slice %arg4[%sub3A_393, %dma_wait3A_401, %add3A, %dma_wait3A_402, %dma_wait3A_403] : memref<200x8x32x8x128xf32, #tpu.memory_space<hbm>> -> memref<1x8x1x8x128xf32, #tpu.memory_space<hbm>>
      %dma_wait3A_405 = tpu.memref_squeeze %dma_wait3A_404 : memref<1x8x1x8x128xf32, #tpu.memory_space<hbm>> -> memref<8x8x128xf32, #tpu.memory_space<hbm>>
      %dma_wait3A_406 = tpu.memref_slice %arg8[%dma_wait3A_395] : memref<2x!tpu.dma_semaphore, #tpu.memory_space<semaphore_mem>> -> memref<1x!tpu.dma_semaphore, #tpu.memory_space<semaphore_mem>>
      %dma_wait3A_407 = tpu.memref_squeeze %dma_wait3A_406 : memref<1x!tpu.dma_semaphore, #tpu.memory_space<semaphore_mem>> -> memref<!tpu.dma_semaphore, #tpu.memory_space<semaphore_mem>>
      %dma_wait3A_408 = arith.constant 0 : i32
      %dma_wait3A_409 = arith.constant 0 : i32
      %dma_wait3A_410 = arith.constant 0 : i32
      %dma_wait3A_411 = tpu.memref_slice %arg4[%sub3A_393, %dma_wait3A_408, %add3A, %dma_wait3A_409, %dma_wait3A_410] : memref<200x8x32x8x128xf32, #tpu.memory_space<hbm>> -> memref<1x8x1x8x128xf32, #tpu.memory_space<hbm>>
      %dma_wait3A_412 = tpu.memref_squeeze %dma_wait3A_411 : memref<1x8x1x8x128xf32, #tpu.memory_space<hbm>> -> memref<8x8x128xf32, #tpu.memory_space<hbm>>
      %dma_wait3A_413 = arith.constant 0 : i32
      %dma_wait3A_414 = arith.constant 0 : i32
      %dma_wait3A_415 = arith.constant 0 : i32
      %dma_wait3A_416 = tpu.memref_slice %arg7[%dma_wait3A_394, %dma_wait3A_413, %dma_wait3A_414, %dma_wait3A_415] : memref<2x8x8x128xf32, #tpu.memory_space<vmem>> -> memref<1x8x8x128xf32, #tpu.memory_space<vmem>>
      %dma_wait3A_417 = tpu.memref_squeeze %dma_wait3A_416 : memref<1x8x8x128xf32, #tpu.memory_space<vmem>> -> memref<8x8x128xf32, #tpu.memory_space<vmem>>
      tpu.wait_dma2 semaphore(%dma_wait3A_407 : memref<!tpu.dma_semaphore, #tpu.memory_space<semaphore_mem>>) src(%dma_wait3A_417 : memref<8x8x128xf32, #tpu.memory_space<vmem>>) dst(%dma_wait3A_412 : memref<8x8x128xf32, #tpu.memory_space<hbm>>)
      %get3A_418 = arith.index_cast %add3A_391 : i32 to index
      %get3A_419 = arith.constant 0 : index
      %get3A_420 = tpu.vector_load %arg6[%get3A_418, %get3A_419] {strides = array<i32>} : memref<200x128xi32, #tpu.memory_space<vmem>>, vector<16xi32>,
      %mul3A_421 = arith.constant 65 : i32
      %mul3A_422 = vector.broadcast %mul3A_421 : i32 to vector<16xi32>
      %mul3A_423 = arith.muli %get3A_420, %mul3A_422 : vector<16xi32>
      %parallel_loop3A_424 = arith.constant 0 : i32
      %parallel_loop3A_425 = arith.constant 64 : i32
      %parallel_loop3A_426 = arith.constant 1 : i32
      scf.for %parallel_loop3A_514 = %parallel_loop3A_424 to %parallel_loop3A_425 step %parallel_loop3A_426  : i32 {
        %parallel_loop3A_515 = vector.broadcast %parallel_loop3A_514 : i32 to vector<16xi32>
        %parallel_loop3A_516 = arith.addi %mul3A_423, %parallel_loop3A_515 : vector<16xi32>
        %parallel_loop3A_517 = tpu.vector_load_idx %arg5[%parallel_loop3A_516] : memref<66560xf32, #tpu.memory_space<vmem>>[vector<16xi32>], vector<16xf32>,
        %parallel_loop3A_518 = arith.constant 8 : i32
        %parallel_loop3A_519 = arith.divsi %parallel_loop3A_514, %parallel_loop3A_518 : i32
        %parallel_loop3A_520 = arith.constant 0 : i32
        %parallel_loop3A_521 = arith.cmpi sgt, %parallel_loop3A_514, %parallel_loop3A_520 : i32
        %parallel_loop3A_522 = arith.extui %parallel_loop3A_521 : i1 to i32
        %parallel_loop3A_523 = arith.constant 0 : i32
        %parallel_loop3A_524 = arith.cmpi slt, %parallel_loop3A_514, %parallel_loop3A_523 : i32
        %parallel_loop3A_525 = arith.extui %parallel_loop3A_524 : i1 to i32
        %parallel_loop3A_526 = arith.subi %parallel_loop3A_522, %parallel_loop3A_525 : i32
        %parallel_loop3A_527 = arith.constant 0 : i32
        %parallel_loop3A_528 = arith.cmpi sgt, %parallel_loop3A_518, %parallel_loop3A_527 : i32
        %parallel_loop3A_529 = arith.extui %parallel_loop3A_528 : i1 to i32
        %parallel_loop3A_530 = arith.constant 0 : i32
        %parallel_loop3A_531 = arith.cmpi slt, %parallel_loop3A_518, %parallel_loop3A_530 : i32
        %parallel_loop3A_532 = arith.extui %parallel_loop3A_531 : i1 to i32
        %parallel_loop3A_533 = arith.subi %parallel_loop3A_529, %parallel_loop3A_532 : i32
        %parallel_loop3A_534 = arith.cmpi ne, %parallel_loop3A_526, %parallel_loop3A_533 : i32
        %parallel_loop3A_535 = arith.remsi %parallel_loop3A_514, %parallel_loop3A_518 : i32
        %parallel_loop3A_536 = arith.constant 0 : i32
        %parallel_loop3A_537 = arith.cmpi ne, %parallel_loop3A_535, %parallel_loop3A_536 : i32
        %parallel_loop3A_538 = arith.andi %parallel_loop3A_534, %parallel_loop3A_537 : i1
        %parallel_loop3A_539 = arith.constant 1 : i32
        %parallel_loop3A_540 = arith.subi %parallel_loop3A_519, %parallel_loop3A_539 : i32
        %parallel_loop3A_541 = arith.select %parallel_loop3A_538, %parallel_loop3A_540, %parallel_loop3A_519 : i32
        %parallel_loop3A_542 = arith.constant 8 : i32
        %parallel_loop3A_543 = arith.constant 0 : i32
        %parallel_loop3A_544 = arith.cmpi eq, %parallel_loop3A_542, %parallel_loop3A_543 : i32
        %parallel_loop3A_545 = arith.constant 1 : i32
        %parallel_loop3A_546 = arith.select %parallel_loop3A_544, %parallel_loop3A_545, %parallel_loop3A_542 : i32
        %parallel_loop3A_547 = arith.remsi %parallel_loop3A_514, %parallel_loop3A_546 : i32
        %parallel_loop3A_548 = arith.constant 0 : i32
        %parallel_loop3A_549 = arith.cmpi ne, %parallel_loop3A_547, %parallel_loop3A_548 : i32
        %parallel_loop3A_550 = arith.constant 0 : i32
        %parallel_loop3A_551 = arith.cmpi slt, %parallel_loop3A_547, %parallel_loop3A_550 : i32
        %parallel_loop3A_552 = arith.constant 0 : i32
        %parallel_loop3A_553 = arith.cmpi slt, %parallel_loop3A_546, %parallel_loop3A_552 : i32
        %parallel_loop3A_554 = arith.xori %parallel_loop3A_551, %parallel_loop3A_553 : i1
        %parallel_loop3A_555 = arith.andi %parallel_loop3A_554, %parallel_loop3A_549 : i1
        %parallel_loop3A_556 = arith.addi %parallel_loop3A_547, %parallel_loop3A_546 : i32
        %parallel_loop3A_557 = arith.select %parallel_loop3A_555, %parallel_loop3A_556, %parallel_loop3A_547 : i32
        %parallel_loop3A_558 = arith.constant 1 : i32
        %parallel_loop3A_559 = arith.index_cast %parallel_loop3A_558 : i32 to index
        %parallel_loop3A_560 = arith.index_cast %parallel_loop3A_541 : i32 to index
        %parallel_loop3A_561 = arith.index_cast %parallel_loop3A_557 : i32 to index
        %parallel_loop3A_562 = arith.constant 0 : index
        %parallel_loop3A_563 = tpu.vector_load %arg7[%parallel_loop3A_559, %parallel_loop3A_560, %parallel_loop3A_561, %parallel_loop3A_562] {strides = array<i32>} : memref<2x8x8x128xf32, #tpu.memory_space<vmem>>, vector<16xf32>,
        tpu.vector_store %arg7[%parallel_loop3A_559, %parallel_loop3A_560, %parallel_loop3A_561, %parallel_loop3A_562], %parallel_loop3A_517 {strides = array<i32>} : memref<2x8x8x128xf32, #tpu.memory_space<vmem>>, vector<16xf32>,
      } {sc.loop_unroll_factor = 8 : i64, sc.parallel_access}
      %get3A_427 = arith.index_cast %add3A_391 : i32 to index
      %get3A_428 = arith.constant 16 : index
      %get3A_429 = tpu.vector_load %arg6[%get3A_427, %get3A_428] {strides = array<i32>} : memref<200x128xi32, #tpu.memory_space<vmem>>, vector<16xi32>,
      %mul3A_430 = arith.constant 65 : i32
      %mul3A_431 = vector.broadcast %mul3A_430 : i32 to vector<16xi32>
      %mul3A_432 = arith.muli %get3A_429, %mul3A_431 : vector<16xi32>
      %parallel_loop3A_433 = arith.constant 0 : i32
      %parallel_loop3A_434 = arith.constant 64 : i32
      %parallel_loop3A_435 = arith.constant 1 : i32
      scf.for %parallel_loop3A_514 = %parallel_loop3A_433 to %parallel_loop3A_434 step %parallel_loop3A_435  : i32 {
        %parallel_loop3A_515 = vector.broadcast %parallel_loop3A_514 : i32 to vector<16xi32>
        %parallel_loop3A_516 = arith.addi %mul3A_432, %parallel_loop3A_515 : vector<16xi32>
        %parallel_loop3A_517 = tpu.vector_load_idx %arg5[%parallel_loop3A_516] : memref<66560xf32, #tpu.memory_space<vmem>>[vector<16xi32>], vector<16xf32>,
        %parallel_loop3A_518 = arith.constant 8 : i32
        %parallel_loop3A_519 = arith.divsi %parallel_loop3A_514, %parallel_loop3A_518 : i32
        %parallel_loop3A_520 = arith.constant 0 : i32
        %parallel_loop3A_521 = arith.cmpi sgt, %parallel_loop3A_514, %parallel_loop3A_520 : i32
        %parallel_loop3A_522 = arith.extui %parallel_loop3A_521 : i1 to i32
        %parallel_loop3A_523 = arith.constant 0 : i32
        %parallel_loop3A_524 = arith.cmpi slt, %parallel_loop3A_514, %parallel_loop3A_523 : i32
        %parallel_loop3A_525 = arith.extui %parallel_loop3A_524 : i1 to i32
        %parallel_loop3A_526 = arith.subi %parallel_loop3A_522, %parallel_loop3A_525 : i32
        %parallel_loop3A_527 = arith.constant 0 : i32
        %parallel_loop3A_528 = arith.cmpi sgt, %parallel_loop3A_518, %parallel_loop3A_527 : i32
        %parallel_loop3A_529 = arith.extui %parallel_loop3A_528 : i1 to i32
        %parallel_loop3A_530 = arith.constant 0 : i32
        %parallel_loop3A_531 = arith.cmpi slt, %parallel_loop3A_518, %parallel_loop3A_530 : i32
        %parallel_loop3A_532 = arith.extui %parallel_loop3A_531 : i1 to i32
        %parallel_loop3A_533 = arith.subi %parallel_loop3A_529, %parallel_loop3A_532 : i32
        %parallel_loop3A_534 = arith.cmpi ne, %parallel_loop3A_526, %parallel_loop3A_533 : i32
        %parallel_loop3A_535 = arith.remsi %parallel_loop3A_514, %parallel_loop3A_518 : i32
        %parallel_loop3A_536 = arith.constant 0 : i32
        %parallel_loop3A_537 = arith.cmpi ne, %parallel_loop3A_535, %parallel_loop3A_536 : i32
        %parallel_loop3A_538 = arith.andi %parallel_loop3A_534, %parallel_loop3A_537 : i1
        %parallel_loop3A_539 = arith.constant 1 : i32
        %parallel_loop3A_540 = arith.subi %parallel_loop3A_519, %parallel_loop3A_539 : i32
        %parallel_loop3A_541 = arith.select %parallel_loop3A_538, %parallel_loop3A_540, %parallel_loop3A_519 : i32
        %parallel_loop3A_542 = arith.constant 8 : i32
        %parallel_loop3A_543 = arith.constant 0 : i32
        %parallel_loop3A_544 = arith.cmpi eq, %parallel_loop3A_542, %parallel_loop3A_543 : i32
        %parallel_loop3A_545 = arith.constant 1 : i32
        %parallel_loop3A_546 = arith.select %parallel_loop3A_544, %parallel_loop3A_545, %parallel_loop3A_542 : i32
        %parallel_loop3A_547 = arith.remsi %parallel_loop3A_514, %parallel_loop3A_546 : i32
        %parallel_loop3A_548 = arith.constant 0 : i32
        %parallel_loop3A_549 = arith.cmpi ne, %parallel_loop3A_547, %parallel_loop3A_548 : i32
        %parallel_loop3A_550 = arith.constant 0 : i32
        %parallel_loop3A_551 = arith.cmpi slt, %parallel_loop3A_547, %parallel_loop3A_550 : i32
        %parallel_loop3A_552 = arith.constant 0 : i32
        %parallel_loop3A_553 = arith.cmpi slt, %parallel_loop3A_546, %parallel_loop3A_552 : i32
        %parallel_loop3A_554 = arith.xori %parallel_loop3A_551, %parallel_loop3A_553 : i1
        %parallel_loop3A_555 = arith.andi %parallel_loop3A_554, %parallel_loop3A_549 : i1
        %parallel_loop3A_556 = arith.addi %parallel_loop3A_547, %parallel_loop3A_546 : i32
        %parallel_loop3A_557 = arith.select %parallel_loop3A_555, %parallel_loop3A_556, %parallel_loop3A_547 : i32
        %parallel_loop3A_558 = arith.constant 1 : i32
        %parallel_loop3A_559 = arith.index_cast %parallel_loop3A_558 : i32 to index
        %parallel_loop3A_560 = arith.index_cast %parallel_loop3A_541 : i32 to index
        %parallel_loop3A_561 = arith.index_cast %parallel_loop3A_557 : i32 to index
        %parallel_loop3A_562 = arith.constant 16 : index
        %parallel_loop3A_563 = tpu.vector_load %arg7[%parallel_loop3A_559, %parallel_loop3A_560, %parallel_loop3A_561, %parallel_loop3A_562] {strides = array<i32>} : memref<2x8x8x128xf32, #tpu.memory_space<vmem>>, vector<16xf32>,
        tpu.vector_store %arg7[%parallel_loop3A_559, %parallel_loop3A_560, %parallel_loop3A_561, %parallel_loop3A_562], %parallel_loop3A_517 {strides = array<i32>} : memref<2x8x8x128xf32, #tpu.memory_space<vmem>>, vector<16xf32>,
      } {sc.loop_unroll_factor = 8 : i64, sc.parallel_access}
      %get3A_436 = arith.index_cast %add3A_391 : i32 to index
      %get3A_437 = arith.constant 32 : index
      %get3A_438 = tpu.vector_load %arg6[%get3A_436, %get3A_437] {strides = array<i32>} : memref<200x128xi32, #tpu.memory_space<vmem>>, vector<16xi32>,
      %mul3A_439 = arith.constant 65 : i32
      %mul3A_440 = vector.broadcast %mul3A_439 : i32 to vector<16xi32>
      %mul3A_441 = arith.muli %get3A_438, %mul3A_440 : vector<16xi32>
      %parallel_loop3A_442 = arith.constant 0 : i32
      %parallel_loop3A_443 = arith.constant 64 : i32
      %parallel_loop3A_444 = arith.constant 1 : i32
      scf.for %parallel_loop3A_514 = %parallel_loop3A_442 to %parallel_loop3A_443 step %parallel_loop3A_444  : i32 {
        %parallel_loop3A_515 = vector.broadcast %parallel_loop3A_514 : i32 to vector<16xi32>
        %parallel_loop3A_516 = arith.addi %mul3A_441, %parallel_loop3A_515 : vector<16xi32>
        %parallel_loop3A_517 = tpu.vector_load_idx %arg5[%parallel_loop3A_516] : memref<66560xf32, #tpu.memory_space<vmem>>[vector<16xi32>], vector<16xf32>,
        %parallel_loop3A_518 = arith.constant 8 : i32
        %parallel_loop3A_519 = arith.divsi %parallel_loop3A_514, %parallel_loop3A_518 : i32
        %parallel_loop3A_520 = arith.constant 0 : i32
        %parallel_loop3A_521 = arith.cmpi sgt, %parallel_loop3A_514, %parallel_loop3A_520 : i32
        %parallel_loop3A_522 = arith.extui %parallel_loop3A_521 : i1 to i32
        %parallel_loop3A_523 = arith.constant 0 : i32
        %parallel_loop3A_524 = arith.cmpi slt, %parallel_loop3A_514, %parallel_loop3A_523 : i32
        %parallel_loop3A_525 = arith.extui %parallel_loop3A_524 : i1 to i32
        %parallel_loop3A_526 = arith.subi %parallel_loop3A_522, %parallel_loop3A_525 : i32
        %parallel_loop3A_527 = arith.constant 0 : i32
        %parallel_loop3A_528 = arith.cmpi sgt, %parallel_loop3A_518, %parallel_loop3A_527 : i32
        %parallel_loop3A_529 = arith.extui %parallel_loop3A_528 : i1 to i32
        %parallel_loop3A_530 = arith.constant 0 : i32
        %parallel_loop3A_531 = arith.cmpi slt, %parallel_loop3A_518, %parallel_loop3A_530 : i32
        %parallel_loop3A_532 = arith.extui %parallel_loop3A_531 : i1 to i32
        %parallel_loop3A_533 = arith.subi %parallel_loop3A_529, %parallel_loop3A_532 : i32
        %parallel_loop3A_534 = arith.cmpi ne, %parallel_loop3A_526, %parallel_loop3A_533 : i32
        %parallel_loop3A_535 = arith.remsi %parallel_loop3A_514, %parallel_loop3A_518 : i32
        %parallel_loop3A_536 = arith.constant 0 : i32
        %parallel_loop3A_537 = arith.cmpi ne, %parallel_loop3A_535, %parallel_loop3A_536 : i32
        %parallel_loop3A_538 = arith.andi %parallel_loop3A_534, %parallel_loop3A_537 : i1
        %parallel_loop3A_539 = arith.constant 1 : i32
        %parallel_loop3A_540 = arith.subi %parallel_loop3A_519, %parallel_loop3A_539 : i32
        %parallel_loop3A_541 = arith.select %parallel_loop3A_538, %parallel_loop3A_540, %parallel_loop3A_519 : i32
        %parallel_loop3A_542 = arith.constant 8 : i32
        %parallel_loop3A_543 = arith.constant 0 : i32
        %parallel_loop3A_544 = arith.cmpi eq, %parallel_loop3A_542, %parallel_loop3A_543 : i32
        %parallel_loop3A_545 = arith.constant 1 : i32
        %parallel_loop3A_546 = arith.select %parallel_loop3A_544, %parallel_loop3A_545, %parallel_loop3A_542 : i32
        %parallel_loop3A_547 = arith.remsi %parallel_loop3A_514, %parallel_loop3A_546 : i32
        %parallel_loop3A_548 = arith.constant 0 : i32
        %parallel_loop3A_549 = arith.cmpi ne, %parallel_loop3A_547, %parallel_loop3A_548 : i32
        %parallel_loop3A_550 = arith.constant 0 : i32
        %parallel_loop3A_551 = arith.cmpi slt, %parallel_loop3A_547, %parallel_loop3A_550 : i32
        %parallel_loop3A_552 = arith.constant 0 : i32
        %parallel_loop3A_553 = arith.cmpi slt, %parallel_loop3A_546, %parallel_loop3A_552 : i32
        %parallel_loop3A_554 = arith.xori %parallel_loop3A_551, %parallel_loop3A_553 : i1
        %parallel_loop3A_555 = arith.andi %parallel_loop3A_554, %parallel_loop3A_549 : i1
        %parallel_loop3A_556 = arith.addi %parallel_loop3A_547, %parallel_loop3A_546 : i32
        %parallel_loop3A_557 = arith.select %parallel_loop3A_555, %parallel_loop3A_556, %parallel_loop3A_547 : i32
        %parallel_loop3A_558 = arith.constant 1 : i32
        %parallel_loop3A_559 = arith.index_cast %parallel_loop3A_558 : i32 to index
        %parallel_loop3A_560 = arith.index_cast %parallel_loop3A_541 : i32 to index
        %parallel_loop3A_561 = arith.index_cast %parallel_loop3A_557 : i32 to index
        %parallel_loop3A_562 = arith.constant 32 : index
        %parallel_loop3A_563 = tpu.vector_load %arg7[%parallel_loop3A_559, %parallel_loop3A_560, %parallel_loop3A_561, %parallel_loop3A_562] {strides = array<i32>} : memref<2x8x8x128xf32, #tpu.memory_space<vmem>>, vector<16xf32>,
        tpu.vector_store %arg7[%parallel_loop3A_559, %parallel_loop3A_560, %parallel_loop3A_561, %parallel_loop3A_562], %parallel_loop3A_517 {strides = array<i32>} : memref<2x8x8x128xf32, #tpu.memory_space<vmem>>, vector<16xf32>,
      } {sc.loop_unroll_factor = 8 : i64, sc.parallel_access}
      %get3A_445 = arith.index_cast %add3A_391 : i32 to index
      %get3A_446 = arith.constant 48 : index
      %get3A_447 = tpu.vector_load %arg6[%get3A_445, %get3A_446] {strides = array<i32>} : memref<200x128xi32, #tpu.memory_space<vmem>>, vector<16xi32>,
      %mul3A_448 = arith.constant 65 : i32
      %mul3A_449 = vector.broadcast %mul3A_448 : i32 to vector<16xi32>
      %mul3A_450 = arith.muli %get3A_447, %mul3A_449 : vector<16xi32>
      %parallel_loop3A_451 = arith.constant 0 : i32
      %parallel_loop3A_452 = arith.constant 64 : i32
      %parallel_loop3A_453 = arith.constant 1 : i32
      scf.for %parallel_loop3A_514 = %parallel_loop3A_451 to %parallel_loop3A_452 step %parallel_loop3A_453  : i32 {
        %parallel_loop3A_515 = vector.broadcast %parallel_loop3A_514 : i32 to vector<16xi32>
        %parallel_loop3A_516 = arith.addi %mul3A_450, %parallel_loop3A_515 : vector<16xi32>
        %parallel_loop3A_517 = tpu.vector_load_idx %arg5[%parallel_loop3A_516] : memref<66560xf32, #tpu.memory_space<vmem>>[vector<16xi32>], vector<16xf32>,
        %parallel_loop3A_518 = arith.constant 8 : i32
        %parallel_loop3A_519 = arith.divsi %parallel_loop3A_514, %parallel_loop3A_518 : i32
        %parallel_loop3A_520 = arith.constant 0 : i32
        %parallel_loop3A_521 = arith.cmpi sgt, %parallel_loop3A_514, %parallel_loop3A_520 : i32
        %parallel_loop3A_522 = arith.extui %parallel_loop3A_521 : i1 to i32
        %parallel_loop3A_523 = arith.constant 0 : i32
        %parallel_loop3A_524 = arith.cmpi slt, %parallel_loop3A_514, %parallel_loop3A_523 : i32
        %parallel_loop3A_525 = arith.extui %parallel_loop3A_524 : i1 to i32
        %parallel_loop3A_526 = arith.subi %parallel_loop3A_522, %parallel_loop3A_525 : i32
        %parallel_loop3A_527 = arith.constant 0 : i32
        %parallel_loop3A_528 = arith.cmpi sgt, %parallel_loop3A_518, %parallel_loop3A_527 : i32
        %parallel_loop3A_529 = arith.extui %parallel_loop3A_528 : i1 to i32
        %parallel_loop3A_530 = arith.constant 0 : i32
        %parallel_loop3A_531 = arith.cmpi slt, %parallel_loop3A_518, %parallel_loop3A_530 : i32
        %parallel_loop3A_532 = arith.extui %parallel_loop3A_531 : i1 to i32
        %parallel_loop3A_533 = arith.subi %parallel_loop3A_529, %parallel_loop3A_532 : i32
        %parallel_loop3A_534 = arith.cmpi ne, %parallel_loop3A_526, %parallel_loop3A_533 : i32
        %parallel_loop3A_535 = arith.remsi %parallel_loop3A_514, %parallel_loop3A_518 : i32
        %parallel_loop3A_536 = arith.constant 0 : i32
        %parallel_loop3A_537 = arith.cmpi ne, %parallel_loop3A_535, %parallel_loop3A_536 : i32
        %parallel_loop3A_538 = arith.andi %parallel_loop3A_534, %parallel_loop3A_537 : i1
        %parallel_loop3A_539 = arith.constant 1 : i32
        %parallel_loop3A_540 = arith.subi %parallel_loop3A_519, %parallel_loop3A_539 : i32
        %parallel_loop3A_541 = arith.select %parallel_loop3A_538, %parallel_loop3A_540, %parallel_loop3A_519 : i32
        %parallel_loop3A_542 = arith.constant 8 : i32
        %parallel_loop3A_543 = arith.constant 0 : i32
        %parallel_loop3A_544 = arith.cmpi eq, %parallel_loop3A_542, %parallel_loop3A_543 : i32
        %parallel_loop3A_545 = arith.constant 1 : i32
        %parallel_loop3A_546 = arith.select %parallel_loop3A_544, %parallel_loop3A_545, %parallel_loop3A_542 : i32
        %parallel_loop3A_547 = arith.remsi %parallel_loop3A_514, %parallel_loop3A_546 : i32
        %parallel_loop3A_548 = arith.constant 0 : i32
        %parallel_loop3A_549 = arith.cmpi ne, %parallel_loop3A_547, %parallel_loop3A_548 : i32
        %parallel_loop3A_550 = arith.constant 0 : i32
        %parallel_loop3A_551 = arith.cmpi slt, %parallel_loop3A_547, %parallel_loop3A_550 : i32
        %parallel_loop3A_552 = arith.constant 0 : i32
        %parallel_loop3A_553 = arith.cmpi slt, %parallel_loop3A_546, %parallel_loop3A_552 : i32
        %parallel_loop3A_554 = arith.xori %parallel_loop3A_551, %parallel_loop3A_553 : i1
        %parallel_loop3A_555 = arith.andi %parallel_loop3A_554, %parallel_loop3A_549 : i1
        %parallel_loop3A_556 = arith.addi %parallel_loop3A_547, %parallel_loop3A_546 : i32
        %parallel_loop3A_557 = arith.select %parallel_loop3A_555, %parallel_loop3A_556, %parallel_loop3A_547 : i32
        %parallel_loop3A_558 = arith.constant 1 : i32
        %parallel_loop3A_559 = arith.index_cast %parallel_loop3A_558 : i32 to index
        %parallel_loop3A_560 = arith.index_cast %parallel_loop3A_541 : i32 to index
        %parallel_loop3A_561 = arith.index_cast %parallel_loop3A_557 : i32 to index
        %parallel_loop3A_562 = arith.constant 48 : index
        %parallel_loop3A_563 = tpu.vector_load %arg7[%parallel_loop3A_559, %parallel_loop3A_560, %parallel_loop3A_561, %parallel_loop3A_562] {strides = array<i32>} : memref<2x8x8x128xf32, #tpu.memory_space<vmem>>, vector<16xf32>,
        tpu.vector_store %arg7[%parallel_loop3A_559, %parallel_loop3A_560, %parallel_loop3A_561, %parallel_loop3A_562], %parallel_loop3A_517 {strides = array<i32>} : memref<2x8x8x128xf32, #tpu.memory_space<vmem>>, vector<16xf32>,
      } {sc.loop_unroll_factor = 8 : i64, sc.parallel_access}
      %get3A_454 = arith.index_cast %add3A_391 : i32 to index
      %get3A_455 = arith.constant 64 : index
      %get3A_456 = tpu.vector_load %arg6[%get3A_454, %get3A_455] {strides = array<i32>} : memref<200x128xi32, #tpu.memory_space<vmem>>, vector<16xi32>,
      %mul3A_457 = arith.constant 65 : i32
      %mul3A_458 = vector.broadcast %mul3A_457 : i32 to vector<16xi32>
      %mul3A_459 = arith.muli %get3A_456, %mul3A_458 : vector<16xi32>
      %parallel_loop3A_460 = arith.constant 0 : i32
      %parallel_loop3A_461 = arith.constant 64 : i32
      %parallel_loop3A_462 = arith.constant 1 : i32
      scf.for %parallel_loop3A_514 = %parallel_loop3A_460 to %parallel_loop3A_461 step %parallel_loop3A_462  : i32 {
        %parallel_loop3A_515 = vector.broadcast %parallel_loop3A_514 : i32 to vector<16xi32>
        %parallel_loop3A_516 = arith.addi %mul3A_459, %parallel_loop3A_515 : vector<16xi32>
        %parallel_loop3A_517 = tpu.vector_load_idx %arg5[%parallel_loop3A_516] : memref<66560xf32, #tpu.memory_space<vmem>>[vector<16xi32>], vector<16xf32>,
        %parallel_loop3A_518 = arith.constant 8 : i32
        %parallel_loop3A_519 = arith.divsi %parallel_loop3A_514, %parallel_loop3A_518 : i32
        %parallel_loop3A_520 = arith.constant 0 : i32
        %parallel_loop3A_521 = arith.cmpi sgt, %parallel_loop3A_514, %parallel_loop3A_520 : i32
        %parallel_loop3A_522 = arith.extui %parallel_loop3A_521 : i1 to i32
        %parallel_loop3A_523 = arith.constant 0 : i32
        %parallel_loop3A_524 = arith.cmpi slt, %parallel_loop3A_514, %parallel_loop3A_523 : i32
        %parallel_loop3A_525 = arith.extui %parallel_loop3A_524 : i1 to i32
        %parallel_loop3A_526 = arith.subi %parallel_loop3A_522, %parallel_loop3A_525 : i32
        %parallel_loop3A_527 = arith.constant 0 : i32
        %parallel_loop3A_528 = arith.cmpi sgt, %parallel_loop3A_518, %parallel_loop3A_527 : i32
        %parallel_loop3A_529 = arith.extui %parallel_loop3A_528 : i1 to i32
        %parallel_loop3A_530 = arith.constant 0 : i32
        %parallel_loop3A_531 = arith.cmpi slt, %parallel_loop3A_518, %parallel_loop3A_530 : i32
        %parallel_loop3A_532 = arith.extui %parallel_loop3A_531 : i1 to i32
        %parallel_loop3A_533 = arith.subi %parallel_loop3A_529, %parallel_loop3A_532 : i32
        %parallel_loop3A_534 = arith.cmpi ne, %parallel_loop3A_526, %parallel_loop3A_533 : i32
        %parallel_loop3A_535 = arith.remsi %parallel_loop3A_514, %parallel_loop3A_518 : i32
        %parallel_loop3A_536 = arith.constant 0 : i32
        %parallel_loop3A_537 = arith.cmpi ne, %parallel_loop3A_535, %parallel_loop3A_536 : i32
        %parallel_loop3A_538 = arith.andi %parallel_loop3A_534, %parallel_loop3A_537 : i1
        %parallel_loop3A_539 = arith.constant 1 : i32
        %parallel_loop3A_540 = arith.subi %parallel_loop3A_519, %parallel_loop3A_539 : i32
        %parallel_loop3A_541 = arith.select %parallel_loop3A_538, %parallel_loop3A_540, %parallel_loop3A_519 : i32
        %parallel_loop3A_542 = arith.constant 8 : i32
        %parallel_loop3A_543 = arith.constant 0 : i32
        %parallel_loop3A_544 = arith.cmpi eq, %parallel_loop3A_542, %parallel_loop3A_543 : i32
        %parallel_loop3A_545 = arith.constant 1 : i32
        %parallel_loop3A_546 = arith.select %parallel_loop3A_544, %parallel_loop3A_545, %parallel_loop3A_542 : i32
        %parallel_loop3A_547 = arith.remsi %parallel_loop3A_514, %parallel_loop3A_546 : i32
        %parallel_loop3A_548 = arith.constant 0 : i32
        %parallel_loop3A_549 = arith.cmpi ne, %parallel_loop3A_547, %parallel_loop3A_548 : i32
        %parallel_loop3A_550 = arith.constant 0 : i32
        %parallel_loop3A_551 = arith.cmpi slt, %parallel_loop3A_547, %parallel_loop3A_550 : i32
        %parallel_loop3A_552 = arith.constant 0 : i32
        %parallel_loop3A_553 = arith.cmpi slt, %parallel_loop3A_546, %parallel_loop3A_552 : i32
        %parallel_loop3A_554 = arith.xori %parallel_loop3A_551, %parallel_loop3A_553 : i1
        %parallel_loop3A_555 = arith.andi %parallel_loop3A_554, %parallel_loop3A_549 : i1
        %parallel_loop3A_556 = arith.addi %parallel_loop3A_547, %parallel_loop3A_546 : i32
        %parallel_loop3A_557 = arith.select %parallel_loop3A_555, %parallel_loop3A_556, %parallel_loop3A_547 : i32
        %parallel_loop3A_558 = arith.constant 1 : i32
        %parallel_loop3A_559 = arith.index_cast %parallel_loop3A_558 : i32 to index
        %parallel_loop3A_560 = arith.index_cast %parallel_loop3A_541 : i32 to index
        %parallel_loop3A_561 = arith.index_cast %parallel_loop3A_557 : i32 to index
        %parallel_loop3A_562 = arith.constant 64 : index
        %parallel_loop3A_563 = tpu.vector_load %arg7[%parallel_loop3A_559, %parallel_loop3A_560, %parallel_loop3A_561, %parallel_loop3A_562] {strides = array<i32>} : memref<2x8x8x128xf32, #tpu.memory_space<vmem>>, vector<16xf32>,
        tpu.vector_store %arg7[%parallel_loop3A_559, %parallel_loop3A_560, %parallel_loop3A_561, %parallel_loop3A_562], %parallel_loop3A_517 {strides = array<i32>} : memref<2x8x8x128xf32, #tpu.memory_space<vmem>>, vector<16xf32>,
      } {sc.loop_unroll_factor = 8 : i64, sc.parallel_access}
      %get3A_463 = arith.index_cast %add3A_391 : i32 to index
      %get3A_464 = arith.constant 80 : index
      %get3A_465 = tpu.vector_load %arg6[%get3A_463, %get3A_464] {strides = array<i32>} : memref<200x128xi32, #tpu.memory_space<vmem>>, vector<16xi32>,
      %mul3A_466 = arith.constant 65 : i32
      %mul3A_467 = vector.broadcast %mul3A_466 : i32 to vector<16xi32>
      %mul3A_468 = arith.muli %get3A_465, %mul3A_467 : vector<16xi32>
      %parallel_loop3A_469 = arith.constant 0 : i32
      %parallel_loop3A_470 = arith.constant 64 : i32
      %parallel_loop3A_471 = arith.constant 1 : i32
      scf.for %parallel_loop3A_514 = %parallel_loop3A_469 to %parallel_loop3A_470 step %parallel_loop3A_471  : i32 {
        %parallel_loop3A_515 = vector.broadcast %parallel_loop3A_514 : i32 to vector<16xi32>
        %parallel_loop3A_516 = arith.addi %mul3A_468, %parallel_loop3A_515 : vector<16xi32>
        %parallel_loop3A_517 = tpu.vector_load_idx %arg5[%parallel_loop3A_516] : memref<66560xf32, #tpu.memory_space<vmem>>[vector<16xi32>], vector<16xf32>,
        %parallel_loop3A_518 = arith.constant 8 : i32
        %parallel_loop3A_519 = arith.divsi %parallel_loop3A_514, %parallel_loop3A_518 : i32
        %parallel_loop3A_520 = arith.constant 0 : i32
        %parallel_loop3A_521 = arith.cmpi sgt, %parallel_loop3A_514, %parallel_loop3A_520 : i32
        %parallel_loop3A_522 = arith.extui %parallel_loop3A_521 : i1 to i32
        %parallel_loop3A_523 = arith.constant 0 : i32
        %parallel_loop3A_524 = arith.cmpi slt, %parallel_loop3A_514, %parallel_loop3A_523 : i32
        %parallel_loop3A_525 = arith.extui %parallel_loop3A_524 : i1 to i32
        %parallel_loop3A_526 = arith.subi %parallel_loop3A_522, %parallel_loop3A_525 : i32
        %parallel_loop3A_527 = arith.constant 0 : i32
        %parallel_loop3A_528 = arith.cmpi sgt, %parallel_loop3A_518, %parallel_loop3A_527 : i32
        %parallel_loop3A_529 = arith.extui %parallel_loop3A_528 : i1 to i32
        %parallel_loop3A_530 = arith.constant 0 : i32
        %parallel_loop3A_531 = arith.cmpi slt, %parallel_loop3A_518, %parallel_loop3A_530 : i32
        %parallel_loop3A_532 = arith.extui %parallel_loop3A_531 : i1 to i32
        %parallel_loop3A_533 = arith.subi %parallel_loop3A_529, %parallel_loop3A_532 : i32
        %parallel_loop3A_534 = arith.cmpi ne, %parallel_loop3A_526, %parallel_loop3A_533 : i32
        %parallel_loop3A_535 = arith.remsi %parallel_loop3A_514, %parallel_loop3A_518 : i32
        %parallel_loop3A_536 = arith.constant 0 : i32
        %parallel_loop3A_537 = arith.cmpi ne, %parallel_loop3A_535, %parallel_loop3A_536 : i32
        %parallel_loop3A_538 = arith.andi %parallel_loop3A_534, %parallel_loop3A_537 : i1
        %parallel_loop3A_539 = arith.constant 1 : i32
        %parallel_loop3A_540 = arith.subi %parallel_loop3A_519, %parallel_loop3A_539 : i32
        %parallel_loop3A_541 = arith.select %parallel_loop3A_538, %parallel_loop3A_540, %parallel_loop3A_519 : i32
        %parallel_loop3A_542 = arith.constant 8 : i32
        %parallel_loop3A_543 = arith.constant 0 : i32
        %parallel_loop3A_544 = arith.cmpi eq, %parallel_loop3A_542, %parallel_loop3A_543 : i32
        %parallel_loop3A_545 = arith.constant 1 : i32
        %parallel_loop3A_546 = arith.select %parallel_loop3A_544, %parallel_loop3A_545, %parallel_loop3A_542 : i32
        %parallel_loop3A_547 = arith.remsi %parallel_loop3A_514, %parallel_loop3A_546 : i32
        %parallel_loop3A_548 = arith.constant 0 : i32
        %parallel_loop3A_549 = arith.cmpi ne, %parallel_loop3A_547, %parallel_loop3A_548 : i32
        %parallel_loop3A_550 = arith.constant 0 : i32
        %parallel_loop3A_551 = arith.cmpi slt, %parallel_loop3A_547, %parallel_loop3A_550 : i32
        %parallel_loop3A_552 = arith.constant 0 : i32
        %parallel_loop3A_553 = arith.cmpi slt, %parallel_loop3A_546, %parallel_loop3A_552 : i32
        %parallel_loop3A_554 = arith.xori %parallel_loop3A_551, %parallel_loop3A_553 : i1
        %parallel_loop3A_555 = arith.andi %parallel_loop3A_554, %parallel_loop3A_549 : i1
        %parallel_loop3A_556 = arith.addi %parallel_loop3A_547, %parallel_loop3A_546 : i32
        %parallel_loop3A_557 = arith.select %parallel_loop3A_555, %parallel_loop3A_556, %parallel_loop3A_547 : i32
        %parallel_loop3A_558 = arith.constant 1 : i32
        %parallel_loop3A_559 = arith.index_cast %parallel_loop3A_558 : i32 to index
        %parallel_loop3A_560 = arith.index_cast %parallel_loop3A_541 : i32 to index
        %parallel_loop3A_561 = arith.index_cast %parallel_loop3A_557 : i32 to index
        %parallel_loop3A_562 = arith.constant 80 : index
        %parallel_loop3A_563 = tpu.vector_load %arg7[%parallel_loop3A_559, %parallel_loop3A_560, %parallel_loop3A_561, %parallel_loop3A_562] {strides = array<i32>} : memref<2x8x8x128xf32, #tpu.memory_space<vmem>>, vector<16xf32>,
        tpu.vector_store %arg7[%parallel_loop3A_559, %parallel_loop3A_560, %parallel_loop3A_561, %parallel_loop3A_562], %parallel_loop3A_517 {strides = array<i32>} : memref<2x8x8x128xf32, #tpu.memory_space<vmem>>, vector<16xf32>,
      } {sc.loop_unroll_factor = 8 : i64, sc.parallel_access}
      %get3A_472 = arith.index_cast %add3A_391 : i32 to index
      %get3A_473 = arith.constant 96 : index
      %get3A_474 = tpu.vector_load %arg6[%get3A_472, %get3A_473] {strides = array<i32>} : memref<200x128xi32, #tpu.memory_space<vmem>>, vector<16xi32>,
      %mul3A_475 = arith.constant 65 : i32
      %mul3A_476 = vector.broadcast %mul3A_475 : i32 to vector<16xi32>
      %mul3A_477 = arith.muli %get3A_474, %mul3A_476 : vector<16xi32>
      %parallel_loop3A_478 = arith.constant 0 : i32
      %parallel_loop3A_479 = arith.constant 64 : i32
      %parallel_loop3A_480 = arith.constant 1 : i32
      scf.for %parallel_loop3A_514 = %parallel_loop3A_478 to %parallel_loop3A_479 step %parallel_loop3A_480  : i32 {
        %parallel_loop3A_515 = vector.broadcast %parallel_loop3A_514 : i32 to vector<16xi32>
        %parallel_loop3A_516 = arith.addi %mul3A_477, %parallel_loop3A_515 : vector<16xi32>
        %parallel_loop3A_517 = tpu.vector_load_idx %arg5[%parallel_loop3A_516] : memref<66560xf32, #tpu.memory_space<vmem>>[vector<16xi32>], vector<16xf32>,
        %parallel_loop3A_518 = arith.constant 8 : i32
        %parallel_loop3A_519 = arith.divsi %parallel_loop3A_514, %parallel_loop3A_518 : i32
        %parallel_loop3A_520 = arith.constant 0 : i32
        %parallel_loop3A_521 = arith.cmpi sgt, %parallel_loop3A_514, %parallel_loop3A_520 : i32
        %parallel_loop3A_522 = arith.extui %parallel_loop3A_521 : i1 to i32
        %parallel_loop3A_523 = arith.constant 0 : i32
        %parallel_loop3A_524 = arith.cmpi slt, %parallel_loop3A_514, %parallel_loop3A_523 : i32
        %parallel_loop3A_525 = arith.extui %parallel_loop3A_524 : i1 to i32
        %parallel_loop3A_526 = arith.subi %parallel_loop3A_522, %parallel_loop3A_525 : i32
        %parallel_loop3A_527 = arith.constant 0 : i32
        %parallel_loop3A_528 = arith.cmpi sgt, %parallel_loop3A_518, %parallel_loop3A_527 : i32
        %parallel_loop3A_529 = arith.extui %parallel_loop3A_528 : i1 to i32
        %parallel_loop3A_530 = arith.constant 0 : i32
        %parallel_loop3A_531 = arith.cmpi slt, %parallel_loop3A_518, %parallel_loop3A_530 : i32
        %parallel_loop3A_532 = arith.extui %parallel_loop3A_531 : i1 to i32
        %parallel_loop3A_533 = arith.subi %parallel_loop3A_529, %parallel_loop3A_532 : i32
        %parallel_loop3A_534 = arith.cmpi ne, %parallel_loop3A_526, %parallel_loop3A_533 : i32
        %parallel_loop3A_535 = arith.remsi %parallel_loop3A_514, %parallel_loop3A_518 : i32
        %parallel_loop3A_536 = arith.constant 0 : i32
        %parallel_loop3A_537 = arith.cmpi ne, %parallel_loop3A_535, %parallel_loop3A_536 : i32
        %parallel_loop3A_538 = arith.andi %parallel_loop3A_534, %parallel_loop3A_537 : i1
        %parallel_loop3A_539 = arith.constant 1 : i32
        %parallel_loop3A_540 = arith.subi %parallel_loop3A_519, %parallel_loop3A_539 : i32
        %parallel_loop3A_541 = arith.select %parallel_loop3A_538, %parallel_loop3A_540, %parallel_loop3A_519 : i32
        %parallel_loop3A_542 = arith.constant 8 : i32
        %parallel_loop3A_543 = arith.constant 0 : i32
        %parallel_loop3A_544 = arith.cmpi eq, %parallel_loop3A_542, %parallel_loop3A_543 : i32
        %parallel_loop3A_545 = arith.constant 1 : i32
        %parallel_loop3A_546 = arith.select %parallel_loop3A_544, %parallel_loop3A_545, %parallel_loop3A_542 : i32
        %parallel_loop3A_547 = arith.remsi %parallel_loop3A_514, %parallel_loop3A_546 : i32
        %parallel_loop3A_548 = arith.constant 0 : i32
        %parallel_loop3A_549 = arith.cmpi ne, %parallel_loop3A_547, %parallel_loop3A_548 : i32
        %parallel_loop3A_550 = arith.constant 0 : i32
        %parallel_loop3A_551 = arith.cmpi slt, %parallel_loop3A_547, %parallel_loop3A_550 : i32
        %parallel_loop3A_552 = arith.constant 0 : i32
        %parallel_loop3A_553 = arith.cmpi slt, %parallel_loop3A_546, %parallel_loop3A_552 : i32
        %parallel_loop3A_554 = arith.xori %parallel_loop3A_551, %parallel_loop3A_553 : i1
        %parallel_loop3A_555 = arith.andi %parallel_loop3A_554, %parallel_loop3A_549 : i1
        %parallel_loop3A_556 = arith.addi %parallel_loop3A_547, %parallel_loop3A_546 : i32
        %parallel_loop3A_557 = arith.select %parallel_loop3A_555, %parallel_loop3A_556, %parallel_loop3A_547 : i32
        %parallel_loop3A_558 = arith.constant 1 : i32
        %parallel_loop3A_559 = arith.index_cast %parallel_loop3A_558 : i32 to index
        %parallel_loop3A_560 = arith.index_cast %parallel_loop3A_541 : i32 to index
        %parallel_loop3A_561 = arith.index_cast %parallel_loop3A_557 : i32 to index
        %parallel_loop3A_562 = arith.constant 96 : index
        %parallel_loop3A_563 = tpu.vector_load %arg7[%parallel_loop3A_559, %parallel_loop3A_560, %parallel_loop3A_561, %parallel_loop3A_562] {strides = array<i32>} : memref<2x8x8x128xf32, #tpu.memory_space<vmem>>, vector<16xf32>,
        tpu.vector_store %arg7[%parallel_loop3A_559, %parallel_loop3A_560, %parallel_loop3A_561, %parallel_loop3A_562], %parallel_loop3A_517 {strides = array<i32>} : memref<2x8x8x128xf32, #tpu.memory_space<vmem>>, vector<16xf32>,
      } {sc.loop_unroll_factor = 8 : i64, sc.parallel_access}
      %get3A_481 = arith.index_cast %add3A_391 : i32 to index
      %get3A_482 = arith.constant 112 : index
      %get3A_483 = tpu.vector_load %arg6[%get3A_481, %get3A_482] {strides = array<i32>} : memref<200x128xi32, #tpu.memory_space<vmem>>, vector<16xi32>,
      %mul3A_484 = arith.constant 65 : i32
      %mul3A_485 = vector.broadcast %mul3A_484 : i32 to vector<16xi32>
      %mul3A_486 = arith.muli %get3A_483, %mul3A_485 : vector<16xi32>
      %parallel_loop3A_487 = arith.constant 0 : i32
      %parallel_loop3A_488 = arith.constant 64 : i32
      %parallel_loop3A_489 = arith.constant 1 : i32
      scf.for %parallel_loop3A_514 = %parallel_loop3A_487 to %parallel_loop3A_488 step %parallel_loop3A_489  : i32 {
        %parallel_loop3A_515 = vector.broadcast %parallel_loop3A_514 : i32 to vector<16xi32>
        %parallel_loop3A_516 = arith.addi %mul3A_486, %parallel_loop3A_515 : vector<16xi32>
        %parallel_loop3A_517 = tpu.vector_load_idx %arg5[%parallel_loop3A_516] : memref<66560xf32, #tpu.memory_space<vmem>>[vector<16xi32>], vector<16xf32>,
        %parallel_loop3A_518 = arith.constant 8 : i32
        %parallel_loop3A_519 = arith.divsi %parallel_loop3A_514, %parallel_loop3A_518 : i32
        %parallel_loop3A_520 = arith.constant 0 : i32
        %parallel_loop3A_521 = arith.cmpi sgt, %parallel_loop3A_514, %parallel_loop3A_520 : i32
        %parallel_loop3A_522 = arith.extui %parallel_loop3A_521 : i1 to i32
        %parallel_loop3A_523 = arith.constant 0 : i32
        %parallel_loop3A_524 = arith.cmpi slt, %parallel_loop3A_514, %parallel_loop3A_523 : i32
        %parallel_loop3A_525 = arith.extui %parallel_loop3A_524 : i1 to i32
        %parallel_loop3A_526 = arith.subi %parallel_loop3A_522, %parallel_loop3A_525 : i32
        %parallel_loop3A_527 = arith.constant 0 : i32
        %parallel_loop3A_528 = arith.cmpi sgt, %parallel_loop3A_518, %parallel_loop3A_527 : i32
        %parallel_loop3A_529 = arith.extui %parallel_loop3A_528 : i1 to i32
        %parallel_loop3A_530 = arith.constant 0 : i32
        %parallel_loop3A_531 = arith.cmpi slt, %parallel_loop3A_518, %parallel_loop3A_530 : i32
        %parallel_loop3A_532 = arith.extui %parallel_loop3A_531 : i1 to i32
        %parallel_loop3A_533 = arith.subi %parallel_loop3A_529, %parallel_loop3A_532 : i32
        %parallel_loop3A_534 = arith.cmpi ne, %parallel_loop3A_526, %parallel_loop3A_533 : i32
        %parallel_loop3A_535 = arith.remsi %parallel_loop3A_514, %parallel_loop3A_518 : i32
        %parallel_loop3A_536 = arith.constant 0 : i32
        %parallel_loop3A_537 = arith.cmpi ne, %parallel_loop3A_535, %parallel_loop3A_536 : i32
        %parallel_loop3A_538 = arith.andi %parallel_loop3A_534, %parallel_loop3A_537 : i1
        %parallel_loop3A_539 = arith.constant 1 : i32
        %parallel_loop3A_540 = arith.subi %parallel_loop3A_519, %parallel_loop3A_539 : i32
        %parallel_loop3A_541 = arith.select %parallel_loop3A_538, %parallel_loop3A_540, %parallel_loop3A_519 : i32
        %parallel_loop3A_542 = arith.constant 8 : i32
        %parallel_loop3A_543 = arith.constant 0 : i32
        %parallel_loop3A_544 = arith.cmpi eq, %parallel_loop3A_542, %parallel_loop3A_543 : i32
        %parallel_loop3A_545 = arith.constant 1 : i32
        %parallel_loop3A_546 = arith.select %parallel_loop3A_544, %parallel_loop3A_545, %parallel_loop3A_542 : i32
        %parallel_loop3A_547 = arith.remsi %parallel_loop3A_514, %parallel_loop3A_546 : i32
        %parallel_loop3A_548 = arith.constant 0 : i32
        %parallel_loop3A_549 = arith.cmpi ne, %parallel_loop3A_547, %parallel_loop3A_548 : i32
        %parallel_loop3A_550 = arith.constant 0 : i32
        %parallel_loop3A_551 = arith.cmpi slt, %parallel_loop3A_547, %parallel_loop3A_550 : i32
        %parallel_loop3A_552 = arith.constant 0 : i32
        %parallel_loop3A_553 = arith.cmpi slt, %parallel_loop3A_546, %parallel_loop3A_552 : i32
        %parallel_loop3A_554 = arith.xori %parallel_loop3A_551, %parallel_loop3A_553 : i1
        %parallel_loop3A_555 = arith.andi %parallel_loop3A_554, %parallel_loop3A_549 : i1
        %parallel_loop3A_556 = arith.addi %parallel_loop3A_547, %parallel_loop3A_546 : i32
        %parallel_loop3A_557 = arith.select %parallel_loop3A_555, %parallel_loop3A_556, %parallel_loop3A_547 : i32
        %parallel_loop3A_558 = arith.constant 1 : i32
        %parallel_loop3A_559 = arith.index_cast %parallel_loop3A_558 : i32 to index
        %parallel_loop3A_560 = arith.index_cast %parallel_loop3A_541 : i32 to index
        %parallel_loop3A_561 = arith.index_cast %parallel_loop3A_557 : i32 to index
        %parallel_loop3A_562 = arith.constant 112 : index
        %parallel_loop3A_563 = tpu.vector_load %arg7[%parallel_loop3A_559, %parallel_loop3A_560, %parallel_loop3A_561, %parallel_loop3A_562] {strides = array<i32>} : memref<2x8x8x128xf32, #tpu.memory_space<vmem>>, vector<16xf32>,
        tpu.vector_store %arg7[%parallel_loop3A_559, %parallel_loop3A_560, %parallel_loop3A_561, %parallel_loop3A_562], %parallel_loop3A_517 {strides = array<i32>} : memref<2x8x8x128xf32, #tpu.memory_space<vmem>>, vector<16xf32>,
      } {sc.loop_unroll_factor = 8 : i64, sc.parallel_access}
      %dma_start3A_490 = arith.constant 1 : i32
      %dma_start3A_491 = arith.constant 1 : i32
      %dma_start3A_492 = arith.constant 0 : i32
      %dma_start3A_493 = arith.constant 0 : i32
      %dma_start3A_494 = arith.constant 0 : i32
      %dma_start3A_495 = tpu.memref_slice %arg7[%dma_start3A_490, %dma_start3A_492, %dma_start3A_493, %dma_start3A_494] : memref<2x8x8x128xf32, #tpu.memory_space<vmem>> -> memref<1x8x8x128xf32, #tpu.memory_space<vmem>>
      %dma_start3A_496 = tpu.memref_squeeze %dma_start3A_495 : memref<1x8x8x128xf32, #tpu.memory_space<vmem>> -> memref<8x8x128xf32, #tpu.memory_space<vmem>>
      %dma_start3A_497 = arith.constant 0 : i32
      %dma_start3A_498 = arith.constant 0 : i32
      %dma_start3A_499 = arith.constant 0 : i32
      %dma_start3A_500 = tpu.memref_slice %arg4[%add3A_391, %dma_start3A_497, %add3A, %dma_start3A_498, %dma_start3A_499] : memref<200x8x32x8x128xf32, #tpu.memory_space<hbm>> -> memref<1x8x1x8x128xf32, #tpu.memory_space<hbm>>
      %dma_start3A_501 = tpu.memref_squeeze %dma_start3A_500 : memref<1x8x1x8x128xf32, #tpu.memory_space<hbm>> -> memref<8x8x128xf32, #tpu.memory_space<hbm>>
      %dma_start3A_502 = tpu.memref_slice %arg8[%dma_start3A_491] : memref<2x!tpu.dma_semaphore, #tpu.memory_space<semaphore_mem>> -> memref<1x!tpu.dma_semaphore, #tpu.memory_space<semaphore_mem>>
      %dma_start3A_503 = tpu.memref_squeeze %dma_start3A_502 : memref<1x!tpu.dma_semaphore, #tpu.memory_space<semaphore_mem>> -> memref<!tpu.dma_semaphore, #tpu.memory_space<semaphore_mem>>
      %dma_start3A_504 = arith.constant 0 : i32
      %dma_start3A_505 = arith.constant 0 : i32
      %dma_start3A_506 = arith.constant 0 : i32
      %dma_start3A_507 = tpu.memref_slice %arg4[%add3A_391, %dma_start3A_504, %add3A, %dma_start3A_505, %dma_start3A_506] : memref<200x8x32x8x128xf32, #tpu.memory_space<hbm>> -> memref<1x8x1x8x128xf32, #tpu.memory_space<hbm>>
      %dma_start3A_508 = tpu.memref_squeeze %dma_start3A_507 : memref<1x8x1x8x128xf32, #tpu.memory_space<hbm>> -> memref<8x8x128xf32, #tpu.memory_space<hbm>>
      %dma_start3A_509 = arith.constant 0 : i32
      %dma_start3A_510 = arith.constant 0 : i32
      %dma_start3A_511 = arith.constant 0 : i32
      %dma_start3A_512 = tpu.memref_slice %arg7[%dma_start3A_490, %dma_start3A_509, %dma_start3A_510, %dma_start3A_511] : memref<2x8x8x128xf32, #tpu.memory_space<vmem>> -> memref<1x8x8x128xf32, #tpu.memory_space<vmem>>
      %dma_start3A_513 = tpu.memref_squeeze %dma_start3A_512 : memref<1x8x8x128xf32, #tpu.memory_space<vmem>> -> memref<8x8x128xf32, #tpu.memory_space<vmem>>
      tpu.enqueue_dma source(%dma_start3A_513 : memref<8x8x128xf32, #tpu.memory_space<vmem>>) target(%dma_start3A_508 : memref<8x8x128xf32, #tpu.memory_space<hbm>>) target_semaphore(%dma_start3A_503 : memref<!tpu.dma_semaphore, #tpu.memory_space<semaphore_mem>>)
    }
    %scan3A_212 = arith.constant 99 : i32
    %dma_wait3A = arith.constant 0 : i32
    %dma_wait3A_213 = arith.constant 198 : i32
    %dma_wait3A_214 = arith.constant 0 : i32
    %dma_wait3A_215 = arith.constant 0 : i32
    %dma_wait3A_216 = arith.constant 0 : i32
    %dma_wait3A_217 = arith.constant 0 : i32
    %dma_wait3A_218 = tpu.memref_slice %arg7[%dma_wait3A, %dma_wait3A_215, %dma_wait3A_216, %dma_wait3A_217] : memref<2x8x8x128xf32, #tpu.memory_space<vmem>> -> memref<1x8x8x128xf32, #tpu.memory_space<vmem>>
    %dma_wait3A_219 = tpu.memref_squeeze %dma_wait3A_218 : memref<1x8x8x128xf32, #tpu.memory_space<vmem>> -> memref<8x8x128xf32, #tpu.memory_space<vmem>>
    %dma_wait3A_220 = arith.constant 0 : i32
    %dma_wait3A_221 = arith.constant 0 : i32
    %dma_wait3A_222 = arith.constant 0 : i32
    %dma_wait3A_223 = tpu.memref_slice %arg4[%dma_wait3A_213, %dma_wait3A_220, %add3A, %dma_wait3A_221, %dma_wait3A_222] : memref<200x8x32x8x128xf32, #tpu.memory_space<hbm>> -> memref<1x8x1x8x128xf32, #tpu.memory_space<hbm>>
    %dma_wait3A_224 = tpu.memref_squeeze %dma_wait3A_223 : memref<1x8x1x8x128xf32, #tpu.memory_space<hbm>> -> memref<8x8x128xf32, #tpu.memory_space<hbm>>
    %dma_wait3A_225 = tpu.memref_slice %arg8[%dma_wait3A_214] : memref<2x!tpu.dma_semaphore, #tpu.memory_space<semaphore_mem>> -> memref<1x!tpu.dma_semaphore, #tpu.memory_space<semaphore_mem>>
    %dma_wait3A_226 = tpu.memref_squeeze %dma_wait3A_225 : memref<1x!tpu.dma_semaphore, #tpu.memory_space<semaphore_mem>> -> memref<!tpu.dma_semaphore, #tpu.memory_space<semaphore_mem>>
    %dma_wait3A_227 = arith.constant 0 : i32
    %dma_wait3A_228 = arith.constant 0 : i32
    %dma_wait3A_229 = arith.constant 0 : i32
    %dma_wait3A_230 = tpu.memref_slice %arg4[%dma_wait3A_213, %dma_wait3A_227, %add3A, %dma_wait3A_228, %dma_wait3A_229] : memref<200x8x32x8x128xf32, #tpu.memory_space<hbm>> -> memref<1x8x1x8x128xf32, #tpu.memory_space<hbm>>
    %dma_wait3A_231 = tpu.memref_squeeze %dma_wait3A_230 : memref<1x8x1x8x128xf32, #tpu.memory_space<hbm>> -> memref<8x8x128xf32, #tpu.memory_space<hbm>>
    %dma_wait3A_232 = arith.constant 0 : i32
    %dma_wait3A_233 = arith.constant 0 : i32
    %dma_wait3A_234 = arith.constant 0 : i32
    %dma_wait3A_235 = tpu.memref_slice %arg7[%dma_wait3A, %dma_wait3A_232, %dma_wait3A_233, %dma_wait3A_234] : memref<2x8x8x128xf32, #tpu.memory_space<vmem>> -> memref<1x8x8x128xf32, #tpu.memory_space<vmem>>
    %dma_wait3A_236 = tpu.memref_squeeze %dma_wait3A_235 : memref<1x8x8x128xf32, #tpu.memory_space<vmem>> -> memref<8x8x128xf32, #tpu.memory_space<vmem>>
    tpu.wait_dma2 semaphore(%dma_wait3A_226 : memref<!tpu.dma_semaphore, #tpu.memory_space<semaphore_mem>>) src(%dma_wait3A_236 : memref<8x8x128xf32, #tpu.memory_space<vmem>>) dst(%dma_wait3A_231 : memref<8x8x128xf32, #tpu.memory_space<hbm>>)
    %dma_wait3A_237 = arith.constant 1 : i32
    %dma_wait3A_238 = arith.constant 199 : i32
    %dma_wait3A_239 = arith.constant 1 : i32
    %dma_wait3A_240 = arith.constant 0 : i32
    %dma_wait3A_241 = arith.constant 0 : i32
    %dma_wait3A_242 = arith.constant 0 : i32
    %dma_wait3A_243 = tpu.memref_slice %arg7[%dma_wait3A_237, %dma_wait3A_240, %dma_wait3A_241, %dma_wait3A_242] : memref<2x8x8x128xf32, #tpu.memory_space<vmem>> -> memref<1x8x8x128xf32, #tpu.memory_space<vmem>>
    %dma_wait3A_244 = tpu.memref_squeeze %dma_wait3A_243 : memref<1x8x8x128xf32, #tpu.memory_space<vmem>> -> memref<8x8x128xf32, #tpu.memory_space<vmem>>
    %dma_wait3A_245 = arith.constant 0 : i32
    %dma_wait3A_246 = arith.constant 0 : i32
    %dma_wait3A_247 = arith.constant 0 : i32
    %dma_wait3A_248 = tpu.memref_slice %arg4[%dma_wait3A_238, %dma_wait3A_245, %add3A, %dma_wait3A_246, %dma_wait3A_247] : memref<200x8x32x8x128xf32, #tpu.memory_space<hbm>> -> memref<1x8x1x8x128xf32, #tpu.memory_space<hbm>>
    %dma_wait3A_249 = tpu.memref_squeeze %dma_wait3A_248 : memref<1x8x1x8x128xf32, #tpu.memory_space<hbm>> -> memref<8x8x128xf32, #tpu.memory_space<hbm>>
    %dma_wait3A_250 = tpu.memref_slice %arg8[%dma_wait3A_239] : memref<2x!tpu.dma_semaphore, #tpu.memory_space<semaphore_mem>> -> memref<1x!tpu.dma_semaphore, #tpu.memory_space<semaphore_mem>>
    %dma_wait3A_251 = tpu.memref_squeeze %dma_wait3A_250 : memref<1x!tpu.dma_semaphore, #tpu.memory_space<semaphore_mem>> -> memref<!tpu.dma_semaphore, #tpu.memory_space<semaphore_mem>>
    %dma_wait3A_252 = arith.constant 0 : i32
    %dma_wait3A_253 = arith.constant 0 : i32
    %dma_wait3A_254 = arith.constant 0 : i32
    %dma_wait3A_255 = tpu.memref_slice %arg4[%dma_wait3A_238, %dma_wait3A_252, %add3A, %dma_wait3A_253, %dma_wait3A_254] : memref<200x8x32x8x128xf32, #tpu.memory_space<hbm>> -> memref<1x8x1x8x128xf32, #tpu.memory_space<hbm>>
    %dma_wait3A_256 = tpu.memref_squeeze %dma_wait3A_255 : memref<1x8x1x8x128xf32, #tpu.memory_space<hbm>> -> memref<8x8x128xf32, #tpu.memory_space<hbm>>
    %dma_wait3A_257 = arith.constant 0 : i32
    %dma_wait3A_258 = arith.constant 0 : i32
    %dma_wait3A_259 = arith.constant 0 : i32
    %dma_wait3A_260 = tpu.memref_slice %arg7[%dma_wait3A_237, %dma_wait3A_257, %dma_wait3A_258, %dma_wait3A_259] : memref<2x8x8x128xf32, #tpu.memory_space<vmem>> -> memref<1x8x8x128xf32, #tpu.memory_space<vmem>>
    %dma_wait3A_261 = tpu.memref_squeeze %dma_wait3A_260 : memref<1x8x8x128xf32, #tpu.memory_space<vmem>> -> memref<8x8x128xf32, #tpu.memory_space<vmem>>
    tpu.wait_dma2 semaphore(%dma_wait3A_251 : memref<!tpu.dma_semaphore, #tpu.memory_space<semaphore_mem>>) src(%dma_wait3A_261 : memref<8x8x128xf32, #tpu.memory_space<vmem>>) dst(%dma_wait3A_256 : memref<8x8x128xf32, #tpu.memory_space<hbm>>)
    return
  }
}

</mosaic_0001>

<sc_bundles>
// kernel: kernel.3.cloned.1.call-start
scs
__scs_entry_jumppad:
0x0: {  	(pc) =	sbr.rel $0x88, $3  }
0x1: {  	(tag) =	ssettag $0x0;
	lr =	simm.s32 $0x1  }
0x2: {  	[smem:$0x3F9F] =	sst lr;
	_ =	strace $0xD0000000  }
0x3: {  	_ = 	snop  }
0x4: {  	_ = 	snop  }
0x5: {  	_ = 	snop  }
0x6: {  	_ = 	snop  }
0x7: {  	_ = 	snop  }
__scs_overlays_trampoline_lowered:
0x8: {  	[smem:$0x3FAE] =	sst s0  }
0x9: {  	[smem:$0x3FAF] =	sst s1  }
0xa: {  	[smem:$0x3FB0] =	sst s2  }
0xb: {  	[smem:$0x3FB1] =	sst s3  }
0xc: {  	[smem:$0x3FB2] =	sst s4  }
0xd: {  	[smem:$0x3FB3] =	sst s5  }
0xe: {  	[smem:$0x3FB4] =	sst s6  }
0xf: {  	[smem:$0x3FB5] =	sst s7  }
0x10: {  	[smem:$0x3FB6] =	sst s8  }
0x11: {  	[smem:$0x3FB7] =	sst s9;
	s0 =	simm.s32 @!p0 $0x0  }
0x12: {  	s1 =	sld [smem:$0x3F9D];
	s0 =	simm.s32 @p0 $0x1  }
0x13: {  	[smem:$0x3FB8] =	sst s0;
	s0 =	simm.s32 @!p1 $0x0  }
0x14: {  	s2 =	sld [smem:$0x3F9C];
	s0 =	simm.s32 @p1 $0x1  }
0x15: {  	[smem:$0x3FB9] =	sst s0;
	s0 =	simm.s32 @!p2 $0x0  }
0x16: {  	s3 =	sld [smem:$0x3FDB];
	s0 =	simm.s32 @p2 $0x1  }
0x17: {  	s4 =	simm.s32 $0x1BF5;
	[smem:$0x3FBB] =	sst s0  }
0x18: {  	s0 =	sld [smem:$0x3F9E];
	_ =	swait.ge [sflag:s4], $0x0  }
0x19: {  	s7 =	sld [smem:$0x3F9F]  }
0x1a: {  	s8 =	sadd.s32 $0xFFFFE003, lr  }
0x1b: {  	s9 =	sadd.s32 $0xFFFFFEF7, lr;
	s5 =	simm.s32 $0xFFFFFFFF;
	p2 =	slt.u32 s8, $0xFFFFF086  }
0x1c: {  	p1 =	slt.u32 s9, $0xF7A;
	s5 =	simm.s32 @!p2 $0x0  }
0x1d: {  	s5 =	simm.s32 @p1 $0x1;
	p0 =	seq.s32 s7, s2  }
0x1e: {  	s7 =	smul.u32 @!p0 $0xF7A, s2;
	p2 =	seq.s32 @!p0 s5, $0x0  }
0x1f: {  	s9 =	smul.u32 $0xF7A, s1;
	s8 =	simm.s32 @!p0 $0x1BF5;
	p2 =	por !p2, p0  }
0x20: {  	[sflag:s8] =	ssyncset.s32 @!p0 $0xFFFFF086;
	s6 =	sadd.s32 @!p0 s3, s7;
	s7 =	simm.s32 @!p0 $0x108  }
0x21: {  	s3 =	sadd.s32 s3, s9;
	s6 =	sadd.s32 @!p0 $0x88, s6;
	s7 =	simm.s32 @p2 $0x1082  }
0x22: {  	[simem:s7], [sflag:s8] =	dma.local @!p0 [hbm:s6], $0xF7A  }
0x23: {  	s9 =	sor.u32 $0xD0000000, s2;
	s6 =	simm.s32 $0x108;
	_ =	swait.ge @!p0 [sflag:s8], $0x0  }
0x24: {  	s3 =	sadd.s32 $0x88, s3;
	s6 =	simm.s32 @!p1 $0x1082;
	[sflag:s4] =	ssyncset.s32 $0xFFFFF086  }
0x25: {  	[simem:s6], [sflag:s4] =	dma.local [hbm:s3], $0xF7A  }
0x26: {  	[smem:$0x3F9F] =	sst s1;
	(tag) =	ssettag s2;
	_ =	strace s9  }
0x27: {  	s1 =	sld [smem:$0x3FAF]  }
0x28: {  	s2 =	sld [smem:$0x3FB0]  }
0x29: {  	s4 =	sld [smem:$0x3FB2]  }
0x2a: {  	p0 =	seq.s32 s5, $0x0;
	s5 =	sld [smem:$0x3FB3]  }
0x2b: {  	s6 =	sld [smem:$0x3FB4]  }
0x2c: {  	s7 =	sld [smem:$0x3FB5]  }
0x2d: {  	s3 =	simm.s32 $0x108;
	s8 =	sld [smem:$0x3FB6]  }
0x2e: {  	s3 =	simm.s32 @!p0 $0x1082;
	s9 =	sld [smem:$0x3FB7]  }
0x2f: {  	lr =	sadd.s32 s0, s3;
	s0 =	sld [smem:$0x3FAE]  }
0x30: {  	s3 =	sld [smem:$0x3FB1]  }
0x31: {  	[smem:$0x3FBA] =	sst s10  }
0x32: {  	s10 =	sld [smem:$0x3FB8];
	_ =	sdelay $0x3  }
0x33: {  	p0 =	seq.s32 s10, $0x1;
	s10 =	sld [smem:$0x3FBA];
	_ =	sdelay $0x3  }
0x34: {  	[smem:$0x3FBA] =	sst s10  }
0x35: {  	s10 =	sld [smem:$0x3FB9];
	_ =	sdelay $0x3  }
0x36: {  	p1 =	seq.s32 s10, $0x1;
	s10 =	sld [smem:$0x3FBA];
	_ =	sdelay $0x3  }
0x37: {  	[smem:$0x3FBA] =	sst s10  }
0x38: {  	s10 =	sld [smem:$0x3FBB]  }
0x39: {  	_ = 	snop;
	(pc) =	sbr.ind lr, $3  }
0x3a: {  	_ = 	snop  }
0x3b: {  	_ = 	snop  }
0x3c: {  	p2 =	seq.s32 s10, $0x1;
	s10 =	sld [smem:$0x3FBA]  }
0x3d: {  	_ =	shalt  }
0x3e: {  	_ =	shalt  }
0x3f: {  	_ =	shalt  }
0x40: {  	_ =	shalt  }
0x41: {  	_ =	shalt  }
0x42: {  	_ =	shalt  }
0x43: {  	_ =	shalt  }
0x44: {  	_ =	shalt  }
0x45: {  	_ =	shalt  }
0x46: {  	_ =	shalt  }
0x47: {  	_ =	shalt  }
0x48: {  	_ =	shalt  }
0x49: {  	_ =	shalt  }
0x4a: {  	_ =	shalt  }
0x4b: {  	_ =	shalt  }
0x4c: {  	_ =	shalt  }
0x4d: {  	_ =	shalt  }
0x4e: {  	_ =	shalt  }
0x4f: {  	_ =	shalt  }
0x50: {  	_ =	shalt  }
0x51: {  	_ =	shalt  }
0x52: {  	_ =	shalt  }
0x53: {  	_ =	shalt  }
0x54: {  	_ =	shalt  }
0x55: {  	_ =	shalt  }
0x56: {  	_ =	shalt  }
0x57: {  	_ =	shalt  }
0x58: {  	_ =	shalt  }
0x59: {  	_ =	shalt  }
0x5a: {  	_ =	shalt  }
0x5b: {  	_ =	shalt  }
0x5c: {  	_ =	shalt  }
0x5d: {  	_ =	shalt  }
0x5e: {  	_ =	shalt  }
0x5f: {  	_ =	shalt  }
0x60: {  	_ =	shalt  }
0x61: {  	_ =	shalt  }
0x62: {  	_ =	shalt  }
0x63: {  	_ =	shalt  }
0x64: {  	_ =	shalt  }
0x65: {  	_ =	shalt  }
0x66: {  	_ =	shalt  }
0x67: {  	_ =	shalt  }
0x68: {  	_ =	shalt  }
0x69: {  	_ =	shalt  }
0x6a: {  	_ =	shalt  }
0x6b: {  	_ =	shalt  }
0x6c: {  	_ =	shalt  }
0x6d: {  	_ =	shalt  }
0x6e: {  	_ =	shalt  }
0x6f: {  	_ =	shalt  }
0x70: {  	_ =	shalt  }
0x71: {  	_ =	shalt  }
0x72: {  	_ =	shalt  }
0x73: {  	_ =	shalt  }
0x74: {  	_ =	shalt  }
0x75: {  	_ =	shalt  }
0x76: {  	_ =	shalt  }
0x77: {  	_ =	shalt  }
0x78: {  	_ =	shalt  }
0x79: {  	_ =	shalt  }
0x7a: {  	_ =	shalt  }
0x7b: {  	_ =	shalt  }
0x7c: {  	_ =	shalt  }
0x7d: {  	_ =	shalt  }
0x7e: {  	_ =	shalt  }
0x7f: {  	_ =	shalt  }
0x80: {  	_ =	shalt  }
0x81: {  	_ =	shalt  }
0x82: {  	_ =	shalt  }
0x83: {  	_ =	shalt  }
0x84: {  	_ =	shalt  }
0x85: {  	_ =	shalt  }
0x86: {  	_ =	shalt  }
0x87: {  	_ =	shalt  }
.Lfunc_end0:
.L_simem_size_0:
called_computation_lowered:
.L_overlay_start_0:
0x88: {  	s2 =	sld [smem:$0x3FD9]  }
0x89: {  	s3 =	sld [smem:$0x3FFE];
	_ =	sdelay $0x1  }
0x8a: {  	s1 =	srdreg.scid  }
0x8b: {  	s0 =	sand.u32 $0x1, s1  }
0x8c: {  	s17 =	sshll.u32 s0, $0xA;
	s2 =	sadd.s32 s3, s2  }
0x8d: {  	s2 =	sadd.s32 s2, s17  }
0x8e: {  	[smem:$0x3FC6] =	sst s2  }
0x8f: {  	_ = 	snop  }
0x90: {  	s2 =	sld [smem:$0x3FD0];
	(tm) =	ssettm $0x1  }
0x91: {  	s18 =	sld [smem:$0x3FFB];
	_ =	sdelay $0x3  }
0x92: {  	_ =	strace s18  }
0x93: {  	s3 =	sld [smem:$0x3FFC];
	_ =	sdelay $0x3  }
0x94: {  	_ =	strace s3  }
0x95: {  	s3 =	sld [smem:$0x3FFD];
	_ =	sdelay $0x3  }
0x96: {  	_ =	strace s3  }
0x97: {  	_ =	strace $0x8FFFFFFF  }
0x98: {  	s19 =	sld [smem:$0x3FDB];
	_ =	sdelay $0x1  }
0x99: {  	s4 =	simm.s32 $_scs_section_size  }
0x9a: {  	s5 =	simm.s32 $_size__tile_overlayer_lowered;
	s6 =	simm.s32 $_tile_overlayer_lowered  }
0x9b: {  	s22 =	simm.s32 $0x1BFF;
	s21 =	sshll.u32 s6, $0x1;
	s3 =	sadd.s32 s4, s19  }
0x9c: {  	s7 =	simm.s32 $0x0;
	s20 =	sshll.u32 s5, $0x1;
	s5 =	sadd.s32 s21, s3  }
0x9d: {  	[timem:s7], [sflag:s22] =	dma.local [hbm:s5], s20  }
0x9e: {  	_ =	swait.ge [sflag:s22], s20  }
0x9f: {  	s4 =	ssub.s32 $0x0, s20;
	[sflag:s22] =	ssyncset.done $0x0  }
0xa0: {  	[sflag:s22] =	ssyncadd.s32 s4;
	_ =	sdelay $0x1  }
0xa1: {  	s23 =	simm.s32 $0x1B8B  }
0xa2: {  	_ =	swait.ge [sflag:s23], $0x1  }
0xa3: {  	[sflag:s23] =	ssyncset.done $0x0  }
0xa4: {  	s25 =	simm.s32 $0x1B8E;
	s24 =	sld [smem:$0x3FFE];
	[sflag:s23] =	ssyncadd.s32 $0xFFFFFFFF  }
0xa5: {  	s26 =	simm.s32 $execute0_lowered;
	[smem:$0x3FD2] =	sst s25  }
0xa6: {  	s5 =	sshll.u32 s26, $0x1;
	_ =	strace $0x80000046;
	[dreg:$0x1] =	wrdreg $0xFFFFFFFF  }
0xa7: {  	s28 =	simm.s32 $_size_execute0_lowered;
	s3 =	sadd.s32 s3, s5;
	[dreg:$0x0] =	wrdreg $0x0  }
0xa8: {  	s5 =	sshll.u32 s28, $0x1;
	[dreg:$0x2] =	wrdreg s3  }
0xa9: {  	[dreg:$0x3] =	wrdreg s5  }
0xaa: {  	[dreg:$0x4] =	wrdreg $0xC0  }
0xab: {  	_ =	task [dreg:s7], $0x5FFFF  }
0xac: {  	[dreg:$0x1] =	wrdreg $0xFFFFFFFF  }
0xad: {  	[dreg:$0x0] =	wrdreg $0x60  }
0xae: {  	[dreg:$0x2] =	wrdreg s24  }
0xaf: {  	[dreg:$0x3] =	wrdreg s2  }
0xb0: {  	[dreg:$0x4] =	wrdreg $0x9  }
0xb1: {  	_ =	task.clear_ibuf [dreg:s7], $0x5FFFF;
	_ =	strace $0x90000046  }
0xb2: {  	s29 =	simm.s32 $0x9;
	_ =	strace $0x80000048  }
0xb3: {  	_ =	swait.ge [sflag:s29], $0x1  }
0xb4: {  	[sflag:s29] =	ssyncadd.s32 $0xFFFFFFFF  }
0xb5: {  	_ =	strace $0x90000048  }
0xb6: {  	_ =	sfence  }
0xb7: {  	s30 =	sld [smem:$0x0];
	_ =	sdelay $0x2  }
0xb8: {  	s31 =	sshll.u32 s1, $0xD;
	s1 =	sshrl.u32 s1, $0x2  }
0xb9: {  	s3 =	sand.u32 $0x4000, s31;
	s1 =	sadd.s32 s1, s30  }
0xba: {  	s0 =	sor.u32 s3, s0;
	s1 =	sshll.u32 s1, $0x11  }
0xbb: {  	s0 =	sor.u32 s1, s0  }
0xbc: {  	s0 =	sadd.s32 $0x8F2B, s0  }
0xbd: {  	[sflag:s0] =	ssyncadd.remote.s32 $0x1  }
0xbe: {  	_ =	sfence.sel $0xFFFF  }
0xbf: {  	[dreg:$0x0] =	wrdreg $0xFFFFFFFF;
	(pc) =	sbr.abs _section_cstart, $3  }
0xc0: {  	[dreg:$0x1] =	wrdreg $0xFFFFFFFF  }
0xc1: {  	_ =	task.clear_ibuf [dreg:s7], $0x2FFFF;
	_ =	strace $0x9FFFFFFF  }
0xc2: {  	(tm) =	ssettm $0x7FFFFFFF  }
0xc3: {  	_ =	shalt  }
tec
execute0_lowered:
.L_overlay_start_1:
0x0: {  	(tag) =	ssettag $0x1  }
0x1: {  	s5 =	rddreg [dreg:$0x0];
	s1 =	srdreg.scid  }
0x2: {  	s0 =	stileid.u32;
	s2 =	rddreg [dreg:$0x1];
	s3 =	simm.s32 $0x0  }
0x3: {  	s11 =	simm.s32 $0x10400;
	s12 =	simm.s32 $0x400;
	s13 =	simm.s32 $0x8000  }
0x4: {  	s14 =	simm.s32 $0x16800;
	s15 =	simm.s32 $0x18800;
	s16 =	simm.s32 $0x1  }
0x5: {  	s17 =	simm.s32 $0x2;
	s6 =	sand.u32 $0x1, s1;
	s1 =	rddreg [dreg:$0x2]  }
0x6: {  	s18 =	simm.s32 $0x0;
	s4 =	sshll.u32 s0, $0x1;
	[smem:$0x7FF] =	sst s3  }
0x7: {  	s7 =	sor.u32 s6, s4;
	_ =	strace $0x80000047;
	s6 =	ssub.s32 $0x2, s6  }
0x8: {  	s8 =	smul.u32 $0xC80, s7;
	s31 =	sshrl.u32 s6, $0x1;
	s9 =	sshll.u32 s7, $0x7  }
0x9: {  	s4 =	sadd.s32 $0x600, s5;
	s10 =	ssub.s32 s6, s31;
	s6 =	sadd.s32 s2, s9  }
0xa: {  	s7 =	sshll.u32 s7, $0xA;
	s5 =	sadd.s32 s8, s5;
	s8 =	sadd.s32 $0x8000, s6  }
0xb: {  	s9 =	smax.u32 s10, $0x1;
	s10 =	simm.s32 $0x3;
	s5 =	sadd.s32 $0x2800, s5  }
.LBB2_1:
0xc: {  	[tilespmem:s3], [sflag:$0x3] =	stream.linear.gather [hbm4b:s4+s3], $0x10400, $0x38;
	[tilespmem:$0x1A800] =	vst v63  }
0xd: {  	_ =	swait.ge [sflag:s10], $0x10400  }
0xe: {  	[sflag:s10] =	ssyncset.done $0x0  }
0xf: {  	[sflag:s10] =	ssyncadd.s32 $0xFFFEFC00  }
0x10: {  	[tilespmem:s11], [sflag:$0x3] =	stream.linear.gather [hbm4b:s5+s3], $0x6400, $0x38;
	[tilespmem:$0x1A800] =	vst v63  }
0x11: {  	_ =	swait.ge [sflag:s10], $0x6400  }
0x12: {  	[sflag:s10] =	ssyncset.done $0x0  }
0x13: {  	[sflag:s10] =	ssyncadd.s32 $0xFFFF9C00  }
0x14: {  	v0 =	vld [tilespmem:$0x10400];
	_ =	sdelay $0x4  }
0x15: {  	v0 =	vmul.u32 $0x41, v0  }
0x16: {  	s19 =	simm.s32 $0x7  }
0x17: {  	s20 =	simm.s32 $0x1;
	v1 =	vadd.s32 s19, v0  }
0x18: {  	s21 =	simm.s32 $0x3;
	v2 =	vadd.s32 s20, v0  }
0x19: {  	s22 =	simm.s32 $0x4;
	v4 =	vadd.s32 s21, v0  }
0x1a: {  	s20 =	simm.s32 $0x2;
	v5 =	vadd.s32 s22, v0  }
0x1b: {  	s23 =	simm.s32 $0x5;
	v3 =	vadd.s32 s20, v0  }
0x1c: {  	s24 =	simm.s32 $0x6;
	v6 =	vadd.s32 s23, v0;
	v1 =	vld.idx.msk [tilespmem:v1+s3+$0x0], $0xffff  }
0x1d: {  	s25 =	simm.s32 $0xF;
	v7 =	vadd.s32 s24, v0;
	v2 =	vld.idx.msk [tilespmem:v2+s3+$0x0], $0xffff  }
0x1e: {  	v11 =	vadd.s32 s25, v0;
	v12 =	vld.idx.msk [tilespmem:v4+s3+$0x0], $0xffff  }
0x1f: {  	s28 =	simm.s32 $0xA;
	v8 =	vadd.s32 s3, v0;
	v14 =	vld.idx.msk [tilespmem:v5+s3+$0x0], $0xffff  }
0x20: {  	s26 =	simm.s32 $0x9;
	v15 =	vadd.s32 s28, v0;
	v9 =	vld.idx.msk [tilespmem:v3+s3+$0x0], $0xffff  }
0x21: {  	s29 =	simm.s32 $0xB;
	v13 =	vadd.s32 s26, v0;
	s19 =	simm.s32 $0x16A00;
	v5 =	vld.idx.msk [tilespmem:v6+s3+$0x0], $0xffff  }
0x22: {  	s30 =	simm.s32 $0xC;
	v10 =	vadd.s32 s29, v0;
	v4 =	vld.idx.msk [tilespmem:v7+s3+$0x0], $0xffff;
	[tilespmem:s19+$0x180] =	vst v1  }
0x23: {  	s21 =	simm.s32 $0xD;
	[tilespmem:s19+$0xFFFFFE80] =	vst v2;
	v1 =	vld.idx.msk [tilespmem:v11+s3+$0x0], $0xffff;
	v11 =	vadd.s32 s30, v0  }
0x24: {  	s31 =	simm.s32 $0xE;
	v3 =	vld.idx.msk [tilespmem:v8+s3+$0x0], $0xffff;
	v8 =	vadd.s32 s21, v0;
	[tilespmem:s19+$0xFFFFFF80] =	vst v12  }
0x25: {  	s23 =	simm.s32 $0x8;
	v6 =	vld.idx.msk [tilespmem:v15+s3+$0x0], $0xffff;
	[tilespmem:s19+$0xFFFFFF00] =	vst v9;
	v9 =	vadd.s32 s31, v0  }
0x26: {  	s22 =	simm.s32 $0x17;
	s20 =	simm.s32 $0x10;
	v7 =	vadd.s32 s23, v0;
	s21 =	simm.s32 $0x18;
	v2 =	vld.idx.msk [tilespmem:v13+s3+$0x0], $0xffff;
	[tilespmem:s19+$0x0] =	vst v14  }
.LBB2_2:
0x27: {  	p0 =	slt.u32 s21, $0x38;
	s23 =	sadd.s32 $0x1, s20;
	v12 =	vadd.s32 s22, v0;
	v13 =	vld.idx.msk [tilespmem:v10+s3+$0x0], $0xffff;
	[tilespmem:s19+$0x80] =	vst v5  }
0x28: {  	s22 =	sadd.s32 $0x2, s20;
	v14 =	vadd.s32 s23, v0;
	v15 =	vld.idx.msk [tilespmem:v11+s3+$0x0], $0xffff;
	[tilespmem:s19+$0x100] =	vst v4  }
0x29: {  	v16 =	vadd.s32 s22, v0;
	s22 =	sadd.s32 $0x3, s20;
	v5 =	vld.idx.msk [tilespmem:v8+s3+$0x0], $0xffff;
	[tilespmem:s19+$0xFFFFFE00] =	vst v3;
	s19 =	sadd.s32 $0x400, s19  }
.Ltmp0:
0x2a: {  	v10 =	vadd.s32 s22, v0;
	s22 =	sadd.s32 $0x4, s20;
	v4 =	vld.idx.msk [tilespmem:v9+s3+$0x0], $0xffff;
	[tilespmem:s19+$0x180] =	vst v1;
	(pc) =	sbr.rel @p0 .LBB2_2-.Ltmp0, $4  }
0x2b: {  	v11 =	vadd.s32 s22, v0;
	s22 =	sadd.s32 $0x5, s20;
	v3 =	vld.idx.msk [tilespmem:v7+s3+$0x0], $0xffff;
	[tilespmem:s19+$0xFFFFFE80] =	vst v2  }
0x2c: {  	v8 =	vadd.s32 s22, v0;
	s22 =	sadd.s32 $0x6, s20;
	v1 =	vld.idx.msk [tilespmem:v12+s3+$0x0], $0xffff;
	[tilespmem:s19+$0xFFFFFF00] =	vst v6  }
0x2d: {  	v9 =	vadd.s32 s22, v0;
	v2 =	vld.idx.msk [tilespmem:v14+s3+$0x0], $0xffff;
	[tilespmem:s19+$0xFFFFFF80] =	vst v13  }
0x2e: {  	v7 =	vadd.s32 s20, v0;
	s20 =	smov.u32 s21;
	s22 =	sadd.s32 $0x7, s21;
	s21 =	sadd.s32 $0x8, s21;
	v6 =	vld.idx.msk [tilespmem:v16+s3+$0x0], $0xffff;
	[tilespmem:s19+$0x0] =	vst v15  }
0x2f: {  	_ =	sdelay $0x2  }
0x30: {  	[tilespmem:s19+$0x80] =	vst v5  }
0x31: {  	s21 =	sadd.s32 $0x1, s20;
	v5 =	vadd.s32 s22, v0;
	v10 =	vld.idx.msk [tilespmem:v10+s3+$0x0], $0xffff;
	[tilespmem:s19+$0x100] =	vst v4  }
0x32: {  	s31 =	sadd.s32 $0x2, s20;
	v11 =	vld.idx.msk [tilespmem:v11+s3+$0x0], $0xffff;
	s22 =	sadd.s32 $0x400, s19;
	v4 =	vadd.s32 s21, v0;
	[tilespmem:s19+$0xFFFFFE00] =	vst v3  }
0x33: {  	s23 =	sadd.s32 $0x3, s20;
	v8 =	vld.idx.msk [tilespmem:v8+s3+$0x0], $0xffff;
	v3 =	vadd.s32 s31, v0;
	[tilespmem:s22+$0x180] =	vst v1  }
0x34: {  	s24 =	sadd.s32 $0x4, s20;
	v9 =	vld.idx.msk [tilespmem:v9+s3+$0x0], $0xffff;
	v1 =	vadd.s32 s23, v0;
	[tilespmem:s22+$0xFFFFFE80] =	vst v2  }
0x35: {  	s25 =	sadd.s32 $0x5, s20;
	v7 =	vld.idx.msk [tilespmem:v7+s3+$0x0], $0xffff;
	v2 =	vadd.s32 s24, v0;
	[tilespmem:s22+$0xFFFFFF00] =	vst v6  }
0x36: {  	s26 =	sadd.s32 $0x6, s20;
	v6 =	vadd.s32 s25, v0;
	v5 =	vld.idx.msk [tilespmem:v5+s3+$0x0], $0xffff;
	[tilespmem:s22+$0xFFFFFF80] =	vst v10  }
0x37: {  	v10 =	vadd.s32 s26, v0;
	[tilespmem:s22+$0x0] =	vst v11;
	v4 =	vld.idx.msk [tilespmem:v4+s3+$0x0], $0xffff  }
0x38: {  	v0 =	vadd.s32 s20, v0;
	[tilespmem:s22+$0x80] =	vst v8;
	v3 =	vld.idx.msk [tilespmem:v3+s3+$0x0], $0xffff  }
0x39: {  	[tilespmem:s22+$0x100] =	vst v9;
	v1 =	vld.idx.msk [tilespmem:v1+s3+$0x0], $0xffff  }
0x3a: {  	s19 =	sadd.s32 $0x400, s22;
	[tilespmem:s22+$0xFFFFFE00] =	vst v7;
	v2 =	vld.idx.msk [tilespmem:v2+s3+$0x0], $0xffff  }
0x3b: {  	v6 =	vld.idx.msk [tilespmem:v6+s3+$0x0], $0xffff;
	[tilespmem:s19+$0x180] =	vst v5  }
0x3c: {  	v5 =	vld.idx.msk [tilespmem:v10+s3+$0x0], $0xffff;
	[tilespmem:s19+$0xFFFFFE80] =	vst v4  }
0x3d: {  	v0 =	vld.idx.msk [tilespmem:v0+s3+$0x0], $0xffff;
	[tilespmem:s19+$0xFFFFFF00] =	vst v3  }
0x3e: {  	[tilespmem:s19+$0xFFFFFF80] =	vst v1  }
0x3f: {  	[tilespmem:s19+$0x0] =	vst v2  }
0x40: {  	[tilespmem:s19+$0x80] =	vst v6  }
0x41: {  	[tilespmem:s19+$0x100] =	vst v5  }
0x42: {  	[tilespmem:s19+$0xFFFFFE00] =	vst v0  }
0x43: {  	v0 =	vld [tilespmem:$0x10410];
	_ =	sdelay $0x4  }
0x44: {  	v0 =	vmul.u32 $0x41, v0  }
0x45: {  	s28 =	simm.s32 $0x7  }
0x46: {  	s29 =	simm.s32 $0x1;
	v1 =	vadd.s32 s28, v0  }
0x47: {  	s30 =	simm.s32 $0x2;
	v2 =	vadd.s32 s29, v0  }
0x48: {  	s31 =	simm.s32 $0x3;
	v3 =	vadd.s32 s30, v0  }
0x49: {  	s20 =	simm.s32 $0x4;
	v4 =	vadd.s32 s31, v0  }
0x4a: {  	s21 =	simm.s32 $0x5;
	v5 =	vadd.s32 s20, v0  }
0x4b: {  	s22 =	simm.s32 $0x6;
	v6 =	vadd.s32 s21, v0;
	v1 =	vld.idx.msk [tilespmem:v1+s3+$0x0], $0xffff  }
0x4c: {  	s24 =	simm.s32 $0xF;
	v7 =	vadd.s32 s22, v0;
	v2 =	vld.idx.msk [tilespmem:v2+s3+$0x0], $0xffff  }
0x4d: {  	s23 =	simm.s32 $0x0;
	v11 =	vadd.s32 s24, v0;
	v9 =	vld.idx.msk [tilespmem:v3+s3+$0x0], $0xffff  }
0x4e: {  	s26 =	simm.s32 $0xA;
	v8 =	vadd.s32 s23, v0;
	v12 =	vld.idx.msk [tilespmem:v4+s3+$0x0], $0xffff  }
0x4f: {  	s25 =	simm.s32 $0x9;
	v15 =	vadd.s32 s26, v0;
	v14 =	vld.idx.msk [tilespmem:v5+s3+$0x0], $0xffff  }
0x50: {  	s19 =	simm.s32 $0x16A10;
	v13 =	vadd.s32 s25, v0;
	s28 =	simm.s32 $0xB;
	v5 =	vld.idx.msk [tilespmem:v6+s3+$0x0], $0xffff  }
0x51: {  	s29 =	simm.s32 $0xC;
	v10 =	vadd.s32 s28, v0;
	v4 =	vld.idx.msk [tilespmem:v7+s3+$0x0], $0xffff;
	[tilespmem:s19+$0x180] =	vst v1  }
0x52: {  	s30 =	simm.s32 $0xD;
	[tilespmem:s19+$0xFFFFFE80] =	vst v2;
	v1 =	vld.idx.msk [tilespmem:v11+s3+$0x0], $0xffff;
	v11 =	vadd.s32 s29, v0  }
0x53: {  	s31 =	simm.s32 $0xE;
	v3 =	vld.idx.msk [tilespmem:v8+s3+$0x0], $0xffff;
	v8 =	vadd.s32 s30, v0;
	[tilespmem:s19+$0xFFFFFF00] =	vst v9  }
0x54: {  	s23 =	simm.s32 $0x8;
	v6 =	vld.idx.msk [tilespmem:v15+s3+$0x0], $0xffff;
	[tilespmem:s19+$0xFFFFFF80] =	vst v12;
	v9 =	vadd.s32 s31, v0  }
0x55: {  	s20 =	simm.s32 $0x10;
	s22 =	simm.s32 $0x17;
	s21 =	simm.s32 $0x18;
	v7 =	vadd.s32 s23, v0;
	v2 =	vld.idx.msk [tilespmem:v13+s3+$0x0], $0xffff;
	[tilespmem:s19+$0x0] =	vst v14  }
.LBB2_4:
0x56: {  	p0 =	slt.u32 s21, $0x38;
	s23 =	sadd.s32 $0x1, s20;
	v12 =	vadd.s32 s22, v0;
	v13 =	vld.idx.msk [tilespmem:v10+s3+$0x0], $0xffff;
	[tilespmem:s19+$0x80] =	vst v5  }
0x57: {  	s22 =	sadd.s32 $0x2, s20;
	v14 =	vadd.s32 s23, v0;
	v15 =	vld.idx.msk [tilespmem:v11+s3+$0x0], $0xffff;
	[tilespmem:s19+$0x100] =	vst v4  }
0x58: {  	v16 =	vadd.s32 s22, v0;
	s22 =	sadd.s32 $0x3, s20;
	v5 =	vld.idx.msk [tilespmem:v8+s3+$0x0], $0xffff;
	[tilespmem:s19+$0xFFFFFE00] =	vst v3;
	s19 =	sadd.s32 $0x400, s19  }
.Ltmp1:
0x59: {  	v10 =	vadd.s32 s22, v0;
	s22 =	sadd.s32 $0x4, s20;
	v4 =	vld.idx.msk [tilespmem:v9+s3+$0x0], $0xffff;
	[tilespmem:s19+$0x180] =	vst v1;
	(pc) =	sbr.rel @p0 .LBB2_4-.Ltmp1, $4  }
0x5a: {  	v11 =	vadd.s32 s22, v0;
	s22 =	sadd.s32 $0x5, s20;
	v3 =	vld.idx.msk [tilespmem:v7+s3+$0x0], $0xffff;
	[tilespmem:s19+$0xFFFFFE80] =	vst v2  }
0x5b: {  	v8 =	vadd.s32 s22, v0;
	s22 =	sadd.s32 $0x6, s20;
	v1 =	vld.idx.msk [tilespmem:v12+s3+$0x0], $0xffff;
	[tilespmem:s19+$0xFFFFFF00] =	vst v6  }
0x5c: {  	v9 =	vadd.s32 s22, v0;
	v2 =	vld.idx.msk [tilespmem:v14+s3+$0x0], $0xffff;
	[tilespmem:s19+$0xFFFFFF80] =	vst v13  }
0x5d: {  	v7 =	vadd.s32 s20, v0;
	s20 =	smov.u32 s21;
	s22 =	sadd.s32 $0x7, s21;
	s21 =	sadd.s32 $0x8, s21;
	v6 =	vld.idx.msk [tilespmem:v16+s3+$0x0], $0xffff;
	[tilespmem:s19+$0x0] =	vst v15  }
0x5e: {  	_ =	sdelay $0x2  }
0x5f: {  	[tilespmem:s19+$0x80] =	vst v5  }
0x60: {  	s21 =	sadd.s32 $0x1, s20;
	v5 =	vadd.s32 s22, v0;
	v10 =	vld.idx.msk [tilespmem:v10+s3+$0x0], $0xffff;
	[tilespmem:s19+$0x100] =	vst v4  }
0x61: {  	s31 =	sadd.s32 $0x2, s20;
	v11 =	vld.idx.msk [tilespmem:v11+s3+$0x0], $0xffff;
	s22 =	sadd.s32 $0x400, s19;
	v4 =	vadd.s32 s21, v0;
	[tilespmem:s19+$0xFFFFFE00] =	vst v3  }
0x62: {  	s23 =	sadd.s32 $0x3, s20;
	v8 =	vld.idx.msk [tilespmem:v8+s3+$0x0], $0xffff;
	v3 =	vadd.s32 s31, v0;
	[tilespmem:s22+$0x180] =	vst v1  }
0x63: {  	s24 =	sadd.s32 $0x4, s20;
	v9 =	vld.idx.msk [tilespmem:v9+s3+$0x0], $0xffff;
	v1 =	vadd.s32 s23, v0;
	[tilespmem:s22+$0xFFFFFE80] =	vst v2  }
0x64: {  	s25 =	sadd.s32 $0x5, s20;
	v7 =	vld.idx.msk [tilespmem:v7+s3+$0x0], $0xffff;
	v2 =	vadd.s32 s24, v0;
	[tilespmem:s22+$0xFFFFFF00] =	vst v6  }
0x65: {  	s26 =	sadd.s32 $0x6, s20;
	v6 =	vadd.s32 s25, v0;
	v5 =	vld.idx.msk [tilespmem:v5+s3+$0x0], $0xffff;
	[tilespmem:s22+$0xFFFFFF80] =	vst v10  }
0x66: {  	v10 =	vadd.s32 s26, v0;
	[tilespmem:s22+$0x0] =	vst v11;
	v4 =	vld.idx.msk [tilespmem:v4+s3+$0x0], $0xffff  }
0x67: {  	v0 =	vadd.s32 s20, v0;
	[tilespmem:s22+$0x80] =	vst v8;
	v3 =	vld.idx.msk [tilespmem:v3+s3+$0x0], $0xffff  }
0x68: {  	[tilespmem:s22+$0x100] =	vst v9;
	v1 =	vld.idx.msk [tilespmem:v1+s3+$0x0], $0xffff  }
0x69: {  	s19 =	sadd.s32 $0x400, s22;
	[tilespmem:s22+$0xFFFFFE00] =	vst v7;
	v2 =	vld.idx.msk [tilespmem:v2+s3+$0x0], $0xffff  }
0x6a: {  	v6 =	vld.idx.msk [tilespmem:v6+s3+$0x0], $0xffff;
	[tilespmem:s19+$0x180] =	vst v5  }
0x6b: {  	v5 =	vld.idx.msk [tilespmem:v10+s3+$0x0], $0xffff;
	[tilespmem:s19+$0xFFFFFE80] =	vst v4  }
0x6c: {  	v0 =	vld.idx.msk [tilespmem:v0+s3+$0x0], $0xffff;
	[tilespmem:s19+$0xFFFFFF00] =	vst v3  }
0x6d: {  	[tilespmem:s19+$0xFFFFFF80] =	vst v1  }
0x6e: {  	[tilespmem:s19+$0x0] =	vst v2  }
0x6f: {  	[tilespmem:s19+$0x80] =	vst v6  }
0x70: {  	[tilespmem:s19+$0x100] =	vst v5  }
0x71: {  	[tilespmem:s19+$0xFFFFFE00] =	vst v0  }
0x72: {  	v0 =	vld [tilespmem:$0x10420];
	_ =	sdelay $0x4  }
0x73: {  	v0 =	vmul.u32 $0x41, v0  }
0x74: {  	s28 =	simm.s32 $0x7  }
0x75: {  	s29 =	simm.s32 $0x1;
	v1 =	vadd.s32 s28, v0  }
0x76: {  	s30 =	simm.s32 $0x2;
	v2 =	vadd.s32 s29, v0  }
0x77: {  	s31 =	simm.s32 $0x3;
	v3 =	vadd.s32 s30, v0  }
0x78: {  	s20 =	simm.s32 $0x4;
	v4 =	vadd.s32 s31, v0  }
0x79: {  	s21 =	simm.s32 $0x5;
	v5 =	vadd.s32 s20, v0  }
0x7a: {  	s22 =	simm.s32 $0x6;
	v6 =	vadd.s32 s21, v0;
	v1 =	vld.idx.msk [tilespmem:v1+s3+$0x0], $0xffff  }
0x7b: {  	s24 =	simm.s32 $0xF;
	v7 =	vadd.s32 s22, v0;
	v2 =	vld.idx.msk [tilespmem:v2+s3+$0x0], $0xffff  }
0x7c: {  	s23 =	simm.s32 $0x0;
	v11 =	vadd.s32 s24, v0;
	v9 =	vld.idx.msk [tilespmem:v3+s3+$0x0], $0xffff  }
0x7d: {  	s26 =	simm.s32 $0xA;
	v8 =	vadd.s32 s23, v0;
	v12 =	vld.idx.msk [tilespmem:v4+s3+$0x0], $0xffff  }
0x7e: {  	s25 =	simm.s32 $0x9;
	v15 =	vadd.s32 s26, v0;
	v14 =	vld.idx.msk [tilespmem:v5+s3+$0x0], $0xffff  }
0x7f: {  	s19 =	simm.s32 $0x16A20;
	v13 =	vadd.s32 s25, v0;
	s28 =	simm.s32 $0xB;
	v5 =	vld.idx.msk [tilespmem:v6+s3+$0x0], $0xffff  }
0x80: {  	s29 =	simm.s32 $0xC;
	v10 =	vadd.s32 s28, v0;
	v4 =	vld.idx.msk [tilespmem:v7+s3+$0x0], $0xffff;
	[tilespmem:s19+$0x180] =	vst v1  }
0x81: {  	s30 =	simm.s32 $0xD;
	[tilespmem:s19+$0xFFFFFE80] =	vst v2;
	v1 =	vld.idx.msk [tilespmem:v11+s3+$0x0], $0xffff;
	v11 =	vadd.s32 s29, v0  }
0x82: {  	s31 =	simm.s32 $0xE;
	v3 =	vld.idx.msk [tilespmem:v8+s3+$0x0], $0xffff;
	v8 =	vadd.s32 s30, v0;
	[tilespmem:s19+$0xFFFFFF00] =	vst v9  }
0x83: {  	s23 =	simm.s32 $0x8;
	v6 =	vld.idx.msk [tilespmem:v15+s3+$0x0], $0xffff;
	[tilespmem:s19+$0xFFFFFF80] =	vst v12;
	v9 =	vadd.s32 s31, v0  }
0x84: {  	s20 =	simm.s32 $0x10;
	s22 =	simm.s32 $0x17;
	s21 =	simm.s32 $0x18;
	v7 =	vadd.s32 s23, v0;
	v2 =	vld.idx.msk [tilespmem:v13+s3+$0x0], $0xffff;
	[tilespmem:s19+$0x0] =	vst v14  }
.LBB2_6:
0x85: {  	p0 =	slt.u32 s21, $0x38;
	s23 =	sadd.s32 $0x1, s20;
	v12 =	vadd.s32 s22, v0;
	v13 =	vld.idx.msk [tilespmem:v10+s3+$0x0], $0xffff;
	[tilespmem:s19+$0x80] =	vst v5  }
0x86: {  	s22 =	sadd.s32 $0x2, s20;
	v14 =	vadd.s32 s23, v0;
	v15 =	vld.idx.msk [tilespmem:v11+s3+$0x0], $0xffff;
	[tilespmem:s19+$0x100] =	vst v4  }
0x87: {  	v16 =	vadd.s32 s22, v0;
	s22 =	sadd.s32 $0x3, s20;
	v5 =	vld.idx.msk [tilespmem:v8+s3+$0x0], $0xffff;
	[tilespmem:s19+$0xFFFFFE00] =	vst v3;
	s19 =	sadd.s32 $0x400, s19  }
.Ltmp2:
0x88: {  	v10 =	vadd.s32 s22, v0;
	s22 =	sadd.s32 $0x4, s20;
	v4 =	vld.idx.msk [tilespmem:v9+s3+$0x0], $0xffff;
	[tilespmem:s19+$0x180] =	vst v1;
	(pc) =	sbr.rel @p0 .LBB2_6-.Ltmp2, $4  }
0x89: {  	v11 =	vadd.s32 s22, v0;
	s22 =	sadd.s32 $0x5, s20;
	v3 =	vld.idx.msk [tilespmem:v7+s3+$0x0], $0xffff;
	[tilespmem:s19+$0xFFFFFE80] =	vst v2  }
0x8a: {  	v8 =	vadd.s32 s22, v0;
	s22 =	sadd.s32 $0x6, s20;
	v1 =	vld.idx.msk [tilespmem:v12+s3+$0x0], $0xffff;
	[tilespmem:s19+$0xFFFFFF00] =	vst v6  }
0x8b: {  	v9 =	vadd.s32 s22, v0;
	v2 =	vld.idx.msk [tilespmem:v14+s3+$0x0], $0xffff;
	[tilespmem:s19+$0xFFFFFF80] =	vst v13  }
0x8c: {  	v7 =	vadd.s32 s20, v0;
	s20 =	smov.u32 s21;
	s22 =	sadd.s32 $0x7, s21;
	s21 =	sadd.s32 $0x8, s21;
	v6 =	vld.idx.msk [tilespmem:v16+s3+$0x0], $0xffff;
	[tilespmem:s19+$0x0] =	vst v15  }
0x8d: {  	_ =	sdelay $0x2  }
0x8e: {  	[tilespmem:s19+$0x80] =	vst v5  }
0x8f: {  	s21 =	sadd.s32 $0x1, s20;
	v5 =	vadd.s32 s22, v0;
	v10 =	vld.idx.msk [tilespmem:v10+s3+$0x0], $0xffff;
	[tilespmem:s19+$0x100] =	vst v4  }
0x90: {  	s31 =	sadd.s32 $0x2, s20;
	v11 =	vld.idx.msk [tilespmem:v11+s3+$0x0], $0xffff;
	s22 =	sadd.s32 $0x400, s19;
	v4 =	vadd.s32 s21, v0;
	[tilespmem:s19+$0xFFFFFE00] =	vst v3  }
0x91: {  	s23 =	sadd.s32 $0x3, s20;
	v8 =	vld.idx.msk [tilespmem:v8+s3+$0x0], $0xffff;
	v3 =	vadd.s32 s31, v0;
	[tilespmem:s22+$0x180] =	vst v1  }
0x92: {  	s24 =	sadd.s32 $0x4, s20;
	v9 =	vld.idx.msk [tilespmem:v9+s3+$0x0], $0xffff;
	v1 =	vadd.s32 s23, v0;
	[tilespmem:s22+$0xFFFFFE80] =	vst v2  }
0x93: {  	s25 =	sadd.s32 $0x5, s20;
	v7 =	vld.idx.msk [tilespmem:v7+s3+$0x0], $0xffff;
	v2 =	vadd.s32 s24, v0;
	[tilespmem:s22+$0xFFFFFF00] =	vst v6  }
0x94: {  	s26 =	sadd.s32 $0x6, s20;
	v6 =	vadd.s32 s25, v0;
	v5 =	vld.idx.msk [tilespmem:v5+s3+$0x0], $0xffff;
	[tilespmem:s22+$0xFFFFFF80] =	vst v10  }
0x95: {  	v10 =	vadd.s32 s26, v0;
	[tilespmem:s22+$0x0] =	vst v11;
	v4 =	vld.idx.msk [tilespmem:v4+s3+$0x0], $0xffff  }
0x96: {  	v0 =	vadd.s32 s20, v0;
	[tilespmem:s22+$0x80] =	vst v8;
	v3 =	vld.idx.msk [tilespmem:v3+s3+$0x0], $0xffff  }
0x97: {  	[tilespmem:s22+$0x100] =	vst v9;
	v1 =	vld.idx.msk [tilespmem:v1+s3+$0x0], $0xffff  }
0x98: {  	s19 =	sadd.s32 $0x400, s22;
	[tilespmem:s22+$0xFFFFFE00] =	vst v7;
	v2 =	vld.idx.msk [tilespmem:v2+s3+$0x0], $0xffff  }
0x99: {  	v6 =	vld.idx.msk [tilespmem:v6+s3+$0x0], $0xffff;
	[tilespmem:s19+$0x180] =	vst v5  }
0x9a: {  	v5 =	vld.idx.msk [tilespmem:v10+s3+$0x0], $0xffff;
	[tilespmem:s19+$0xFFFFFE80] =	vst v4  }
0x9b: {  	v0 =	vld.idx.msk [tilespmem:v0+s3+$0x0], $0xffff;
	[tilespmem:s19+$0xFFFFFF00] =	vst v3  }
0x9c: {  	[tilespmem:s19+$0xFFFFFF80] =	vst v1  }
0x9d: {  	[tilespmem:s19+$0x0] =	vst v2  }
0x9e: {  	[tilespmem:s19+$0x80] =	vst v6  }
0x9f: {  	[tilespmem:s19+$0x100] =	vst v5  }
0xa0: {  	[tilespmem:s19+$0xFFFFFE00] =	vst v0  }
0xa1: {  	v0 =	vld [tilespmem:$0x10430];
	_ =	sdelay $0x4  }
0xa2: {  	v0 =	vmul.u32 $0x41, v0  }
0xa3: {  	s28 =	simm.s32 $0x7  }
0xa4: {  	s29 =	simm.s32 $0x1;
	v1 =	vadd.s32 s28, v0  }
0xa5: {  	s30 =	simm.s32 $0x2;
	v2 =	vadd.s32 s29, v0  }
0xa6: {  	s31 =	simm.s32 $0x3;
	v3 =	vadd.s32 s30, v0  }
0xa7: {  	s20 =	simm.s32 $0x4;
	v4 =	vadd.s32 s31, v0  }
0xa8: {  	s21 =	simm.s32 $0x5;
	v5 =	vadd.s32 s20, v0  }
0xa9: {  	s22 =	simm.s32 $0x6;
	v6 =	vadd.s32 s21, v0;
	v1 =	vld.idx.msk [tilespmem:v1+s3+$0x0], $0xffff  }
0xaa: {  	s24 =	simm.s32 $0xF;
	v7 =	vadd.s32 s22, v0;
	v2 =	vld.idx.msk [tilespmem:v2+s3+$0x0], $0xffff  }
0xab: {  	s23 =	simm.s32 $0x0;
	v11 =	vadd.s32 s24, v0;
	v9 =	vld.idx.msk [tilespmem:v3+s3+$0x0], $0xffff  }
0xac: {  	s26 =	simm.s32 $0xA;
	v8 =	vadd.s32 s23, v0;
	v12 =	vld.idx.msk [tilespmem:v4+s3+$0x0], $0xffff  }
0xad: {  	s25 =	simm.s32 $0x9;
	v15 =	vadd.s32 s26, v0;
	v14 =	vld.idx.msk [tilespmem:v5+s3+$0x0], $0xffff  }
0xae: {  	s19 =	simm.s32 $0x16A30;
	v13 =	vadd.s32 s25, v0;
	s28 =	simm.s32 $0xB;
	v5 =	vld.idx.msk [tilespmem:v6+s3+$0x0], $0xffff  }
0xaf: {  	s29 =	simm.s32 $0xC;
	v10 =	vadd.s32 s28, v0;
	v4 =	vld.idx.msk [tilespmem:v7+s3+$0x0], $0xffff;
	[tilespmem:s19+$0x180] =	vst v1  }
0xb0: {  	s30 =	simm.s32 $0xD;
	[tilespmem:s19+$0xFFFFFE80] =	vst v2;
	v1 =	vld.idx.msk [tilespmem:v11+s3+$0x0], $0xffff;
	v11 =	vadd.s32 s29, v0  }
0xb1: {  	s31 =	simm.s32 $0xE;
	v3 =	vld.idx.msk [tilespmem:v8+s3+$0x0], $0xffff;
	v8 =	vadd.s32 s30, v0;
	[tilespmem:s19+$0xFFFFFF00] =	vst v9  }
0xb2: {  	s23 =	simm.s32 $0x8;
	v6 =	vld.idx.msk [tilespmem:v15+s3+$0x0], $0xffff;
	[tilespmem:s19+$0xFFFFFF80] =	vst v12;
	v9 =	vadd.s32 s31, v0  }
0xb3: {  	s20 =	simm.s32 $0x10;
	s22 =	simm.s32 $0x17;
	s21 =	simm.s32 $0x18;
	v7 =	vadd.s32 s23, v0;
	v2 =	vld.idx.msk [tilespmem:v13+s3+$0x0], $0xffff;
	[tilespmem:s19+$0x0] =	vst v14  }
.LBB2_8:
0xb4: {  	p0 =	slt.u32 s21, $0x38;
	s23 =	sadd.s32 $0x1, s20;
	v12 =	vadd.s32 s22, v0;
	v13 =	vld.idx.msk [tilespmem:v10+s3+$0x0], $0xffff;
	[tilespmem:s19+$0x80] =	vst v5  }
0xb5: {  	s22 =	sadd.s32 $0x2, s20;
	v14 =	vadd.s32 s23, v0;
	v15 =	vld.idx.msk [tilespmem:v11+s3+$0x0], $0xffff;
	[tilespmem:s19+$0x100] =	vst v4  }
0xb6: {  	v16 =	vadd.s32 s22, v0;
	s22 =	sadd.s32 $0x3, s20;
	v5 =	vld.idx.msk [tilespmem:v8+s3+$0x0], $0xffff;
	[tilespmem:s19+$0xFFFFFE00] =	vst v3;
	s19 =	sadd.s32 $0x400, s19  }
.Ltmp3:
0xb7: {  	v10 =	vadd.s32 s22, v0;
	s22 =	sadd.s32 $0x4, s20;
	v4 =	vld.idx.msk [tilespmem:v9+s3+$0x0], $0xffff;
	[tilespmem:s19+$0x180] =	vst v1;
	(pc) =	sbr.rel @p0 .LBB2_8-.Ltmp3, $4  }
0xb8: {  	v11 =	vadd.s32 s22, v0;
	s22 =	sadd.s32 $0x5, s20;
	v3 =	vld.idx.msk [tilespmem:v7+s3+$0x0], $0xffff;
	[tilespmem:s19+$0xFFFFFE80] =	vst v2  }
0xb9: {  	v8 =	vadd.s32 s22, v0;
	s22 =	sadd.s32 $0x6, s20;
	v1 =	vld.idx.msk [tilespmem:v12+s3+$0x0], $0xffff;
	[tilespmem:s19+$0xFFFFFF00] =	vst v6  }
0xba: {  	v9 =	vadd.s32 s22, v0;
	v2 =	vld.idx.msk [tilespmem:v14+s3+$0x0], $0xffff;
	[tilespmem:s19+$0xFFFFFF80] =	vst v13  }
0xbb: {  	v7 =	vadd.s32 s20, v0;
	s20 =	smov.u32 s21;
	s22 =	sadd.s32 $0x7, s21;
	s21 =	sadd.s32 $0x8, s21;
	v6 =	vld.idx.msk [tilespmem:v16+s3+$0x0], $0xffff;
	[tilespmem:s19+$0x0] =	vst v15  }
0xbc: {  	_ =	sdelay $0x2  }
0xbd: {  	[tilespmem:s19+$0x80] =	vst v5  }
0xbe: {  	s21 =	sadd.s32 $0x1, s20;
	v5 =	vadd.s32 s22, v0;
	v10 =	vld.idx.msk [tilespmem:v10+s3+$0x0], $0xffff;
	[tilespmem:s19+$0x100] =	vst v4  }
0xbf: {  	s31 =	sadd.s32 $0x2, s20;
	v11 =	vld.idx.msk [tilespmem:v11+s3+$0x0], $0xffff;
	s22 =	sadd.s32 $0x400, s19;
	v4 =	vadd.s32 s21, v0;
	[tilespmem:s19+$0xFFFFFE00] =	vst v3  }
0xc0: {  	s23 =	sadd.s32 $0x3, s20;
	v8 =	vld.idx.msk [tilespmem:v8+s3+$0x0], $0xffff;
	v3 =	vadd.s32 s31, v0;
	[tilespmem:s22+$0x180] =	vst v1  }
0xc1: {  	s24 =	sadd.s32 $0x4, s20;
	v9 =	vld.idx.msk [tilespmem:v9+s3+$0x0], $0xffff;
	v1 =	vadd.s32 s23, v0;
	[tilespmem:s22+$0xFFFFFE80] =	vst v2  }
0xc2: {  	s25 =	sadd.s32 $0x5, s20;
	v7 =	vld.idx.msk [tilespmem:v7+s3+$0x0], $0xffff;
	v2 =	vadd.s32 s24, v0;
	[tilespmem:s22+$0xFFFFFF00] =	vst v6  }
0xc3: {  	s26 =	sadd.s32 $0x6, s20;
	v6 =	vadd.s32 s25, v0;
	v5 =	vld.idx.msk [tilespmem:v5+s3+$0x0], $0xffff;
	[tilespmem:s22+$0xFFFFFF80] =	vst v10  }
0xc4: {  	v10 =	vadd.s32 s26, v0;
	[tilespmem:s22+$0x0] =	vst v11;
	v4 =	vld.idx.msk [tilespmem:v4+s3+$0x0], $0xffff  }
0xc5: {  	v0 =	vadd.s32 s20, v0;
	[tilespmem:s22+$0x80] =	vst v8;
	v3 =	vld.idx.msk [tilespmem:v3+s3+$0x0], $0xffff  }
0xc6: {  	[tilespmem:s22+$0x100] =	vst v9;
	v1 =	vld.idx.msk [tilespmem:v1+s3+$0x0], $0xffff  }
0xc7: {  	s19 =	sadd.s32 $0x400, s22;
	[tilespmem:s22+$0xFFFFFE00] =	vst v7;
	v2 =	vld.idx.msk [tilespmem:v2+s3+$0x0], $0xffff  }
0xc8: {  	v6 =	vld.idx.msk [tilespmem:v6+s3+$0x0], $0xffff;
	[tilespmem:s19+$0x180] =	vst v5  }
0xc9: {  	v5 =	vld.idx.msk [tilespmem:v10+s3+$0x0], $0xffff;
	[tilespmem:s19+$0xFFFFFE80] =	vst v4  }
0xca: {  	v0 =	vld.idx.msk [tilespmem:v0+s3+$0x0], $0xffff;
	[tilespmem:s19+$0xFFFFFF00] =	vst v3  }
0xcb: {  	[tilespmem:s19+$0xFFFFFF80] =	vst v1  }
0xcc: {  	[tilespmem:s19+$0x0] =	vst v2  }
0xcd: {  	[tilespmem:s19+$0x80] =	vst v6  }
0xce: {  	[tilespmem:s19+$0x100] =	vst v5  }
0xcf: {  	[tilespmem:s19+$0xFFFFFE00] =	vst v0  }
0xd0: {  	v0 =	vld [tilespmem:$0x10440];
	_ =	sdelay $0x4  }
0xd1: {  	v0 =	vmul.u32 $0x41, v0  }
0xd2: {  	s28 =	simm.s32 $0x7  }
0xd3: {  	s29 =	simm.s32 $0x1;
	v1 =	vadd.s32 s28, v0  }
0xd4: {  	s30 =	simm.s32 $0x2;
	v2 =	vadd.s32 s29, v0  }
0xd5: {  	s31 =	simm.s32 $0x3;
	v3 =	vadd.s32 s30, v0  }
0xd6: {  	s20 =	simm.s32 $0x4;
	v4 =	vadd.s32 s31, v0  }
0xd7: {  	s21 =	simm.s32 $0x5;
	v5 =	vadd.s32 s20, v0  }
0xd8: {  	s22 =	simm.s32 $0x6;
	v6 =	vadd.s32 s21, v0;
	v1 =	vld.idx.msk [tilespmem:v1+s3+$0x0], $0xffff  }
0xd9: {  	s24 =	simm.s32 $0xF;
	v7 =	vadd.s32 s22, v0;
	v2 =	vld.idx.msk [tilespmem:v2+s3+$0x0], $0xffff  }
0xda: {  	s23 =	simm.s32 $0x0;
	v11 =	vadd.s32 s24, v0;
	v9 =	vld.idx.msk [tilespmem:v3+s3+$0x0], $0xffff  }
0xdb: {  	s26 =	simm.s32 $0xA;
	v8 =	vadd.s32 s23, v0;
	v12 =	vld.idx.msk [tilespmem:v4+s3+$0x0], $0xffff  }
0xdc: {  	s25 =	simm.s32 $0x9;
	v15 =	vadd.s32 s26, v0;
	v14 =	vld.idx.msk [tilespmem:v5+s3+$0x0], $0xffff  }
0xdd: {  	s19 =	simm.s32 $0x16A40;
	v13 =	vadd.s32 s25, v0;
	s28 =	simm.s32 $0xB;
	v5 =	vld.idx.msk [tilespmem:v6+s3+$0x0], $0xffff  }
0xde: {  	s29 =	simm.s32 $0xC;
	v10 =	vadd.s32 s28, v0;
	v4 =	vld.idx.msk [tilespmem:v7+s3+$0x0], $0xffff;
	[tilespmem:s19+$0x180] =	vst v1  }
0xdf: {  	s30 =	simm.s32 $0xD;
	[tilespmem:s19+$0xFFFFFE80] =	vst v2;
	v1 =	vld.idx.msk [tilespmem:v11+s3+$0x0], $0xffff;
	v11 =	vadd.s32 s29, v0  }
0xe0: {  	s31 =	simm.s32 $0xE;
	v3 =	vld.idx.msk [tilespmem:v8+s3+$0x0], $0xffff;
	v8 =	vadd.s32 s30, v0;
	[tilespmem:s19+$0xFFFFFF00] =	vst v9  }
0xe1: {  	s23 =	simm.s32 $0x8;
	v6 =	vld.idx.msk [tilespmem:v15+s3+$0x0], $0xffff;
	[tilespmem:s19+$0xFFFFFF80] =	vst v12;
	v9 =	vadd.s32 s31, v0  }
0xe2: {  	s20 =	simm.s32 $0x10;
	s22 =	simm.s32 $0x17;
	s21 =	simm.s32 $0x18;
	v7 =	vadd.s32 s23, v0;
	v2 =	vld.idx.msk [tilespmem:v13+s3+$0x0], $0xffff;
	[tilespmem:s19+$0x0] =	vst v14  }
.LBB2_10:
0xe3: {  	p0 =	slt.u32 s21, $0x38;
	s23 =	sadd.s32 $0x1, s20;
	v12 =	vadd.s32 s22, v0;
	v13 =	vld.idx.msk [tilespmem:v10+s3+$0x0], $0xffff;
	[tilespmem:s19+$0x80] =	vst v5  }
0xe4: {  	s22 =	sadd.s32 $0x2, s20;
	v14 =	vadd.s32 s23, v0;
	v15 =	vld.idx.msk [tilespmem:v11+s3+$0x0], $0xffff;
	[tilespmem:s19+$0x100] =	vst v4  }
0xe5: {  	v16 =	vadd.s32 s22, v0;
	s22 =	sadd.s32 $0x3, s20;
	v5 =	vld.idx.msk [tilespmem:v8+s3+$0x0], $0xffff;
	[tilespmem:s19+$0xFFFFFE00] =	vst v3;
	s19 =	sadd.s32 $0x400, s19  }
.Ltmp4:
0xe6: {  	v10 =	vadd.s32 s22, v0;
	s22 =	sadd.s32 $0x4, s20;
	v4 =	vld.idx.msk [tilespmem:v9+s3+$0x0], $0xffff;
	[tilespmem:s19+$0x180] =	vst v1;
	(pc) =	sbr.rel @p0 .LBB2_10-.Ltmp4, $4  }
0xe7: {  	v11 =	vadd.s32 s22, v0;
	s22 =	sadd.s32 $0x5, s20;
	v3 =	vld.idx.msk [tilespmem:v7+s3+$0x0], $0xffff;
	[tilespmem:s19+$0xFFFFFE80] =	vst v2  }
0xe8: {  	v8 =	vadd.s32 s22, v0;
	s22 =	sadd.s32 $0x6, s20;
	v1 =	vld.idx.msk [tilespmem:v12+s3+$0x0], $0xffff;
	[tilespmem:s19+$0xFFFFFF00] =	vst v6  }
0xe9: {  	v9 =	vadd.s32 s22, v0;
	v2 =	vld.idx.msk [tilespmem:v14+s3+$0x0], $0xffff;
	[tilespmem:s19+$0xFFFFFF80] =	vst v13  }
0xea: {  	v7 =	vadd.s32 s20, v0;
	s20 =	smov.u32 s21;
	s22 =	sadd.s32 $0x7, s21;
	s21 =	sadd.s32 $0x8, s21;
	v6 =	vld.idx.msk [tilespmem:v16+s3+$0x0], $0xffff;
	[tilespmem:s19+$0x0] =	vst v15  }
0xeb: {  	_ =	sdelay $0x2  }
0xec: {  	[tilespmem:s19+$0x80] =	vst v5  }
0xed: {  	s21 =	sadd.s32 $0x1, s20;
	v5 =	vadd.s32 s22, v0;
	v10 =	vld.idx.msk [tilespmem:v10+s3+$0x0], $0xffff;
	[tilespmem:s19+$0x100] =	vst v4  }
0xee: {  	s31 =	sadd.s32 $0x2, s20;
	v11 =	vld.idx.msk [tilespmem:v11+s3+$0x0], $0xffff;
	s22 =	sadd.s32 $0x400, s19;
	v4 =	vadd.s32 s21, v0;
	[tilespmem:s19+$0xFFFFFE00] =	vst v3  }
0xef: {  	s23 =	sadd.s32 $0x3, s20;
	v8 =	vld.idx.msk [tilespmem:v8+s3+$0x0], $0xffff;
	v3 =	vadd.s32 s31, v0;
	[tilespmem:s22+$0x180] =	vst v1  }
0xf0: {  	s24 =	sadd.s32 $0x4, s20;
	v9 =	vld.idx.msk [tilespmem:v9+s3+$0x0], $0xffff;
	v1 =	vadd.s32 s23, v0;
	[tilespmem:s22+$0xFFFFFE80] =	vst v2  }
0xf1: {  	s25 =	sadd.s32 $0x5, s20;
	v7 =	vld.idx.msk [tilespmem:v7+s3+$0x0], $0xffff;
	v2 =	vadd.s32 s24, v0;
	[tilespmem:s22+$0xFFFFFF00] =	vst v6  }
0xf2: {  	s26 =	sadd.s32 $0x6, s20;
	v6 =	vadd.s32 s25, v0;
	v5 =	vld.idx.msk [tilespmem:v5+s3+$0x0], $0xffff;
	[tilespmem:s22+$0xFFFFFF80] =	vst v10  }
0xf3: {  	v10 =	vadd.s32 s26, v0;
	[tilespmem:s22+$0x0] =	vst v11;
	v4 =	vld.idx.msk [tilespmem:v4+s3+$0x0], $0xffff  }
0xf4: {  	v0 =	vadd.s32 s20, v0;
	[tilespmem:s22+$0x80] =	vst v8;
	v3 =	vld.idx.msk [tilespmem:v3+s3+$0x0], $0xffff  }
0xf5: {  	[tilespmem:s22+$0x100] =	vst v9;
	v1 =	vld.idx.msk [tilespmem:v1+s3+$0x0], $0xffff  }
0xf6: {  	s19 =	sadd.s32 $0x400, s22;
	[tilespmem:s22+$0xFFFFFE00] =	vst v7;
	v2 =	vld.idx.msk [tilespmem:v2+s3+$0x0], $0xffff  }
0xf7: {  	v6 =	vld.idx.msk [tilespmem:v6+s3+$0x0], $0xffff;
	[tilespmem:s19+$0x180] =	vst v5  }
0xf8: {  	v5 =	vld.idx.msk [tilespmem:v10+s3+$0x0], $0xffff;
	[tilespmem:s19+$0xFFFFFE80] =	vst v4  }
0xf9: {  	v0 =	vld.idx.msk [tilespmem:v0+s3+$0x0], $0xffff;
	[tilespmem:s19+$0xFFFFFF00] =	vst v3  }
0xfa: {  	[tilespmem:s19+$0xFFFFFF80] =	vst v1  }
0xfb: {  	[tilespmem:s19+$0x0] =	vst v2  }
0xfc: {  	[tilespmem:s19+$0x80] =	vst v6  }
0xfd: {  	[tilespmem:s19+$0x100] =	vst v5  }
0xfe: {  	[tilespmem:s19+$0xFFFFFE00] =	vst v0  }
0xff: {  	v0 =	vld [tilespmem:$0x10450];
	_ =	sdelay $0x4  }
0x100: {  	v0 =	vmul.u32 $0x41, v0  }
0x101: {  	s28 =	simm.s32 $0x7  }
0x102: {  	s29 =	simm.s32 $0x1;
	v1 =	vadd.s32 s28, v0  }
0x103: {  	s30 =	simm.s32 $0x2;
	v2 =	vadd.s32 s29, v0  }
0x104: {  	s31 =	simm.s32 $0x3;
	v3 =	vadd.s32 s30, v0  }
0x105: {  	s20 =	simm.s32 $0x4;
	v4 =	vadd.s32 s31, v0  }
0x106: {  	s21 =	simm.s32 $0x5;
	v5 =	vadd.s32 s20, v0  }
0x107: {  	s22 =	simm.s32 $0x6;
	v6 =	vadd.s32 s21, v0;
	v1 =	vld.idx.msk [tilespmem:v1+s3+$0x0], $0xffff  }
0x108: {  	s24 =	simm.s32 $0xF;
	v7 =	vadd.s32 s22, v0;
	v2 =	vld.idx.msk [tilespmem:v2+s3+$0x0], $0xffff  }
0x109: {  	s23 =	simm.s32 $0x0;
	v11 =	vadd.s32 s24, v0;
	v9 =	vld.idx.msk [tilespmem:v3+s3+$0x0], $0xffff  }
0x10a: {  	s26 =	simm.s32 $0xA;
	v8 =	vadd.s32 s23, v0;
	v12 =	vld.idx.msk [tilespmem:v4+s3+$0x0], $0xffff  }
0x10b: {  	s25 =	simm.s32 $0x9;
	v15 =	vadd.s32 s26, v0;
	v14 =	vld.idx.msk [tilespmem:v5+s3+$0x0], $0xffff  }
0x10c: {  	s19 =	simm.s32 $0x16A50;
	v13 =	vadd.s32 s25, v0;
	s28 =	simm.s32 $0xB;
	v5 =	vld.idx.msk [tilespmem:v6+s3+$0x0], $0xffff  }
0x10d: {  	s29 =	simm.s32 $0xC;
	v10 =	vadd.s32 s28, v0;
	v4 =	vld.idx.msk [tilespmem:v7+s3+$0x0], $0xffff;
	[tilespmem:s19+$0x180] =	vst v1  }
0x10e: {  	s30 =	simm.s32 $0xD;
	[tilespmem:s19+$0xFFFFFE80] =	vst v2;
	v1 =	vld.idx.msk [tilespmem:v11+s3+$0x0], $0xffff;
	v11 =	vadd.s32 s29, v0  }
0x10f: {  	s31 =	simm.s32 $0xE;
	v3 =	vld.idx.msk [tilespmem:v8+s3+$0x0], $0xffff;
	v8 =	vadd.s32 s30, v0;
	[tilespmem:s19+$0xFFFFFF00] =	vst v9  }
0x110: {  	s23 =	simm.s32 $0x8;
	v6 =	vld.idx.msk [tilespmem:v15+s3+$0x0], $0xffff;
	[tilespmem:s19+$0xFFFFFF80] =	vst v12;
	v9 =	vadd.s32 s31, v0  }
0x111: {  	s20 =	simm.s32 $0x10;
	s22 =	simm.s32 $0x17;
	s21 =	simm.s32 $0x18;
	v7 =	vadd.s32 s23, v0;
	v2 =	vld.idx.msk [tilespmem:v13+s3+$0x0], $0xffff;
	[tilespmem:s19+$0x0] =	vst v14  }
.LBB2_12:
0x112: {  	p0 =	slt.u32 s21, $0x38;
	s23 =	sadd.s32 $0x1, s20;
	v12 =	vadd.s32 s22, v0;
	v13 =	vld.idx.msk [tilespmem:v10+s3+$0x0], $0xffff;
	[tilespmem:s19+$0x80] =	vst v5  }
0x113: {  	s22 =	sadd.s32 $0x2, s20;
	v14 =	vadd.s32 s23, v0;
	v15 =	vld.idx.msk [tilespmem:v11+s3+$0x0], $0xffff;
	[tilespmem:s19+$0x100] =	vst v4  }
0x114: {  	v16 =	vadd.s32 s22, v0;
	s22 =	sadd.s32 $0x3, s20;
	v5 =	vld.idx.msk [tilespmem:v8+s3+$0x0], $0xffff;
	[tilespmem:s19+$0xFFFFFE00] =	vst v3;
	s19 =	sadd.s32 $0x400, s19  }
.Ltmp5:
0x115: {  	v10 =	vadd.s32 s22, v0;
	s22 =	sadd.s32 $0x4, s20;
	v4 =	vld.idx.msk [tilespmem:v9+s3+$0x0], $0xffff;
	[tilespmem:s19+$0x180] =	vst v1;
	(pc) =	sbr.rel @p0 .LBB2_12-.Ltmp5, $4  }
0x116: {  	v11 =	vadd.s32 s22, v0;
	s22 =	sadd.s32 $0x5, s20;
	v3 =	vld.idx.msk [tilespmem:v7+s3+$0x0], $0xffff;
	[tilespmem:s19+$0xFFFFFE80] =	vst v2  }
0x117: {  	v8 =	vadd.s32 s22, v0;
	s22 =	sadd.s32 $0x6, s20;
	v1 =	vld.idx.msk [tilespmem:v12+s3+$0x0], $0xffff;
	[tilespmem:s19+$0xFFFFFF00] =	vst v6  }
0x118: {  	v9 =	vadd.s32 s22, v0;
	v2 =	vld.idx.msk [tilespmem:v14+s3+$0x0], $0xffff;
	[tilespmem:s19+$0xFFFFFF80] =	vst v13  }
0x119: {  	v7 =	vadd.s32 s20, v0;
	s20 =	smov.u32 s21;
	s22 =	sadd.s32 $0x7, s21;
	s21 =	sadd.s32 $0x8, s21;
	v6 =	vld.idx.msk [tilespmem:v16+s3+$0x0], $0xffff;
	[tilespmem:s19+$0x0] =	vst v15  }
0x11a: {  	_ =	sdelay $0x2  }
0x11b: {  	[tilespmem:s19+$0x80] =	vst v5  }
0x11c: {  	s21 =	sadd.s32 $0x1, s20;
	v5 =	vadd.s32 s22, v0;
	v10 =	vld.idx.msk [tilespmem:v10+s3+$0x0], $0xffff;
	[tilespmem:s19+$0x100] =	vst v4  }
0x11d: {  	s31 =	sadd.s32 $0x2, s20;
	v11 =	vld.idx.msk [tilespmem:v11+s3+$0x0], $0xffff;
	s22 =	sadd.s32 $0x400, s19;
	v4 =	vadd.s32 s21, v0;
	[tilespmem:s19+$0xFFFFFE00] =	vst v3  }
0x11e: {  	s23 =	sadd.s32 $0x3, s20;
	v8 =	vld.idx.msk [tilespmem:v8+s3+$0x0], $0xffff;
	v3 =	vadd.s32 s31, v0;
	[tilespmem:s22+$0x180] =	vst v1  }
0x11f: {  	s24 =	sadd.s32 $0x4, s20;
	v9 =	vld.idx.msk [tilespmem:v9+s3+$0x0], $0xffff;
	v1 =	vadd.s32 s23, v0;
	[tilespmem:s22+$0xFFFFFE80] =	vst v2  }
0x120: {  	s25 =	sadd.s32 $0x5, s20;
	v7 =	vld.idx.msk [tilespmem:v7+s3+$0x0], $0xffff;
	v2 =	vadd.s32 s24, v0;
	[tilespmem:s22+$0xFFFFFF00] =	vst v6  }
0x121: {  	s26 =	sadd.s32 $0x6, s20;
	v6 =	vadd.s32 s25, v0;
	v5 =	vld.idx.msk [tilespmem:v5+s3+$0x0], $0xffff;
	[tilespmem:s22+$0xFFFFFF80] =	vst v10  }
0x122: {  	v10 =	vadd.s32 s26, v0;
	[tilespmem:s22+$0x0] =	vst v11;
	v4 =	vld.idx.msk [tilespmem:v4+s3+$0x0], $0xffff  }
0x123: {  	v0 =	vadd.s32 s20, v0;
	[tilespmem:s22+$0x80] =	vst v8;
	v3 =	vld.idx.msk [tilespmem:v3+s3+$0x0], $0xffff  }
0x124: {  	[tilespmem:s22+$0x100] =	vst v9;
	v1 =	vld.idx.msk [tilespmem:v1+s3+$0x0], $0xffff  }
0x125: {  	s19 =	sadd.s32 $0x400, s22;
	[tilespmem:s22+$0xFFFFFE00] =	vst v7;
	v2 =	vld.idx.msk [tilespmem:v2+s3+$0x0], $0xffff  }
0x126: {  	v6 =	vld.idx.msk [tilespmem:v6+s3+$0x0], $0xffff;
	[tilespmem:s19+$0x180] =	vst v5  }
0x127: {  	v5 =	vld.idx.msk [tilespmem:v10+s3+$0x0], $0xffff;
	[tilespmem:s19+$0xFFFFFE80] =	vst v4  }
0x128: {  	v0 =	vld.idx.msk [tilespmem:v0+s3+$0x0], $0xffff;
	[tilespmem:s19+$0xFFFFFF00] =	vst v3  }
0x129: {  	[tilespmem:s19+$0xFFFFFF80] =	vst v1  }
0x12a: {  	[tilespmem:s19+$0x0] =	vst v2  }
0x12b: {  	[tilespmem:s19+$0x80] =	vst v6  }
0x12c: {  	[tilespmem:s19+$0x100] =	vst v5  }
0x12d: {  	[tilespmem:s19+$0xFFFFFE00] =	vst v0  }
0x12e: {  	v0 =	vld [tilespmem:$0x10460];
	_ =	sdelay $0x4  }
0x12f: {  	v0 =	vmul.u32 $0x41, v0  }
0x130: {  	s28 =	simm.s32 $0x7  }
0x131: {  	s29 =	simm.s32 $0x1;
	v1 =	vadd.s32 s28, v0  }
0x132: {  	s30 =	simm.s32 $0x2;
	v2 =	vadd.s32 s29, v0  }
0x133: {  	s31 =	simm.s32 $0x3;
	v3 =	vadd.s32 s30, v0  }
0x134: {  	s20 =	simm.s32 $0x4;
	v4 =	vadd.s32 s31, v0  }
0x135: {  	s21 =	simm.s32 $0x5;
	v5 =	vadd.s32 s20, v0  }
0x136: {  	s22 =	simm.s32 $0x6;
	v6 =	vadd.s32 s21, v0;
	v1 =	vld.idx.msk [tilespmem:v1+s3+$0x0], $0xffff  }
0x137: {  	s24 =	simm.s32 $0xF;
	v7 =	vadd.s32 s22, v0;
	v2 =	vld.idx.msk [tilespmem:v2+s3+$0x0], $0xffff  }
0x138: {  	s23 =	simm.s32 $0x0;
	v11 =	vadd.s32 s24, v0;
	v9 =	vld.idx.msk [tilespmem:v3+s3+$0x0], $0xffff  }
0x139: {  	s26 =	simm.s32 $0xA;
	v8 =	vadd.s32 s23, v0;
	v12 =	vld.idx.msk [tilespmem:v4+s3+$0x0], $0xffff  }
0x13a: {  	s25 =	simm.s32 $0x9;
	v15 =	vadd.s32 s26, v0;
	v14 =	vld.idx.msk [tilespmem:v5+s3+$0x0], $0xffff  }
0x13b: {  	s19 =	simm.s32 $0x16A60;
	v13 =	vadd.s32 s25, v0;
	s28 =	simm.s32 $0xB;
	v5 =	vld.idx.msk [tilespmem:v6+s3+$0x0], $0xffff  }
0x13c: {  	s29 =	simm.s32 $0xC;
	v10 =	vadd.s32 s28, v0;
	v4 =	vld.idx.msk [tilespmem:v7+s3+$0x0], $0xffff;
	[tilespmem:s19+$0x180] =	vst v1  }
0x13d: {  	s30 =	simm.s32 $0xD;
	[tilespmem:s19+$0xFFFFFE80] =	vst v2;
	v1 =	vld.idx.msk [tilespmem:v11+s3+$0x0], $0xffff;
	v11 =	vadd.s32 s29, v0  }
0x13e: {  	s31 =	simm.s32 $0xE;
	v3 =	vld.idx.msk [tilespmem:v8+s3+$0x0], $0xffff;
	v8 =	vadd.s32 s30, v0;
	[tilespmem:s19+$0xFFFFFF00] =	vst v9  }
0x13f: {  	s23 =	simm.s32 $0x8;
	v6 =	vld.idx.msk [tilespmem:v15+s3+$0x0], $0xffff;
	[tilespmem:s19+$0xFFFFFF80] =	vst v12;
	v9 =	vadd.s32 s31, v0  }
0x140: {  	s20 =	simm.s32 $0x10;
	s22 =	simm.s32 $0x17;
	s21 =	simm.s32 $0x18;
	v7 =	vadd.s32 s23, v0;
	v2 =	vld.idx.msk [tilespmem:v13+s3+$0x0], $0xffff;
	[tilespmem:s19+$0x0] =	vst v14  }
.LBB2_14:
0x141: {  	p0 =	slt.u32 s21, $0x38;
	s23 =	sadd.s32 $0x1, s20;
	v12 =	vadd.s32 s22, v0;
	v13 =	vld.idx.msk [tilespmem:v10+s3+$0x0], $0xffff;
	[tilespmem:s19+$0x80] =	vst v5  }
0x142: {  	s22 =	sadd.s32 $0x2, s20;
	v14 =	vadd.s32 s23, v0;
	v15 =	vld.idx.msk [tilespmem:v11+s3+$0x0], $0xffff;
	[tilespmem:s19+$0x100] =	vst v4  }
0x143: {  	v16 =	vadd.s32 s22, v0;
	s22 =	sadd.s32 $0x3, s20;
	v5 =	vld.idx.msk [tilespmem:v8+s3+$0x0], $0xffff;
	[tilespmem:s19+$0xFFFFFE00] =	vst v3;
	s19 =	sadd.s32 $0x400, s19  }
.Ltmp6:
0x144: {  	v10 =	vadd.s32 s22, v0;
	s22 =	sadd.s32 $0x4, s20;
	v4 =	vld.idx.msk [tilespmem:v9+s3+$0x0], $0xffff;
	[tilespmem:s19+$0x180] =	vst v1;
	(pc) =	sbr.rel @p0 .LBB2_14-.Ltmp6, $4  }
0x145: {  	v11 =	vadd.s32 s22, v0;
	s22 =	sadd.s32 $0x5, s20;
	v3 =	vld.idx.msk [tilespmem:v7+s3+$0x0], $0xffff;
	[tilespmem:s19+$0xFFFFFE80] =	vst v2  }
0x146: {  	v8 =	vadd.s32 s22, v0;
	s22 =	sadd.s32 $0x6, s20;
	v1 =	vld.idx.msk [tilespmem:v12+s3+$0x0], $0xffff;
	[tilespmem:s19+$0xFFFFFF00] =	vst v6  }
0x147: {  	v9 =	vadd.s32 s22, v0;
	v2 =	vld.idx.msk [tilespmem:v14+s3+$0x0], $0xffff;
	[tilespmem:s19+$0xFFFFFF80] =	vst v13  }
0x148: {  	v7 =	vadd.s32 s20, v0;
	s20 =	smov.u32 s21;
	s22 =	sadd.s32 $0x7, s21;
	s21 =	sadd.s32 $0x8, s21;
	v6 =	vld.idx.msk [tilespmem:v16+s3+$0x0], $0xffff;
	[tilespmem:s19+$0x0] =	vst v15  }
0x149: {  	_ =	sdelay $0x2  }
0x14a: {  	[tilespmem:s19+$0x80] =	vst v5  }
0x14b: {  	s21 =	sadd.s32 $0x1, s20;
	v5 =	vadd.s32 s22, v0;
	v10 =	vld.idx.msk [tilespmem:v10+s3+$0x0], $0xffff;
	[tilespmem:s19+$0x100] =	vst v4  }
0x14c: {  	s31 =	sadd.s32 $0x2, s20;
	v11 =	vld.idx.msk [tilespmem:v11+s3+$0x0], $0xffff;
	s22 =	sadd.s32 $0x400, s19;
	v4 =	vadd.s32 s21, v0;
	[tilespmem:s19+$0xFFFFFE00] =	vst v3  }
0x14d: {  	s23 =	sadd.s32 $0x3, s20;
	v8 =	vld.idx.msk [tilespmem:v8+s3+$0x0], $0xffff;
	v3 =	vadd.s32 s31, v0;
	[tilespmem:s22+$0x180] =	vst v1  }
0x14e: {  	s24 =	sadd.s32 $0x4, s20;
	v9 =	vld.idx.msk [tilespmem:v9+s3+$0x0], $0xffff;
	v1 =	vadd.s32 s23, v0;
	[tilespmem:s22+$0xFFFFFE80] =	vst v2  }
0x14f: {  	s25 =	sadd.s32 $0x5, s20;
	v7 =	vld.idx.msk [tilespmem:v7+s3+$0x0], $0xffff;
	v2 =	vadd.s32 s24, v0;
	[tilespmem:s22+$0xFFFFFF00] =	vst v6  }
0x150: {  	s26 =	sadd.s32 $0x6, s20;
	v6 =	vadd.s32 s25, v0;
	v5 =	vld.idx.msk [tilespmem:v5+s3+$0x0], $0xffff;
	[tilespmem:s22+$0xFFFFFF80] =	vst v10  }
0x151: {  	v10 =	vadd.s32 s26, v0;
	[tilespmem:s22+$0x0] =	vst v11;
	v4 =	vld.idx.msk [tilespmem:v4+s3+$0x0], $0xffff  }
0x152: {  	v0 =	vadd.s32 s20, v0;
	[tilespmem:s22+$0x80] =	vst v8;
	v3 =	vld.idx.msk [tilespmem:v3+s3+$0x0], $0xffff  }
0x153: {  	[tilespmem:s22+$0x100] =	vst v9;
	v1 =	vld.idx.msk [tilespmem:v1+s3+$0x0], $0xffff  }
0x154: {  	s19 =	sadd.s32 $0x400, s22;
	[tilespmem:s22+$0xFFFFFE00] =	vst v7;
	v2 =	vld.idx.msk [tilespmem:v2+s3+$0x0], $0xffff  }
0x155: {  	v6 =	vld.idx.msk [tilespmem:v6+s3+$0x0], $0xffff;
	[tilespmem:s19+$0x180] =	vst v5  }
0x156: {  	v5 =	vld.idx.msk [tilespmem:v10+s3+$0x0], $0xffff;
	[tilespmem:s19+$0xFFFFFE80] =	vst v4  }
0x157: {  	v0 =	vld.idx.msk [tilespmem:v0+s3+$0x0], $0xffff;
	[tilespmem:s19+$0xFFFFFF00] =	vst v3  }
0x158: {  	[tilespmem:s19+$0xFFFFFF80] =	vst v1  }
0x159: {  	[tilespmem:s19+$0x0] =	vst v2  }
0x15a: {  	[tilespmem:s19+$0x80] =	vst v6  }
0x15b: {  	[tilespmem:s19+$0x100] =	vst v5  }
0x15c: {  	[tilespmem:s19+$0xFFFFFE00] =	vst v0  }
0x15d: {  	v0 =	vld [tilespmem:$0x10470];
	_ =	sdelay $0x4  }
0x15e: {  	v0 =	vmul.u32 $0x41, v0  }
0x15f: {  	s28 =	simm.s32 $0x7  }
0x160: {  	s29 =	simm.s32 $0x1;
	v1 =	vadd.s32 s28, v0  }
0x161: {  	s30 =	simm.s32 $0x2;
	v2 =	vadd.s32 s29, v0  }
0x162: {  	s31 =	simm.s32 $0x3;
	v3 =	vadd.s32 s30, v0  }
0x163: {  	s20 =	simm.s32 $0x4;
	v4 =	vadd.s32 s31, v0  }
0x164: {  	s21 =	simm.s32 $0x5;
	v5 =	vadd.s32 s20, v0  }
0x165: {  	s22 =	simm.s32 $0x6;
	v6 =	vadd.s32 s21, v0;
	v1 =	vld.idx.msk [tilespmem:v1+s3+$0x0], $0xffff  }
0x166: {  	s24 =	simm.s32 $0xF;
	v7 =	vadd.s32 s22, v0;
	v2 =	vld.idx.msk [tilespmem:v2+s3+$0x0], $0xffff  }
0x167: {  	s23 =	simm.s32 $0x0;
	v11 =	vadd.s32 s24, v0;
	v9 =	vld.idx.msk [tilespmem:v3+s3+$0x0], $0xffff  }
0x168: {  	s26 =	simm.s32 $0xA;
	v8 =	vadd.s32 s23, v0;
	v12 =	vld.idx.msk [tilespmem:v4+s3+$0x0], $0xffff  }
0x169: {  	s25 =	simm.s32 $0x9;
	v15 =	vadd.s32 s26, v0;
	v14 =	vld.idx.msk [tilespmem:v5+s3+$0x0], $0xffff  }
0x16a: {  	s19 =	simm.s32 $0x16A70;
	v13 =	vadd.s32 s25, v0;
	s28 =	simm.s32 $0xB;
	v5 =	vld.idx.msk [tilespmem:v6+s3+$0x0], $0xffff  }
0x16b: {  	s29 =	simm.s32 $0xC;
	v10 =	vadd.s32 s28, v0;
	v4 =	vld.idx.msk [tilespmem:v7+s3+$0x0], $0xffff;
	[tilespmem:s19+$0x180] =	vst v1  }
0x16c: {  	s30 =	simm.s32 $0xD;
	[tilespmem:s19+$0xFFFFFE80] =	vst v2;
	v1 =	vld.idx.msk [tilespmem:v11+s3+$0x0], $0xffff;
	v11 =	vadd.s32 s29, v0  }
0x16d: {  	s31 =	simm.s32 $0xE;
	v3 =	vld.idx.msk [tilespmem:v8+s3+$0x0], $0xffff;
	v8 =	vadd.s32 s30, v0;
	[tilespmem:s19+$0xFFFFFF00] =	vst v9  }
0x16e: {  	s23 =	simm.s32 $0x8;
	v6 =	vld.idx.msk [tilespmem:v15+s3+$0x0], $0xffff;
	[tilespmem:s19+$0xFFFFFF80] =	vst v12;
	v9 =	vadd.s32 s31, v0  }
0x16f: {  	s20 =	simm.s32 $0x10;
	s22 =	simm.s32 $0x17;
	s21 =	simm.s32 $0x18;
	v7 =	vadd.s32 s23, v0;
	v2 =	vld.idx.msk [tilespmem:v13+s3+$0x0], $0xffff;
	[tilespmem:s19+$0x0] =	vst v14  }
.LBB2_16:
0x170: {  	p0 =	slt.u32 s21, $0x38;
	s23 =	sadd.s32 $0x1, s20;
	v12 =	vadd.s32 s22, v0;
	v13 =	vld.idx.msk [tilespmem:v10+s3+$0x0], $0xffff;
	[tilespmem:s19+$0x80] =	vst v5  }
0x171: {  	s22 =	sadd.s32 $0x2, s20;
	v14 =	vadd.s32 s23, v0;
	v15 =	vld.idx.msk [tilespmem:v11+s3+$0x0], $0xffff;
	[tilespmem:s19+$0x100] =	vst v4  }
0x172: {  	v16 =	vadd.s32 s22, v0;
	s22 =	sadd.s32 $0x3, s20;
	v5 =	vld.idx.msk [tilespmem:v8+s3+$0x0], $0xffff;
	[tilespmem:s19+$0xFFFFFE00] =	vst v3;
	s19 =	sadd.s32 $0x400, s19  }
.Ltmp7:
0x173: {  	v10 =	vadd.s32 s22, v0;
	s22 =	sadd.s32 $0x4, s20;
	v4 =	vld.idx.msk [tilespmem:v9+s3+$0x0], $0xffff;
	[tilespmem:s19+$0x180] =	vst v1;
	(pc) =	sbr.rel @p0 .LBB2_16-.Ltmp7, $4  }
0x174: {  	v11 =	vadd.s32 s22, v0;
	s22 =	sadd.s32 $0x5, s20;
	v3 =	vld.idx.msk [tilespmem:v7+s3+$0x0], $0xffff;
	[tilespmem:s19+$0xFFFFFE80] =	vst v2  }
0x175: {  	v8 =	vadd.s32 s22, v0;
	s22 =	sadd.s32 $0x6, s20;
	v1 =	vld.idx.msk [tilespmem:v12+s3+$0x0], $0xffff;
	[tilespmem:s19+$0xFFFFFF00] =	vst v6  }
0x176: {  	v9 =	vadd.s32 s22, v0;
	v2 =	vld.idx.msk [tilespmem:v14+s3+$0x0], $0xffff;
	[tilespmem:s19+$0xFFFFFF80] =	vst v13  }
0x177: {  	v7 =	vadd.s32 s20, v0;
	s20 =	smov.u32 s21;
	s22 =	sadd.s32 $0x7, s21;
	s21 =	sadd.s32 $0x8, s21;
	v6 =	vld.idx.msk [tilespmem:v16+s3+$0x0], $0xffff;
	[tilespmem:s19+$0x0] =	vst v15  }
0x178: {  	_ =	sdelay $0x2  }
0x179: {  	[tilespmem:s19+$0x80] =	vst v5  }
0x17a: {  	s21 =	sadd.s32 $0x1, s20;
	v5 =	vadd.s32 s22, v0;
	v10 =	vld.idx.msk [tilespmem:v10+s3+$0x0], $0xffff;
	[tilespmem:s19+$0x100] =	vst v4  }
0x17b: {  	s31 =	sadd.s32 $0x2, s20;
	v11 =	vld.idx.msk [tilespmem:v11+s3+$0x0], $0xffff;
	s22 =	sadd.s32 $0x400, s19;
	v4 =	vadd.s32 s21, v0;
	[tilespmem:s19+$0xFFFFFE00] =	vst v3  }
0x17c: {  	s23 =	sadd.s32 $0x3, s20;
	v8 =	vld.idx.msk [tilespmem:v8+s3+$0x0], $0xffff;
	v3 =	vadd.s32 s31, v0;
	[tilespmem:s22+$0x180] =	vst v1  }
0x17d: {  	s24 =	sadd.s32 $0x4, s20;
	v9 =	vld.idx.msk [tilespmem:v9+s3+$0x0], $0xffff;
	v1 =	vadd.s32 s23, v0;
	[tilespmem:s22+$0xFFFFFE80] =	vst v2  }
0x17e: {  	s25 =	sadd.s32 $0x5, s20;
	v7 =	vld.idx.msk [tilespmem:v7+s3+$0x0], $0xffff;
	v2 =	vadd.s32 s24, v0;
	[tilespmem:s22+$0xFFFFFF00] =	vst v6  }
0x17f: {  	s26 =	sadd.s32 $0x6, s20;
	v6 =	vadd.s32 s25, v0;
	v5 =	vld.idx.msk [tilespmem:v5+s3+$0x0], $0xffff;
	[tilespmem:s22+$0xFFFFFF80] =	vst v10  }
0x180: {  	v10 =	vadd.s32 s26, v0;
	[tilespmem:s22+$0x0] =	vst v11;
	v4 =	vld.idx.msk [tilespmem:v4+s3+$0x0], $0xffff  }
0x181: {  	v0 =	vadd.s32 s20, v0;
	[tilespmem:s22+$0x80] =	vst v8;
	v3 =	vld.idx.msk [tilespmem:v3+s3+$0x0], $0xffff  }
0x182: {  	[tilespmem:s22+$0x100] =	vst v9;
	v1 =	vld.idx.msk [tilespmem:v1+s3+$0x0], $0xffff  }
0x183: {  	s19 =	sadd.s32 $0x400, s22;
	[tilespmem:s22+$0xFFFFFE00] =	vst v7;
	v2 =	vld.idx.msk [tilespmem:v2+s3+$0x0], $0xffff  }
0x184: {  	v6 =	vld.idx.msk [tilespmem:v6+s3+$0x0], $0xffff;
	[tilespmem:s19+$0x180] =	vst v5  }
0x185: {  	v5 =	vld.idx.msk [tilespmem:v10+s3+$0x0], $0xffff;
	[tilespmem:s19+$0xFFFFFE80] =	vst v4  }
0x186: {  	v0 =	vld.idx.msk [tilespmem:v0+s3+$0x0], $0xffff;
	[tilespmem:s19+$0xFFFFFF00] =	vst v3  }
0x187: {  	[tilespmem:s19+$0xFFFFFF80] =	vst v1  }
0x188: {  	[tilespmem:s19+$0x0] =	vst v2  }
0x189: {  	[tilespmem:s19+$0x80] =	vst v6  }
0x18a: {  	[tilespmem:s19+$0x100] =	vst v5  }
0x18b: {  	[tilespmem:s19+$0xFFFFFE00] =	vst v0  }
0x18c: {  	[hbm4b:s6+s12] =	stream.strided.scatter [tilespmem:s14], [sflag:$0x1], $0x2000, s13, s12, $0x38;
	[tilespmem:$0x1A800] =	vst v63  }
0x18d: {  	v0 =	vld [tilespmem:$0x10480];
	_ =	sdelay $0x4  }
0x18e: {  	v0 =	vmul.u32 $0x41, v0  }
0x18f: {  	s28 =	simm.s32 $0x7  }
0x190: {  	s29 =	simm.s32 $0x1;
	v1 =	vadd.s32 s28, v0  }
0x191: {  	s30 =	simm.s32 $0x2;
	v2 =	vadd.s32 s29, v0  }
0x192: {  	s31 =	simm.s32 $0x3;
	v3 =	vadd.s32 s30, v0  }
0x193: {  	s20 =	simm.s32 $0x4;
	v4 =	vadd.s32 s31, v0  }
0x194: {  	s21 =	simm.s32 $0x5;
	v5 =	vadd.s32 s20, v0  }
0x195: {  	s22 =	simm.s32 $0x6;
	v6 =	vadd.s32 s21, v0;
	v1 =	vld.idx.msk [tilespmem:v1+s3+$0x0], $0xffff  }
0x196: {  	s24 =	simm.s32 $0xF;
	v7 =	vadd.s32 s22, v0;
	v2 =	vld.idx.msk [tilespmem:v2+s3+$0x0], $0xffff  }
0x197: {  	s23 =	simm.s32 $0x0;
	v11 =	vadd.s32 s24, v0;
	v9 =	vld.idx.msk [tilespmem:v3+s3+$0x0], $0xffff  }
0x198: {  	s26 =	simm.s32 $0xA;
	v8 =	vadd.s32 s23, v0;
	v12 =	vld.idx.msk [tilespmem:v4+s3+$0x0], $0xffff  }
0x199: {  	s25 =	simm.s32 $0x9;
	v15 =	vadd.s32 s26, v0;
	v14 =	vld.idx.msk [tilespmem:v5+s3+$0x0], $0xffff  }
0x19a: {  	s19 =	simm.s32 $0x18B80;
	v13 =	vadd.s32 s25, v0;
	s28 =	simm.s32 $0xB;
	v5 =	vld.idx.msk [tilespmem:v6+s3+$0x0], $0xffff  }
0x19b: {  	s29 =	simm.s32 $0xC;
	v10 =	vadd.s32 s28, v0;
	v4 =	vld.idx.msk [tilespmem:v7+s3+$0x0], $0xffff;
	[tilespmem:s19+$0x0] =	vst v1  }
0x19c: {  	s30 =	simm.s32 $0xD;
	[tilespmem:s19+$0xFFFFFD00] =	vst v2;
	v1 =	vld.idx.msk [tilespmem:v11+s3+$0x0], $0xffff;
	v11 =	vadd.s32 s29, v0  }
0x19d: {  	s31 =	simm.s32 $0xE;
	v3 =	vld.idx.msk [tilespmem:v8+s3+$0x0], $0xffff;
	v8 =	vadd.s32 s30, v0;
	[tilespmem:s19+$0xFFFFFD80] =	vst v9  }
0x19e: {  	s23 =	simm.s32 $0x8;
	v6 =	vld.idx.msk [tilespmem:v15+s3+$0x0], $0xffff;
	[tilespmem:s19+$0xFFFFFE00] =	vst v12;
	v9 =	vadd.s32 s31, v0  }
0x19f: {  	s20 =	simm.s32 $0x10;
	s22 =	simm.s32 $0x17;
	s21 =	simm.s32 $0x18;
	v7 =	vadd.s32 s23, v0;
	v2 =	vld.idx.msk [tilespmem:v13+s3+$0x0], $0xffff;
	[tilespmem:s19+$0xFFFFFE80] =	vst v14  }
.LBB2_18:
0x1a0: {  	p0 =	slt.u32 s21, $0x38;
	s23 =	sadd.s32 $0x1, s20;
	v12 =	vadd.s32 s22, v0;
	v13 =	vld.idx.msk [tilespmem:v10+s3+$0x0], $0xffff;
	[tilespmem:s19+$0xFFFFFF00] =	vst v5  }
0x1a1: {  	s22 =	sadd.s32 $0x2, s20;
	v14 =	vadd.s32 s23, v0;
	v15 =	vld.idx.msk [tilespmem:v11+s3+$0x0], $0xffff;
	[tilespmem:s19+$0xFFFFFF80] =	vst v4  }
0x1a2: {  	v16 =	vadd.s32 s22, v0;
	s22 =	sadd.s32 $0x3, s20;
	v5 =	vld.idx.msk [tilespmem:v8+s3+$0x0], $0xffff;
	[tilespmem:s19+$0xFFFFFC80] =	vst v3;
	s19 =	sadd.s32 $0x400, s19  }
.Ltmp8:
0x1a3: {  	v10 =	vadd.s32 s22, v0;
	s22 =	sadd.s32 $0x4, s20;
	v4 =	vld.idx.msk [tilespmem:v9+s3+$0x0], $0xffff;
	[tilespmem:s19+$0x0] =	vst v1;
	(pc) =	sbr.rel @p0 .LBB2_18-.Ltmp8, $4  }
0x1a4: {  	v11 =	vadd.s32 s22, v0;
	s22 =	sadd.s32 $0x5, s20;
	v3 =	vld.idx.msk [tilespmem:v7+s3+$0x0], $0xffff;
	[tilespmem:s19+$0xFFFFFD00] =	vst v2  }
0x1a5: {  	v8 =	vadd.s32 s22, v0;
	s22 =	sadd.s32 $0x6, s20;
	v1 =	vld.idx.msk [tilespmem:v12+s3+$0x0], $0xffff;
	[tilespmem:s19+$0xFFFFFD80] =	vst v6  }
0x1a6: {  	v9 =	vadd.s32 s22, v0;
	v2 =	vld.idx.msk [tilespmem:v14+s3+$0x0], $0xffff;
	[tilespmem:s19+$0xFFFFFE00] =	vst v13  }
0x1a7: {  	v7 =	vadd.s32 s20, v0;
	s20 =	smov.u32 s21;
	s22 =	sadd.s32 $0x7, s21;
	s21 =	sadd.s32 $0x8, s21;
	v6 =	vld.idx.msk [tilespmem:v16+s3+$0x0], $0xffff;
	[tilespmem:s19+$0xFFFFFE80] =	vst v15  }
0x1a8: {  	_ =	sdelay $0x2  }
0x1a9: {  	[tilespmem:s19+$0xFFFFFF00] =	vst v5  }
0x1aa: {  	s21 =	sadd.s32 $0x1, s20;
	v5 =	vadd.s32 s22, v0;
	v10 =	vld.idx.msk [tilespmem:v10+s3+$0x0], $0xffff;
	[tilespmem:s19+$0xFFFFFF80] =	vst v4  }
0x1ab: {  	s31 =	sadd.s32 $0x2, s20;
	v11 =	vld.idx.msk [tilespmem:v11+s3+$0x0], $0xffff;
	s22 =	sadd.s32 $0x400, s19;
	v4 =	vadd.s32 s21, v0;
	[tilespmem:s19+$0xFFFFFC80] =	vst v3  }
0x1ac: {  	s23 =	sadd.s32 $0x3, s20;
	v8 =	vld.idx.msk [tilespmem:v8+s3+$0x0], $0xffff;
	v3 =	vadd.s32 s31, v0;
	[tilespmem:s22+$0x0] =	vst v1  }
0x1ad: {  	s24 =	sadd.s32 $0x4, s20;
	v9 =	vld.idx.msk [tilespmem:v9+s3+$0x0], $0xffff;
	v1 =	vadd.s32 s23, v0;
	[tilespmem:s22+$0xFFFFFD00] =	vst v2  }
0x1ae: {  	s25 =	sadd.s32 $0x5, s20;
	v7 =	vld.idx.msk [tilespmem:v7+s3+$0x0], $0xffff;
	v2 =	vadd.s32 s24, v0;
	[tilespmem:s22+$0xFFFFFD80] =	vst v6  }
0x1af: {  	s26 =	sadd.s32 $0x6, s20;
	v6 =	vadd.s32 s25, v0;
	v5 =	vld.idx.msk [tilespmem:v5+s3+$0x0], $0xffff;
	[tilespmem:s22+$0xFFFFFE00] =	vst v10  }
0x1b0: {  	v10 =	vadd.s32 s26, v0;
	[tilespmem:s22+$0xFFFFFE80] =	vst v11;
	v4 =	vld.idx.msk [tilespmem:v4+s3+$0x0], $0xffff  }
0x1b1: {  	v0 =	vadd.s32 s20, v0;
	[tilespmem:s22+$0xFFFFFF00] =	vst v8;
	v3 =	vld.idx.msk [tilespmem:v3+s3+$0x0], $0xffff  }
0x1b2: {  	[tilespmem:s22+$0xFFFFFF80] =	vst v9;
	v1 =	vld.idx.msk [tilespmem:v1+s3+$0x0], $0xffff  }
0x1b3: {  	s19 =	sadd.s32 $0x400, s22;
	[tilespmem:s22+$0xFFFFFC80] =	vst v7;
	v2 =	vld.idx.msk [tilespmem:v2+s3+$0x0], $0xffff  }
0x1b4: {  	v6 =	vld.idx.msk [tilespmem:v6+s3+$0x0], $0xffff;
	[tilespmem:s19+$0x0] =	vst v5  }
0x1b5: {  	v5 =	vld.idx.msk [tilespmem:v10+s3+$0x0], $0xffff;
	[tilespmem:s19+$0xFFFFFD00] =	vst v4  }
0x1b6: {  	v0 =	vld.idx.msk [tilespmem:v0+s3+$0x0], $0xffff;
	[tilespmem:s19+$0xFFFFFD80] =	vst v3  }
0x1b7: {  	[tilespmem:s19+$0xFFFFFE00] =	vst v1  }
0x1b8: {  	[tilespmem:s19+$0xFFFFFE80] =	vst v2  }
0x1b9: {  	[tilespmem:s19+$0xFFFFFF00] =	vst v6  }
0x1ba: {  	[tilespmem:s19+$0xFFFFFF80] =	vst v5  }
0x1bb: {  	[tilespmem:s19+$0xFFFFFC80] =	vst v0  }
0x1bc: {  	v0 =	vld [tilespmem:$0x10490];
	_ =	sdelay $0x4  }
0x1bd: {  	v0 =	vmul.u32 $0x41, v0  }
0x1be: {  	s28 =	simm.s32 $0x7  }
0x1bf: {  	s29 =	simm.s32 $0x1;
	v1 =	vadd.s32 s28, v0  }
0x1c0: {  	s30 =	simm.s32 $0x2;
	v2 =	vadd.s32 s29, v0  }
0x1c1: {  	s31 =	simm.s32 $0x3;
	v3 =	vadd.s32 s30, v0  }
0x1c2: {  	s20 =	simm.s32 $0x4;
	v4 =	vadd.s32 s31, v0  }
0x1c3: {  	s21 =	simm.s32 $0x5;
	v5 =	vadd.s32 s20, v0  }
0x1c4: {  	s22 =	simm.s32 $0x6;
	v6 =	vadd.s32 s21, v0;
	v1 =	vld.idx.msk [tilespmem:v1+s3+$0x0], $0xffff  }
0x1c5: {  	s24 =	simm.s32 $0xF;
	v7 =	vadd.s32 s22, v0;
	v2 =	vld.idx.msk [tilespmem:v2+s3+$0x0], $0xffff  }
0x1c6: {  	s23 =	simm.s32 $0x0;
	v11 =	vadd.s32 s24, v0;
	v9 =	vld.idx.msk [tilespmem:v3+s3+$0x0], $0xffff  }
0x1c7: {  	s26 =	simm.s32 $0xA;
	v8 =	vadd.s32 s23, v0;
	v12 =	vld.idx.msk [tilespmem:v4+s3+$0x0], $0xffff  }
0x1c8: {  	s25 =	simm.s32 $0x9;
	v15 =	vadd.s32 s26, v0;
	v14 =	vld.idx.msk [tilespmem:v5+s3+$0x0], $0xffff  }
0x1c9: {  	s19 =	simm.s32 $0x18B90;
	v13 =	vadd.s32 s25, v0;
	s28 =	simm.s32 $0xB;
	v5 =	vld.idx.msk [tilespmem:v6+s3+$0x0], $0xffff  }
0x1ca: {  	s29 =	simm.s32 $0xC;
	v10 =	vadd.s32 s28, v0;
	v4 =	vld.idx.msk [tilespmem:v7+s3+$0x0], $0xffff;
	[tilespmem:s19+$0x0] =	vst v1  }
0x1cb: {  	s30 =	simm.s32 $0xD;
	[tilespmem:s19+$0xFFFFFD00] =	vst v2;
	v1 =	vld.idx.msk [tilespmem:v11+s3+$0x0], $0xffff;
	v11 =	vadd.s32 s29, v0  }
0x1cc: {  	s31 =	simm.s32 $0xE;
	v3 =	vld.idx.msk [tilespmem:v8+s3+$0x0], $0xffff;
	v8 =	vadd.s32 s30, v0;
	[tilespmem:s19+$0xFFFFFD80] =	vst v9  }
0x1cd: {  	s23 =	simm.s32 $0x8;
	v6 =	vld.idx.msk [tilespmem:v15+s3+$0x0], $0xffff;
	[tilespmem:s19+$0xFFFFFE00] =	vst v12;
	v9 =	vadd.s32 s31, v0  }
0x1ce: {  	s20 =	simm.s32 $0x10;
	s22 =	simm.s32 $0x17;
	s21 =	simm.s32 $0x18;
	v7 =	vadd.s32 s23, v0;
	v2 =	vld.idx.msk [tilespmem:v13+s3+$0x0], $0xffff;
	[tilespmem:s19+$0xFFFFFE80] =	vst v14  }
.LBB2_20:
0x1cf: {  	p0 =	slt.u32 s21, $0x38;
	s23 =	sadd.s32 $0x1, s20;
	v12 =	vadd.s32 s22, v0;
	v13 =	vld.idx.msk [tilespmem:v10+s3+$0x0], $0xffff;
	[tilespmem:s19+$0xFFFFFF00] =	vst v5  }
0x1d0: {  	s22 =	sadd.s32 $0x2, s20;
	v14 =	vadd.s32 s23, v0;
	v15 =	vld.idx.msk [tilespmem:v11+s3+$0x0], $0xffff;
	[tilespmem:s19+$0xFFFFFF80] =	vst v4  }
0x1d1: {  	v16 =	vadd.s32 s22, v0;
	s22 =	sadd.s32 $0x3, s20;
	v5 =	vld.idx.msk [tilespmem:v8+s3+$0x0], $0xffff;
	[tilespmem:s19+$0xFFFFFC80] =	vst v3;
	s19 =	sadd.s32 $0x400, s19  }
.Ltmp9:
0x1d2: {  	v10 =	vadd.s32 s22, v0;
	s22 =	sadd.s32 $0x4, s20;
	v4 =	vld.idx.msk [tilespmem:v9+s3+$0x0], $0xffff;
	[tilespmem:s19+$0x0] =	vst v1;
	(pc) =	sbr.rel @p0 .LBB2_20-.Ltmp9, $4  }
0x1d3: {  	v11 =	vadd.s32 s22, v0;
	s22 =	sadd.s32 $0x5, s20;
	v3 =	vld.idx.msk [tilespmem:v7+s3+$0x0], $0xffff;
	[tilespmem:s19+$0xFFFFFD00] =	vst v2  }
0x1d4: {  	v8 =	vadd.s32 s22, v0;
	s22 =	sadd.s32 $0x6, s20;
	v1 =	vld.idx.msk [tilespmem:v12+s3+$0x0], $0xffff;
	[tilespmem:s19+$0xFFFFFD80] =	vst v6  }
0x1d5: {  	v9 =	vadd.s32 s22, v0;
	v2 =	vld.idx.msk [tilespmem:v14+s3+$0x0], $0xffff;
	[tilespmem:s19+$0xFFFFFE00] =	vst v13  }
0x1d6: {  	v7 =	vadd.s32 s20, v0;
	s20 =	smov.u32 s21;
	s22 =	sadd.s32 $0x7, s21;
	s21 =	sadd.s32 $0x8, s21;
	v6 =	vld.idx.msk [tilespmem:v16+s3+$0x0], $0xffff;
	[tilespmem:s19+$0xFFFFFE80] =	vst v15  }
0x1d7: {  	_ =	sdelay $0x2  }
0x1d8: {  	[tilespmem:s19+$0xFFFFFF00] =	vst v5  }
0x1d9: {  	s21 =	sadd.s32 $0x1, s20;
	v5 =	vadd.s32 s22, v0;
	v10 =	vld.idx.msk [tilespmem:v10+s3+$0x0], $0xffff;
	[tilespmem:s19+$0xFFFFFF80] =	vst v4  }
0x1da: {  	s31 =	sadd.s32 $0x2, s20;
	v11 =	vld.idx.msk [tilespmem:v11+s3+$0x0], $0xffff;
	s22 =	sadd.s32 $0x400, s19;
	v4 =	vadd.s32 s21, v0;
	[tilespmem:s19+$0xFFFFFC80] =	vst v3  }
0x1db: {  	s23 =	sadd.s32 $0x3, s20;
	v8 =	vld.idx.msk [tilespmem:v8+s3+$0x0], $0xffff;
	v3 =	vadd.s32 s31, v0;
	[tilespmem:s22+$0x0] =	vst v1  }
0x1dc: {  	s24 =	sadd.s32 $0x4, s20;
	v9 =	vld.idx.msk [tilespmem:v9+s3+$0x0], $0xffff;
	v1 =	vadd.s32 s23, v0;
	[tilespmem:s22+$0xFFFFFD00] =	vst v2  }
0x1dd: {  	s25 =	sadd.s32 $0x5, s20;
	v7 =	vld.idx.msk [tilespmem:v7+s3+$0x0], $0xffff;
	v2 =	vadd.s32 s24, v0;
	[tilespmem:s22+$0xFFFFFD80] =	vst v6  }
0x1de: {  	s26 =	sadd.s32 $0x6, s20;
	v6 =	vadd.s32 s25, v0;
	v5 =	vld.idx.msk [tilespmem:v5+s3+$0x0], $0xffff;
	[tilespmem:s22+$0xFFFFFE00] =	vst v10  }
0x1df: {  	v10 =	vadd.s32 s26, v0;
	[tilespmem:s22+$0xFFFFFE80] =	vst v11;
	v4 =	vld.idx.msk [tilespmem:v4+s3+$0x0], $0xffff  }
0x1e0: {  	v0 =	vadd.s32 s20, v0;
	[tilespmem:s22+$0xFFFFFF00] =	vst v8;
	v3 =	vld.idx.msk [tilespmem:v3+s3+$0x0], $0xffff  }
0x1e1: {  	[tilespmem:s22+$0xFFFFFF80] =	vst v9;
	v1 =	vld.idx.msk [tilespmem:v1+s3+$0x0], $0xffff  }
0x1e2: {  	s19 =	sadd.s32 $0x400, s22;
	[tilespmem:s22+$0xFFFFFC80] =	vst v7;
	v2 =	vld.idx.msk [tilespmem:v2+s3+$0x0], $0xffff  }
0x1e3: {  	v6 =	vld.idx.msk [tilespmem:v6+s3+$0x0], $0xffff;
	[tilespmem:s19+$0x0] =	vst v5  }
0x1e4: {  	v5 =	vld.idx.msk [tilespmem:v10+s3+$0x0], $0xffff;
	[tilespmem:s19+$0xFFFFFD00] =	vst v4  }
0x1e5: {  	v0 =	vld.idx.msk [tilespmem:v0+s3+$0x0], $0xffff;
	[tilespmem:s19+$0xFFFFFD80] =	vst v3  }
0x1e6: {  	[tilespmem:s19+$0xFFFFFE00] =	vst v1  }
0x1e7: {  	[tilespmem:s19+$0xFFFFFE80] =	vst v2  }
0x1e8: {  	[tilespmem:s19+$0xFFFFFF00] =	vst v6  }
0x1e9: {  	[tilespmem:s19+$0xFFFFFF80] =	vst v5  }
0x1ea: {  	[tilespmem:s19+$0xFFFFFC80] =	vst v0  }
0x1eb: {  	v0 =	vld [tilespmem:$0x104A0];
	_ =	sdelay $0x4  }
0x1ec: {  	v0 =	vmul.u32 $0x41, v0  }
0x1ed: {  	s28 =	simm.s32 $0x7  }
0x1ee: {  	s29 =	simm.s32 $0x1;
	v1 =	vadd.s32 s28, v0  }
0x1ef: {  	s30 =	simm.s32 $0x2;
	v2 =	vadd.s32 s29, v0  }
0x1f0: {  	s31 =	simm.s32 $0x3;
	v3 =	vadd.s32 s30, v0  }
0x1f1: {  	s20 =	simm.s32 $0x4;
	v4 =	vadd.s32 s31, v0  }
0x1f2: {  	s21 =	simm.s32 $0x5;
	v5 =	vadd.s32 s20, v0  }
0x1f3: {  	s22 =	simm.s32 $0x6;
	v6 =	vadd.s32 s21, v0;
	v1 =	vld.idx.msk [tilespmem:v1+s3+$0x0], $0xffff  }
0x1f4: {  	s24 =	simm.s32 $0xF;
	v7 =	vadd.s32 s22, v0;
	v2 =	vld.idx.msk [tilespmem:v2+s3+$0x0], $0xffff  }
0x1f5: {  	s23 =	simm.s32 $0x0;
	v11 =	vadd.s32 s24, v0;
	v9 =	vld.idx.msk [tilespmem:v3+s3+$0x0], $0xffff  }
0x1f6: {  	s26 =	simm.s32 $0xA;
	v8 =	vadd.s32 s23, v0;
	v12 =	vld.idx.msk [tilespmem:v4+s3+$0x0], $0xffff  }
0x1f7: {  	s25 =	simm.s32 $0x9;
	v15 =	vadd.s32 s26, v0;
	v14 =	vld.idx.msk [tilespmem:v5+s3+$0x0], $0xffff  }
0x1f8: {  	s19 =	simm.s32 $0x18BA0;
	v13 =	vadd.s32 s25, v0;
	s28 =	simm.s32 $0xB;
	v5 =	vld.idx.msk [tilespmem:v6+s3+$0x0], $0xffff  }
0x1f9: {  	s29 =	simm.s32 $0xC;
	v10 =	vadd.s32 s28, v0;
	v4 =	vld.idx.msk [tilespmem:v7+s3+$0x0], $0xffff;
	[tilespmem:s19+$0x0] =	vst v1  }
0x1fa: {  	s30 =	simm.s32 $0xD;
	[tilespmem:s19+$0xFFFFFD00] =	vst v2;
	v1 =	vld.idx.msk [tilespmem:v11+s3+$0x0], $0xffff;
	v11 =	vadd.s32 s29, v0  }
0x1fb: {  	s31 =	simm.s32 $0xE;
	v3 =	vld.idx.msk [tilespmem:v8+s3+$0x0], $0xffff;
	v8 =	vadd.s32 s30, v0;
	[tilespmem:s19+$0xFFFFFD80] =	vst v9  }
0x1fc: {  	s23 =	simm.s32 $0x8;
	v6 =	vld.idx.msk [tilespmem:v15+s3+$0x0], $0xffff;
	[tilespmem:s19+$0xFFFFFE00] =	vst v12;
	v9 =	vadd.s32 s31, v0  }
0x1fd: {  	s20 =	simm.s32 $0x10;
	s22 =	simm.s32 $0x17;
	s21 =	simm.s32 $0x18;
	v7 =	vadd.s32 s23, v0;
	v2 =	vld.idx.msk [tilespmem:v13+s3+$0x0], $0xffff;
	[tilespmem:s19+$0xFFFFFE80] =	vst v14  }
.LBB2_22:
0x1fe: {  	p0 =	slt.u32 s21, $0x38;
	s23 =	sadd.s32 $0x1, s20;
	v12 =	vadd.s32 s22, v0;
	v13 =	vld.idx.msk [tilespmem:v10+s3+$0x0], $0xffff;
	[tilespmem:s19+$0xFFFFFF00] =	vst v5  }
0x1ff: {  	s22 =	sadd.s32 $0x2, s20;
	v14 =	vadd.s32 s23, v0;
	v15 =	vld.idx.msk [tilespmem:v11+s3+$0x0], $0xffff;
	[tilespmem:s19+$0xFFFFFF80] =	vst v4  }
0x200: {  	v16 =	vadd.s32 s22, v0;
	s22 =	sadd.s32 $0x3, s20;
	v5 =	vld.idx.msk [tilespmem:v8+s3+$0x0], $0xffff;
	[tilespmem:s19+$0xFFFFFC80] =	vst v3;
	s19 =	sadd.s32 $0x400, s19  }
.Ltmp10:
0x201: {  	v10 =	vadd.s32 s22, v0;
	s22 =	sadd.s32 $0x4, s20;
	v4 =	vld.idx.msk [tilespmem:v9+s3+$0x0], $0xffff;
	[tilespmem:s19+$0x0] =	vst v1;
	(pc) =	sbr.rel @p0 .LBB2_22-.Ltmp10, $4  }
0x202: {  	v11 =	vadd.s32 s22, v0;
	s22 =	sadd.s32 $0x5, s20;
	v3 =	vld.idx.msk [tilespmem:v7+s3+$0x0], $0xffff;
	[tilespmem:s19+$0xFFFFFD00] =	vst v2  }
0x203: {  	v8 =	vadd.s32 s22, v0;
	s22 =	sadd.s32 $0x6, s20;
	v1 =	vld.idx.msk [tilespmem:v12+s3+$0x0], $0xffff;
	[tilespmem:s19+$0xFFFFFD80] =	vst v6  }
0x204: {  	v9 =	vadd.s32 s22, v0;
	v2 =	vld.idx.msk [tilespmem:v14+s3+$0x0], $0xffff;
	[tilespmem:s19+$0xFFFFFE00] =	vst v13  }
0x205: {  	v7 =	vadd.s32 s20, v0;
	s20 =	smov.u32 s21;
	s22 =	sadd.s32 $0x7, s21;
	s21 =	sadd.s32 $0x8, s21;
	v6 =	vld.idx.msk [tilespmem:v16+s3+$0x0], $0xffff;
	[tilespmem:s19+$0xFFFFFE80] =	vst v15  }
0x206: {  	_ =	sdelay $0x2  }
0x207: {  	[tilespmem:s19+$0xFFFFFF00] =	vst v5  }
0x208: {  	s21 =	sadd.s32 $0x1, s20;
	v5 =	vadd.s32 s22, v0;
	v10 =	vld.idx.msk [tilespmem:v10+s3+$0x0], $0xffff;
	[tilespmem:s19+$0xFFFFFF80] =	vst v4  }
0x209: {  	s31 =	sadd.s32 $0x2, s20;
	v11 =	vld.idx.msk [tilespmem:v11+s3+$0x0], $0xffff;
	s22 =	sadd.s32 $0x400, s19;
	v4 =	vadd.s32 s21, v0;
	[tilespmem:s19+$0xFFFFFC80] =	vst v3  }
0x20a: {  	s23 =	sadd.s32 $0x3, s20;
	v8 =	vld.idx.msk [tilespmem:v8+s3+$0x0], $0xffff;
	v3 =	vadd.s32 s31, v0;
	[tilespmem:s22+$0x0] =	vst v1  }
0x20b: {  	s24 =	sadd.s32 $0x4, s20;
	v9 =	vld.idx.msk [tilespmem:v9+s3+$0x0], $0xffff;
	v1 =	vadd.s32 s23, v0;
	[tilespmem:s22+$0xFFFFFD00] =	vst v2  }
0x20c: {  	s25 =	sadd.s32 $0x5, s20;
	v7 =	vld.idx.msk [tilespmem:v7+s3+$0x0], $0xffff;
	v2 =	vadd.s32 s24, v0;
	[tilespmem:s22+$0xFFFFFD80] =	vst v6  }
0x20d: {  	s26 =	sadd.s32 $0x6, s20;
	v6 =	vadd.s32 s25, v0;
	v5 =	vld.idx.msk [tilespmem:v5+s3+$0x0], $0xffff;
	[tilespmem:s22+$0xFFFFFE00] =	vst v10  }
0x20e: {  	v10 =	vadd.s32 s26, v0;
	[tilespmem:s22+$0xFFFFFE80] =	vst v11;
	v4 =	vld.idx.msk [tilespmem:v4+s3+$0x0], $0xffff  }
0x20f: {  	v0 =	vadd.s32 s20, v0;
	[tilespmem:s22+$0xFFFFFF00] =	vst v8;
	v3 =	vld.idx.msk [tilespmem:v3+s3+$0x0], $0xffff  }
0x210: {  	[tilespmem:s22+$0xFFFFFF80] =	vst v9;
	v1 =	vld.idx.msk [tilespmem:v1+s3+$0x0], $0xffff  }
0x211: {  	s19 =	sadd.s32 $0x400, s22;
	[tilespmem:s22+$0xFFFFFC80] =	vst v7;
	v2 =	vld.idx.msk [tilespmem:v2+s3+$0x0], $0xffff  }
0x212: {  	v6 =	vld.idx.msk [tilespmem:v6+s3+$0x0], $0xffff;
	[tilespmem:s19+$0x0] =	vst v5  }
0x213: {  	v5 =	vld.idx.msk [tilespmem:v10+s3+$0x0], $0xffff;
	[tilespmem:s19+$0xFFFFFD00] =	vst v4  }
0x214: {  	v0 =	vld.idx.msk [tilespmem:v0+s3+$0x0], $0xffff;
	[tilespmem:s19+$0xFFFFFD80] =	vst v3  }
0x215: {  	[tilespmem:s19+$0xFFFFFE00] =	vst v1  }
0x216: {  	[tilespmem:s19+$0xFFFFFE80] =	vst v2  }
0x217: {  	[tilespmem:s19+$0xFFFFFF00] =	vst v6  }
0x218: {  	[tilespmem:s19+$0xFFFFFF80] =	vst v5  }
0x219: {  	[tilespmem:s19+$0xFFFFFC80] =	vst v0  }
0x21a: {  	v0 =	vld [tilespmem:$0x104B0];
	_ =	sdelay $0x4  }
0x21b: {  	v0 =	vmul.u32 $0x41, v0  }
0x21c: {  	s28 =	simm.s32 $0x7  }
0x21d: {  	s29 =	simm.s32 $0x1;
	v1 =	vadd.s32 s28, v0  }
0x21e: {  	s30 =	simm.s32 $0x2;
	v2 =	vadd.s32 s29, v0  }
0x21f: {  	s31 =	simm.s32 $0x3;
	v3 =	vadd.s32 s30, v0  }
0x220: {  	s20 =	simm.s32 $0x4;
	v4 =	vadd.s32 s31, v0  }
0x221: {  	s21 =	simm.s32 $0x5;
	v5 =	vadd.s32 s20, v0  }
0x222: {  	s22 =	simm.s32 $0x6;
	v6 =	vadd.s32 s21, v0;
	v1 =	vld.idx.msk [tilespmem:v1+s3+$0x0], $0xffff  }
0x223: {  	s24 =	simm.s32 $0xF;
	v7 =	vadd.s32 s22, v0;
	v2 =	vld.idx.msk [tilespmem:v2+s3+$0x0], $0xffff  }
0x224: {  	s23 =	simm.s32 $0x0;
	v11 =	vadd.s32 s24, v0;
	v9 =	vld.idx.msk [tilespmem:v3+s3+$0x0], $0xffff  }
0x225: {  	s26 =	simm.s32 $0xA;
	v8 =	vadd.s32 s23, v0;
	v12 =	vld.idx.msk [tilespmem:v4+s3+$0x0], $0xffff  }
0x226: {  	s25 =	simm.s32 $0x9;
	v15 =	vadd.s32 s26, v0;
	v14 =	vld.idx.msk [tilespmem:v5+s3+$0x0], $0xffff  }
0x227: {  	s19 =	simm.s32 $0x18BB0;
	v13 =	vadd.s32 s25, v0;
	s28 =	simm.s32 $0xB;
	v5 =	vld.idx.msk [tilespmem:v6+s3+$0x0], $0xffff  }
0x228: {  	s29 =	simm.s32 $0xC;
	v10 =	vadd.s32 s28, v0;
	v4 =	vld.idx.msk [tilespmem:v7+s3+$0x0], $0xffff;
	[tilespmem:s19+$0x0] =	vst v1  }
0x229: {  	s30 =	simm.s32 $0xD;
	[tilespmem:s19+$0xFFFFFD00] =	vst v2;
	v1 =	vld.idx.msk [tilespmem:v11+s3+$0x0], $0xffff;
	v11 =	vadd.s32 s29, v0  }
0x22a: {  	s31 =	simm.s32 $0xE;
	v3 =	vld.idx.msk [tilespmem:v8+s3+$0x0], $0xffff;
	v8 =	vadd.s32 s30, v0;
	[tilespmem:s19+$0xFFFFFD80] =	vst v9  }
0x22b: {  	s23 =	simm.s32 $0x8;
	v6 =	vld.idx.msk [tilespmem:v15+s3+$0x0], $0xffff;
	[tilespmem:s19+$0xFFFFFE00] =	vst v12;
	v9 =	vadd.s32 s31, v0  }
0x22c: {  	s20 =	simm.s32 $0x10;
	s22 =	simm.s32 $0x17;
	s21 =	simm.s32 $0x18;
	v7 =	vadd.s32 s23, v0;
	v2 =	vld.idx.msk [tilespmem:v13+s3+$0x0], $0xffff;
	[tilespmem:s19+$0xFFFFFE80] =	vst v14  }
.LBB2_24:
0x22d: {  	p0 =	slt.u32 s21, $0x38;
	s23 =	sadd.s32 $0x1, s20;
	v12 =	vadd.s32 s22, v0;
	v13 =	vld.idx.msk [tilespmem:v10+s3+$0x0], $0xffff;
	[tilespmem:s19+$0xFFFFFF00] =	vst v5  }
0x22e: {  	s22 =	sadd.s32 $0x2, s20;
	v14 =	vadd.s32 s23, v0;
	v15 =	vld.idx.msk [tilespmem:v11+s3+$0x0], $0xffff;
	[tilespmem:s19+$0xFFFFFF80] =	vst v4  }
0x22f: {  	v16 =	vadd.s32 s22, v0;
	s22 =	sadd.s32 $0x3, s20;
	v5 =	vld.idx.msk [tilespmem:v8+s3+$0x0], $0xffff;
	[tilespmem:s19+$0xFFFFFC80] =	vst v3;
	s19 =	sadd.s32 $0x400, s19  }
.Ltmp11:
0x230: {  	v10 =	vadd.s32 s22, v0;
	s22 =	sadd.s32 $0x4, s20;
	v4 =	vld.idx.msk [tilespmem:v9+s3+$0x0], $0xffff;
	[tilespmem:s19+$0x0] =	vst v1;
	(pc) =	sbr.rel @p0 .LBB2_24-.Ltmp11, $4  }
0x231: {  	v11 =	vadd.s32 s22, v0;
	s22 =	sadd.s32 $0x5, s20;
	v3 =	vld.idx.msk [tilespmem:v7+s3+$0x0], $0xffff;
	[tilespmem:s19+$0xFFFFFD00] =	vst v2  }
0x232: {  	v8 =	vadd.s32 s22, v0;
	s22 =	sadd.s32 $0x6, s20;
	v1 =	vld.idx.msk [tilespmem:v12+s3+$0x0], $0xffff;
	[tilespmem:s19+$0xFFFFFD80] =	vst v6  }
0x233: {  	v9 =	vadd.s32 s22, v0;
	v2 =	vld.idx.msk [tilespmem:v14+s3+$0x0], $0xffff;
	[tilespmem:s19+$0xFFFFFE00] =	vst v13  }
0x234: {  	v7 =	vadd.s32 s20, v0;
	s20 =	smov.u32 s21;
	s22 =	sadd.s32 $0x7, s21;
	s21 =	sadd.s32 $0x8, s21;
	v6 =	vld.idx.msk [tilespmem:v16+s3+$0x0], $0xffff;
	[tilespmem:s19+$0xFFFFFE80] =	vst v15  }
0x235: {  	_ =	sdelay $0x2  }
0x236: {  	[tilespmem:s19+$0xFFFFFF00] =	vst v5  }
0x237: {  	s21 =	sadd.s32 $0x1, s20;
	v5 =	vadd.s32 s22, v0;
	v10 =	vld.idx.msk [tilespmem:v10+s3+$0x0], $0xffff;
	[tilespmem:s19+$0xFFFFFF80] =	vst v4  }
0x238: {  	s31 =	sadd.s32 $0x2, s20;
	v11 =	vld.idx.msk [tilespmem:v11+s3+$0x0], $0xffff;
	s22 =	sadd.s32 $0x400, s19;
	v4 =	vadd.s32 s21, v0;
	[tilespmem:s19+$0xFFFFFC80] =	vst v3  }
0x239: {  	s23 =	sadd.s32 $0x3, s20;
	v8 =	vld.idx.msk [tilespmem:v8+s3+$0x0], $0xffff;
	v3 =	vadd.s32 s31, v0;
	[tilespmem:s22+$0x0] =	vst v1  }
0x23a: {  	s24 =	sadd.s32 $0x4, s20;
	v9 =	vld.idx.msk [tilespmem:v9+s3+$0x0], $0xffff;
	v1 =	vadd.s32 s23, v0;
	[tilespmem:s22+$0xFFFFFD00] =	vst v2  }
0x23b: {  	s25 =	sadd.s32 $0x5, s20;
	v7 =	vld.idx.msk [tilespmem:v7+s3+$0x0], $0xffff;
	v2 =	vadd.s32 s24, v0;
	[tilespmem:s22+$0xFFFFFD80] =	vst v6  }
0x23c: {  	s26 =	sadd.s32 $0x6, s20;
	v6 =	vadd.s32 s25, v0;
	v5 =	vld.idx.msk [tilespmem:v5+s3+$0x0], $0xffff;
	[tilespmem:s22+$0xFFFFFE00] =	vst v10  }
0x23d: {  	v10 =	vadd.s32 s26, v0;
	[tilespmem:s22+$0xFFFFFE80] =	vst v11;
	v4 =	vld.idx.msk [tilespmem:v4+s3+$0x0], $0xffff  }
0x23e: {  	v0 =	vadd.s32 s20, v0;
	[tilespmem:s22+$0xFFFFFF00] =	vst v8;
	v3 =	vld.idx.msk [tilespmem:v3+s3+$0x0], $0xffff  }
0x23f: {  	[tilespmem:s22+$0xFFFFFF80] =	vst v9;
	v1 =	vld.idx.msk [tilespmem:v1+s3+$0x0], $0xffff  }
0x240: {  	s19 =	sadd.s32 $0x400, s22;
	[tilespmem:s22+$0xFFFFFC80] =	vst v7;
	v2 =	vld.idx.msk [tilespmem:v2+s3+$0x0], $0xffff  }
0x241: {  	v6 =	vld.idx.msk [tilespmem:v6+s3+$0x0], $0xffff;
	[tilespmem:s19+$0x0] =	vst v5  }
0x242: {  	v5 =	vld.idx.msk [tilespmem:v10+s3+$0x0], $0xffff;
	[tilespmem:s19+$0xFFFFFD00] =	vst v4  }
0x243: {  	v0 =	vld.idx.msk [tilespmem:v0+s3+$0x0], $0xffff;
	[tilespmem:s19+$0xFFFFFD80] =	vst v3  }
0x244: {  	[tilespmem:s19+$0xFFFFFE00] =	vst v1  }
0x245: {  	[tilespmem:s19+$0xFFFFFE80] =	vst v2  }
0x246: {  	[tilespmem:s19+$0xFFFFFF00] =	vst v6  }
0x247: {  	[tilespmem:s19+$0xFFFFFF80] =	vst v5  }
0x248: {  	[tilespmem:s19+$0xFFFFFC80] =	vst v0  }
0x249: {  	v0 =	vld [tilespmem:$0x104C0];
	_ =	sdelay $0x4  }
0x24a: {  	v0 =	vmul.u32 $0x41, v0  }
0x24b: {  	s28 =	simm.s32 $0x7  }
0x24c: {  	s29 =	simm.s32 $0x1;
	v1 =	vadd.s32 s28, v0  }
0x24d: {  	s30 =	simm.s32 $0x2;
	v2 =	vadd.s32 s29, v0  }
0x24e: {  	s31 =	simm.s32 $0x3;
	v3 =	vadd.s32 s30, v0  }
0x24f: {  	s20 =	simm.s32 $0x4;
	v4 =	vadd.s32 s31, v0  }
0x250: {  	s21 =	simm.s32 $0x5;
	v5 =	vadd.s32 s20, v0  }
0x251: {  	s22 =	simm.s32 $0x6;
	v6 =	vadd.s32 s21, v0;
	v1 =	vld.idx.msk [tilespmem:v1+s3+$0x0], $0xffff  }
0x252: {  	s24 =	simm.s32 $0xF;
	v7 =	vadd.s32 s22, v0;
	v2 =	vld.idx.msk [tilespmem:v2+s3+$0x0], $0xffff  }
0x253: {  	s23 =	simm.s32 $0x0;
	v11 =	vadd.s32 s24, v0;
	v9 =	vld.idx.msk [tilespmem:v3+s3+$0x0], $0xffff  }
0x254: {  	s26 =	simm.s32 $0xA;
	v8 =	vadd.s32 s23, v0;
	v12 =	vld.idx.msk [tilespmem:v4+s3+$0x0], $0xffff  }
0x255: {  	s25 =	simm.s32 $0x9;
	v15 =	vadd.s32 s26, v0;
	v14 =	vld.idx.msk [tilespmem:v5+s3+$0x0], $0xffff  }
0x256: {  	s19 =	simm.s32 $0x18BC0;
	v13 =	vadd.s32 s25, v0;
	s28 =	simm.s32 $0xB;
	v5 =	vld.idx.msk [tilespmem:v6+s3+$0x0], $0xffff  }
0x257: {  	s29 =	simm.s32 $0xC;
	v10 =	vadd.s32 s28, v0;
	v4 =	vld.idx.msk [tilespmem:v7+s3+$0x0], $0xffff;
	[tilespmem:s19+$0x0] =	vst v1  }
0x258: {  	s30 =	simm.s32 $0xD;
	[tilespmem:s19+$0xFFFFFD00] =	vst v2;
	v1 =	vld.idx.msk [tilespmem:v11+s3+$0x0], $0xffff;
	v11 =	vadd.s32 s29, v0  }
0x259: {  	s31 =	simm.s32 $0xE;
	v3 =	vld.idx.msk [tilespmem:v8+s3+$0x0], $0xffff;
	v8 =	vadd.s32 s30, v0;
	[tilespmem:s19+$0xFFFFFD80] =	vst v9  }
0x25a: {  	s23 =	simm.s32 $0x8;
	v6 =	vld.idx.msk [tilespmem:v15+s3+$0x0], $0xffff;
	[tilespmem:s19+$0xFFFFFE00] =	vst v12;
	v9 =	vadd.s32 s31, v0  }
0x25b: {  	s20 =	simm.s32 $0x10;
	s22 =	simm.s32 $0x17;
	s21 =	simm.s32 $0x18;
	v7 =	vadd.s32 s23, v0;
	v2 =	vld.idx.msk [tilespmem:v13+s3+$0x0], $0xffff;
	[tilespmem:s19+$0xFFFFFE80] =	vst v14  }
.LBB2_26:
0x25c: {  	p0 =	slt.u32 s21, $0x38;
	s23 =	sadd.s32 $0x1, s20;
	v12 =	vadd.s32 s22, v0;
	v13 =	vld.idx.msk [tilespmem:v10+s3+$0x0], $0xffff;
	[tilespmem:s19+$0xFFFFFF00] =	vst v5  }
0x25d: {  	s22 =	sadd.s32 $0x2, s20;
	v14 =	vadd.s32 s23, v0;
	v15 =	vld.idx.msk [tilespmem:v11+s3+$0x0], $0xffff;
	[tilespmem:s19+$0xFFFFFF80] =	vst v4  }
0x25e: {  	v16 =	vadd.s32 s22, v0;
	s22 =	sadd.s32 $0x3, s20;
	v5 =	vld.idx.msk [tilespmem:v8+s3+$0x0], $0xffff;
	[tilespmem:s19+$0xFFFFFC80] =	vst v3;
	s19 =	sadd.s32 $0x400, s19  }
.Ltmp12:
0x25f: {  	v10 =	vadd.s32 s22, v0;
	s22 =	sadd.s32 $0x4, s20;
	v4 =	vld.idx.msk [tilespmem:v9+s3+$0x0], $0xffff;
	[tilespmem:s19+$0x0] =	vst v1;
	(pc) =	sbr.rel @p0 .LBB2_26-.Ltmp12, $4  }
0x260: {  	v11 =	vadd.s32 s22, v0;
	s22 =	sadd.s32 $0x5, s20;
	v3 =	vld.idx.msk [tilespmem:v7+s3+$0x0], $0xffff;
	[tilespmem:s19+$0xFFFFFD00] =	vst v2  }
0x261: {  	v8 =	vadd.s32 s22, v0;
	s22 =	sadd.s32 $0x6, s20;
	v1 =	vld.idx.msk [tilespmem:v12+s3+$0x0], $0xffff;
	[tilespmem:s19+$0xFFFFFD80] =	vst v6  }
0x262: {  	v9 =	vadd.s32 s22, v0;
	v2 =	vld.idx.msk [tilespmem:v14+s3+$0x0], $0xffff;
	[tilespmem:s19+$0xFFFFFE00] =	vst v13  }
0x263: {  	v7 =	vadd.s32 s20, v0;
	s20 =	smov.u32 s21;
	s22 =	sadd.s32 $0x7, s21;
	s21 =	sadd.s32 $0x8, s21;
	v6 =	vld.idx.msk [tilespmem:v16+s3+$0x0], $0xffff;
	[tilespmem:s19+$0xFFFFFE80] =	vst v15  }
0x264: {  	_ =	sdelay $0x2  }
0x265: {  	[tilespmem:s19+$0xFFFFFF00] =	vst v5  }
0x266: {  	s21 =	sadd.s32 $0x1, s20;
	v5 =	vadd.s32 s22, v0;
	v10 =	vld.idx.msk [tilespmem:v10+s3+$0x0], $0xffff;
	[tilespmem:s19+$0xFFFFFF80] =	vst v4  }
0x267: {  	s31 =	sadd.s32 $0x2, s20;
	v11 =	vld.idx.msk [tilespmem:v11+s3+$0x0], $0xffff;
	s22 =	sadd.s32 $0x400, s19;
	v4 =	vadd.s32 s21, v0;
	[tilespmem:s19+$0xFFFFFC80] =	vst v3  }
0x268: {  	s23 =	sadd.s32 $0x3, s20;
	v8 =	vld.idx.msk [tilespmem:v8+s3+$0x0], $0xffff;
	v3 =	vadd.s32 s31, v0;
	[tilespmem:s22+$0x0] =	vst v1  }
0x269: {  	s24 =	sadd.s32 $0x4, s20;
	v9 =	vld.idx.msk [tilespmem:v9+s3+$0x0], $0xffff;
	v1 =	vadd.s32 s23, v0;
	[tilespmem:s22+$0xFFFFFD00] =	vst v2  }
0x26a: {  	s25 =	sadd.s32 $0x5, s20;
	v7 =	vld.idx.msk [tilespmem:v7+s3+$0x0], $0xffff;
	v2 =	vadd.s32 s24, v0;
	[tilespmem:s22+$0xFFFFFD80] =	vst v6  }
0x26b: {  	s26 =	sadd.s32 $0x6, s20;
	v6 =	vadd.s32 s25, v0;
	v5 =	vld.idx.msk [tilespmem:v5+s3+$0x0], $0xffff;
	[tilespmem:s22+$0xFFFFFE00] =	vst v10  }
0x26c: {  	v10 =	vadd.s32 s26, v0;
	[tilespmem:s22+$0xFFFFFE80] =	vst v11;
	v4 =	vld.idx.msk [tilespmem:v4+s3+$0x0], $0xffff  }
0x26d: {  	v0 =	vadd.s32 s20, v0;
	[tilespmem:s22+$0xFFFFFF00] =	vst v8;
	v3 =	vld.idx.msk [tilespmem:v3+s3+$0x0], $0xffff  }
0x26e: {  	[tilespmem:s22+$0xFFFFFF80] =	vst v9;
	v1 =	vld.idx.msk [tilespmem:v1+s3+$0x0], $0xffff  }
0x26f: {  	s19 =	sadd.s32 $0x400, s22;
	[tilespmem:s22+$0xFFFFFC80] =	vst v7;
	v2 =	vld.idx.msk [tilespmem:v2+s3+$0x0], $0xffff  }
0x270: {  	v6 =	vld.idx.msk [tilespmem:v6+s3+$0x0], $0xffff;
	[tilespmem:s19+$0x0] =	vst v5  }
0x271: {  	v5 =	vld.idx.msk [tilespmem:v10+s3+$0x0], $0xffff;
	[tilespmem:s19+$0xFFFFFD00] =	vst v4  }
0x272: {  	v0 =	vld.idx.msk [tilespmem:v0+s3+$0x0], $0xffff;
	[tilespmem:s19+$0xFFFFFD80] =	vst v3  }
0x273: {  	[tilespmem:s19+$0xFFFFFE00] =	vst v1  }
0x274: {  	[tilespmem:s19+$0xFFFFFE80] =	vst v2  }
0x275: {  	[tilespmem:s19+$0xFFFFFF00] =	vst v6  }
0x276: {  	[tilespmem:s19+$0xFFFFFF80] =	vst v5  }
0x277: {  	[tilespmem:s19+$0xFFFFFC80] =	vst v0  }
0x278: {  	v0 =	vld [tilespmem:$0x104D0];
	_ =	sdelay $0x4  }
0x279: {  	v0 =	vmul.u32 $0x41, v0  }
0x27a: {  	s28 =	simm.s32 $0x7  }
0x27b: {  	s29 =	simm.s32 $0x1;
	v1 =	vadd.s32 s28, v0  }
0x27c: {  	s30 =	simm.s32 $0x2;
	v2 =	vadd.s32 s29, v0  }
0x27d: {  	s31 =	simm.s32 $0x3;
	v3 =	vadd.s32 s30, v0  }
0x27e: {  	s20 =	simm.s32 $0x4;
	v4 =	vadd.s32 s31, v0  }
0x27f: {  	s21 =	simm.s32 $0x5;
	v5 =	vadd.s32 s20, v0  }
0x280: {  	s22 =	simm.s32 $0x6;
	v6 =	vadd.s32 s21, v0;
	v1 =	vld.idx.msk [tilespmem:v1+s3+$0x0], $0xffff  }
0x281: {  	s24 =	simm.s32 $0xF;
	v7 =	vadd.s32 s22, v0;
	v2 =	vld.idx.msk [tilespmem:v2+s3+$0x0], $0xffff  }
0x282: {  	s23 =	simm.s32 $0x0;
	v11 =	vadd.s32 s24, v0;
	v9 =	vld.idx.msk [tilespmem:v3+s3+$0x0], $0xffff  }
0x283: {  	s26 =	simm.s32 $0xA;
	v8 =	vadd.s32 s23, v0;
	v12 =	vld.idx.msk [tilespmem:v4+s3+$0x0], $0xffff  }
0x284: {  	s25 =	simm.s32 $0x9;
	v15 =	vadd.s32 s26, v0;
	v14 =	vld.idx.msk [tilespmem:v5+s3+$0x0], $0xffff  }
0x285: {  	s19 =	simm.s32 $0x18BD0;
	v13 =	vadd.s32 s25, v0;
	s28 =	simm.s32 $0xB;
	v5 =	vld.idx.msk [tilespmem:v6+s3+$0x0], $0xffff  }
0x286: {  	s29 =	simm.s32 $0xC;
	v10 =	vadd.s32 s28, v0;
	v4 =	vld.idx.msk [tilespmem:v7+s3+$0x0], $0xffff;
	[tilespmem:s19+$0x0] =	vst v1  }
0x287: {  	s30 =	simm.s32 $0xD;
	[tilespmem:s19+$0xFFFFFD00] =	vst v2;
	v1 =	vld.idx.msk [tilespmem:v11+s3+$0x0], $0xffff;
	v11 =	vadd.s32 s29, v0  }
0x288: {  	s31 =	simm.s32 $0xE;
	v3 =	vld.idx.msk [tilespmem:v8+s3+$0x0], $0xffff;
	v8 =	vadd.s32 s30, v0;
	[tilespmem:s19+$0xFFFFFD80] =	vst v9  }
0x289: {  	s23 =	simm.s32 $0x8;
	v6 =	vld.idx.msk [tilespmem:v15+s3+$0x0], $0xffff;
	[tilespmem:s19+$0xFFFFFE00] =	vst v12;
	v9 =	vadd.s32 s31, v0  }
0x28a: {  	s20 =	simm.s32 $0x10;
	s22 =	simm.s32 $0x17;
	s21 =	simm.s32 $0x18;
	v7 =	vadd.s32 s23, v0;
	v2 =	vld.idx.msk [tilespmem:v13+s3+$0x0], $0xffff;
	[tilespmem:s19+$0xFFFFFE80] =	vst v14  }
.LBB2_28:
0x28b: {  	p0 =	slt.u32 s21, $0x38;
	s23 =	sadd.s32 $0x1, s20;
	v12 =	vadd.s32 s22, v0;
	v13 =	vld.idx.msk [tilespmem:v10+s3+$0x0], $0xffff;
	[tilespmem:s19+$0xFFFFFF00] =	vst v5  }
0x28c: {  	s22 =	sadd.s32 $0x2, s20;
	v14 =	vadd.s32 s23, v0;
	v15 =	vld.idx.msk [tilespmem:v11+s3+$0x0], $0xffff;
	[tilespmem:s19+$0xFFFFFF80] =	vst v4  }
0x28d: {  	v16 =	vadd.s32 s22, v0;
	s22 =	sadd.s32 $0x3, s20;
	v5 =	vld.idx.msk [tilespmem:v8+s3+$0x0], $0xffff;
	[tilespmem:s19+$0xFFFFFC80] =	vst v3;
	s19 =	sadd.s32 $0x400, s19  }
.Ltmp13:
0x28e: {  	v10 =	vadd.s32 s22, v0;
	s22 =	sadd.s32 $0x4, s20;
	v4 =	vld.idx.msk [tilespmem:v9+s3+$0x0], $0xffff;
	[tilespmem:s19+$0x0] =	vst v1;
	(pc) =	sbr.rel @p0 .LBB2_28-.Ltmp13, $4  }
0x28f: {  	v11 =	vadd.s32 s22, v0;
	s22 =	sadd.s32 $0x5, s20;
	v3 =	vld.idx.msk [tilespmem:v7+s3+$0x0], $0xffff;
	[tilespmem:s19+$0xFFFFFD00] =	vst v2  }
0x290: {  	v8 =	vadd.s32 s22, v0;
	s22 =	sadd.s32 $0x6, s20;
	v1 =	vld.idx.msk [tilespmem:v12+s3+$0x0], $0xffff;
	[tilespmem:s19+$0xFFFFFD80] =	vst v6  }
0x291: {  	v9 =	vadd.s32 s22, v0;
	v2 =	vld.idx.msk [tilespmem:v14+s3+$0x0], $0xffff;
	[tilespmem:s19+$0xFFFFFE00] =	vst v13  }
0x292: {  	v7 =	vadd.s32 s20, v0;
	s20 =	smov.u32 s21;
	s22 =	sadd.s32 $0x7, s21;
	s21 =	sadd.s32 $0x8, s21;
	v6 =	vld.idx.msk [tilespmem:v16+s3+$0x0], $0xffff;
	[tilespmem:s19+$0xFFFFFE80] =	vst v15  }
0x293: {  	_ =	sdelay $0x2  }
0x294: {  	[tilespmem:s19+$0xFFFFFF00] =	vst v5  }
0x295: {  	s21 =	sadd.s32 $0x1, s20;
	v5 =	vadd.s32 s22, v0;
	v10 =	vld.idx.msk [tilespmem:v10+s3+$0x0], $0xffff;
	[tilespmem:s19+$0xFFFFFF80] =	vst v4  }
0x296: {  	s31 =	sadd.s32 $0x2, s20;
	v11 =	vld.idx.msk [tilespmem:v11+s3+$0x0], $0xffff;
	s22 =	sadd.s32 $0x400, s19;
	v4 =	vadd.s32 s21, v0;
	[tilespmem:s19+$0xFFFFFC80] =	vst v3  }
0x297: {  	s23 =	sadd.s32 $0x3, s20;
	v8 =	vld.idx.msk [tilespmem:v8+s3+$0x0], $0xffff;
	v3 =	vadd.s32 s31, v0;
	[tilespmem:s22+$0x0] =	vst v1  }
0x298: {  	s24 =	sadd.s32 $0x4, s20;
	v9 =	vld.idx.msk [tilespmem:v9+s3+$0x0], $0xffff;
	v1 =	vadd.s32 s23, v0;
	[tilespmem:s22+$0xFFFFFD00] =	vst v2  }
0x299: {  	s25 =	sadd.s32 $0x5, s20;
	v7 =	vld.idx.msk [tilespmem:v7+s3+$0x0], $0xffff;
	v2 =	vadd.s32 s24, v0;
	[tilespmem:s22+$0xFFFFFD80] =	vst v6  }
0x29a: {  	s26 =	sadd.s32 $0x6, s20;
	v6 =	vadd.s32 s25, v0;
	v5 =	vld.idx.msk [tilespmem:v5+s3+$0x0], $0xffff;
	[tilespmem:s22+$0xFFFFFE00] =	vst v10  }
0x29b: {  	v10 =	vadd.s32 s26, v0;
	[tilespmem:s22+$0xFFFFFE80] =	vst v11;
	v4 =	vld.idx.msk [tilespmem:v4+s3+$0x0], $0xffff  }
0x29c: {  	v0 =	vadd.s32 s20, v0;
	[tilespmem:s22+$0xFFFFFF00] =	vst v8;
	v3 =	vld.idx.msk [tilespmem:v3+s3+$0x0], $0xffff  }
0x29d: {  	[tilespmem:s22+$0xFFFFFF80] =	vst v9;
	v1 =	vld.idx.msk [tilespmem:v1+s3+$0x0], $0xffff  }
0x29e: {  	s19 =	sadd.s32 $0x400, s22;
	[tilespmem:s22+$0xFFFFFC80] =	vst v7;
	v2 =	vld.idx.msk [tilespmem:v2+s3+$0x0], $0xffff  }
0x29f: {  	v6 =	vld.idx.msk [tilespmem:v6+s3+$0x0], $0xffff;
	[tilespmem:s19+$0x0] =	vst v5  }
0x2a0: {  	v5 =	vld.idx.msk [tilespmem:v10+s3+$0x0], $0xffff;
	[tilespmem:s19+$0xFFFFFD00] =	vst v4  }
0x2a1: {  	v0 =	vld.idx.msk [tilespmem:v0+s3+$0x0], $0xffff;
	[tilespmem:s19+$0xFFFFFD80] =	vst v3  }
0x2a2: {  	[tilespmem:s19+$0xFFFFFE00] =	vst v1  }
0x2a3: {  	[tilespmem:s19+$0xFFFFFE80] =	vst v2  }
0x2a4: {  	[tilespmem:s19+$0xFFFFFF00] =	vst v6  }
0x2a5: {  	[tilespmem:s19+$0xFFFFFF80] =	vst v5  }
0x2a6: {  	[tilespmem:s19+$0xFFFFFC80] =	vst v0  }
0x2a7: {  	v0 =	vld [tilespmem:$0x104E0];
	_ =	sdelay $0x4  }
0x2a8: {  	v0 =	vmul.u32 $0x41, v0  }
0x2a9: {  	s28 =	simm.s32 $0x7  }
0x2aa: {  	s29 =	simm.s32 $0x1;
	v1 =	vadd.s32 s28, v0  }
0x2ab: {  	s30 =	simm.s32 $0x2;
	v2 =	vadd.s32 s29, v0  }
0x2ac: {  	s31 =	simm.s32 $0x3;
	v3 =	vadd.s32 s30, v0  }
0x2ad: {  	s20 =	simm.s32 $0x4;
	v4 =	vadd.s32 s31, v0  }
0x2ae: {  	s21 =	simm.s32 $0x5;
	v5 =	vadd.s32 s20, v0  }
0x2af: {  	s22 =	simm.s32 $0x6;
	v6 =	vadd.s32 s21, v0;
	v1 =	vld.idx.msk [tilespmem:v1+s3+$0x0], $0xffff  }
0x2b0: {  	s24 =	simm.s32 $0xF;
	v7 =	vadd.s32 s22, v0;
	v2 =	vld.idx.msk [tilespmem:v2+s3+$0x0], $0xffff  }
0x2b1: {  	s23 =	simm.s32 $0x0;
	v11 =	vadd.s32 s24, v0;
	v9 =	vld.idx.msk [tilespmem:v3+s3+$0x0], $0xffff  }
0x2b2: {  	s26 =	simm.s32 $0xA;
	v8 =	vadd.s32 s23, v0;
	v12 =	vld.idx.msk [tilespmem:v4+s3+$0x0], $0xffff  }
0x2b3: {  	s25 =	simm.s32 $0x9;
	v15 =	vadd.s32 s26, v0;
	v14 =	vld.idx.msk [tilespmem:v5+s3+$0x0], $0xffff  }
0x2b4: {  	s19 =	simm.s32 $0x18BE0;
	v13 =	vadd.s32 s25, v0;
	s28 =	simm.s32 $0xB;
	v5 =	vld.idx.msk [tilespmem:v6+s3+$0x0], $0xffff  }
0x2b5: {  	s29 =	simm.s32 $0xC;
	v10 =	vadd.s32 s28, v0;
	v4 =	vld.idx.msk [tilespmem:v7+s3+$0x0], $0xffff;
	[tilespmem:s19+$0x0] =	vst v1  }
0x2b6: {  	s30 =	simm.s32 $0xD;
	[tilespmem:s19+$0xFFFFFD00] =	vst v2;
	v1 =	vld.idx.msk [tilespmem:v11+s3+$0x0], $0xffff;
	v11 =	vadd.s32 s29, v0  }
0x2b7: {  	s31 =	simm.s32 $0xE;
	v3 =	vld.idx.msk [tilespmem:v8+s3+$0x0], $0xffff;
	v8 =	vadd.s32 s30, v0;
	[tilespmem:s19+$0xFFFFFD80] =	vst v9  }
0x2b8: {  	s23 =	simm.s32 $0x8;
	v6 =	vld.idx.msk [tilespmem:v15+s3+$0x0], $0xffff;
	[tilespmem:s19+$0xFFFFFE00] =	vst v12;
	v9 =	vadd.s32 s31, v0  }
0x2b9: {  	s20 =	simm.s32 $0x10;
	s22 =	simm.s32 $0x17;
	s21 =	simm.s32 $0x18;
	v7 =	vadd.s32 s23, v0;
	v2 =	vld.idx.msk [tilespmem:v13+s3+$0x0], $0xffff;
	[tilespmem:s19+$0xFFFFFE80] =	vst v14  }
.LBB2_30:
0x2ba: {  	p0 =	slt.u32 s21, $0x38;
	s23 =	sadd.s32 $0x1, s20;
	v12 =	vadd.s32 s22, v0;
	v13 =	vld.idx.msk [tilespmem:v10+s3+$0x0], $0xffff;
	[tilespmem:s19+$0xFFFFFF00] =	vst v5  }
0x2bb: {  	s22 =	sadd.s32 $0x2, s20;
	v14 =	vadd.s32 s23, v0;
	v15 =	vld.idx.msk [tilespmem:v11+s3+$0x0], $0xffff;
	[tilespmem:s19+$0xFFFFFF80] =	vst v4  }
0x2bc: {  	v16 =	vadd.s32 s22, v0;
	s22 =	sadd.s32 $0x3, s20;
	v5 =	vld.idx.msk [tilespmem:v8+s3+$0x0], $0xffff;
	[tilespmem:s19+$0xFFFFFC80] =	vst v3;
	s19 =	sadd.s32 $0x400, s19  }
.Ltmp14:
0x2bd: {  	v10 =	vadd.s32 s22, v0;
	s22 =	sadd.s32 $0x4, s20;
	v4 =	vld.idx.msk [tilespmem:v9+s3+$0x0], $0xffff;
	[tilespmem:s19+$0x0] =	vst v1;
	(pc) =	sbr.rel @p0 .LBB2_30-.Ltmp14, $4  }
0x2be: {  	v11 =	vadd.s32 s22, v0;
	s22 =	sadd.s32 $0x5, s20;
	v3 =	vld.idx.msk [tilespmem:v7+s3+$0x0], $0xffff;
	[tilespmem:s19+$0xFFFFFD00] =	vst v2  }
0x2bf: {  	v8 =	vadd.s32 s22, v0;
	s22 =	sadd.s32 $0x6, s20;
	v1 =	vld.idx.msk [tilespmem:v12+s3+$0x0], $0xffff;
	[tilespmem:s19+$0xFFFFFD80] =	vst v6  }
0x2c0: {  	v9 =	vadd.s32 s22, v0;
	v2 =	vld.idx.msk [tilespmem:v14+s3+$0x0], $0xffff;
	[tilespmem:s19+$0xFFFFFE00] =	vst v13  }
0x2c1: {  	v7 =	vadd.s32 s20, v0;
	s20 =	smov.u32 s21;
	s22 =	sadd.s32 $0x7, s21;
	s21 =	sadd.s32 $0x8, s21;
	v6 =	vld.idx.msk [tilespmem:v16+s3+$0x0], $0xffff;
	[tilespmem:s19+$0xFFFFFE80] =	vst v15  }
0x2c2: {  	_ =	sdelay $0x2  }
0x2c3: {  	[tilespmem:s19+$0xFFFFFF00] =	vst v5  }
0x2c4: {  	s21 =	sadd.s32 $0x1, s20;
	v5 =	vadd.s32 s22, v0;
	v10 =	vld.idx.msk [tilespmem:v10+s3+$0x0], $0xffff;
	[tilespmem:s19+$0xFFFFFF80] =	vst v4  }
0x2c5: {  	s31 =	sadd.s32 $0x2, s20;
	v11 =	vld.idx.msk [tilespmem:v11+s3+$0x0], $0xffff;
	s22 =	sadd.s32 $0x400, s19;
	v4 =	vadd.s32 s21, v0;
	[tilespmem:s19+$0xFFFFFC80] =	vst v3  }
0x2c6: {  	s23 =	sadd.s32 $0x3, s20;
	v8 =	vld.idx.msk [tilespmem:v8+s3+$0x0], $0xffff;
	v3 =	vadd.s32 s31, v0;
	[tilespmem:s22+$0x0] =	vst v1  }
0x2c7: {  	s24 =	sadd.s32 $0x4, s20;
	v9 =	vld.idx.msk [tilespmem:v9+s3+$0x0], $0xffff;
	v1 =	vadd.s32 s23, v0;
	[tilespmem:s22+$0xFFFFFD00] =	vst v2  }
0x2c8: {  	s25 =	sadd.s32 $0x5, s20;
	v7 =	vld.idx.msk [tilespmem:v7+s3+$0x0], $0xffff;
	v2 =	vadd.s32 s24, v0;
	[tilespmem:s22+$0xFFFFFD80] =	vst v6  }
0x2c9: {  	s26 =	sadd.s32 $0x6, s20;
	v6 =	vadd.s32 s25, v0;
	v5 =	vld.idx.msk [tilespmem:v5+s3+$0x0], $0xffff;
	[tilespmem:s22+$0xFFFFFE00] =	vst v10  }
0x2ca: {  	v10 =	vadd.s32 s26, v0;
	[tilespmem:s22+$0xFFFFFE80] =	vst v11;
	v4 =	vld.idx.msk [tilespmem:v4+s3+$0x0], $0xffff  }
0x2cb: {  	v0 =	vadd.s32 s20, v0;
	[tilespmem:s22+$0xFFFFFF00] =	vst v8;
	v3 =	vld.idx.msk [tilespmem:v3+s3+$0x0], $0xffff  }
0x2cc: {  	[tilespmem:s22+$0xFFFFFF80] =	vst v9;
	v1 =	vld.idx.msk [tilespmem:v1+s3+$0x0], $0xffff  }
0x2cd: {  	s19 =	sadd.s32 $0x400, s22;
	[tilespmem:s22+$0xFFFFFC80] =	vst v7;
	v2 =	vld.idx.msk [tilespmem:v2+s3+$0x0], $0xffff  }
0x2ce: {  	v6 =	vld.idx.msk [tilespmem:v6+s3+$0x0], $0xffff;
	[tilespmem:s19+$0x0] =	vst v5  }
0x2cf: {  	v5 =	vld.idx.msk [tilespmem:v10+s3+$0x0], $0xffff;
	[tilespmem:s19+$0xFFFFFD00] =	vst v4  }
0x2d0: {  	v0 =	vld.idx.msk [tilespmem:v0+s3+$0x0], $0xffff;
	[tilespmem:s19+$0xFFFFFD80] =	vst v3  }
0x2d1: {  	[tilespmem:s19+$0xFFFFFE00] =	vst v1  }
0x2d2: {  	[tilespmem:s19+$0xFFFFFE80] =	vst v2  }
0x2d3: {  	[tilespmem:s19+$0xFFFFFF00] =	vst v6  }
0x2d4: {  	[tilespmem:s19+$0xFFFFFF80] =	vst v5  }
0x2d5: {  	[tilespmem:s19+$0xFFFFFC80] =	vst v0  }
0x2d6: {  	v0 =	vld [tilespmem:$0x104F0];
	_ =	sdelay $0x4  }
0x2d7: {  	v0 =	vmul.u32 $0x41, v0  }
0x2d8: {  	s28 =	simm.s32 $0x7  }
0x2d9: {  	s29 =	simm.s32 $0x1;
	v1 =	vadd.s32 s28, v0  }
0x2da: {  	s30 =	simm.s32 $0x2;
	v2 =	vadd.s32 s29, v0  }
0x2db: {  	s31 =	simm.s32 $0x3;
	v3 =	vadd.s32 s30, v0  }
0x2dc: {  	s20 =	simm.s32 $0x4;
	v4 =	vadd.s32 s31, v0  }
0x2dd: {  	s21 =	simm.s32 $0x5;
	v5 =	vadd.s32 s20, v0  }
0x2de: {  	s22 =	simm.s32 $0x6;
	v6 =	vadd.s32 s21, v0;
	v1 =	vld.idx.msk [tilespmem:v1+s3+$0x0], $0xffff  }
0x2df: {  	s24 =	simm.s32 $0xF;
	v7 =	vadd.s32 s22, v0;
	v2 =	vld.idx.msk [tilespmem:v2+s3+$0x0], $0xffff  }
0x2e0: {  	s23 =	simm.s32 $0x0;
	v11 =	vadd.s32 s24, v0;
	v9 =	vld.idx.msk [tilespmem:v3+s3+$0x0], $0xffff  }
0x2e1: {  	s26 =	simm.s32 $0xA;
	v8 =	vadd.s32 s23, v0;
	v12 =	vld.idx.msk [tilespmem:v4+s3+$0x0], $0xffff  }
0x2e2: {  	s25 =	simm.s32 $0x9;
	v15 =	vadd.s32 s26, v0;
	v14 =	vld.idx.msk [tilespmem:v5+s3+$0x0], $0xffff  }
0x2e3: {  	s19 =	simm.s32 $0x18BF0;
	v13 =	vadd.s32 s25, v0;
	s28 =	simm.s32 $0xB;
	v5 =	vld.idx.msk [tilespmem:v6+s3+$0x0], $0xffff  }
0x2e4: {  	s29 =	simm.s32 $0xC;
	v10 =	vadd.s32 s28, v0;
	v4 =	vld.idx.msk [tilespmem:v7+s3+$0x0], $0xffff;
	[tilespmem:s19+$0x0] =	vst v1  }
0x2e5: {  	s30 =	simm.s32 $0xD;
	[tilespmem:s19+$0xFFFFFD00] =	vst v2;
	v1 =	vld.idx.msk [tilespmem:v11+s3+$0x0], $0xffff;
	v11 =	vadd.s32 s29, v0  }
0x2e6: {  	s31 =	simm.s32 $0xE;
	v3 =	vld.idx.msk [tilespmem:v8+s3+$0x0], $0xffff;
	v8 =	vadd.s32 s30, v0;
	[tilespmem:s19+$0xFFFFFD80] =	vst v9  }
0x2e7: {  	s23 =	simm.s32 $0x8;
	v6 =	vld.idx.msk [tilespmem:v15+s3+$0x0], $0xffff;
	[tilespmem:s19+$0xFFFFFE00] =	vst v12;
	v9 =	vadd.s32 s31, v0  }
0x2e8: {  	s20 =	simm.s32 $0x10;
	s22 =	simm.s32 $0x17;
	s21 =	simm.s32 $0x18;
	v7 =	vadd.s32 s23, v0;
	v2 =	vld.idx.msk [tilespmem:v13+s3+$0x0], $0xffff;
	[tilespmem:s19+$0xFFFFFE80] =	vst v14  }
.LBB2_32:
0x2e9: {  	p0 =	slt.u32 s21, $0x38;
	s23 =	sadd.s32 $0x1, s20;
	v12 =	vadd.s32 s22, v0;
	v13 =	vld.idx.msk [tilespmem:v10+s3+$0x0], $0xffff;
	[tilespmem:s19+$0xFFFFFF00] =	vst v5  }
0x2ea: {  	s22 =	sadd.s32 $0x2, s20;
	v14 =	vadd.s32 s23, v0;
	v15 =	vld.idx.msk [tilespmem:v11+s3+$0x0], $0xffff;
	[tilespmem:s19+$0xFFFFFF80] =	vst v4  }
0x2eb: {  	v16 =	vadd.s32 s22, v0;
	s22 =	sadd.s32 $0x3, s20;
	v5 =	vld.idx.msk [tilespmem:v8+s3+$0x0], $0xffff;
	[tilespmem:s19+$0xFFFFFC80] =	vst v3;
	s19 =	sadd.s32 $0x400, s19  }
.Ltmp15:
0x2ec: {  	v10 =	vadd.s32 s22, v0;
	s22 =	sadd.s32 $0x4, s20;
	v4 =	vld.idx.msk [tilespmem:v9+s3+$0x0], $0xffff;
	[tilespmem:s19+$0x0] =	vst v1;
	(pc) =	sbr.rel @p0 .LBB2_32-.Ltmp15, $4  }
0x2ed: {  	v11 =	vadd.s32 s22, v0;
	s22 =	sadd.s32 $0x5, s20;
	v3 =	vld.idx.msk [tilespmem:v7+s3+$0x0], $0xffff;
	[tilespmem:s19+$0xFFFFFD00] =	vst v2  }
0x2ee: {  	v8 =	vadd.s32 s22, v0;
	s22 =	sadd.s32 $0x6, s20;
	v1 =	vld.idx.msk [tilespmem:v12+s3+$0x0], $0xffff;
	[tilespmem:s19+$0xFFFFFD80] =	vst v6  }
0x2ef: {  	v9 =	vadd.s32 s22, v0;
	v2 =	vld.idx.msk [tilespmem:v14+s3+$0x0], $0xffff;
	[tilespmem:s19+$0xFFFFFE00] =	vst v13  }
0x2f0: {  	v7 =	vadd.s32 s20, v0;
	s20 =	smov.u32 s21;
	s22 =	sadd.s32 $0x7, s21;
	s21 =	sadd.s32 $0x8, s21;
	v6 =	vld.idx.msk [tilespmem:v16+s3+$0x0], $0xffff;
	[tilespmem:s19+$0xFFFFFE80] =	vst v15  }
0x2f1: {  	_ =	sdelay $0x2  }
0x2f2: {  	[tilespmem:s19+$0xFFFFFF00] =	vst v5  }
0x2f3: {  	v55 =	vadd.s32 s22, v0;
	v10 =	vld.idx.msk [tilespmem:v10+s3+$0x0], $0xffff;
	[tilespmem:s19+$0xFFFFFF80] =	vst v4  }
0x2f4: {  	s21 =	sadd.s32 $0x1, s20;
	v11 =	vld.idx.msk [tilespmem:v11+s3+$0x0], $0xffff;
	s26 =	sadd.s32 $0x400, s19;
	v62 =	vadd.s32 s20, v0;
	[tilespmem:s19+$0xFFFFFC80] =	vst v3  }
0x2f5: {  	s25 =	sadd.s32 $0x2, s20;
	v8 =	vld.idx.msk [tilespmem:v8+s3+$0x0], $0xffff;
	v56 =	vadd.s32 s21, v0;
	[tilespmem:s26+$0x0] =	vst v1  }
0x2f6: {  	s28 =	sadd.s32 $0x3, s20;
	v9 =	vld.idx.msk [tilespmem:v9+s3+$0x0], $0xffff;
	v57 =	vadd.s32 s25, v0;
	[tilespmem:s26+$0xFFFFFD00] =	vst v2  }
0x2f7: {  	s29 =	sadd.s32 $0x4, s20;
	v7 =	vld.idx.msk [tilespmem:v7+s3+$0x0], $0xffff;
	v58 =	vadd.s32 s28, v0;
	[tilespmem:s26+$0xFFFFFD80] =	vst v6  }
0x2f8: {  	s30 =	sadd.s32 $0x5, s20;
	s31 =	sadd.s32 $0x6, s20;
	v59 =	vadd.s32 s29, v0;
	v5 =	vld.idx.msk [tilespmem:v55+s3+$0x0], $0xffff;
	[tilespmem:s26+$0xFFFFFE00] =	vst v10  }
0x2f9: {  	v60 =	vadd.s32 s30, v0;
	v61 =	vadd.s32 s31, v0;
	[tilespmem:s26+$0xFFFFFE80] =	vst v11;
	v0 =	vld.idx.msk [tilespmem:v62+s3+$0x0], $0xffff  }
0x2fa: {  	[tilespmem:s26+$0xFFFFFF00] =	vst v8;
	v4 =	vld.idx.msk [tilespmem:v56+s3+$0x0], $0xffff  }
0x2fb: {  	[tilespmem:s26+$0xFFFFFF80] =	vst v9;
	v3 =	vld.idx.msk [tilespmem:v57+s3+$0x0], $0xffff  }
0x2fc: {  	s19 =	sadd.s32 $0x400, s26;
	[tilespmem:s26+$0xFFFFFC80] =	vst v7;
	v1 =	vld.idx.msk [tilespmem:v58+s3+$0x0], $0xffff  }
0x2fd: {  	v2 =	vld.idx.msk [tilespmem:v59+s3+$0x0], $0xffff;
	[tilespmem:s19+$0x0] =	vst v5  }
0x2fe: {  	v6 =	vld.idx.msk [tilespmem:v60+s3+$0x0], $0xffff;
	[tilespmem:s19+$0xFFFFFC80] =	vst v0  }
0x2ff: {  	v63 =	vld.idx.msk [tilespmem:v61+s3+$0x0], $0xffff;
	[tilespmem:s19+$0xFFFFFD00] =	vst v4  }
0x300: {  	[tilespmem:s19+$0xFFFFFD80] =	vst v3  }
0x301: {  	[tilespmem:s19+$0xFFFFFE00] =	vst v1  }
0x302: {  	[tilespmem:s19+$0xFFFFFE80] =	vst v2  }
0x303: {  	[tilespmem:s19+$0xFFFFFF00] =	vst v6  }
0x304: {  	[tilespmem:s19+$0xFFFFFF80] =	vst v63;
	s19 =	simm.s32 $0x1  }
0x305: {  	[hbm4b:s8+s12] =	stream.strided.scatter [tilespmem:s15], [sflag:$0x2], $0x2000, s13, s12, $0x38;
	[tilespmem:$0x1A800] =	vst v63  }
.LBB2_34:
0x306: {  	_ =	swait.ge [sflag:s16], $0x2000  }
0x307: {  	s20 =	sshll.u32 s19, $0x8;
	[sflag:s16] =	ssyncset.done $0x0  }
0x308: {  	s20 =	sand.u32 $0x3FFFFF00, s20;
	[sflag:s16] =	ssyncadd.s32 $0xFFFFE000  }
0x309: {  	v0 =	vld [tilespmem:s20+$0x10400];
	_ =	sdelay $0x4  }
0x30a: {  	v0 =	vmul.u32 $0x41, v0  }
0x30b: {  	s21 =	simm.s32 $0x7  }
0x30c: {  	s22 =	simm.s32 $0x1;
	v1 =	vadd.s32 s21, v0  }
0x30d: {  	s29 =	simm.s32 $0x2;
	v2 =	vadd.s32 s22, v0  }
0x30e: {  	s30 =	simm.s32 $0x3;
	v3 =	vadd.s32 s29, v0  }
0x30f: {  	s31 =	simm.s32 $0x4;
	v4 =	vadd.s32 s30, v0  }
0x310: {  	s23 =	simm.s32 $0x6;
	v5 =	vadd.s32 s31, v0  }
0x311: {  	s22 =	simm.s32 $0x5;
	v7 =	vadd.s32 s23, v0;
	v1 =	vld.idx.msk [tilespmem:v1+s3+$0x0], $0xffff  }
0x312: {  	s25 =	simm.s32 $0xF;
	v6 =	vadd.s32 s22, v0;
	v2 =	vld.idx.msk [tilespmem:v2+s3+$0x0], $0xffff  }
0x313: {  	s24 =	simm.s32 $0x0;
	v11 =	vadd.s32 s25, v0;
	v9 =	vld.idx.msk [tilespmem:v3+s3+$0x0], $0xffff  }
0x314: {  	s28 =	simm.s32 $0xA;
	v8 =	vadd.s32 s24, v0;
	v12 =	vld.idx.msk [tilespmem:v4+s3+$0x0], $0xffff  }
0x315: {  	s26 =	simm.s32 $0x9;
	v15 =	vadd.s32 s28, v0;
	v14 =	vld.idx.msk [tilespmem:v5+s3+$0x0], $0xffff  }
0x316: {  	v13 =	vadd.s32 s26, v0;
	s21 =	simm.s32 $0x16A00;
	s29 =	simm.s32 $0xB;
	v4 =	vld.idx.msk [tilespmem:v7+s3+$0x0], $0xffff  }
0x317: {  	s30 =	simm.s32 $0xC;
	v10 =	vadd.s32 s29, v0;
	v5 =	vld.idx.msk [tilespmem:v6+s3+$0x0], $0xffff;
	[tilespmem:s21+$0x180] =	vst v1  }
0x318: {  	s23 =	simm.s32 $0xD;
	[tilespmem:s21+$0xFFFFFE80] =	vst v2;
	v1 =	vld.idx.msk [tilespmem:v11+s3+$0x0], $0xffff;
	v11 =	vadd.s32 s30, v0  }
0x319: {  	s31 =	simm.s32 $0xE;
	v3 =	vld.idx.msk [tilespmem:v8+s3+$0x0], $0xffff;
	v8 =	vadd.s32 s23, v0;
	[tilespmem:s21+$0xFFFFFF00] =	vst v9  }
0x31a: {  	s25 =	simm.s32 $0x8;
	v6 =	vld.idx.msk [tilespmem:v15+s3+$0x0], $0xffff;
	[tilespmem:s21+$0xFFFFFF80] =	vst v12;
	v9 =	vadd.s32 s31, v0  }
0x31b: {  	s24 =	simm.s32 $0x17;
	s22 =	simm.s32 $0x10;
	s23 =	simm.s32 $0x18;
	v7 =	vadd.s32 s25, v0;
	v2 =	vld.idx.msk [tilespmem:v13+s3+$0x0], $0xffff;
	[tilespmem:s21+$0x0] =	vst v14  }
.LBB2_35:
0x31c: {  	p0 =	slt.u32 s23, $0x38;
	s25 =	sadd.s32 $0x1, s22;
	v12 =	vadd.s32 s24, v0;
	v13 =	vld.idx.msk [tilespmem:v10+s3+$0x0], $0xffff;
	[tilespmem:s21+$0x80] =	vst v5  }
0x31d: {  	s24 =	sadd.s32 $0x2, s22;
	v14 =	vadd.s32 s25, v0;
	v15 =	vld.idx.msk [tilespmem:v11+s3+$0x0], $0xffff;
	[tilespmem:s21+$0x100] =	vst v4  }
0x31e: {  	v16 =	vadd.s32 s24, v0;
	s24 =	sadd.s32 $0x3, s22;
	v5 =	vld.idx.msk [tilespmem:v8+s3+$0x0], $0xffff;
	[tilespmem:s21+$0xFFFFFE00] =	vst v3;
	s21 =	sadd.s32 $0x400, s21  }
.Ltmp16:
0x31f: {  	v10 =	vadd.s32 s24, v0;
	s24 =	sadd.s32 $0x4, s22;
	v4 =	vld.idx.msk [tilespmem:v9+s3+$0x0], $0xffff;
	[tilespmem:s21+$0x180] =	vst v1;
	(pc) =	sbr.rel @p0 .LBB2_35-.Ltmp16, $4  }
0x320: {  	v11 =	vadd.s32 s24, v0;
	s24 =	sadd.s32 $0x5, s22;
	v3 =	vld.idx.msk [tilespmem:v7+s3+$0x0], $0xffff;
	[tilespmem:s21+$0xFFFFFE80] =	vst v2  }
0x321: {  	v8 =	vadd.s32 s24, v0;
	s24 =	sadd.s32 $0x6, s22;
	v1 =	vld.idx.msk [tilespmem:v12+s3+$0x0], $0xffff;
	[tilespmem:s21+$0xFFFFFF00] =	vst v6  }
0x322: {  	v9 =	vadd.s32 s24, v0;
	v2 =	vld.idx.msk [tilespmem:v14+s3+$0x0], $0xffff;
	[tilespmem:s21+$0xFFFFFF80] =	vst v13  }
0x323: {  	v7 =	vadd.s32 s22, v0;
	s22 =	smov.u32 s23;
	s24 =	sadd.s32 $0x7, s23;
	s23 =	sadd.s32 $0x8, s23;
	v6 =	vld.idx.msk [tilespmem:v16+s3+$0x0], $0xffff;
	[tilespmem:s21+$0x0] =	vst v15  }
0x324: {  	_ =	sdelay $0x2  }
0x325: {  	[tilespmem:s21+$0x80] =	vst v5  }
0x326: {  	s23 =	sadd.s32 $0x1, s22;
	v5 =	vadd.s32 s24, v0;
	v10 =	vld.idx.msk [tilespmem:v10+s3+$0x0], $0xffff;
	[tilespmem:s21+$0x100] =	vst v4  }
0x327: {  	s26 =	sadd.s32 $0x2, s22;
	v11 =	vld.idx.msk [tilespmem:v11+s3+$0x0], $0xffff;
	s28 =	sadd.s32 $0x400, s21;
	v4 =	vadd.s32 s23, v0;
	[tilespmem:s21+$0xFFFFFE00] =	vst v3  }
0x328: {  	s29 =	sadd.s32 $0x3, s22;
	v8 =	vld.idx.msk [tilespmem:v8+s3+$0x0], $0xffff;
	v3 =	vadd.s32 s26, v0;
	[tilespmem:s28+$0x180] =	vst v1  }
0x329: {  	s30 =	sadd.s32 $0x4, s22;
	v9 =	vld.idx.msk [tilespmem:v9+s3+$0x0], $0xffff;
	v1 =	vadd.s32 s29, v0;
	[tilespmem:s28+$0xFFFFFE80] =	vst v2  }
0x32a: {  	s31 =	sadd.s32 $0x5, s22;
	v7 =	vld.idx.msk [tilespmem:v7+s3+$0x0], $0xffff;
	v2 =	vadd.s32 s30, v0;
	[tilespmem:s28+$0xFFFFFF00] =	vst v6  }
0x32b: {  	s24 =	sadd.s32 $0x6, s22;
	v6 =	vadd.s32 s31, v0;
	v5 =	vld.idx.msk [tilespmem:v5+s3+$0x0], $0xffff;
	[tilespmem:s28+$0xFFFFFF80] =	vst v10  }
0x32c: {  	v10 =	vadd.s32 s24, v0;
	[tilespmem:s28+$0x0] =	vst v11;
	v4 =	vld.idx.msk [tilespmem:v4+s3+$0x0], $0xffff  }
0x32d: {  	v0 =	vadd.s32 s22, v0;
	[tilespmem:s28+$0x80] =	vst v8;
	v3 =	vld.idx.msk [tilespmem:v3+s3+$0x0], $0xffff  }
0x32e: {  	[tilespmem:s28+$0x100] =	vst v9;
	v1 =	vld.idx.msk [tilespmem:v1+s3+$0x0], $0xffff  }
0x32f: {  	s21 =	sadd.s32 $0x400, s28;
	[tilespmem:s28+$0xFFFFFE00] =	vst v7;
	v2 =	vld.idx.msk [tilespmem:v2+s3+$0x0], $0xffff  }
0x330: {  	v6 =	vld.idx.msk [tilespmem:v6+s3+$0x0], $0xffff;
	[tilespmem:s21+$0x180] =	vst v5  }
0x331: {  	v5 =	vld.idx.msk [tilespmem:v10+s3+$0x0], $0xffff;
	[tilespmem:s21+$0xFFFFFE80] =	vst v4  }
0x332: {  	v0 =	vld.idx.msk [tilespmem:v0+s3+$0x0], $0xffff;
	[tilespmem:s21+$0xFFFFFF00] =	vst v3  }
0x333: {  	[tilespmem:s21+$0xFFFFFF80] =	vst v1  }
0x334: {  	[tilespmem:s21+$0x0] =	vst v2  }
0x335: {  	[tilespmem:s21+$0x80] =	vst v6  }
0x336: {  	[tilespmem:s21+$0x100] =	vst v5  }
0x337: {  	[tilespmem:s21+$0xFFFFFE00] =	vst v0  }
0x338: {  	v0 =	vld [tilespmem:s20+$0x10410];
	_ =	sdelay $0x4  }
0x339: {  	v0 =	vmul.u32 $0x41, v0  }
0x33a: {  	s25 =	simm.s32 $0x7  }
0x33b: {  	s26 =	simm.s32 $0x1;
	v1 =	vadd.s32 s25, v0  }
0x33c: {  	s28 =	simm.s32 $0x2;
	v2 =	vadd.s32 s26, v0  }
0x33d: {  	s29 =	simm.s32 $0x3;
	v3 =	vadd.s32 s28, v0  }
0x33e: {  	s30 =	simm.s32 $0x4;
	v4 =	vadd.s32 s29, v0  }
0x33f: {  	s31 =	simm.s32 $0x5;
	v5 =	vadd.s32 s30, v0  }
0x340: {  	s22 =	simm.s32 $0x6;
	v6 =	vadd.s32 s31, v0;
	v1 =	vld.idx.msk [tilespmem:v1+s3+$0x0], $0xffff  }
0x341: {  	s24 =	simm.s32 $0xF;
	v7 =	vadd.s32 s22, v0;
	v2 =	vld.idx.msk [tilespmem:v2+s3+$0x0], $0xffff  }
0x342: {  	s23 =	simm.s32 $0x0;
	v11 =	vadd.s32 s24, v0;
	v9 =	vld.idx.msk [tilespmem:v3+s3+$0x0], $0xffff  }
0x343: {  	v8 =	vadd.s32 s23, v0;
	s26 =	simm.s32 $0xA;
	v12 =	vld.idx.msk [tilespmem:v4+s3+$0x0], $0xffff  }
0x344: {  	s25 =	simm.s32 $0x9;
	v15 =	vadd.s32 s26, v0;
	v14 =	vld.idx.msk [tilespmem:v5+s3+$0x0], $0xffff  }
0x345: {  	s21 =	simm.s32 $0x16A10;
	s28 =	simm.s32 $0xB;
	v13 =	vadd.s32 s25, v0;
	v5 =	vld.idx.msk [tilespmem:v6+s3+$0x0], $0xffff  }
0x346: {  	s29 =	simm.s32 $0xC;
	v10 =	vadd.s32 s28, v0;
	v4 =	vld.idx.msk [tilespmem:v7+s3+$0x0], $0xffff;
	[tilespmem:s21+$0x180] =	vst v1  }
0x347: {  	s30 =	simm.s32 $0xD;
	[tilespmem:s21+$0xFFFFFE80] =	vst v2;
	v1 =	vld.idx.msk [tilespmem:v11+s3+$0x0], $0xffff;
	v11 =	vadd.s32 s29, v0  }
0x348: {  	s31 =	simm.s32 $0xE;
	v3 =	vld.idx.msk [tilespmem:v8+s3+$0x0], $0xffff;
	v8 =	vadd.s32 s30, v0;
	[tilespmem:s21+$0xFFFFFF00] =	vst v9  }
0x349: {  	s25 =	simm.s32 $0x8;
	v6 =	vld.idx.msk [tilespmem:v15+s3+$0x0], $0xffff;
	[tilespmem:s21+$0xFFFFFF80] =	vst v12;
	v9 =	vadd.s32 s31, v0  }
0x34a: {  	s22 =	simm.s32 $0x10;
	s24 =	simm.s32 $0x17;
	s23 =	simm.s32 $0x18;
	v7 =	vadd.s32 s25, v0;
	v2 =	vld.idx.msk [tilespmem:v13+s3+$0x0], $0xffff;
	[tilespmem:s21+$0x0] =	vst v14  }
.LBB2_37:
0x34b: {  	p0 =	slt.u32 s23, $0x38;
	s25 =	sadd.s32 $0x1, s22;
	v12 =	vadd.s32 s24, v0;
	v13 =	vld.idx.msk [tilespmem:v10+s3+$0x0], $0xffff;
	[tilespmem:s21+$0x80] =	vst v5  }
0x34c: {  	s24 =	sadd.s32 $0x2, s22;
	v14 =	vadd.s32 s25, v0;
	v15 =	vld.idx.msk [tilespmem:v11+s3+$0x0], $0xffff;
	[tilespmem:s21+$0x100] =	vst v4  }
0x34d: {  	v16 =	vadd.s32 s24, v0;
	s24 =	sadd.s32 $0x3, s22;
	v5 =	vld.idx.msk [tilespmem:v8+s3+$0x0], $0xffff;
	[tilespmem:s21+$0xFFFFFE00] =	vst v3;
	s21 =	sadd.s32 $0x400, s21  }
.Ltmp17:
0x34e: {  	v10 =	vadd.s32 s24, v0;
	s24 =	sadd.s32 $0x4, s22;
	v4 =	vld.idx.msk [tilespmem:v9+s3+$0x0], $0xffff;
	[tilespmem:s21+$0x180] =	vst v1;
	(pc) =	sbr.rel @p0 .LBB2_37-.Ltmp17, $4  }
0x34f: {  	v11 =	vadd.s32 s24, v0;
	s24 =	sadd.s32 $0x5, s22;
	v3 =	vld.idx.msk [tilespmem:v7+s3+$0x0], $0xffff;
	[tilespmem:s21+$0xFFFFFE80] =	vst v2  }
0x350: {  	v8 =	vadd.s32 s24, v0;
	s24 =	sadd.s32 $0x6, s22;
	v1 =	vld.idx.msk [tilespmem:v12+s3+$0x0], $0xffff;
	[tilespmem:s21+$0xFFFFFF00] =	vst v6  }
0x351: {  	v9 =	vadd.s32 s24, v0;
	v2 =	vld.idx.msk [tilespmem:v14+s3+$0x0], $0xffff;
	[tilespmem:s21+$0xFFFFFF80] =	vst v13  }
0x352: {  	v7 =	vadd.s32 s22, v0;
	s22 =	smov.u32 s23;
	s24 =	sadd.s32 $0x7, s23;
	s23 =	sadd.s32 $0x8, s23;
	v6 =	vld.idx.msk [tilespmem:v16+s3+$0x0], $0xffff;
	[tilespmem:s21+$0x0] =	vst v15  }
0x353: {  	_ =	sdelay $0x2  }
0x354: {  	[tilespmem:s21+$0x80] =	vst v5  }
0x355: {  	s23 =	sadd.s32 $0x1, s22;
	v5 =	vadd.s32 s24, v0;
	v10 =	vld.idx.msk [tilespmem:v10+s3+$0x0], $0xffff;
	[tilespmem:s21+$0x100] =	vst v4  }
0x356: {  	s26 =	sadd.s32 $0x2, s22;
	v11 =	vld.idx.msk [tilespmem:v11+s3+$0x0], $0xffff;
	s28 =	sadd.s32 $0x400, s21;
	v4 =	vadd.s32 s23, v0;
	[tilespmem:s21+$0xFFFFFE00] =	vst v3  }
0x357: {  	s29 =	sadd.s32 $0x3, s22;
	v8 =	vld.idx.msk [tilespmem:v8+s3+$0x0], $0xffff;
	v3 =	vadd.s32 s26, v0;
	[tilespmem:s28+$0x180] =	vst v1  }
0x358: {  	s30 =	sadd.s32 $0x4, s22;
	v9 =	vld.idx.msk [tilespmem:v9+s3+$0x0], $0xffff;
	v1 =	vadd.s32 s29, v0;
	[tilespmem:s28+$0xFFFFFE80] =	vst v2  }
0x359: {  	s31 =	sadd.s32 $0x5, s22;
	v7 =	vld.idx.msk [tilespmem:v7+s3+$0x0], $0xffff;
	v2 =	vadd.s32 s30, v0;
	[tilespmem:s28+$0xFFFFFF00] =	vst v6  }
0x35a: {  	s24 =	sadd.s32 $0x6, s22;
	v6 =	vadd.s32 s31, v0;
	v5 =	vld.idx.msk [tilespmem:v5+s3+$0x0], $0xffff;
	[tilespmem:s28+$0xFFFFFF80] =	vst v10  }
0x35b: {  	v10 =	vadd.s32 s24, v0;
	[tilespmem:s28+$0x0] =	vst v11;
	v4 =	vld.idx.msk [tilespmem:v4+s3+$0x0], $0xffff  }
0x35c: {  	v0 =	vadd.s32 s22, v0;
	[tilespmem:s28+$0x80] =	vst v8;
	v3 =	vld.idx.msk [tilespmem:v3+s3+$0x0], $0xffff  }
0x35d: {  	[tilespmem:s28+$0x100] =	vst v9;
	v1 =	vld.idx.msk [tilespmem:v1+s3+$0x0], $0xffff  }
0x35e: {  	s21 =	sadd.s32 $0x400, s28;
	[tilespmem:s28+$0xFFFFFE00] =	vst v7;
	v2 =	vld.idx.msk [tilespmem:v2+s3+$0x0], $0xffff  }
0x35f: {  	v6 =	vld.idx.msk [tilespmem:v6+s3+$0x0], $0xffff;
	[tilespmem:s21+$0x180] =	vst v5  }
0x360: {  	v5 =	vld.idx.msk [tilespmem:v10+s3+$0x0], $0xffff;
	[tilespmem:s21+$0xFFFFFE80] =	vst v4  }
0x361: {  	v0 =	vld.idx.msk [tilespmem:v0+s3+$0x0], $0xffff;
	[tilespmem:s21+$0xFFFFFF00] =	vst v3  }
0x362: {  	[tilespmem:s21+$0xFFFFFF80] =	vst v1  }
0x363: {  	[tilespmem:s21+$0x0] =	vst v2  }
0x364: {  	[tilespmem:s21+$0x80] =	vst v6  }
0x365: {  	[tilespmem:s21+$0x100] =	vst v5  }
0x366: {  	[tilespmem:s21+$0xFFFFFE00] =	vst v0  }
0x367: {  	v0 =	vld [tilespmem:s20+$0x10420];
	_ =	sdelay $0x4  }
0x368: {  	v0 =	vmul.u32 $0x41, v0  }
0x369: {  	s25 =	simm.s32 $0x7  }
0x36a: {  	s26 =	simm.s32 $0x1;
	v1 =	vadd.s32 s25, v0  }
0x36b: {  	s28 =	simm.s32 $0x2;
	v2 =	vadd.s32 s26, v0  }
0x36c: {  	s29 =	simm.s32 $0x3;
	v3 =	vadd.s32 s28, v0  }
0x36d: {  	s30 =	simm.s32 $0x4;
	v4 =	vadd.s32 s29, v0  }
0x36e: {  	s31 =	simm.s32 $0x5;
	v5 =	vadd.s32 s30, v0  }
0x36f: {  	s22 =	simm.s32 $0x6;
	v6 =	vadd.s32 s31, v0;
	v1 =	vld.idx.msk [tilespmem:v1+s3+$0x0], $0xffff  }
0x370: {  	s24 =	simm.s32 $0xF;
	v7 =	vadd.s32 s22, v0;
	v2 =	vld.idx.msk [tilespmem:v2+s3+$0x0], $0xffff  }
0x371: {  	s23 =	simm.s32 $0x0;
	v11 =	vadd.s32 s24, v0;
	v9 =	vld.idx.msk [tilespmem:v3+s3+$0x0], $0xffff  }
0x372: {  	v8 =	vadd.s32 s23, v0;
	s26 =	simm.s32 $0xA;
	v12 =	vld.idx.msk [tilespmem:v4+s3+$0x0], $0xffff  }
0x373: {  	s25 =	simm.s32 $0x9;
	v15 =	vadd.s32 s26, v0;
	v14 =	vld.idx.msk [tilespmem:v5+s3+$0x0], $0xffff  }
0x374: {  	s21 =	simm.s32 $0x16A20;
	s28 =	simm.s32 $0xB;
	v13 =	vadd.s32 s25, v0;
	v5 =	vld.idx.msk [tilespmem:v6+s3+$0x0], $0xffff  }
0x375: {  	s29 =	simm.s32 $0xC;
	v10 =	vadd.s32 s28, v0;
	v4 =	vld.idx.msk [tilespmem:v7+s3+$0x0], $0xffff;
	[tilespmem:s21+$0x180] =	vst v1  }
0x376: {  	s30 =	simm.s32 $0xD;
	[tilespmem:s21+$0xFFFFFE80] =	vst v2;
	v1 =	vld.idx.msk [tilespmem:v11+s3+$0x0], $0xffff;
	v11 =	vadd.s32 s29, v0  }
0x377: {  	s31 =	simm.s32 $0xE;
	v3 =	vld.idx.msk [tilespmem:v8+s3+$0x0], $0xffff;
	v8 =	vadd.s32 s30, v0;
	[tilespmem:s21+$0xFFFFFF00] =	vst v9  }
0x378: {  	s25 =	simm.s32 $0x8;
	v6 =	vld.idx.msk [tilespmem:v15+s3+$0x0], $0xffff;
	[tilespmem:s21+$0xFFFFFF80] =	vst v12;
	v9 =	vadd.s32 s31, v0  }
0x379: {  	s22 =	simm.s32 $0x10;
	s24 =	simm.s32 $0x17;
	s23 =	simm.s32 $0x18;
	v7 =	vadd.s32 s25, v0;
	v2 =	vld.idx.msk [tilespmem:v13+s3+$0x0], $0xffff;
	[tilespmem:s21+$0x0] =	vst v14  }
.LBB2_39:
0x37a: {  	p0 =	slt.u32 s23, $0x38;
	s25 =	sadd.s32 $0x1, s22;
	v12 =	vadd.s32 s24, v0;
	v13 =	vld.idx.msk [tilespmem:v10+s3+$0x0], $0xffff;
	[tilespmem:s21+$0x80] =	vst v5  }
0x37b: {  	s24 =	sadd.s32 $0x2, s22;
	v14 =	vadd.s32 s25, v0;
	v15 =	vld.idx.msk [tilespmem:v11+s3+$0x0], $0xffff;
	[tilespmem:s21+$0x100] =	vst v4  }
0x37c: {  	v16 =	vadd.s32 s24, v0;
	s24 =	sadd.s32 $0x3, s22;
	v5 =	vld.idx.msk [tilespmem:v8+s3+$0x0], $0xffff;
	[tilespmem:s21+$0xFFFFFE00] =	vst v3;
	s21 =	sadd.s32 $0x400, s21  }
.Ltmp18:
0x37d: {  	v10 =	vadd.s32 s24, v0;
	s24 =	sadd.s32 $0x4, s22;
	v4 =	vld.idx.msk [tilespmem:v9+s3+$0x0], $0xffff;
	[tilespmem:s21+$0x180] =	vst v1;
	(pc) =	sbr.rel @p0 .LBB2_39-.Ltmp18, $4  }
0x37e: {  	v11 =	vadd.s32 s24, v0;
	s24 =	sadd.s32 $0x5, s22;
	v3 =	vld.idx.msk [tilespmem:v7+s3+$0x0], $0xffff;
	[tilespmem:s21+$0xFFFFFE80] =	vst v2  }
0x37f: {  	v8 =	vadd.s32 s24, v0;
	s24 =	sadd.s32 $0x6, s22;
	v1 =	vld.idx.msk [tilespmem:v12+s3+$0x0], $0xffff;
	[tilespmem:s21+$0xFFFFFF00] =	vst v6  }
0x380: {  	v9 =	vadd.s32 s24, v0;
	v2 =	vld.idx.msk [tilespmem:v14+s3+$0x0], $0xffff;
	[tilespmem:s21+$0xFFFFFF80] =	vst v13  }
0x381: {  	v7 =	vadd.s32 s22, v0;
	s22 =	smov.u32 s23;
	s24 =	sadd.s32 $0x7, s23;
	s23 =	sadd.s32 $0x8, s23;
	v6 =	vld.idx.msk [tilespmem:v16+s3+$0x0], $0xffff;
	[tilespmem:s21+$0x0] =	vst v15  }
0x382: {  	_ =	sdelay $0x2  }
0x383: {  	[tilespmem:s21+$0x80] =	vst v5  }
0x384: {  	s23 =	sadd.s32 $0x1, s22;
	v5 =	vadd.s32 s24, v0;
	v10 =	vld.idx.msk [tilespmem:v10+s3+$0x0], $0xffff;
	[tilespmem:s21+$0x100] =	vst v4  }
0x385: {  	s26 =	sadd.s32 $0x2, s22;
	v11 =	vld.idx.msk [tilespmem:v11+s3+$0x0], $0xffff;
	s28 =	sadd.s32 $0x400, s21;
	v4 =	vadd.s32 s23, v0;
	[tilespmem:s21+$0xFFFFFE00] =	vst v3  }
0x386: {  	s29 =	sadd.s32 $0x3, s22;
	v8 =	vld.idx.msk [tilespmem:v8+s3+$0x0], $0xffff;
	v3 =	vadd.s32 s26, v0;
	[tilespmem:s28+$0x180] =	vst v1  }
0x387: {  	s30 =	sadd.s32 $0x4, s22;
	v9 =	vld.idx.msk [tilespmem:v9+s3+$0x0], $0xffff;
	v1 =	vadd.s32 s29, v0;
	[tilespmem:s28+$0xFFFFFE80] =	vst v2  }
0x388: {  	s31 =	sadd.s32 $0x5, s22;
	v7 =	vld.idx.msk [tilespmem:v7+s3+$0x0], $0xffff;
	v2 =	vadd.s32 s30, v0;
	[tilespmem:s28+$0xFFFFFF00] =	vst v6  }
0x389: {  	s24 =	sadd.s32 $0x6, s22;
	v6 =	vadd.s32 s31, v0;
	v5 =	vld.idx.msk [tilespmem:v5+s3+$0x0], $0xffff;
	[tilespmem:s28+$0xFFFFFF80] =	vst v10  }
0x38a: {  	v10 =	vadd.s32 s24, v0;
	[tilespmem:s28+$0x0] =	vst v11;
	v4 =	vld.idx.msk [tilespmem:v4+s3+$0x0], $0xffff  }
0x38b: {  	v0 =	vadd.s32 s22, v0;
	[tilespmem:s28+$0x80] =	vst v8;
	v3 =	vld.idx.msk [tilespmem:v3+s3+$0x0], $0xffff  }
0x38c: {  	[tilespmem:s28+$0x100] =	vst v9;
	v1 =	vld.idx.msk [tilespmem:v1+s3+$0x0], $0xffff  }
0x38d: {  	s21 =	sadd.s32 $0x400, s28;
	[tilespmem:s28+$0xFFFFFE00] =	vst v7;
	v2 =	vld.idx.msk [tilespmem:v2+s3+$0x0], $0xffff  }
0x38e: {  	v6 =	vld.idx.msk [tilespmem:v6+s3+$0x0], $0xffff;
	[tilespmem:s21+$0x180] =	vst v5  }
0x38f: {  	v5 =	vld.idx.msk [tilespmem:v10+s3+$0x0], $0xffff;
	[tilespmem:s21+$0xFFFFFE80] =	vst v4  }
0x390: {  	v0 =	vld.idx.msk [tilespmem:v0+s3+$0x0], $0xffff;
	[tilespmem:s21+$0xFFFFFF00] =	vst v3  }
0x391: {  	[tilespmem:s21+$0xFFFFFF80] =	vst v1  }
0x392: {  	[tilespmem:s21+$0x0] =	vst v2  }
0x393: {  	[tilespmem:s21+$0x80] =	vst v6  }
0x394: {  	[tilespmem:s21+$0x100] =	vst v5  }
0x395: {  	[tilespmem:s21+$0xFFFFFE00] =	vst v0  }
0x396: {  	v0 =	vld [tilespmem:s20+$0x10430];
	_ =	sdelay $0x4  }
0x397: {  	v0 =	vmul.u32 $0x41, v0  }
0x398: {  	s25 =	simm.s32 $0x7  }
0x399: {  	s26 =	simm.s32 $0x1;
	v1 =	vadd.s32 s25, v0  }
0x39a: {  	s28 =	simm.s32 $0x2;
	v2 =	vadd.s32 s26, v0  }
0x39b: {  	s29 =	simm.s32 $0x3;
	v3 =	vadd.s32 s28, v0  }
0x39c: {  	s30 =	simm.s32 $0x4;
	v4 =	vadd.s32 s29, v0  }
0x39d: {  	s31 =	simm.s32 $0x5;
	v5 =	vadd.s32 s30, v0  }
0x39e: {  	s22 =	simm.s32 $0x6;
	v6 =	vadd.s32 s31, v0;
	v1 =	vld.idx.msk [tilespmem:v1+s3+$0x0], $0xffff  }
0x39f: {  	s24 =	simm.s32 $0xF;
	v7 =	vadd.s32 s22, v0;
	v2 =	vld.idx.msk [tilespmem:v2+s3+$0x0], $0xffff  }
0x3a0: {  	s23 =	simm.s32 $0x0;
	v11 =	vadd.s32 s24, v0;
	v9 =	vld.idx.msk [tilespmem:v3+s3+$0x0], $0xffff  }
0x3a1: {  	v8 =	vadd.s32 s23, v0;
	s26 =	simm.s32 $0xA;
	v12 =	vld.idx.msk [tilespmem:v4+s3+$0x0], $0xffff  }
0x3a2: {  	s25 =	simm.s32 $0x9;
	v15 =	vadd.s32 s26, v0;
	v14 =	vld.idx.msk [tilespmem:v5+s3+$0x0], $0xffff  }
0x3a3: {  	s21 =	simm.s32 $0x16A30;
	s28 =	simm.s32 $0xB;
	v13 =	vadd.s32 s25, v0;
	v5 =	vld.idx.msk [tilespmem:v6+s3+$0x0], $0xffff  }
0x3a4: {  	s29 =	simm.s32 $0xC;
	v10 =	vadd.s32 s28, v0;
	v4 =	vld.idx.msk [tilespmem:v7+s3+$0x0], $0xffff;
	[tilespmem:s21+$0x180] =	vst v1  }
0x3a5: {  	s30 =	simm.s32 $0xD;
	[tilespmem:s21+$0xFFFFFE80] =	vst v2;
	v1 =	vld.idx.msk [tilespmem:v11+s3+$0x0], $0xffff;
	v11 =	vadd.s32 s29, v0  }
0x3a6: {  	s31 =	simm.s32 $0xE;
	v3 =	vld.idx.msk [tilespmem:v8+s3+$0x0], $0xffff;
	v8 =	vadd.s32 s30, v0;
	[tilespmem:s21+$0xFFFFFF00] =	vst v9  }
0x3a7: {  	s25 =	simm.s32 $0x8;
	v6 =	vld.idx.msk [tilespmem:v15+s3+$0x0], $0xffff;
	[tilespmem:s21+$0xFFFFFF80] =	vst v12;
	v9 =	vadd.s32 s31, v0  }
0x3a8: {  	s22 =	simm.s32 $0x10;
	s24 =	simm.s32 $0x17;
	s23 =	simm.s32 $0x18;
	v7 =	vadd.s32 s25, v0;
	v2 =	vld.idx.msk [tilespmem:v13+s3+$0x0], $0xffff;
	[tilespmem:s21+$0x0] =	vst v14  }
.LBB2_41:
0x3a9: {  	p0 =	slt.u32 s23, $0x38;
	s25 =	sadd.s32 $0x1, s22;
	v12 =	vadd.s32 s24, v0;
	v13 =	vld.idx.msk [tilespmem:v10+s3+$0x0], $0xffff;
	[tilespmem:s21+$0x80] =	vst v5  }
0x3aa: {  	s24 =	sadd.s32 $0x2, s22;
	v14 =	vadd.s32 s25, v0;
	v15 =	vld.idx.msk [tilespmem:v11+s3+$0x0], $0xffff;
	[tilespmem:s21+$0x100] =	vst v4  }
0x3ab: {  	v16 =	vadd.s32 s24, v0;
	s24 =	sadd.s32 $0x3, s22;
	v5 =	vld.idx.msk [tilespmem:v8+s3+$0x0], $0xffff;
	[tilespmem:s21+$0xFFFFFE00] =	vst v3;
	s21 =	sadd.s32 $0x400, s21  }
.Ltmp19:
0x3ac: {  	v10 =	vadd.s32 s24, v0;
	s24 =	sadd.s32 $0x4, s22;
	v4 =	vld.idx.msk [tilespmem:v9+s3+$0x0], $0xffff;
	[tilespmem:s21+$0x180] =	vst v1;
	(pc) =	sbr.rel @p0 .LBB2_41-.Ltmp19, $4  }
0x3ad: {  	v11 =	vadd.s32 s24, v0;
	s24 =	sadd.s32 $0x5, s22;
	v3 =	vld.idx.msk [tilespmem:v7+s3+$0x0], $0xffff;
	[tilespmem:s21+$0xFFFFFE80] =	vst v2  }
0x3ae: {  	v8 =	vadd.s32 s24, v0;
	s24 =	sadd.s32 $0x6, s22;
	v1 =	vld.idx.msk [tilespmem:v12+s3+$0x0], $0xffff;
	[tilespmem:s21+$0xFFFFFF00] =	vst v6  }
0x3af: {  	v9 =	vadd.s32 s24, v0;
	v2 =	vld.idx.msk [tilespmem:v14+s3+$0x0], $0xffff;
	[tilespmem:s21+$0xFFFFFF80] =	vst v13  }
0x3b0: {  	v7 =	vadd.s32 s22, v0;
	s22 =	smov.u32 s23;
	s24 =	sadd.s32 $0x7, s23;
	s23 =	sadd.s32 $0x8, s23;
	v6 =	vld.idx.msk [tilespmem:v16+s3+$0x0], $0xffff;
	[tilespmem:s21+$0x0] =	vst v15  }
0x3b1: {  	_ =	sdelay $0x2  }
0x3b2: {  	[tilespmem:s21+$0x80] =	vst v5  }
0x3b3: {  	s23 =	sadd.s32 $0x1, s22;
	v5 =	vadd.s32 s24, v0;
	v10 =	vld.idx.msk [tilespmem:v10+s3+$0x0], $0xffff;
	[tilespmem:s21+$0x100] =	vst v4  }
0x3b4: {  	s26 =	sadd.s32 $0x2, s22;
	v11 =	vld.idx.msk [tilespmem:v11+s3+$0x0], $0xffff;
	s28 =	sadd.s32 $0x400, s21;
	v4 =	vadd.s32 s23, v0;
	[tilespmem:s21+$0xFFFFFE00] =	vst v3  }
0x3b5: {  	s29 =	sadd.s32 $0x3, s22;
	v8 =	vld.idx.msk [tilespmem:v8+s3+$0x0], $0xffff;
	v3 =	vadd.s32 s26, v0;
	[tilespmem:s28+$0x180] =	vst v1  }
0x3b6: {  	s30 =	sadd.s32 $0x4, s22;
	v9 =	vld.idx.msk [tilespmem:v9+s3+$0x0], $0xffff;
	v1 =	vadd.s32 s29, v0;
	[tilespmem:s28+$0xFFFFFE80] =	vst v2  }
0x3b7: {  	s31 =	sadd.s32 $0x5, s22;
	v7 =	vld.idx.msk [tilespmem:v7+s3+$0x0], $0xffff;
	v2 =	vadd.s32 s30, v0;
	[tilespmem:s28+$0xFFFFFF00] =	vst v6  }
0x3b8: {  	s24 =	sadd.s32 $0x6, s22;
	v6 =	vadd.s32 s31, v0;
	v5 =	vld.idx.msk [tilespmem:v5+s3+$0x0], $0xffff;
	[tilespmem:s28+$0xFFFFFF80] =	vst v10  }
0x3b9: {  	v10 =	vadd.s32 s24, v0;
	[tilespmem:s28+$0x0] =	vst v11;
	v4 =	vld.idx.msk [tilespmem:v4+s3+$0x0], $0xffff  }
0x3ba: {  	v0 =	vadd.s32 s22, v0;
	[tilespmem:s28+$0x80] =	vst v8;
	v3 =	vld.idx.msk [tilespmem:v3+s3+$0x0], $0xffff  }
0x3bb: {  	[tilespmem:s28+$0x100] =	vst v9;
	v1 =	vld.idx.msk [tilespmem:v1+s3+$0x0], $0xffff  }
0x3bc: {  	s21 =	sadd.s32 $0x400, s28;
	[tilespmem:s28+$0xFFFFFE00] =	vst v7;
	v2 =	vld.idx.msk [tilespmem:v2+s3+$0x0], $0xffff  }
0x3bd: {  	v6 =	vld.idx.msk [tilespmem:v6+s3+$0x0], $0xffff;
	[tilespmem:s21+$0x180] =	vst v5  }
0x3be: {  	v5 =	vld.idx.msk [tilespmem:v10+s3+$0x0], $0xffff;
	[tilespmem:s21+$0xFFFFFE80] =	vst v4  }
0x3bf: {  	v0 =	vld.idx.msk [tilespmem:v0+s3+$0x0], $0xffff;
	[tilespmem:s21+$0xFFFFFF00] =	vst v3  }
0x3c0: {  	[tilespmem:s21+$0xFFFFFF80] =	vst v1  }
0x3c1: {  	[tilespmem:s21+$0x0] =	vst v2  }
0x3c2: {  	[tilespmem:s21+$0x80] =	vst v6  }
0x3c3: {  	[tilespmem:s21+$0x100] =	vst v5  }
0x3c4: {  	[tilespmem:s21+$0xFFFFFE00] =	vst v0  }
0x3c5: {  	v0 =	vld [tilespmem:s20+$0x10440];
	_ =	sdelay $0x4  }
0x3c6: {  	v0 =	vmul.u32 $0x41, v0  }
0x3c7: {  	s25 =	simm.s32 $0x7  }
0x3c8: {  	s26 =	simm.s32 $0x1;
	v1 =	vadd.s32 s25, v0  }
0x3c9: {  	s28 =	simm.s32 $0x2;
	v2 =	vadd.s32 s26, v0  }
0x3ca: {  	s29 =	simm.s32 $0x3;
	v3 =	vadd.s32 s28, v0  }
0x3cb: {  	s30 =	simm.s32 $0x4;
	v4 =	vadd.s32 s29, v0  }
0x3cc: {  	s31 =	simm.s32 $0x5;
	v5 =	vadd.s32 s30, v0  }
0x3cd: {  	s22 =	simm.s32 $0x6;
	v6 =	vadd.s32 s31, v0;
	v1 =	vld.idx.msk [tilespmem:v1+s3+$0x0], $0xffff  }
0x3ce: {  	s24 =	simm.s32 $0xF;
	v7 =	vadd.s32 s22, v0;
	v2 =	vld.idx.msk [tilespmem:v2+s3+$0x0], $0xffff  }
0x3cf: {  	s23 =	simm.s32 $0x0;
	v11 =	vadd.s32 s24, v0;
	v9 =	vld.idx.msk [tilespmem:v3+s3+$0x0], $0xffff  }
0x3d0: {  	v8 =	vadd.s32 s23, v0;
	s26 =	simm.s32 $0xA;
	v12 =	vld.idx.msk [tilespmem:v4+s3+$0x0], $0xffff  }
0x3d1: {  	s25 =	simm.s32 $0x9;
	v15 =	vadd.s32 s26, v0;
	v14 =	vld.idx.msk [tilespmem:v5+s3+$0x0], $0xffff  }
0x3d2: {  	s21 =	simm.s32 $0x16A40;
	s28 =	simm.s32 $0xB;
	v13 =	vadd.s32 s25, v0;
	v5 =	vld.idx.msk [tilespmem:v6+s3+$0x0], $0xffff  }
0x3d3: {  	s29 =	simm.s32 $0xC;
	v10 =	vadd.s32 s28, v0;
	v4 =	vld.idx.msk [tilespmem:v7+s3+$0x0], $0xffff;
	[tilespmem:s21+$0x180] =	vst v1  }
0x3d4: {  	s30 =	simm.s32 $0xD;
	[tilespmem:s21+$0xFFFFFE80] =	vst v2;
	v1 =	vld.idx.msk [tilespmem:v11+s3+$0x0], $0xffff;
	v11 =	vadd.s32 s29, v0  }
0x3d5: {  	s31 =	simm.s32 $0xE;
	v3 =	vld.idx.msk [tilespmem:v8+s3+$0x0], $0xffff;
	v8 =	vadd.s32 s30, v0;
	[tilespmem:s21+$0xFFFFFF00] =	vst v9  }
0x3d6: {  	s25 =	simm.s32 $0x8;
	v6 =	vld.idx.msk [tilespmem:v15+s3+$0x0], $0xffff;
	[tilespmem:s21+$0xFFFFFF80] =	vst v12;
	v9 =	vadd.s32 s31, v0  }
0x3d7: {  	s22 =	simm.s32 $0x10;
	s24 =	simm.s32 $0x17;
	s23 =	simm.s32 $0x18;
	v7 =	vadd.s32 s25, v0;
	v2 =	vld.idx.msk [tilespmem:v13+s3+$0x0], $0xffff;
	[tilespmem:s21+$0x0] =	vst v14  }
.LBB2_43:
0x3d8: {  	p0 =	slt.u32 s23, $0x38;
	s25 =	sadd.s32 $0x1, s22;
	v12 =	vadd.s32 s24, v0;
	v13 =	vld.idx.msk [tilespmem:v10+s3+$0x0], $0xffff;
	[tilespmem:s21+$0x80] =	vst v5  }
0x3d9: {  	s24 =	sadd.s32 $0x2, s22;
	v14 =	vadd.s32 s25, v0;
	v15 =	vld.idx.msk [tilespmem:v11+s3+$0x0], $0xffff;
	[tilespmem:s21+$0x100] =	vst v4  }
0x3da: {  	v16 =	vadd.s32 s24, v0;
	s24 =	sadd.s32 $0x3, s22;
	v5 =	vld.idx.msk [tilespmem:v8+s3+$0x0], $0xffff;
	[tilespmem:s21+$0xFFFFFE00] =	vst v3;
	s21 =	sadd.s32 $0x400, s21  }
.Ltmp20:
0x3db: {  	v10 =	vadd.s32 s24, v0;
	s24 =	sadd.s32 $0x4, s22;
	v4 =	vld.idx.msk [tilespmem:v9+s3+$0x0], $0xffff;
	[tilespmem:s21+$0x180] =	vst v1;
	(pc) =	sbr.rel @p0 .LBB2_43-.Ltmp20, $4  }
0x3dc: {  	v11 =	vadd.s32 s24, v0;
	s24 =	sadd.s32 $0x5, s22;
	v3 =	vld.idx.msk [tilespmem:v7+s3+$0x0], $0xffff;
	[tilespmem:s21+$0xFFFFFE80] =	vst v2  }
0x3dd: {  	v8 =	vadd.s32 s24, v0;
	s24 =	sadd.s32 $0x6, s22;
	v1 =	vld.idx.msk [tilespmem:v12+s3+$0x0], $0xffff;
	[tilespmem:s21+$0xFFFFFF00] =	vst v6  }
0x3de: {  	v9 =	vadd.s32 s24, v0;
	v2 =	vld.idx.msk [tilespmem:v14+s3+$0x0], $0xffff;
	[tilespmem:s21+$0xFFFFFF80] =	vst v13  }
0x3df: {  	v7 =	vadd.s32 s22, v0;
	s22 =	smov.u32 s23;
	s24 =	sadd.s32 $0x7, s23;
	s23 =	sadd.s32 $0x8, s23;
	v6 =	vld.idx.msk [tilespmem:v16+s3+$0x0], $0xffff;
	[tilespmem:s21+$0x0] =	vst v15  }
0x3e0: {  	_ =	sdelay $0x2  }
0x3e1: {  	[tilespmem:s21+$0x80] =	vst v5  }
0x3e2: {  	s23 =	sadd.s32 $0x1, s22;
	v5 =	vadd.s32 s24, v0;
	v10 =	vld.idx.msk [tilespmem:v10+s3+$0x0], $0xffff;
	[tilespmem:s21+$0x100] =	vst v4  }
0x3e3: {  	s26 =	sadd.s32 $0x2, s22;
	v11 =	vld.idx.msk [tilespmem:v11+s3+$0x0], $0xffff;
	s28 =	sadd.s32 $0x400, s21;
	v4 =	vadd.s32 s23, v0;
	[tilespmem:s21+$0xFFFFFE00] =	vst v3  }
0x3e4: {  	s29 =	sadd.s32 $0x3, s22;
	v8 =	vld.idx.msk [tilespmem:v8+s3+$0x0], $0xffff;
	v3 =	vadd.s32 s26, v0;
	[tilespmem:s28+$0x180] =	vst v1  }
0x3e5: {  	s30 =	sadd.s32 $0x4, s22;
	v9 =	vld.idx.msk [tilespmem:v9+s3+$0x0], $0xffff;
	v1 =	vadd.s32 s29, v0;
	[tilespmem:s28+$0xFFFFFE80] =	vst v2  }
0x3e6: {  	s31 =	sadd.s32 $0x5, s22;
	v7 =	vld.idx.msk [tilespmem:v7+s3+$0x0], $0xffff;
	v2 =	vadd.s32 s30, v0;
	[tilespmem:s28+$0xFFFFFF00] =	vst v6  }
0x3e7: {  	s24 =	sadd.s32 $0x6, s22;
	v6 =	vadd.s32 s31, v0;
	v5 =	vld.idx.msk [tilespmem:v5+s3+$0x0], $0xffff;
	[tilespmem:s28+$0xFFFFFF80] =	vst v10  }
0x3e8: {  	v10 =	vadd.s32 s24, v0;
	[tilespmem:s28+$0x0] =	vst v11;
	v4 =	vld.idx.msk [tilespmem:v4+s3+$0x0], $0xffff  }
0x3e9: {  	v0 =	vadd.s32 s22, v0;
	[tilespmem:s28+$0x80] =	vst v8;
	v3 =	vld.idx.msk [tilespmem:v3+s3+$0x0], $0xffff  }
0x3ea: {  	[tilespmem:s28+$0x100] =	vst v9;
	v1 =	vld.idx.msk [tilespmem:v1+s3+$0x0], $0xffff  }
0x3eb: {  	s21 =	sadd.s32 $0x400, s28;
	[tilespmem:s28+$0xFFFFFE00] =	vst v7;
	v2 =	vld.idx.msk [tilespmem:v2+s3+$0x0], $0xffff  }
0x3ec: {  	v6 =	vld.idx.msk [tilespmem:v6+s3+$0x0], $0xffff;
	[tilespmem:s21+$0x180] =	vst v5  }
0x3ed: {  	v5 =	vld.idx.msk [tilespmem:v10+s3+$0x0], $0xffff;
	[tilespmem:s21+$0xFFFFFE80] =	vst v4  }
0x3ee: {  	v0 =	vld.idx.msk [tilespmem:v0+s3+$0x0], $0xffff;
	[tilespmem:s21+$0xFFFFFF00] =	vst v3  }
0x3ef: {  	[tilespmem:s21+$0xFFFFFF80] =	vst v1  }
0x3f0: {  	[tilespmem:s21+$0x0] =	vst v2  }
0x3f1: {  	[tilespmem:s21+$0x80] =	vst v6  }
0x3f2: {  	[tilespmem:s21+$0x100] =	vst v5  }
0x3f3: {  	[tilespmem:s21+$0xFFFFFE00] =	vst v0  }
0x3f4: {  	v0 =	vld [tilespmem:s20+$0x10450];
	_ =	sdelay $0x4  }
0x3f5: {  	v0 =	vmul.u32 $0x41, v0  }
0x3f6: {  	s25 =	simm.s32 $0x7  }
0x3f7: {  	s26 =	simm.s32 $0x1;
	v1 =	vadd.s32 s25, v0  }
0x3f8: {  	s28 =	simm.s32 $0x2;
	v2 =	vadd.s32 s26, v0  }
0x3f9: {  	s29 =	simm.s32 $0x3;
	v3 =	vadd.s32 s28, v0  }
0x3fa: {  	s30 =	simm.s32 $0x4;
	v4 =	vadd.s32 s29, v0  }
0x3fb: {  	s31 =	simm.s32 $0x5;
	v5 =	vadd.s32 s30, v0  }
0x3fc: {  	s22 =	simm.s32 $0x6;
	v6 =	vadd.s32 s31, v0;
	v1 =	vld.idx.msk [tilespmem:v1+s3+$0x0], $0xffff  }
0x3fd: {  	s24 =	simm.s32 $0xF;
	v7 =	vadd.s32 s22, v0;
	v2 =	vld.idx.msk [tilespmem:v2+s3+$0x0], $0xffff  }
0x3fe: {  	s23 =	simm.s32 $0x0;
	v11 =	vadd.s32 s24, v0;
	v9 =	vld.idx.msk [tilespmem:v3+s3+$0x0], $0xffff  }
0x3ff: {  	v8 =	vadd.s32 s23, v0;
	s26 =	simm.s32 $0xA;
	v12 =	vld.idx.msk [tilespmem:v4+s3+$0x0], $0xffff  }
0x400: {  	s25 =	simm.s32 $0x9;
	v15 =	vadd.s32 s26, v0;
	v14 =	vld.idx.msk [tilespmem:v5+s3+$0x0], $0xffff  }
0x401: {  	s21 =	simm.s32 $0x16A50;
	s28 =	simm.s32 $0xB;
	v13 =	vadd.s32 s25, v0;
	v5 =	vld.idx.msk [tilespmem:v6+s3+$0x0], $0xffff  }
0x402: {  	s29 =	simm.s32 $0xC;
	v10 =	vadd.s32 s28, v0;
	v4 =	vld.idx.msk [tilespmem:v7+s3+$0x0], $0xffff;
	[tilespmem:s21+$0x180] =	vst v1  }
0x403: {  	s30 =	simm.s32 $0xD;
	[tilespmem:s21+$0xFFFFFE80] =	vst v2;
	v1 =	vld.idx.msk [tilespmem:v11+s3+$0x0], $0xffff;
	v11 =	vadd.s32 s29, v0  }
0x404: {  	s31 =	simm.s32 $0xE;
	v3 =	vld.idx.msk [tilespmem:v8+s3+$0x0], $0xffff;
	v8 =	vadd.s32 s30, v0;
	[tilespmem:s21+$0xFFFFFF00] =	vst v9  }
0x405: {  	s25 =	simm.s32 $0x8;
	v6 =	vld.idx.msk [tilespmem:v15+s3+$0x0], $0xffff;
	[tilespmem:s21+$0xFFFFFF80] =	vst v12;
	v9 =	vadd.s32 s31, v0  }
0x406: {  	s22 =	simm.s32 $0x10;
	s24 =	simm.s32 $0x17;
	s23 =	simm.s32 $0x18;
	v7 =	vadd.s32 s25, v0;
	v2 =	vld.idx.msk [tilespmem:v13+s3+$0x0], $0xffff;
	[tilespmem:s21+$0x0] =	vst v14  }
.LBB2_45:
0x407: {  	p0 =	slt.u32 s23, $0x38;
	s25 =	sadd.s32 $0x1, s22;
	v12 =	vadd.s32 s24, v0;
	v13 =	vld.idx.msk [tilespmem:v10+s3+$0x0], $0xffff;
	[tilespmem:s21+$0x80] =	vst v5  }
0x408: {  	s24 =	sadd.s32 $0x2, s22;
	v14 =	vadd.s32 s25, v0;
	v15 =	vld.idx.msk [tilespmem:v11+s3+$0x0], $0xffff;
	[tilespmem:s21+$0x100] =	vst v4  }
0x409: {  	v16 =	vadd.s32 s24, v0;
	s24 =	sadd.s32 $0x3, s22;
	v5 =	vld.idx.msk [tilespmem:v8+s3+$0x0], $0xffff;
	[tilespmem:s21+$0xFFFFFE00] =	vst v3;
	s21 =	sadd.s32 $0x400, s21  }
.Ltmp21:
0x40a: {  	v10 =	vadd.s32 s24, v0;
	s24 =	sadd.s32 $0x4, s22;
	v4 =	vld.idx.msk [tilespmem:v9+s3+$0x0], $0xffff;
	[tilespmem:s21+$0x180] =	vst v1;
	(pc) =	sbr.rel @p0 .LBB2_45-.Ltmp21, $4  }
0x40b: {  	v11 =	vadd.s32 s24, v0;
	s24 =	sadd.s32 $0x5, s22;
	v3 =	vld.idx.msk [tilespmem:v7+s3+$0x0], $0xffff;
	[tilespmem:s21+$0xFFFFFE80] =	vst v2  }
0x40c: {  	v8 =	vadd.s32 s24, v0;
	s24 =	sadd.s32 $0x6, s22;
	v1 =	vld.idx.msk [tilespmem:v12+s3+$0x0], $0xffff;
	[tilespmem:s21+$0xFFFFFF00] =	vst v6  }
0x40d: {  	v9 =	vadd.s32 s24, v0;
	v2 =	vld.idx.msk [tilespmem:v14+s3+$0x0], $0xffff;
	[tilespmem:s21+$0xFFFFFF80] =	vst v13  }
0x40e: {  	v7 =	vadd.s32 s22, v0;
	s22 =	smov.u32 s23;
	s24 =	sadd.s32 $0x7, s23;
	s23 =	sadd.s32 $0x8, s23;
	v6 =	vld.idx.msk [tilespmem:v16+s3+$0x0], $0xffff;
	[tilespmem:s21+$0x0] =	vst v15  }
0x40f: {  	_ =	sdelay $0x2  }
0x410: {  	[tilespmem:s21+$0x80] =	vst v5  }
0x411: {  	s23 =	sadd.s32 $0x1, s22;
	v5 =	vadd.s32 s24, v0;
	v10 =	vld.idx.msk [tilespmem:v10+s3+$0x0], $0xffff;
	[tilespmem:s21+$0x100] =	vst v4  }
0x412: {  	s26 =	sadd.s32 $0x2, s22;
	v11 =	vld.idx.msk [tilespmem:v11+s3+$0x0], $0xffff;
	s28 =	sadd.s32 $0x400, s21;
	v4 =	vadd.s32 s23, v0;
	[tilespmem:s21+$0xFFFFFE00] =	vst v3  }
0x413: {  	s29 =	sadd.s32 $0x3, s22;
	v8 =	vld.idx.msk [tilespmem:v8+s3+$0x0], $0xffff;
	v3 =	vadd.s32 s26, v0;
	[tilespmem:s28+$0x180] =	vst v1  }
0x414: {  	s30 =	sadd.s32 $0x4, s22;
	v9 =	vld.idx.msk [tilespmem:v9+s3+$0x0], $0xffff;
	v1 =	vadd.s32 s29, v0;
	[tilespmem:s28+$0xFFFFFE80] =	vst v2  }
0x415: {  	s31 =	sadd.s32 $0x5, s22;
	v7 =	vld.idx.msk [tilespmem:v7+s3+$0x0], $0xffff;
	v2 =	vadd.s32 s30, v0;
	[tilespmem:s28+$0xFFFFFF00] =	vst v6  }
0x416: {  	s24 =	sadd.s32 $0x6, s22;
	v6 =	vadd.s32 s31, v0;
	v5 =	vld.idx.msk [tilespmem:v5+s3+$0x0], $0xffff;
	[tilespmem:s28+$0xFFFFFF80] =	vst v10  }
0x417: {  	v10 =	vadd.s32 s24, v0;
	[tilespmem:s28+$0x0] =	vst v11;
	v4 =	vld.idx.msk [tilespmem:v4+s3+$0x0], $0xffff  }
0x418: {  	v0 =	vadd.s32 s22, v0;
	[tilespmem:s28+$0x80] =	vst v8;
	v3 =	vld.idx.msk [tilespmem:v3+s3+$0x0], $0xffff  }
0x419: {  	[tilespmem:s28+$0x100] =	vst v9;
	v1 =	vld.idx.msk [tilespmem:v1+s3+$0x0], $0xffff  }
0x41a: {  	s21 =	sadd.s32 $0x400, s28;
	[tilespmem:s28+$0xFFFFFE00] =	vst v7;
	v2 =	vld.idx.msk [tilespmem:v2+s3+$0x0], $0xffff  }
0x41b: {  	v6 =	vld.idx.msk [tilespmem:v6+s3+$0x0], $0xffff;
	[tilespmem:s21+$0x180] =	vst v5  }
0x41c: {  	v5 =	vld.idx.msk [tilespmem:v10+s3+$0x0], $0xffff;
	[tilespmem:s21+$0xFFFFFE80] =	vst v4  }
0x41d: {  	v0 =	vld.idx.msk [tilespmem:v0+s3+$0x0], $0xffff;
	[tilespmem:s21+$0xFFFFFF00] =	vst v3  }
0x41e: {  	[tilespmem:s21+$0xFFFFFF80] =	vst v1  }
0x41f: {  	[tilespmem:s21+$0x0] =	vst v2  }
0x420: {  	[tilespmem:s21+$0x80] =	vst v6  }
0x421: {  	[tilespmem:s21+$0x100] =	vst v5  }
0x422: {  	[tilespmem:s21+$0xFFFFFE00] =	vst v0  }
0x423: {  	v0 =	vld [tilespmem:s20+$0x10460];
	_ =	sdelay $0x4  }
0x424: {  	v0 =	vmul.u32 $0x41, v0  }
0x425: {  	s25 =	simm.s32 $0x7  }
0x426: {  	s26 =	simm.s32 $0x1;
	v1 =	vadd.s32 s25, v0  }
0x427: {  	s28 =	simm.s32 $0x2;
	v2 =	vadd.s32 s26, v0  }
0x428: {  	s29 =	simm.s32 $0x3;
	v3 =	vadd.s32 s28, v0  }
0x429: {  	s30 =	simm.s32 $0x4;
	v4 =	vadd.s32 s29, v0  }
0x42a: {  	s31 =	simm.s32 $0x5;
	v5 =	vadd.s32 s30, v0  }
0x42b: {  	s22 =	simm.s32 $0x6;
	v6 =	vadd.s32 s31, v0;
	v1 =	vld.idx.msk [tilespmem:v1+s3+$0x0], $0xffff  }
0x42c: {  	s24 =	simm.s32 $0xF;
	v7 =	vadd.s32 s22, v0;
	v2 =	vld.idx.msk [tilespmem:v2+s3+$0x0], $0xffff  }
0x42d: {  	s23 =	simm.s32 $0x0;
	v11 =	vadd.s32 s24, v0;
	v9 =	vld.idx.msk [tilespmem:v3+s3+$0x0], $0xffff  }
0x42e: {  	v8 =	vadd.s32 s23, v0;
	s26 =	simm.s32 $0xA;
	v12 =	vld.idx.msk [tilespmem:v4+s3+$0x0], $0xffff  }
0x42f: {  	s25 =	simm.s32 $0x9;
	v15 =	vadd.s32 s26, v0;
	v14 =	vld.idx.msk [tilespmem:v5+s3+$0x0], $0xffff  }
0x430: {  	s21 =	simm.s32 $0x16A60;
	s28 =	simm.s32 $0xB;
	v13 =	vadd.s32 s25, v0;
	v5 =	vld.idx.msk [tilespmem:v6+s3+$0x0], $0xffff  }
0x431: {  	s29 =	simm.s32 $0xC;
	v10 =	vadd.s32 s28, v0;
	v4 =	vld.idx.msk [tilespmem:v7+s3+$0x0], $0xffff;
	[tilespmem:s21+$0x180] =	vst v1  }
0x432: {  	s30 =	simm.s32 $0xD;
	[tilespmem:s21+$0xFFFFFE80] =	vst v2;
	v1 =	vld.idx.msk [tilespmem:v11+s3+$0x0], $0xffff;
	v11 =	vadd.s32 s29, v0  }
0x433: {  	s31 =	simm.s32 $0xE;
	v3 =	vld.idx.msk [tilespmem:v8+s3+$0x0], $0xffff;
	v8 =	vadd.s32 s30, v0;
	[tilespmem:s21+$0xFFFFFF00] =	vst v9  }
0x434: {  	s25 =	simm.s32 $0x8;
	v6 =	vld.idx.msk [tilespmem:v15+s3+$0x0], $0xffff;
	[tilespmem:s21+$0xFFFFFF80] =	vst v12;
	v9 =	vadd.s32 s31, v0  }
0x435: {  	s22 =	simm.s32 $0x10;
	s24 =	simm.s32 $0x17;
	s23 =	simm.s32 $0x18;
	v7 =	vadd.s32 s25, v0;
	v2 =	vld.idx.msk [tilespmem:v13+s3+$0x0], $0xffff;
	[tilespmem:s21+$0x0] =	vst v14  }
.LBB2_47:
0x436: {  	p0 =	slt.u32 s23, $0x38;
	s25 =	sadd.s32 $0x1, s22;
	v12 =	vadd.s32 s24, v0;
	v13 =	vld.idx.msk [tilespmem:v10+s3+$0x0], $0xffff;
	[tilespmem:s21+$0x80] =	vst v5  }
0x437: {  	s24 =	sadd.s32 $0x2, s22;
	v14 =	vadd.s32 s25, v0;
	v15 =	vld.idx.msk [tilespmem:v11+s3+$0x0], $0xffff;
	[tilespmem:s21+$0x100] =	vst v4  }
0x438: {  	v16 =	vadd.s32 s24, v0;
	s24 =	sadd.s32 $0x3, s22;
	v5 =	vld.idx.msk [tilespmem:v8+s3+$0x0], $0xffff;
	[tilespmem:s21+$0xFFFFFE00] =	vst v3;
	s21 =	sadd.s32 $0x400, s21  }
.Ltmp22:
0x439: {  	v10 =	vadd.s32 s24, v0;
	s24 =	sadd.s32 $0x4, s22;
	v4 =	vld.idx.msk [tilespmem:v9+s3+$0x0], $0xffff;
	[tilespmem:s21+$0x180] =	vst v1;
	(pc) =	sbr.rel @p0 .LBB2_47-.Ltmp22, $4  }
0x43a: {  	v11 =	vadd.s32 s24, v0;
	s24 =	sadd.s32 $0x5, s22;
	v3 =	vld.idx.msk [tilespmem:v7+s3+$0x0], $0xffff;
	[tilespmem:s21+$0xFFFFFE80] =	vst v2  }
0x43b: {  	v8 =	vadd.s32 s24, v0;
	s24 =	sadd.s32 $0x6, s22;
	v1 =	vld.idx.msk [tilespmem:v12+s3+$0x0], $0xffff;
	[tilespmem:s21+$0xFFFFFF00] =	vst v6  }
0x43c: {  	v9 =	vadd.s32 s24, v0;
	v2 =	vld.idx.msk [tilespmem:v14+s3+$0x0], $0xffff;
	[tilespmem:s21+$0xFFFFFF80] =	vst v13  }
0x43d: {  	v7 =	vadd.s32 s22, v0;
	s22 =	smov.u32 s23;
	s24 =	sadd.s32 $0x7, s23;
	s23 =	sadd.s32 $0x8, s23;
	v6 =	vld.idx.msk [tilespmem:v16+s3+$0x0], $0xffff;
	[tilespmem:s21+$0x0] =	vst v15  }
0x43e: {  	_ =	sdelay $0x2  }
0x43f: {  	[tilespmem:s21+$0x80] =	vst v5  }
0x440: {  	s23 =	sadd.s32 $0x1, s22;
	v5 =	vadd.s32 s24, v0;
	v10 =	vld.idx.msk [tilespmem:v10+s3+$0x0], $0xffff;
	[tilespmem:s21+$0x100] =	vst v4  }
0x441: {  	s26 =	sadd.s32 $0x2, s22;
	v11 =	vld.idx.msk [tilespmem:v11+s3+$0x0], $0xffff;
	s28 =	sadd.s32 $0x400, s21;
	v4 =	vadd.s32 s23, v0;
	[tilespmem:s21+$0xFFFFFE00] =	vst v3  }
0x442: {  	s29 =	sadd.s32 $0x3, s22;
	v8 =	vld.idx.msk [tilespmem:v8+s3+$0x0], $0xffff;
	v3 =	vadd.s32 s26, v0;
	[tilespmem:s28+$0x180] =	vst v1  }
0x443: {  	s30 =	sadd.s32 $0x4, s22;
	v9 =	vld.idx.msk [tilespmem:v9+s3+$0x0], $0xffff;
	v1 =	vadd.s32 s29, v0;
	[tilespmem:s28+$0xFFFFFE80] =	vst v2  }
0x444: {  	s31 =	sadd.s32 $0x5, s22;
	v7 =	vld.idx.msk [tilespmem:v7+s3+$0x0], $0xffff;
	v2 =	vadd.s32 s30, v0;
	[tilespmem:s28+$0xFFFFFF00] =	vst v6  }
0x445: {  	s24 =	sadd.s32 $0x6, s22;
	v6 =	vadd.s32 s31, v0;
	v5 =	vld.idx.msk [tilespmem:v5+s3+$0x0], $0xffff;
	[tilespmem:s28+$0xFFFFFF80] =	vst v10  }
0x446: {  	v10 =	vadd.s32 s24, v0;
	[tilespmem:s28+$0x0] =	vst v11;
	v4 =	vld.idx.msk [tilespmem:v4+s3+$0x0], $0xffff  }
0x447: {  	v0 =	vadd.s32 s22, v0;
	[tilespmem:s28+$0x80] =	vst v8;
	v3 =	vld.idx.msk [tilespmem:v3+s3+$0x0], $0xffff  }
0x448: {  	[tilespmem:s28+$0x100] =	vst v9;
	v1 =	vld.idx.msk [tilespmem:v1+s3+$0x0], $0xffff  }
0x449: {  	s21 =	sadd.s32 $0x400, s28;
	[tilespmem:s28+$0xFFFFFE00] =	vst v7;
	v2 =	vld.idx.msk [tilespmem:v2+s3+$0x0], $0xffff  }
0x44a: {  	v6 =	vld.idx.msk [tilespmem:v6+s3+$0x0], $0xffff;
	[tilespmem:s21+$0x180] =	vst v5  }
0x44b: {  	v5 =	vld.idx.msk [tilespmem:v10+s3+$0x0], $0xffff;
	[tilespmem:s21+$0xFFFFFE80] =	vst v4  }
0x44c: {  	v0 =	vld.idx.msk [tilespmem:v0+s3+$0x0], $0xffff;
	[tilespmem:s21+$0xFFFFFF00] =	vst v3  }
0x44d: {  	[tilespmem:s21+$0xFFFFFF80] =	vst v1  }
0x44e: {  	[tilespmem:s21+$0x0] =	vst v2  }
0x44f: {  	[tilespmem:s21+$0x80] =	vst v6  }
0x450: {  	[tilespmem:s21+$0x100] =	vst v5  }
0x451: {  	[tilespmem:s21+$0xFFFFFE00] =	vst v0  }
0x452: {  	v0 =	vld [tilespmem:s20+$0x10470];
	_ =	sdelay $0x4  }
0x453: {  	v0 =	vmul.u32 $0x41, v0  }
0x454: {  	s25 =	simm.s32 $0x7  }
0x455: {  	s26 =	simm.s32 $0x1;
	v1 =	vadd.s32 s25, v0  }
0x456: {  	s28 =	simm.s32 $0x2;
	v2 =	vadd.s32 s26, v0  }
0x457: {  	s29 =	simm.s32 $0x3;
	v3 =	vadd.s32 s28, v0  }
0x458: {  	s30 =	simm.s32 $0x4;
	v4 =	vadd.s32 s29, v0  }
0x459: {  	s31 =	simm.s32 $0x5;
	v5 =	vadd.s32 s30, v0  }
0x45a: {  	s21 =	simm.s32 $0x6;
	v6 =	vadd.s32 s31, v0;
	v1 =	vld.idx.msk [tilespmem:v1+s3+$0x0], $0xffff  }
0x45b: {  	s23 =	simm.s32 $0xF;
	v7 =	vadd.s32 s21, v0;
	v2 =	vld.idx.msk [tilespmem:v2+s3+$0x0], $0xffff  }
0x45c: {  	s22 =	simm.s32 $0x0;
	v11 =	vadd.s32 s23, v0;
	v9 =	vld.idx.msk [tilespmem:v3+s3+$0x0], $0xffff  }
0x45d: {  	v8 =	vadd.s32 s22, v0;
	s25 =	simm.s32 $0xA;
	v12 =	vld.idx.msk [tilespmem:v4+s3+$0x0], $0xffff  }
0x45e: {  	s24 =	simm.s32 $0x9;
	v15 =	vadd.s32 s25, v0;
	v14 =	vld.idx.msk [tilespmem:v5+s3+$0x0], $0xffff  }
0x45f: {  	s20 =	simm.s32 $0x16A70;
	v13 =	vadd.s32 s24, v0;
	s26 =	simm.s32 $0xB;
	v5 =	vld.idx.msk [tilespmem:v6+s3+$0x0], $0xffff  }
0x460: {  	s28 =	simm.s32 $0xC;
	v10 =	vadd.s32 s26, v0;
	v4 =	vld.idx.msk [tilespmem:v7+s3+$0x0], $0xffff;
	[tilespmem:s20+$0x180] =	vst v1  }
0x461: {  	s29 =	simm.s32 $0xD;
	[tilespmem:s20+$0xFFFFFE80] =	vst v2;
	v1 =	vld.idx.msk [tilespmem:v11+s3+$0x0], $0xffff;
	v11 =	vadd.s32 s28, v0  }
0x462: {  	s31 =	simm.s32 $0xE;
	v3 =	vld.idx.msk [tilespmem:v8+s3+$0x0], $0xffff;
	v8 =	vadd.s32 s29, v0;
	[tilespmem:s20+$0xFFFFFF00] =	vst v9  }
0x463: {  	s30 =	simm.s32 $0x8;
	v6 =	vld.idx.msk [tilespmem:v15+s3+$0x0], $0xffff;
	[tilespmem:s20+$0xFFFFFF80] =	vst v12;
	v9 =	vadd.s32 s31, v0  }
0x464: {  	s21 =	simm.s32 $0x10;
	s23 =	simm.s32 $0x17;
	s22 =	simm.s32 $0x18;
	v7 =	vadd.s32 s30, v0;
	v2 =	vld.idx.msk [tilespmem:v13+s3+$0x0], $0xffff;
	[tilespmem:s20+$0x0] =	vst v14  }
.LBB2_49:
0x465: {  	p0 =	slt.u32 s22, $0x38;
	s24 =	sadd.s32 $0x1, s21;
	v12 =	vadd.s32 s23, v0;
	v13 =	vld.idx.msk [tilespmem:v10+s3+$0x0], $0xffff;
	[tilespmem:s20+$0x80] =	vst v5  }
0x466: {  	s23 =	sadd.s32 $0x2, s21;
	v14 =	vadd.s32 s24, v0;
	v15 =	vld.idx.msk [tilespmem:v11+s3+$0x0], $0xffff;
	[tilespmem:s20+$0x100] =	vst v4  }
0x467: {  	v16 =	vadd.s32 s23, v0;
	s23 =	sadd.s32 $0x3, s21;
	v5 =	vld.idx.msk [tilespmem:v8+s3+$0x0], $0xffff;
	[tilespmem:s20+$0xFFFFFE00] =	vst v3;
	s20 =	sadd.s32 $0x400, s20  }
.Ltmp23:
0x468: {  	v10 =	vadd.s32 s23, v0;
	s23 =	sadd.s32 $0x4, s21;
	v4 =	vld.idx.msk [tilespmem:v9+s3+$0x0], $0xffff;
	[tilespmem:s20+$0x180] =	vst v1;
	(pc) =	sbr.rel @p0 .LBB2_49-.Ltmp23, $4  }
0x469: {  	v11 =	vadd.s32 s23, v0;
	s23 =	sadd.s32 $0x5, s21;
	v3 =	vld.idx.msk [tilespmem:v7+s3+$0x0], $0xffff;
	[tilespmem:s20+$0xFFFFFE80] =	vst v2  }
0x46a: {  	v8 =	vadd.s32 s23, v0;
	s23 =	sadd.s32 $0x6, s21;
	v1 =	vld.idx.msk [tilespmem:v12+s3+$0x0], $0xffff;
	[tilespmem:s20+$0xFFFFFF00] =	vst v6  }
0x46b: {  	v9 =	vadd.s32 s23, v0;
	v2 =	vld.idx.msk [tilespmem:v14+s3+$0x0], $0xffff;
	[tilespmem:s20+$0xFFFFFF80] =	vst v13  }
0x46c: {  	v7 =	vadd.s32 s21, v0;
	s21 =	smov.u32 s22;
	s23 =	sadd.s32 $0x7, s22;
	s22 =	sadd.s32 $0x8, s22;
	v6 =	vld.idx.msk [tilespmem:v16+s3+$0x0], $0xffff;
	[tilespmem:s20+$0x0] =	vst v15  }
0x46d: {  	_ =	sdelay $0x2  }
0x46e: {  	[tilespmem:s20+$0x80] =	vst v5  }
0x46f: {  	s22 =	sadd.s32 $0x1, s21;
	v5 =	vadd.s32 s23, v0;
	v10 =	vld.idx.msk [tilespmem:v10+s3+$0x0], $0xffff;
	[tilespmem:s20+$0x100] =	vst v4  }
0x470: {  	s25 =	sadd.s32 $0x2, s21;
	v11 =	vld.idx.msk [tilespmem:v11+s3+$0x0], $0xffff;
	s26 =	sadd.s32 $0x400, s20;
	v4 =	vadd.s32 s22, v0;
	[tilespmem:s20+$0xFFFFFE00] =	vst v3  }
0x471: {  	s28 =	sadd.s32 $0x3, s21;
	v8 =	vld.idx.msk [tilespmem:v8+s3+$0x0], $0xffff;
	v3 =	vadd.s32 s25, v0;
	[tilespmem:s26+$0x180] =	vst v1  }
0x472: {  	s29 =	sadd.s32 $0x4, s21;
	v9 =	vld.idx.msk [tilespmem:v9+s3+$0x0], $0xffff;
	v1 =	vadd.s32 s28, v0;
	[tilespmem:s26+$0xFFFFFE80] =	vst v2  }
0x473: {  	s30 =	sadd.s32 $0x5, s21;
	v7 =	vld.idx.msk [tilespmem:v7+s3+$0x0], $0xffff;
	v2 =	vadd.s32 s29, v0;
	[tilespmem:s26+$0xFFFFFF00] =	vst v6  }
0x474: {  	s31 =	sadd.s32 $0x6, s21;
	v6 =	vadd.s32 s30, v0;
	v5 =	vld.idx.msk [tilespmem:v5+s3+$0x0], $0xffff;
	[tilespmem:s26+$0xFFFFFF80] =	vst v10  }
0x475: {  	v10 =	vadd.s32 s31, v0;
	[tilespmem:s26+$0x0] =	vst v11;
	v4 =	vld.idx.msk [tilespmem:v4+s3+$0x0], $0xffff  }
0x476: {  	v0 =	vadd.s32 s21, v0;
	[tilespmem:s26+$0x80] =	vst v8;
	v3 =	vld.idx.msk [tilespmem:v3+s3+$0x0], $0xffff  }
0x477: {  	[tilespmem:s26+$0x100] =	vst v9;
	v1 =	vld.idx.msk [tilespmem:v1+s3+$0x0], $0xffff  }
0x478: {  	s20 =	sadd.s32 $0x400, s26;
	[tilespmem:s26+$0xFFFFFE00] =	vst v7;
	v2 =	vld.idx.msk [tilespmem:v2+s3+$0x0], $0xffff  }
0x479: {  	v6 =	vld.idx.msk [tilespmem:v6+s3+$0x0], $0xffff;
	[tilespmem:s20+$0x180] =	vst v5  }
0x47a: {  	v5 =	vld.idx.msk [tilespmem:v10+s3+$0x0], $0xffff;
	[tilespmem:s20+$0xFFFFFE80] =	vst v4  }
0x47b: {  	v0 =	vld.idx.msk [tilespmem:v0+s3+$0x0], $0xffff;
	[tilespmem:s20+$0xFFFFFF00] =	vst v3  }
0x47c: {  	[tilespmem:s20+$0xFFFFFF80] =	vst v1  }
0x47d: {  	s22 =	sshll.u32 s19, $0x13;
	[tilespmem:s20+$0x0] =	vst v2  }
0x47e: {  	s21 =	sor.u32 s7, s22;
	[tilespmem:s20+$0x80] =	vst v6  }
0x47f: {  	s21 =	sshrl.u32 s21, $0x3;
	[tilespmem:s20+$0x100] =	vst v5  }
0x480: {  	s23 =	sadd.s32 s2, s21;
	[tilespmem:s20+$0xFFFFFE00] =	vst v0  }
0x481: {  	[hbm4b:s23+s12] =	stream.strided.scatter [tilespmem:s14], [sflag:$0x1], $0x2000, s13, s12, $0x38;
	[tilespmem:$0x1A800] =	vst v63  }
0x482: {  	s20 =	sshllo.u32 s19, $0x1;
	_ =	swait.ge [sflag:s17], $0x2000  }
0x483: {  	s24 =	sshll.u32 s20, $0x7;
	[sflag:s17] =	ssyncset.done $0x0  }
0x484: {  	s21 =	sand.u32 $0x3FFFFF80, s24;
	[sflag:s17] =	ssyncadd.s32 $0xFFFFE000  }
0x485: {  	v0 =	vld [tilespmem:s21+$0x10400];
	_ =	sdelay $0x4  }
0x486: {  	v0 =	vmul.u32 $0x41, v0  }
0x487: {  	s25 =	simm.s32 $0x7  }
0x488: {  	s26 =	simm.s32 $0x1;
	v1 =	vadd.s32 s25, v0  }
0x489: {  	s28 =	simm.s32 $0x2;
	v2 =	vadd.s32 s26, v0  }
0x48a: {  	s29 =	simm.s32 $0x3;
	v3 =	vadd.s32 s28, v0  }
0x48b: {  	s30 =	simm.s32 $0x4;
	v4 =	vadd.s32 s29, v0  }
0x48c: {  	s31 =	simm.s32 $0x5;
	v5 =	vadd.s32 s30, v0  }
0x48d: {  	s23 =	simm.s32 $0x6;
	v6 =	vadd.s32 s31, v0;
	v1 =	vld.idx.msk [tilespmem:v1+s3+$0x0], $0xffff  }
0x48e: {  	v7 =	vadd.s32 s23, v0;
	s25 =	simm.s32 $0xF;
	v2 =	vld.idx.msk [tilespmem:v2+s3+$0x0], $0xffff  }
0x48f: {  	s24 =	simm.s32 $0x0;
	v11 =	vadd.s32 s25, v0;
	v9 =	vld.idx.msk [tilespmem:v3+s3+$0x0], $0xffff  }
0x490: {  	v8 =	vadd.s32 s24, v0;
	s28 =	simm.s32 $0xA;
	v12 =	vld.idx.msk [tilespmem:v4+s3+$0x0], $0xffff  }
0x491: {  	s26 =	simm.s32 $0x9;
	v15 =	vadd.s32 s28, v0;
	v14 =	vld.idx.msk [tilespmem:v5+s3+$0x0], $0xffff  }
0x492: {  	s22 =	simm.s32 $0x18B80;
	s29 =	simm.s32 $0xB;
	v13 =	vadd.s32 s26, v0;
	v5 =	vld.idx.msk [tilespmem:v6+s3+$0x0], $0xffff  }
0x493: {  	s30 =	simm.s32 $0xC;
	v10 =	vadd.s32 s29, v0;
	v4 =	vld.idx.msk [tilespmem:v7+s3+$0x0], $0xffff;
	[tilespmem:s22+$0x0] =	vst v1  }
0x494: {  	s24 =	simm.s32 $0xD;
	[tilespmem:s22+$0xFFFFFD00] =	vst v2;
	v1 =	vld.idx.msk [tilespmem:v11+s3+$0x0], $0xffff;
	v11 =	vadd.s32 s30, v0  }
0x495: {  	s31 =	simm.s32 $0xE;
	v3 =	vld.idx.msk [tilespmem:v8+s3+$0x0], $0xffff;
	v8 =	vadd.s32 s24, v0;
	[tilespmem:s22+$0xFFFFFD80] =	vst v9  }
0x496: {  	s26 =	simm.s32 $0x8;
	v6 =	vld.idx.msk [tilespmem:v15+s3+$0x0], $0xffff;
	[tilespmem:s22+$0xFFFFFE00] =	vst v12;
	v9 =	vadd.s32 s31, v0  }
0x497: {  	s23 =	simm.s32 $0x10;
	s25 =	simm.s32 $0x17;
	s24 =	simm.s32 $0x18;
	v7 =	vadd.s32 s26, v0;
	v2 =	vld.idx.msk [tilespmem:v13+s3+$0x0], $0xffff;
	[tilespmem:s22+$0xFFFFFE80] =	vst v14  }
.LBB2_51:
0x498: {  	p0 =	slt.u32 s24, $0x38;
	s26 =	sadd.s32 $0x1, s23;
	v12 =	vadd.s32 s25, v0;
	v13 =	vld.idx.msk [tilespmem:v10+s3+$0x0], $0xffff;
	[tilespmem:s22+$0xFFFFFF00] =	vst v5  }
0x499: {  	s25 =	sadd.s32 $0x2, s23;
	v14 =	vadd.s32 s26, v0;
	v15 =	vld.idx.msk [tilespmem:v11+s3+$0x0], $0xffff;
	[tilespmem:s22+$0xFFFFFF80] =	vst v4  }
0x49a: {  	v16 =	vadd.s32 s25, v0;
	s25 =	sadd.s32 $0x3, s23;
	v5 =	vld.idx.msk [tilespmem:v8+s3+$0x0], $0xffff;
	[tilespmem:s22+$0xFFFFFC80] =	vst v3;
	s22 =	sadd.s32 $0x400, s22  }
.Ltmp24:
0x49b: {  	v10 =	vadd.s32 s25, v0;
	s25 =	sadd.s32 $0x4, s23;
	v4 =	vld.idx.msk [tilespmem:v9+s3+$0x0], $0xffff;
	[tilespmem:s22+$0x0] =	vst v1;
	(pc) =	sbr.rel @p0 .LBB2_51-.Ltmp24, $4  }
0x49c: {  	v11 =	vadd.s32 s25, v0;
	s25 =	sadd.s32 $0x5, s23;
	v3 =	vld.idx.msk [tilespmem:v7+s3+$0x0], $0xffff;
	[tilespmem:s22+$0xFFFFFD00] =	vst v2  }
0x49d: {  	v8 =	vadd.s32 s25, v0;
	s25 =	sadd.s32 $0x6, s23;
	v1 =	vld.idx.msk [tilespmem:v12+s3+$0x0], $0xffff;
	[tilespmem:s22+$0xFFFFFD80] =	vst v6  }
0x49e: {  	v9 =	vadd.s32 s25, v0;
	v2 =	vld.idx.msk [tilespmem:v14+s3+$0x0], $0xffff;
	[tilespmem:s22+$0xFFFFFE00] =	vst v13  }
0x49f: {  	v7 =	vadd.s32 s23, v0;
	s23 =	smov.u32 s24;
	s25 =	sadd.s32 $0x7, s24;
	s24 =	sadd.s32 $0x8, s24;
	v6 =	vld.idx.msk [tilespmem:v16+s3+$0x0], $0xffff;
	[tilespmem:s22+$0xFFFFFE80] =	vst v15  }
0x4a0: {  	_ =	sdelay $0x2  }
0x4a1: {  	[tilespmem:s22+$0xFFFFFF00] =	vst v5  }
0x4a2: {  	s24 =	sadd.s32 $0x1, s23;
	v5 =	vadd.s32 s25, v0;
	v10 =	vld.idx.msk [tilespmem:v10+s3+$0x0], $0xffff;
	[tilespmem:s22+$0xFFFFFF80] =	vst v4  }
0x4a3: {  	s25 =	sadd.s32 $0x2, s23;
	v11 =	vld.idx.msk [tilespmem:v11+s3+$0x0], $0xffff;
	s26 =	sadd.s32 $0x400, s22;
	v4 =	vadd.s32 s24, v0;
	[tilespmem:s22+$0xFFFFFC80] =	vst v3  }
0x4a4: {  	s28 =	sadd.s32 $0x3, s23;
	v8 =	vld.idx.msk [tilespmem:v8+s3+$0x0], $0xffff;
	v3 =	vadd.s32 s25, v0;
	[tilespmem:s26+$0x0] =	vst v1  }
0x4a5: {  	s29 =	sadd.s32 $0x4, s23;
	v9 =	vld.idx.msk [tilespmem:v9+s3+$0x0], $0xffff;
	v1 =	vadd.s32 s28, v0;
	[tilespmem:s26+$0xFFFFFD00] =	vst v2  }
0x4a6: {  	s30 =	sadd.s32 $0x5, s23;
	v7 =	vld.idx.msk [tilespmem:v7+s3+$0x0], $0xffff;
	v2 =	vadd.s32 s29, v0;
	[tilespmem:s26+$0xFFFFFD80] =	vst v6  }
0x4a7: {  	s31 =	sadd.s32 $0x6, s23;
	v6 =	vadd.s32 s30, v0;
	v5 =	vld.idx.msk [tilespmem:v5+s3+$0x0], $0xffff;
	[tilespmem:s26+$0xFFFFFE00] =	vst v10  }
0x4a8: {  	v10 =	vadd.s32 s31, v0;
	[tilespmem:s26+$0xFFFFFE80] =	vst v11;
	v4 =	vld.idx.msk [tilespmem:v4+s3+$0x0], $0xffff  }
0x4a9: {  	v0 =	vadd.s32 s23, v0;
	[tilespmem:s26+$0xFFFFFF00] =	vst v8;
	v3 =	vld.idx.msk [tilespmem:v3+s3+$0x0], $0xffff  }
0x4aa: {  	[tilespmem:s26+$0xFFFFFF80] =	vst v9;
	v1 =	vld.idx.msk [tilespmem:v1+s3+$0x0], $0xffff  }
0x4ab: {  	s22 =	sadd.s32 $0x400, s26;
	[tilespmem:s26+$0xFFFFFC80] =	vst v7;
	v2 =	vld.idx.msk [tilespmem:v2+s3+$0x0], $0xffff  }
0x4ac: {  	v6 =	vld.idx.msk [tilespmem:v6+s3+$0x0], $0xffff;
	[tilespmem:s22+$0x0] =	vst v5  }
0x4ad: {  	v5 =	vld.idx.msk [tilespmem:v10+s3+$0x0], $0xffff;
	[tilespmem:s22+$0xFFFFFD00] =	vst v4  }
0x4ae: {  	v0 =	vld.idx.msk [tilespmem:v0+s3+$0x0], $0xffff;
	[tilespmem:s22+$0xFFFFFD80] =	vst v3  }
0x4af: {  	[tilespmem:s22+$0xFFFFFE00] =	vst v1  }
0x4b0: {  	[tilespmem:s22+$0xFFFFFE80] =	vst v2  }
0x4b1: {  	[tilespmem:s22+$0xFFFFFF00] =	vst v6  }
0x4b2: {  	[tilespmem:s22+$0xFFFFFF80] =	vst v5  }
0x4b3: {  	[tilespmem:s22+$0xFFFFFC80] =	vst v0  }
0x4b4: {  	v0 =	vld [tilespmem:s21+$0x10410];
	_ =	sdelay $0x4  }
0x4b5: {  	v0 =	vmul.u32 $0x41, v0  }
0x4b6: {  	s23 =	simm.s32 $0x7  }
0x4b7: {  	s24 =	simm.s32 $0x1;
	v1 =	vadd.s32 s23, v0  }
0x4b8: {  	s25 =	simm.s32 $0x2;
	v2 =	vadd.s32 s24, v0  }
0x4b9: {  	s26 =	simm.s32 $0x3;
	v3 =	vadd.s32 s25, v0  }
0x4ba: {  	s28 =	simm.s32 $0x4;
	v4 =	vadd.s32 s26, v0  }
0x4bb: {  	s29 =	simm.s32 $0x5;
	v5 =	vadd.s32 s28, v0  }
0x4bc: {  	s30 =	simm.s32 $0x6;
	v6 =	vadd.s32 s29, v0;
	v1 =	vld.idx.msk [tilespmem:v1+s3+$0x0], $0xffff  }
0x4bd: {  	v7 =	vadd.s32 s30, v0;
	s24 =	simm.s32 $0xF;
	v2 =	vld.idx.msk [tilespmem:v2+s3+$0x0], $0xffff  }
0x4be: {  	s31 =	simm.s32 $0x0;
	v11 =	vadd.s32 s24, v0;
	v9 =	vld.idx.msk [tilespmem:v3+s3+$0x0], $0xffff  }
0x4bf: {  	v8 =	vadd.s32 s31, v0;
	s26 =	simm.s32 $0xA;
	v12 =	vld.idx.msk [tilespmem:v4+s3+$0x0], $0xffff  }
0x4c0: {  	s25 =	simm.s32 $0x9;
	v15 =	vadd.s32 s26, v0;
	v14 =	vld.idx.msk [tilespmem:v5+s3+$0x0], $0xffff  }
0x4c1: {  	s22 =	simm.s32 $0x18B90;
	s28 =	simm.s32 $0xB;
	v13 =	vadd.s32 s25, v0;
	v5 =	vld.idx.msk [tilespmem:v6+s3+$0x0], $0xffff  }
0x4c2: {  	s29 =	simm.s32 $0xC;
	v10 =	vadd.s32 s28, v0;
	v4 =	vld.idx.msk [tilespmem:v7+s3+$0x0], $0xffff;
	[tilespmem:s22+$0x0] =	vst v1  }
0x4c3: {  	s30 =	simm.s32 $0xD;
	[tilespmem:s22+$0xFFFFFD00] =	vst v2;
	v1 =	vld.idx.msk [tilespmem:v11+s3+$0x0], $0xffff;
	v11 =	vadd.s32 s29, v0  }
0x4c4: {  	s31 =	simm.s32 $0xE;
	v3 =	vld.idx.msk [tilespmem:v8+s3+$0x0], $0xffff;
	v8 =	vadd.s32 s30, v0;
	[tilespmem:s22+$0xFFFFFD80] =	vst v9  }
0x4c5: {  	s26 =	simm.s32 $0x8;
	v6 =	vld.idx.msk [tilespmem:v15+s3+$0x0], $0xffff;
	[tilespmem:s22+$0xFFFFFE00] =	vst v12;
	v9 =	vadd.s32 s31, v0  }
0x4c6: {  	s23 =	simm.s32 $0x10;
	s25 =	simm.s32 $0x17;
	s24 =	simm.s32 $0x18;
	v7 =	vadd.s32 s26, v0;
	v2 =	vld.idx.msk [tilespmem:v13+s3+$0x0], $0xffff;
	[tilespmem:s22+$0xFFFFFE80] =	vst v14  }
.LBB2_53:
0x4c7: {  	p0 =	slt.u32 s24, $0x38;
	s26 =	sadd.s32 $0x1, s23;
	v12 =	vadd.s32 s25, v0;
	v13 =	vld.idx.msk [tilespmem:v10+s3+$0x0], $0xffff;
	[tilespmem:s22+$0xFFFFFF00] =	vst v5  }
0x4c8: {  	s25 =	sadd.s32 $0x2, s23;
	v14 =	vadd.s32 s26, v0;
	v15 =	vld.idx.msk [tilespmem:v11+s3+$0x0], $0xffff;
	[tilespmem:s22+$0xFFFFFF80] =	vst v4  }
0x4c9: {  	v16 =	vadd.s32 s25, v0;
	s25 =	sadd.s32 $0x3, s23;
	v5 =	vld.idx.msk [tilespmem:v8+s3+$0x0], $0xffff;
	[tilespmem:s22+$0xFFFFFC80] =	vst v3;
	s22 =	sadd.s32 $0x400, s22  }
.Ltmp25:
0x4ca: {  	v10 =	vadd.s32 s25, v0;
	s25 =	sadd.s32 $0x4, s23;
	v4 =	vld.idx.msk [tilespmem:v9+s3+$0x0], $0xffff;
	[tilespmem:s22+$0x0] =	vst v1;
	(pc) =	sbr.rel @p0 .LBB2_53-.Ltmp25, $4  }
0x4cb: {  	v11 =	vadd.s32 s25, v0;
	s25 =	sadd.s32 $0x5, s23;
	v3 =	vld.idx.msk [tilespmem:v7+s3+$0x0], $0xffff;
	[tilespmem:s22+$0xFFFFFD00] =	vst v2  }
0x4cc: {  	v8 =	vadd.s32 s25, v0;
	s25 =	sadd.s32 $0x6, s23;
	v1 =	vld.idx.msk [tilespmem:v12+s3+$0x0], $0xffff;
	[tilespmem:s22+$0xFFFFFD80] =	vst v6  }
0x4cd: {  	v9 =	vadd.s32 s25, v0;
	v2 =	vld.idx.msk [tilespmem:v14+s3+$0x0], $0xffff;
	[tilespmem:s22+$0xFFFFFE00] =	vst v13  }
0x4ce: {  	v7 =	vadd.s32 s23, v0;
	s23 =	smov.u32 s24;
	s25 =	sadd.s32 $0x7, s24;
	s24 =	sadd.s32 $0x8, s24;
	v6 =	vld.idx.msk [tilespmem:v16+s3+$0x0], $0xffff;
	[tilespmem:s22+$0xFFFFFE80] =	vst v15  }
0x4cf: {  	_ =	sdelay $0x2  }
0x4d0: {  	[tilespmem:s22+$0xFFFFFF00] =	vst v5  }
0x4d1: {  	s24 =	sadd.s32 $0x1, s23;
	v5 =	vadd.s32 s25, v0;
	v10 =	vld.idx.msk [tilespmem:v10+s3+$0x0], $0xffff;
	[tilespmem:s22+$0xFFFFFF80] =	vst v4  }
0x4d2: {  	s25 =	sadd.s32 $0x2, s23;
	v11 =	vld.idx.msk [tilespmem:v11+s3+$0x0], $0xffff;
	s26 =	sadd.s32 $0x400, s22;
	v4 =	vadd.s32 s24, v0;
	[tilespmem:s22+$0xFFFFFC80] =	vst v3  }
0x4d3: {  	s28 =	sadd.s32 $0x3, s23;
	v8 =	vld.idx.msk [tilespmem:v8+s3+$0x0], $0xffff;
	v3 =	vadd.s32 s25, v0;
	[tilespmem:s26+$0x0] =	vst v1  }
0x4d4: {  	s29 =	sadd.s32 $0x4, s23;
	v9 =	vld.idx.msk [tilespmem:v9+s3+$0x0], $0xffff;
	v1 =	vadd.s32 s28, v0;
	[tilespmem:s26+$0xFFFFFD00] =	vst v2  }
0x4d5: {  	s30 =	sadd.s32 $0x5, s23;
	v7 =	vld.idx.msk [tilespmem:v7+s3+$0x0], $0xffff;
	v2 =	vadd.s32 s29, v0;
	[tilespmem:s26+$0xFFFFFD80] =	vst v6  }
0x4d6: {  	s31 =	sadd.s32 $0x6, s23;
	v6 =	vadd.s32 s30, v0;
	v5 =	vld.idx.msk [tilespmem:v5+s3+$0x0], $0xffff;
	[tilespmem:s26+$0xFFFFFE00] =	vst v10  }
0x4d7: {  	v10 =	vadd.s32 s31, v0;
	[tilespmem:s26+$0xFFFFFE80] =	vst v11;
	v4 =	vld.idx.msk [tilespmem:v4+s3+$0x0], $0xffff  }
0x4d8: {  	v0 =	vadd.s32 s23, v0;
	[tilespmem:s26+$0xFFFFFF00] =	vst v8;
	v3 =	vld.idx.msk [tilespmem:v3+s3+$0x0], $0xffff  }
0x4d9: {  	[tilespmem:s26+$0xFFFFFF80] =	vst v9;
	v1 =	vld.idx.msk [tilespmem:v1+s3+$0x0], $0xffff  }
0x4da: {  	s22 =	sadd.s32 $0x400, s26;
	[tilespmem:s26+$0xFFFFFC80] =	vst v7;
	v2 =	vld.idx.msk [tilespmem:v2+s3+$0x0], $0xffff  }
0x4db: {  	v6 =	vld.idx.msk [tilespmem:v6+s3+$0x0], $0xffff;
	[tilespmem:s22+$0x0] =	vst v5  }
0x4dc: {  	v5 =	vld.idx.msk [tilespmem:v10+s3+$0x0], $0xffff;
	[tilespmem:s22+$0xFFFFFD00] =	vst v4  }
0x4dd: {  	v0 =	vld.idx.msk [tilespmem:v0+s3+$0x0], $0xffff;
	[tilespmem:s22+$0xFFFFFD80] =	vst v3  }
0x4de: {  	[tilespmem:s22+$0xFFFFFE00] =	vst v1  }
0x4df: {  	[tilespmem:s22+$0xFFFFFE80] =	vst v2  }
0x4e0: {  	[tilespmem:s22+$0xFFFFFF00] =	vst v6  }
0x4e1: {  	[tilespmem:s22+$0xFFFFFF80] =	vst v5  }
0x4e2: {  	[tilespmem:s22+$0xFFFFFC80] =	vst v0  }
0x4e3: {  	v0 =	vld [tilespmem:s21+$0x10420];
	_ =	sdelay $0x4  }
0x4e4: {  	v0 =	vmul.u32 $0x41, v0  }
0x4e5: {  	s23 =	simm.s32 $0x7  }
0x4e6: {  	s24 =	simm.s32 $0x1;
	v1 =	vadd.s32 s23, v0  }
0x4e7: {  	s25 =	simm.s32 $0x2;
	v2 =	vadd.s32 s24, v0  }
0x4e8: {  	s26 =	simm.s32 $0x3;
	v3 =	vadd.s32 s25, v0  }
0x4e9: {  	s28 =	simm.s32 $0x4;
	v4 =	vadd.s32 s26, v0  }
0x4ea: {  	s29 =	simm.s32 $0x5;
	v5 =	vadd.s32 s28, v0  }
0x4eb: {  	s30 =	simm.s32 $0x6;
	v6 =	vadd.s32 s29, v0;
	v1 =	vld.idx.msk [tilespmem:v1+s3+$0x0], $0xffff  }
0x4ec: {  	v7 =	vadd.s32 s30, v0;
	s24 =	simm.s32 $0xF;
	v2 =	vld.idx.msk [tilespmem:v2+s3+$0x0], $0xffff  }
0x4ed: {  	s31 =	simm.s32 $0x0;
	v11 =	vadd.s32 s24, v0;
	v9 =	vld.idx.msk [tilespmem:v3+s3+$0x0], $0xffff  }
0x4ee: {  	v8 =	vadd.s32 s31, v0;
	s26 =	simm.s32 $0xA;
	v12 =	vld.idx.msk [tilespmem:v4+s3+$0x0], $0xffff  }
0x4ef: {  	s25 =	simm.s32 $0x9;
	v15 =	vadd.s32 s26, v0;
	v14 =	vld.idx.msk [tilespmem:v5+s3+$0x0], $0xffff  }
0x4f0: {  	s22 =	simm.s32 $0x18BA0;
	s28 =	simm.s32 $0xB;
	v13 =	vadd.s32 s25, v0;
	v5 =	vld.idx.msk [tilespmem:v6+s3+$0x0], $0xffff  }
0x4f1: {  	s29 =	simm.s32 $0xC;
	v10 =	vadd.s32 s28, v0;
	v4 =	vld.idx.msk [tilespmem:v7+s3+$0x0], $0xffff;
	[tilespmem:s22+$0x0] =	vst v1  }
0x4f2: {  	s30 =	simm.s32 $0xD;
	[tilespmem:s22+$0xFFFFFD00] =	vst v2;
	v1 =	vld.idx.msk [tilespmem:v11+s3+$0x0], $0xffff;
	v11 =	vadd.s32 s29, v0  }
0x4f3: {  	s31 =	simm.s32 $0xE;
	v3 =	vld.idx.msk [tilespmem:v8+s3+$0x0], $0xffff;
	v8 =	vadd.s32 s30, v0;
	[tilespmem:s22+$0xFFFFFD80] =	vst v9  }
0x4f4: {  	s26 =	simm.s32 $0x8;
	v6 =	vld.idx.msk [tilespmem:v15+s3+$0x0], $0xffff;
	[tilespmem:s22+$0xFFFFFE00] =	vst v12;
	v9 =	vadd.s32 s31, v0  }
0x4f5: {  	s23 =	simm.s32 $0x10;
	s25 =	simm.s32 $0x17;
	s24 =	simm.s32 $0x18;
	v7 =	vadd.s32 s26, v0;
	v2 =	vld.idx.msk [tilespmem:v13+s3+$0x0], $0xffff;
	[tilespmem:s22+$0xFFFFFE80] =	vst v14  }
.LBB2_55:
0x4f6: {  	p0 =	slt.u32 s24, $0x38;
	s26 =	sadd.s32 $0x1, s23;
	v12 =	vadd.s32 s25, v0;
	v13 =	vld.idx.msk [tilespmem:v10+s3+$0x0], $0xffff;
	[tilespmem:s22+$0xFFFFFF00] =	vst v5  }
0x4f7: {  	s25 =	sadd.s32 $0x2, s23;
	v14 =	vadd.s32 s26, v0;
	v15 =	vld.idx.msk [tilespmem:v11+s3+$0x0], $0xffff;
	[tilespmem:s22+$0xFFFFFF80] =	vst v4  }
0x4f8: {  	v16 =	vadd.s32 s25, v0;
	s25 =	sadd.s32 $0x3, s23;
	v5 =	vld.idx.msk [tilespmem:v8+s3+$0x0], $0xffff;
	[tilespmem:s22+$0xFFFFFC80] =	vst v3;
	s22 =	sadd.s32 $0x400, s22  }
.Ltmp26:
0x4f9: {  	v10 =	vadd.s32 s25, v0;
	s25 =	sadd.s32 $0x4, s23;
	v4 =	vld.idx.msk [tilespmem:v9+s3+$0x0], $0xffff;
	[tilespmem:s22+$0x0] =	vst v1;
	(pc) =	sbr.rel @p0 .LBB2_55-.Ltmp26, $4  }
0x4fa: {  	v11 =	vadd.s32 s25, v0;
	s25 =	sadd.s32 $0x5, s23;
	v3 =	vld.idx.msk [tilespmem:v7+s3+$0x0], $0xffff;
	[tilespmem:s22+$0xFFFFFD00] =	vst v2  }
0x4fb: {  	v8 =	vadd.s32 s25, v0;
	s25 =	sadd.s32 $0x6, s23;
	v1 =	vld.idx.msk [tilespmem:v12+s3+$0x0], $0xffff;
	[tilespmem:s22+$0xFFFFFD80] =	vst v6  }
0x4fc: {  	v9 =	vadd.s32 s25, v0;
	v2 =	vld.idx.msk [tilespmem:v14+s3+$0x0], $0xffff;
	[tilespmem:s22+$0xFFFFFE00] =	vst v13  }
0x4fd: {  	v7 =	vadd.s32 s23, v0;
	s23 =	smov.u32 s24;
	s25 =	sadd.s32 $0x7, s24;
	s24 =	sadd.s32 $0x8, s24;
	v6 =	vld.idx.msk [tilespmem:v16+s3+$0x0], $0xffff;
	[tilespmem:s22+$0xFFFFFE80] =	vst v15  }
0x4fe: {  	_ =	sdelay $0x2  }
0x4ff: {  	[tilespmem:s22+$0xFFFFFF00] =	vst v5  }
0x500: {  	s24 =	sadd.s32 $0x1, s23;
	v5 =	vadd.s32 s25, v0;
	v10 =	vld.idx.msk [tilespmem:v10+s3+$0x0], $0xffff;
	[tilespmem:s22+$0xFFFFFF80] =	vst v4  }
0x501: {  	s25 =	sadd.s32 $0x2, s23;
	v11 =	vld.idx.msk [tilespmem:v11+s3+$0x0], $0xffff;
	s26 =	sadd.s32 $0x400, s22;
	v4 =	vadd.s32 s24, v0;
	[tilespmem:s22+$0xFFFFFC80] =	vst v3  }
0x502: {  	s28 =	sadd.s32 $0x3, s23;
	v8 =	vld.idx.msk [tilespmem:v8+s3+$0x0], $0xffff;
	v3 =	vadd.s32 s25, v0;
	[tilespmem:s26+$0x0] =	vst v1  }
0x503: {  	s29 =	sadd.s32 $0x4, s23;
	v9 =	vld.idx.msk [tilespmem:v9+s3+$0x0], $0xffff;
	v1 =	vadd.s32 s28, v0;
	[tilespmem:s26+$0xFFFFFD00] =	vst v2  }
0x504: {  	s30 =	sadd.s32 $0x5, s23;
	v7 =	vld.idx.msk [tilespmem:v7+s3+$0x0], $0xffff;
	v2 =	vadd.s32 s29, v0;
	[tilespmem:s26+$0xFFFFFD80] =	vst v6  }
0x505: {  	s31 =	sadd.s32 $0x6, s23;
	v6 =	vadd.s32 s30, v0;
	v5 =	vld.idx.msk [tilespmem:v5+s3+$0x0], $0xffff;
	[tilespmem:s26+$0xFFFFFE00] =	vst v10  }
0x506: {  	v10 =	vadd.s32 s31, v0;
	[tilespmem:s26+$0xFFFFFE80] =	vst v11;
	v4 =	vld.idx.msk [tilespmem:v4+s3+$0x0], $0xffff  }
0x507: {  	v0 =	vadd.s32 s23, v0;
	[tilespmem:s26+$0xFFFFFF00] =	vst v8;
	v3 =	vld.idx.msk [tilespmem:v3+s3+$0x0], $0xffff  }
0x508: {  	[tilespmem:s26+$0xFFFFFF80] =	vst v9;
	v1 =	vld.idx.msk [tilespmem:v1+s3+$0x0], $0xffff  }
0x509: {  	s22 =	sadd.s32 $0x400, s26;
	[tilespmem:s26+$0xFFFFFC80] =	vst v7;
	v2 =	vld.idx.msk [tilespmem:v2+s3+$0x0], $0xffff  }
0x50a: {  	v6 =	vld.idx.msk [tilespmem:v6+s3+$0x0], $0xffff;
	[tilespmem:s22+$0x0] =	vst v5  }
0x50b: {  	v5 =	vld.idx.msk [tilespmem:v10+s3+$0x0], $0xffff;
	[tilespmem:s22+$0xFFFFFD00] =	vst v4  }
0x50c: {  	v0 =	vld.idx.msk [tilespmem:v0+s3+$0x0], $0xffff;
	[tilespmem:s22+$0xFFFFFD80] =	vst v3  }
0x50d: {  	[tilespmem:s22+$0xFFFFFE00] =	vst v1  }
0x50e: {  	[tilespmem:s22+$0xFFFFFE80] =	vst v2  }
0x50f: {  	[tilespmem:s22+$0xFFFFFF00] =	vst v6  }
0x510: {  	[tilespmem:s22+$0xFFFFFF80] =	vst v5  }
0x511: {  	[tilespmem:s22+$0xFFFFFC80] =	vst v0  }
0x512: {  	v0 =	vld [tilespmem:s21+$0x10430];
	_ =	sdelay $0x4  }
0x513: {  	v0 =	vmul.u32 $0x41, v0  }
0x514: {  	s23 =	simm.s32 $0x7  }
0x515: {  	s24 =	simm.s32 $0x1;
	v1 =	vadd.s32 s23, v0  }
0x516: {  	s25 =	simm.s32 $0x2;
	v2 =	vadd.s32 s24, v0  }
0x517: {  	s26 =	simm.s32 $0x3;
	v3 =	vadd.s32 s25, v0  }
0x518: {  	s28 =	simm.s32 $0x4;
	v4 =	vadd.s32 s26, v0  }
0x519: {  	s29 =	simm.s32 $0x5;
	v5 =	vadd.s32 s28, v0  }
0x51a: {  	s30 =	simm.s32 $0x6;
	v6 =	vadd.s32 s29, v0;
	v1 =	vld.idx.msk [tilespmem:v1+s3+$0x0], $0xffff  }
0x51b: {  	v7 =	vadd.s32 s30, v0;
	s24 =	simm.s32 $0xF;
	v2 =	vld.idx.msk [tilespmem:v2+s3+$0x0], $0xffff  }
0x51c: {  	s31 =	simm.s32 $0x0;
	v11 =	vadd.s32 s24, v0;
	v9 =	vld.idx.msk [tilespmem:v3+s3+$0x0], $0xffff  }
0x51d: {  	v8 =	vadd.s32 s31, v0;
	s26 =	simm.s32 $0xA;
	v12 =	vld.idx.msk [tilespmem:v4+s3+$0x0], $0xffff  }
0x51e: {  	s25 =	simm.s32 $0x9;
	v15 =	vadd.s32 s26, v0;
	v14 =	vld.idx.msk [tilespmem:v5+s3+$0x0], $0xffff  }
0x51f: {  	s22 =	simm.s32 $0x18BB0;
	s28 =	simm.s32 $0xB;
	v13 =	vadd.s32 s25, v0;
	v5 =	vld.idx.msk [tilespmem:v6+s3+$0x0], $0xffff  }
0x520: {  	s29 =	simm.s32 $0xC;
	v10 =	vadd.s32 s28, v0;
	v4 =	vld.idx.msk [tilespmem:v7+s3+$0x0], $0xffff;
	[tilespmem:s22+$0x0] =	vst v1  }
0x521: {  	s30 =	simm.s32 $0xD;
	[tilespmem:s22+$0xFFFFFD00] =	vst v2;
	v1 =	vld.idx.msk [tilespmem:v11+s3+$0x0], $0xffff;
	v11 =	vadd.s32 s29, v0  }
0x522: {  	s31 =	simm.s32 $0xE;
	v3 =	vld.idx.msk [tilespmem:v8+s3+$0x0], $0xffff;
	v8 =	vadd.s32 s30, v0;
	[tilespmem:s22+$0xFFFFFD80] =	vst v9  }
0x523: {  	s26 =	simm.s32 $0x8;
	v6 =	vld.idx.msk [tilespmem:v15+s3+$0x0], $0xffff;
	[tilespmem:s22+$0xFFFFFE00] =	vst v12;
	v9 =	vadd.s32 s31, v0  }
0x524: {  	s23 =	simm.s32 $0x10;
	s25 =	simm.s32 $0x17;
	s24 =	simm.s32 $0x18;
	v7 =	vadd.s32 s26, v0;
	v2 =	vld.idx.msk [tilespmem:v13+s3+$0x0], $0xffff;
	[tilespmem:s22+$0xFFFFFE80] =	vst v14  }
.LBB2_57:
0x525: {  	p0 =	slt.u32 s24, $0x38;
	s26 =	sadd.s32 $0x1, s23;
	v12 =	vadd.s32 s25, v0;
	v13 =	vld.idx.msk [tilespmem:v10+s3+$0x0], $0xffff;
	[tilespmem:s22+$0xFFFFFF00] =	vst v5  }
0x526: {  	s25 =	sadd.s32 $0x2, s23;
	v14 =	vadd.s32 s26, v0;
	v15 =	vld.idx.msk [tilespmem:v11+s3+$0x0], $0xffff;
	[tilespmem:s22+$0xFFFFFF80] =	vst v4  }
0x527: {  	v16 =	vadd.s32 s25, v0;
	s25 =	sadd.s32 $0x3, s23;
	v5 =	vld.idx.msk [tilespmem:v8+s3+$0x0], $0xffff;
	[tilespmem:s22+$0xFFFFFC80] =	vst v3;
	s22 =	sadd.s32 $0x400, s22  }
.Ltmp27:
0x528: {  	v10 =	vadd.s32 s25, v0;
	s25 =	sadd.s32 $0x4, s23;
	v4 =	vld.idx.msk [tilespmem:v9+s3+$0x0], $0xffff;
	[tilespmem:s22+$0x0] =	vst v1;
	(pc) =	sbr.rel @p0 .LBB2_57-.Ltmp27, $4  }
0x529: {  	v11 =	vadd.s32 s25, v0;
	s25 =	sadd.s32 $0x5, s23;
	v3 =	vld.idx.msk [tilespmem:v7+s3+$0x0], $0xffff;
	[tilespmem:s22+$0xFFFFFD00] =	vst v2  }
0x52a: {  	v8 =	vadd.s32 s25, v0;
	s25 =	sadd.s32 $0x6, s23;
	v1 =	vld.idx.msk [tilespmem:v12+s3+$0x0], $0xffff;
	[tilespmem:s22+$0xFFFFFD80] =	vst v6  }
0x52b: {  	v9 =	vadd.s32 s25, v0;
	v2 =	vld.idx.msk [tilespmem:v14+s3+$0x0], $0xffff;
	[tilespmem:s22+$0xFFFFFE00] =	vst v13  }
0x52c: {  	v7 =	vadd.s32 s23, v0;
	s23 =	smov.u32 s24;
	s25 =	sadd.s32 $0x7, s24;
	s24 =	sadd.s32 $0x8, s24;
	v6 =	vld.idx.msk [tilespmem:v16+s3+$0x0], $0xffff;
	[tilespmem:s22+$0xFFFFFE80] =	vst v15  }
0x52d: {  	_ =	sdelay $0x2  }
0x52e: {  	[tilespmem:s22+$0xFFFFFF00] =	vst v5  }
0x52f: {  	s24 =	sadd.s32 $0x1, s23;
	v5 =	vadd.s32 s25, v0;
	v10 =	vld.idx.msk [tilespmem:v10+s3+$0x0], $0xffff;
	[tilespmem:s22+$0xFFFFFF80] =	vst v4  }
0x530: {  	s25 =	sadd.s32 $0x2, s23;
	v11 =	vld.idx.msk [tilespmem:v11+s3+$0x0], $0xffff;
	s26 =	sadd.s32 $0x400, s22;
	v4 =	vadd.s32 s24, v0;
	[tilespmem:s22+$0xFFFFFC80] =	vst v3  }
0x531: {  	s28 =	sadd.s32 $0x3, s23;
	v8 =	vld.idx.msk [tilespmem:v8+s3+$0x0], $0xffff;
	v3 =	vadd.s32 s25, v0;
	[tilespmem:s26+$0x0] =	vst v1  }
0x532: {  	s29 =	sadd.s32 $0x4, s23;
	v9 =	vld.idx.msk [tilespmem:v9+s3+$0x0], $0xffff;
	v1 =	vadd.s32 s28, v0;
	[tilespmem:s26+$0xFFFFFD00] =	vst v2  }
0x533: {  	s30 =	sadd.s32 $0x5, s23;
	v7 =	vld.idx.msk [tilespmem:v7+s3+$0x0], $0xffff;
	v2 =	vadd.s32 s29, v0;
	[tilespmem:s26+$0xFFFFFD80] =	vst v6  }
0x534: {  	s31 =	sadd.s32 $0x6, s23;
	v6 =	vadd.s32 s30, v0;
	v5 =	vld.idx.msk [tilespmem:v5+s3+$0x0], $0xffff;
	[tilespmem:s26+$0xFFFFFE00] =	vst v10  }
0x535: {  	v10 =	vadd.s32 s31, v0;
	[tilespmem:s26+$0xFFFFFE80] =	vst v11;
	v4 =	vld.idx.msk [tilespmem:v4+s3+$0x0], $0xffff  }
0x536: {  	v0 =	vadd.s32 s23, v0;
	[tilespmem:s26+$0xFFFFFF00] =	vst v8;
	v3 =	vld.idx.msk [tilespmem:v3+s3+$0x0], $0xffff  }
0x537: {  	[tilespmem:s26+$0xFFFFFF80] =	vst v9;
	v1 =	vld.idx.msk [tilespmem:v1+s3+$0x0], $0xffff  }
0x538: {  	s22 =	sadd.s32 $0x400, s26;
	[tilespmem:s26+$0xFFFFFC80] =	vst v7;
	v2 =	vld.idx.msk [tilespmem:v2+s3+$0x0], $0xffff  }
0x539: {  	v6 =	vld.idx.msk [tilespmem:v6+s3+$0x0], $0xffff;
	[tilespmem:s22+$0x0] =	vst v5  }
0x53a: {  	v5 =	vld.idx.msk [tilespmem:v10+s3+$0x0], $0xffff;
	[tilespmem:s22+$0xFFFFFD00] =	vst v4  }
0x53b: {  	v0 =	vld.idx.msk [tilespmem:v0+s3+$0x0], $0xffff;
	[tilespmem:s22+$0xFFFFFD80] =	vst v3  }
0x53c: {  	[tilespmem:s22+$0xFFFFFE00] =	vst v1  }
0x53d: {  	[tilespmem:s22+$0xFFFFFE80] =	vst v2  }
0x53e: {  	[tilespmem:s22+$0xFFFFFF00] =	vst v6  }
0x53f: {  	[tilespmem:s22+$0xFFFFFF80] =	vst v5  }
0x540: {  	[tilespmem:s22+$0xFFFFFC80] =	vst v0  }
0x541: {  	v0 =	vld [tilespmem:s21+$0x10440];
	_ =	sdelay $0x4  }
0x542: {  	v0 =	vmul.u32 $0x41, v0  }
0x543: {  	s23 =	simm.s32 $0x7  }
0x544: {  	s24 =	simm.s32 $0x1;
	v1 =	vadd.s32 s23, v0  }
0x545: {  	s25 =	simm.s32 $0x2;
	v2 =	vadd.s32 s24, v0  }
0x546: {  	s26 =	simm.s32 $0x3;
	v3 =	vadd.s32 s25, v0  }
0x547: {  	s28 =	simm.s32 $0x4;
	v4 =	vadd.s32 s26, v0  }
0x548: {  	s29 =	simm.s32 $0x5;
	v5 =	vadd.s32 s28, v0  }
0x549: {  	s30 =	simm.s32 $0x6;
	v6 =	vadd.s32 s29, v0;
	v1 =	vld.idx.msk [tilespmem:v1+s3+$0x0], $0xffff  }
0x54a: {  	v7 =	vadd.s32 s30, v0;
	s24 =	simm.s32 $0xF;
	v2 =	vld.idx.msk [tilespmem:v2+s3+$0x0], $0xffff  }
0x54b: {  	s31 =	simm.s32 $0x0;
	v11 =	vadd.s32 s24, v0;
	v9 =	vld.idx.msk [tilespmem:v3+s3+$0x0], $0xffff  }
0x54c: {  	v8 =	vadd.s32 s31, v0;
	s26 =	simm.s32 $0xA;
	v12 =	vld.idx.msk [tilespmem:v4+s3+$0x0], $0xffff  }
0x54d: {  	s25 =	simm.s32 $0x9;
	v15 =	vadd.s32 s26, v0;
	v14 =	vld.idx.msk [tilespmem:v5+s3+$0x0], $0xffff  }
0x54e: {  	s22 =	simm.s32 $0x18BC0;
	s28 =	simm.s32 $0xB;
	v13 =	vadd.s32 s25, v0;
	v5 =	vld.idx.msk [tilespmem:v6+s3+$0x0], $0xffff  }
0x54f: {  	s29 =	simm.s32 $0xC;
	v10 =	vadd.s32 s28, v0;
	v4 =	vld.idx.msk [tilespmem:v7+s3+$0x0], $0xffff;
	[tilespmem:s22+$0x0] =	vst v1  }
0x550: {  	s30 =	simm.s32 $0xD;
	[tilespmem:s22+$0xFFFFFD00] =	vst v2;
	v1 =	vld.idx.msk [tilespmem:v11+s3+$0x0], $0xffff;
	v11 =	vadd.s32 s29, v0  }
0x551: {  	s31 =	simm.s32 $0xE;
	v3 =	vld.idx.msk [tilespmem:v8+s3+$0x0], $0xffff;
	v8 =	vadd.s32 s30, v0;
	[tilespmem:s22+$0xFFFFFD80] =	vst v9  }
0x552: {  	s26 =	simm.s32 $0x8;
	v6 =	vld.idx.msk [tilespmem:v15+s3+$0x0], $0xffff;
	[tilespmem:s22+$0xFFFFFE00] =	vst v12;
	v9 =	vadd.s32 s31, v0  }
0x553: {  	s23 =	simm.s32 $0x10;
	s25 =	simm.s32 $0x17;
	s24 =	simm.s32 $0x18;
	v7 =	vadd.s32 s26, v0;
	v2 =	vld.idx.msk [tilespmem:v13+s3+$0x0], $0xffff;
	[tilespmem:s22+$0xFFFFFE80] =	vst v14  }
.LBB2_59:
0x554: {  	p0 =	slt.u32 s24, $0x38;
	s26 =	sadd.s32 $0x1, s23;
	v12 =	vadd.s32 s25, v0;
	v13 =	vld.idx.msk [tilespmem:v10+s3+$0x0], $0xffff;
	[tilespmem:s22+$0xFFFFFF00] =	vst v5  }
0x555: {  	s25 =	sadd.s32 $0x2, s23;
	v14 =	vadd.s32 s26, v0;
	v15 =	vld.idx.msk [tilespmem:v11+s3+$0x0], $0xffff;
	[tilespmem:s22+$0xFFFFFF80] =	vst v4  }
0x556: {  	v16 =	vadd.s32 s25, v0;
	s25 =	sadd.s32 $0x3, s23;
	v5 =	vld.idx.msk [tilespmem:v8+s3+$0x0], $0xffff;
	[tilespmem:s22+$0xFFFFFC80] =	vst v3;
	s22 =	sadd.s32 $0x400, s22  }
.Ltmp28:
0x557: {  	v10 =	vadd.s32 s25, v0;
	s25 =	sadd.s32 $0x4, s23;
	v4 =	vld.idx.msk [tilespmem:v9+s3+$0x0], $0xffff;
	[tilespmem:s22+$0x0] =	vst v1;
	(pc) =	sbr.rel @p0 .LBB2_59-.Ltmp28, $4  }
0x558: {  	v11 =	vadd.s32 s25, v0;
	s25 =	sadd.s32 $0x5, s23;
	v3 =	vld.idx.msk [tilespmem:v7+s3+$0x0], $0xffff;
	[tilespmem:s22+$0xFFFFFD00] =	vst v2  }
0x559: {  	v8 =	vadd.s32 s25, v0;
	s25 =	sadd.s32 $0x6, s23;
	v1 =	vld.idx.msk [tilespmem:v12+s3+$0x0], $0xffff;
	[tilespmem:s22+$0xFFFFFD80] =	vst v6  }
0x55a: {  	v9 =	vadd.s32 s25, v0;
	v2 =	vld.idx.msk [tilespmem:v14+s3+$0x0], $0xffff;
	[tilespmem:s22+$0xFFFFFE00] =	vst v13  }
0x55b: {  	v7 =	vadd.s32 s23, v0;
	s23 =	smov.u32 s24;
	s25 =	sadd.s32 $0x7, s24;
	s24 =	sadd.s32 $0x8, s24;
	v6 =	vld.idx.msk [tilespmem:v16+s3+$0x0], $0xffff;
	[tilespmem:s22+$0xFFFFFE80] =	vst v15  }
0x55c: {  	_ =	sdelay $0x2  }
0x55d: {  	[tilespmem:s22+$0xFFFFFF00] =	vst v5  }
0x55e: {  	s24 =	sadd.s32 $0x1, s23;
	v5 =	vadd.s32 s25, v0;
	v10 =	vld.idx.msk [tilespmem:v10+s3+$0x0], $0xffff;
	[tilespmem:s22+$0xFFFFFF80] =	vst v4  }
0x55f: {  	s25 =	sadd.s32 $0x2, s23;
	v11 =	vld.idx.msk [tilespmem:v11+s3+$0x0], $0xffff;
	s26 =	sadd.s32 $0x400, s22;
	v4 =	vadd.s32 s24, v0;
	[tilespmem:s22+$0xFFFFFC80] =	vst v3  }
0x560: {  	s28 =	sadd.s32 $0x3, s23;
	v8 =	vld.idx.msk [tilespmem:v8+s3+$0x0], $0xffff;
	v3 =	vadd.s32 s25, v0;
	[tilespmem:s26+$0x0] =	vst v1  }
0x561: {  	s29 =	sadd.s32 $0x4, s23;
	v9 =	vld.idx.msk [tilespmem:v9+s3+$0x0], $0xffff;
	v1 =	vadd.s32 s28, v0;
	[tilespmem:s26+$0xFFFFFD00] =	vst v2  }
0x562: {  	s30 =	sadd.s32 $0x5, s23;
	v7 =	vld.idx.msk [tilespmem:v7+s3+$0x0], $0xffff;
	v2 =	vadd.s32 s29, v0;
	[tilespmem:s26+$0xFFFFFD80] =	vst v6  }
0x563: {  	s31 =	sadd.s32 $0x6, s23;
	v6 =	vadd.s32 s30, v0;
	v5 =	vld.idx.msk [tilespmem:v5+s3+$0x0], $0xffff;
	[tilespmem:s26+$0xFFFFFE00] =	vst v10  }
0x564: {  	v10 =	vadd.s32 s31, v0;
	[tilespmem:s26+$0xFFFFFE80] =	vst v11;
	v4 =	vld.idx.msk [tilespmem:v4+s3+$0x0], $0xffff  }
0x565: {  	v0 =	vadd.s32 s23, v0;
	[tilespmem:s26+$0xFFFFFF00] =	vst v8;
	v3 =	vld.idx.msk [tilespmem:v3+s3+$0x0], $0xffff  }
0x566: {  	[tilespmem:s26+$0xFFFFFF80] =	vst v9;
	v1 =	vld.idx.msk [tilespmem:v1+s3+$0x0], $0xffff  }
0x567: {  	s22 =	sadd.s32 $0x400, s26;
	[tilespmem:s26+$0xFFFFFC80] =	vst v7;
	v2 =	vld.idx.msk [tilespmem:v2+s3+$0x0], $0xffff  }
0x568: {  	v6 =	vld.idx.msk [tilespmem:v6+s3+$0x0], $0xffff;
	[tilespmem:s22+$0x0] =	vst v5  }
0x569: {  	v5 =	vld.idx.msk [tilespmem:v10+s3+$0x0], $0xffff;
	[tilespmem:s22+$0xFFFFFD00] =	vst v4  }
0x56a: {  	v0 =	vld.idx.msk [tilespmem:v0+s3+$0x0], $0xffff;
	[tilespmem:s22+$0xFFFFFD80] =	vst v3  }
0x56b: {  	[tilespmem:s22+$0xFFFFFE00] =	vst v1  }
0x56c: {  	[tilespmem:s22+$0xFFFFFE80] =	vst v2  }
0x56d: {  	[tilespmem:s22+$0xFFFFFF00] =	vst v6  }
0x56e: {  	[tilespmem:s22+$0xFFFFFF80] =	vst v5  }
0x56f: {  	[tilespmem:s22+$0xFFFFFC80] =	vst v0  }
0x570: {  	v0 =	vld [tilespmem:s21+$0x10450];
	_ =	sdelay $0x4  }
0x571: {  	v0 =	vmul.u32 $0x41, v0  }
0x572: {  	s23 =	simm.s32 $0x7  }
0x573: {  	s24 =	simm.s32 $0x1;
	v1 =	vadd.s32 s23, v0  }
0x574: {  	s25 =	simm.s32 $0x2;
	v2 =	vadd.s32 s24, v0  }
0x575: {  	s26 =	simm.s32 $0x3;
	v3 =	vadd.s32 s25, v0  }
0x576: {  	s28 =	simm.s32 $0x4;
	v4 =	vadd.s32 s26, v0  }
0x577: {  	s29 =	simm.s32 $0x5;
	v5 =	vadd.s32 s28, v0  }
0x578: {  	s30 =	simm.s32 $0x6;
	v6 =	vadd.s32 s29, v0;
	v1 =	vld.idx.msk [tilespmem:v1+s3+$0x0], $0xffff  }
0x579: {  	v7 =	vadd.s32 s30, v0;
	s24 =	simm.s32 $0xF;
	v2 =	vld.idx.msk [tilespmem:v2+s3+$0x0], $0xffff  }
0x57a: {  	s31 =	simm.s32 $0x0;
	v11 =	vadd.s32 s24, v0;
	v9 =	vld.idx.msk [tilespmem:v3+s3+$0x0], $0xffff  }
0x57b: {  	v8 =	vadd.s32 s31, v0;
	s26 =	simm.s32 $0xA;
	v12 =	vld.idx.msk [tilespmem:v4+s3+$0x0], $0xffff  }
0x57c: {  	s25 =	simm.s32 $0x9;
	v15 =	vadd.s32 s26, v0;
	v14 =	vld.idx.msk [tilespmem:v5+s3+$0x0], $0xffff  }
0x57d: {  	s22 =	simm.s32 $0x18BD0;
	s28 =	simm.s32 $0xB;
	v13 =	vadd.s32 s25, v0;
	v5 =	vld.idx.msk [tilespmem:v6+s3+$0x0], $0xffff  }
0x57e: {  	s29 =	simm.s32 $0xC;
	v10 =	vadd.s32 s28, v0;
	v4 =	vld.idx.msk [tilespmem:v7+s3+$0x0], $0xffff;
	[tilespmem:s22+$0x0] =	vst v1  }
0x57f: {  	s30 =	simm.s32 $0xD;
	[tilespmem:s22+$0xFFFFFD00] =	vst v2;
	v1 =	vld.idx.msk [tilespmem:v11+s3+$0x0], $0xffff;
	v11 =	vadd.s32 s29, v0  }
0x580: {  	s31 =	simm.s32 $0xE;
	v3 =	vld.idx.msk [tilespmem:v8+s3+$0x0], $0xffff;
	v8 =	vadd.s32 s30, v0;
	[tilespmem:s22+$0xFFFFFD80] =	vst v9  }
0x581: {  	s26 =	simm.s32 $0x8;
	v6 =	vld.idx.msk [tilespmem:v15+s3+$0x0], $0xffff;
	[tilespmem:s22+$0xFFFFFE00] =	vst v12;
	v9 =	vadd.s32 s31, v0  }
0x582: {  	s23 =	simm.s32 $0x10;
	s25 =	simm.s32 $0x17;
	s24 =	simm.s32 $0x18;
	v7 =	vadd.s32 s26, v0;
	v2 =	vld.idx.msk [tilespmem:v13+s3+$0x0], $0xffff;
	[tilespmem:s22+$0xFFFFFE80] =	vst v14  }
.LBB2_61:
0x583: {  	p0 =	slt.u32 s24, $0x38;
	s26 =	sadd.s32 $0x1, s23;
	v12 =	vadd.s32 s25, v0;
	v13 =	vld.idx.msk [tilespmem:v10+s3+$0x0], $0xffff;
	[tilespmem:s22+$0xFFFFFF00] =	vst v5  }
0x584: {  	s25 =	sadd.s32 $0x2, s23;
	v14 =	vadd.s32 s26, v0;
	v15 =	vld.idx.msk [tilespmem:v11+s3+$0x0], $0xffff;
	[tilespmem:s22+$0xFFFFFF80] =	vst v4  }
0x585: {  	v16 =	vadd.s32 s25, v0;
	s25 =	sadd.s32 $0x3, s23;
	v5 =	vld.idx.msk [tilespmem:v8+s3+$0x0], $0xffff;
	[tilespmem:s22+$0xFFFFFC80] =	vst v3;
	s22 =	sadd.s32 $0x400, s22  }
.Ltmp29:
0x586: {  	v10 =	vadd.s32 s25, v0;
	s25 =	sadd.s32 $0x4, s23;
	v4 =	vld.idx.msk [tilespmem:v9+s3+$0x0], $0xffff;
	[tilespmem:s22+$0x0] =	vst v1;
	(pc) =	sbr.rel @p0 .LBB2_61-.Ltmp29, $4  }
0x587: {  	v11 =	vadd.s32 s25, v0;
	s25 =	sadd.s32 $0x5, s23;
	v3 =	vld.idx.msk [tilespmem:v7+s3+$0x0], $0xffff;
	[tilespmem:s22+$0xFFFFFD00] =	vst v2  }
0x588: {  	v8 =	vadd.s32 s25, v0;
	s25 =	sadd.s32 $0x6, s23;
	v1 =	vld.idx.msk [tilespmem:v12+s3+$0x0], $0xffff;
	[tilespmem:s22+$0xFFFFFD80] =	vst v6  }
0x589: {  	v9 =	vadd.s32 s25, v0;
	v2 =	vld.idx.msk [tilespmem:v14+s3+$0x0], $0xffff;
	[tilespmem:s22+$0xFFFFFE00] =	vst v13  }
0x58a: {  	v7 =	vadd.s32 s23, v0;
	s23 =	smov.u32 s24;
	s25 =	sadd.s32 $0x7, s24;
	s24 =	sadd.s32 $0x8, s24;
	v6 =	vld.idx.msk [tilespmem:v16+s3+$0x0], $0xffff;
	[tilespmem:s22+$0xFFFFFE80] =	vst v15  }
0x58b: {  	_ =	sdelay $0x2  }
0x58c: {  	[tilespmem:s22+$0xFFFFFF00] =	vst v5  }
0x58d: {  	s24 =	sadd.s32 $0x1, s23;
	v5 =	vadd.s32 s25, v0;
	v10 =	vld.idx.msk [tilespmem:v10+s3+$0x0], $0xffff;
	[tilespmem:s22+$0xFFFFFF80] =	vst v4  }
0x58e: {  	s25 =	sadd.s32 $0x2, s23;
	v11 =	vld.idx.msk [tilespmem:v11+s3+$0x0], $0xffff;
	s26 =	sadd.s32 $0x400, s22;
	v4 =	vadd.s32 s24, v0;
	[tilespmem:s22+$0xFFFFFC80] =	vst v3  }
0x58f: {  	s28 =	sadd.s32 $0x3, s23;
	v8 =	vld.idx.msk [tilespmem:v8+s3+$0x0], $0xffff;
	v3 =	vadd.s32 s25, v0;
	[tilespmem:s26+$0x0] =	vst v1  }
0x590: {  	s29 =	sadd.s32 $0x4, s23;
	v9 =	vld.idx.msk [tilespmem:v9+s3+$0x0], $0xffff;
	v1 =	vadd.s32 s28, v0;
	[tilespmem:s26+$0xFFFFFD00] =	vst v2  }
0x591: {  	s30 =	sadd.s32 $0x5, s23;
	v7 =	vld.idx.msk [tilespmem:v7+s3+$0x0], $0xffff;
	v2 =	vadd.s32 s29, v0;
	[tilespmem:s26+$0xFFFFFD80] =	vst v6  }
0x592: {  	s31 =	sadd.s32 $0x6, s23;
	v6 =	vadd.s32 s30, v0;
	v5 =	vld.idx.msk [tilespmem:v5+s3+$0x0], $0xffff;
	[tilespmem:s26+$0xFFFFFE00] =	vst v10  }
0x593: {  	v10 =	vadd.s32 s31, v0;
	[tilespmem:s26+$0xFFFFFE80] =	vst v11;
	v4 =	vld.idx.msk [tilespmem:v4+s3+$0x0], $0xffff  }
0x594: {  	v0 =	vadd.s32 s23, v0;
	[tilespmem:s26+$0xFFFFFF00] =	vst v8;
	v3 =	vld.idx.msk [tilespmem:v3+s3+$0x0], $0xffff  }
0x595: {  	[tilespmem:s26+$0xFFFFFF80] =	vst v9;
	v1 =	vld.idx.msk [tilespmem:v1+s3+$0x0], $0xffff  }
0x596: {  	s22 =	sadd.s32 $0x400, s26;
	[tilespmem:s26+$0xFFFFFC80] =	vst v7;
	v2 =	vld.idx.msk [tilespmem:v2+s3+$0x0], $0xffff  }
0x597: {  	v6 =	vld.idx.msk [tilespmem:v6+s3+$0x0], $0xffff;
	[tilespmem:s22+$0x0] =	vst v5  }
0x598: {  	v5 =	vld.idx.msk [tilespmem:v10+s3+$0x0], $0xffff;
	[tilespmem:s22+$0xFFFFFD00] =	vst v4  }
0x599: {  	v0 =	vld.idx.msk [tilespmem:v0+s3+$0x0], $0xffff;
	[tilespmem:s22+$0xFFFFFD80] =	vst v3  }
0x59a: {  	[tilespmem:s22+$0xFFFFFE00] =	vst v1  }
0x59b: {  	[tilespmem:s22+$0xFFFFFE80] =	vst v2  }
0x59c: {  	[tilespmem:s22+$0xFFFFFF00] =	vst v6  }
0x59d: {  	[tilespmem:s22+$0xFFFFFF80] =	vst v5  }
0x59e: {  	[tilespmem:s22+$0xFFFFFC80] =	vst v0  }
0x59f: {  	v0 =	vld [tilespmem:s21+$0x10460];
	_ =	sdelay $0x4  }
0x5a0: {  	v0 =	vmul.u32 $0x41, v0  }
0x5a1: {  	s23 =	simm.s32 $0x7  }
0x5a2: {  	s24 =	simm.s32 $0x1;
	v1 =	vadd.s32 s23, v0  }
0x5a3: {  	s25 =	simm.s32 $0x2;
	v2 =	vadd.s32 s24, v0  }
0x5a4: {  	s26 =	simm.s32 $0x3;
	v3 =	vadd.s32 s25, v0  }
0x5a5: {  	s28 =	simm.s32 $0x4;
	v4 =	vadd.s32 s26, v0  }
0x5a6: {  	s29 =	simm.s32 $0x5;
	v5 =	vadd.s32 s28, v0  }
0x5a7: {  	s30 =	simm.s32 $0x6;
	v6 =	vadd.s32 s29, v0;
	v1 =	vld.idx.msk [tilespmem:v1+s3+$0x0], $0xffff  }
0x5a8: {  	v7 =	vadd.s32 s30, v0;
	s24 =	simm.s32 $0xF;
	v2 =	vld.idx.msk [tilespmem:v2+s3+$0x0], $0xffff  }
0x5a9: {  	s31 =	simm.s32 $0x0;
	v11 =	vadd.s32 s24, v0;
	v9 =	vld.idx.msk [tilespmem:v3+s3+$0x0], $0xffff  }
0x5aa: {  	v8 =	vadd.s32 s31, v0;
	s26 =	simm.s32 $0xA;
	v12 =	vld.idx.msk [tilespmem:v4+s3+$0x0], $0xffff  }
0x5ab: {  	s25 =	simm.s32 $0x9;
	v15 =	vadd.s32 s26, v0;
	v14 =	vld.idx.msk [tilespmem:v5+s3+$0x0], $0xffff  }
0x5ac: {  	s22 =	simm.s32 $0x18BE0;
	s28 =	simm.s32 $0xB;
	v13 =	vadd.s32 s25, v0;
	v5 =	vld.idx.msk [tilespmem:v6+s3+$0x0], $0xffff  }
0x5ad: {  	s29 =	simm.s32 $0xC;
	v10 =	vadd.s32 s28, v0;
	v4 =	vld.idx.msk [tilespmem:v7+s3+$0x0], $0xffff;
	[tilespmem:s22+$0x0] =	vst v1  }
0x5ae: {  	s30 =	simm.s32 $0xD;
	[tilespmem:s22+$0xFFFFFD00] =	vst v2;
	v1 =	vld.idx.msk [tilespmem:v11+s3+$0x0], $0xffff;
	v11 =	vadd.s32 s29, v0  }
0x5af: {  	s31 =	simm.s32 $0xE;
	v3 =	vld.idx.msk [tilespmem:v8+s3+$0x0], $0xffff;
	v8 =	vadd.s32 s30, v0;
	[tilespmem:s22+$0xFFFFFD80] =	vst v9  }
0x5b0: {  	s26 =	simm.s32 $0x8;
	v6 =	vld.idx.msk [tilespmem:v15+s3+$0x0], $0xffff;
	[tilespmem:s22+$0xFFFFFE00] =	vst v12;
	v9 =	vadd.s32 s31, v0  }
0x5b1: {  	s23 =	simm.s32 $0x10;
	s25 =	simm.s32 $0x17;
	s24 =	simm.s32 $0x18;
	v7 =	vadd.s32 s26, v0;
	v2 =	vld.idx.msk [tilespmem:v13+s3+$0x0], $0xffff;
	[tilespmem:s22+$0xFFFFFE80] =	vst v14  }
.LBB2_63:
0x5b2: {  	p0 =	slt.u32 s24, $0x38;
	s26 =	sadd.s32 $0x1, s23;
	v12 =	vadd.s32 s25, v0;
	v13 =	vld.idx.msk [tilespmem:v10+s3+$0x0], $0xffff;
	[tilespmem:s22+$0xFFFFFF00] =	vst v5  }
0x5b3: {  	s25 =	sadd.s32 $0x2, s23;
	v14 =	vadd.s32 s26, v0;
	v15 =	vld.idx.msk [tilespmem:v11+s3+$0x0], $0xffff;
	[tilespmem:s22+$0xFFFFFF80] =	vst v4  }
0x5b4: {  	v16 =	vadd.s32 s25, v0;
	s25 =	sadd.s32 $0x3, s23;
	v5 =	vld.idx.msk [tilespmem:v8+s3+$0x0], $0xffff;
	[tilespmem:s22+$0xFFFFFC80] =	vst v3;
	s22 =	sadd.s32 $0x400, s22  }
.Ltmp30:
0x5b5: {  	v10 =	vadd.s32 s25, v0;
	s25 =	sadd.s32 $0x4, s23;
	v4 =	vld.idx.msk [tilespmem:v9+s3+$0x0], $0xffff;
	[tilespmem:s22+$0x0] =	vst v1;
	(pc) =	sbr.rel @p0 .LBB2_63-.Ltmp30, $4  }
0x5b6: {  	v11 =	vadd.s32 s25, v0;
	s25 =	sadd.s32 $0x5, s23;
	v3 =	vld.idx.msk [tilespmem:v7+s3+$0x0], $0xffff;
	[tilespmem:s22+$0xFFFFFD00] =	vst v2  }
0x5b7: {  	v8 =	vadd.s32 s25, v0;
	s25 =	sadd.s32 $0x6, s23;
	v1 =	vld.idx.msk [tilespmem:v12+s3+$0x0], $0xffff;
	[tilespmem:s22+$0xFFFFFD80] =	vst v6  }
0x5b8: {  	v9 =	vadd.s32 s25, v0;
	v2 =	vld.idx.msk [tilespmem:v14+s3+$0x0], $0xffff;
	[tilespmem:s22+$0xFFFFFE00] =	vst v13  }
0x5b9: {  	v7 =	vadd.s32 s23, v0;
	s23 =	smov.u32 s24;
	s25 =	sadd.s32 $0x7, s24;
	s24 =	sadd.s32 $0x8, s24;
	v6 =	vld.idx.msk [tilespmem:v16+s3+$0x0], $0xffff;
	[tilespmem:s22+$0xFFFFFE80] =	vst v15  }
0x5ba: {  	_ =	sdelay $0x2  }
0x5bb: {  	[tilespmem:s22+$0xFFFFFF00] =	vst v5  }
0x5bc: {  	s24 =	sadd.s32 $0x1, s23;
	v5 =	vadd.s32 s25, v0;
	v10 =	vld.idx.msk [tilespmem:v10+s3+$0x0], $0xffff;
	[tilespmem:s22+$0xFFFFFF80] =	vst v4  }
0x5bd: {  	s25 =	sadd.s32 $0x2, s23;
	v11 =	vld.idx.msk [tilespmem:v11+s3+$0x0], $0xffff;
	s26 =	sadd.s32 $0x400, s22;
	v4 =	vadd.s32 s24, v0;
	[tilespmem:s22+$0xFFFFFC80] =	vst v3  }
0x5be: {  	s28 =	sadd.s32 $0x3, s23;
	v8 =	vld.idx.msk [tilespmem:v8+s3+$0x0], $0xffff;
	v3 =	vadd.s32 s25, v0;
	[tilespmem:s26+$0x0] =	vst v1  }
0x5bf: {  	s29 =	sadd.s32 $0x4, s23;
	v9 =	vld.idx.msk [tilespmem:v9+s3+$0x0], $0xffff;
	v1 =	vadd.s32 s28, v0;
	[tilespmem:s26+$0xFFFFFD00] =	vst v2  }
0x5c0: {  	s30 =	sadd.s32 $0x5, s23;
	v7 =	vld.idx.msk [tilespmem:v7+s3+$0x0], $0xffff;
	v2 =	vadd.s32 s29, v0;
	[tilespmem:s26+$0xFFFFFD80] =	vst v6  }
0x5c1: {  	s31 =	sadd.s32 $0x6, s23;
	v6 =	vadd.s32 s30, v0;
	v5 =	vld.idx.msk [tilespmem:v5+s3+$0x0], $0xffff;
	[tilespmem:s26+$0xFFFFFE00] =	vst v10  }
0x5c2: {  	v10 =	vadd.s32 s31, v0;
	[tilespmem:s26+$0xFFFFFE80] =	vst v11;
	v4 =	vld.idx.msk [tilespmem:v4+s3+$0x0], $0xffff  }
0x5c3: {  	v0 =	vadd.s32 s23, v0;
	[tilespmem:s26+$0xFFFFFF00] =	vst v8;
	v3 =	vld.idx.msk [tilespmem:v3+s3+$0x0], $0xffff  }
0x5c4: {  	[tilespmem:s26+$0xFFFFFF80] =	vst v9;
	v1 =	vld.idx.msk [tilespmem:v1+s3+$0x0], $0xffff  }
0x5c5: {  	s22 =	sadd.s32 $0x400, s26;
	[tilespmem:s26+$0xFFFFFC80] =	vst v7;
	v2 =	vld.idx.msk [tilespmem:v2+s3+$0x0], $0xffff  }
0x5c6: {  	v6 =	vld.idx.msk [tilespmem:v6+s3+$0x0], $0xffff;
	[tilespmem:s22+$0x0] =	vst v5  }
0x5c7: {  	v5 =	vld.idx.msk [tilespmem:v10+s3+$0x0], $0xffff;
	[tilespmem:s22+$0xFFFFFD00] =	vst v4  }
0x5c8: {  	v0 =	vld.idx.msk [tilespmem:v0+s3+$0x0], $0xffff;
	[tilespmem:s22+$0xFFFFFD80] =	vst v3  }
0x5c9: {  	[tilespmem:s22+$0xFFFFFE00] =	vst v1  }
0x5ca: {  	[tilespmem:s22+$0xFFFFFE80] =	vst v2  }
0x5cb: {  	[tilespmem:s22+$0xFFFFFF00] =	vst v6  }
0x5cc: {  	[tilespmem:s22+$0xFFFFFF80] =	vst v5  }
0x5cd: {  	[tilespmem:s22+$0xFFFFFC80] =	vst v0  }
0x5ce: {  	v0 =	vld [tilespmem:s21+$0x10470];
	_ =	sdelay $0x4  }
0x5cf: {  	v0 =	vmul.u32 $0x41, v0  }
0x5d0: {  	s23 =	simm.s32 $0x7  }
0x5d1: {  	s24 =	simm.s32 $0x1;
	v1 =	vadd.s32 s23, v0  }
0x5d2: {  	s25 =	simm.s32 $0x2;
	v2 =	vadd.s32 s24, v0  }
0x5d3: {  	s26 =	simm.s32 $0x3;
	v3 =	vadd.s32 s25, v0  }
0x5d4: {  	s28 =	simm.s32 $0x4;
	v4 =	vadd.s32 s26, v0  }
0x5d5: {  	s29 =	simm.s32 $0x5;
	v5 =	vadd.s32 s28, v0  }
0x5d6: {  	s30 =	simm.s32 $0x6;
	v6 =	vadd.s32 s29, v0;
	v1 =	vld.idx.msk [tilespmem:v1+s3+$0x0], $0xffff  }
0x5d7: {  	v7 =	vadd.s32 s30, v0;
	s23 =	simm.s32 $0xF;
	v2 =	vld.idx.msk [tilespmem:v2+s3+$0x0], $0xffff  }
0x5d8: {  	s31 =	simm.s32 $0x0;
	v11 =	vadd.s32 s23, v0;
	v9 =	vld.idx.msk [tilespmem:v3+s3+$0x0], $0xffff  }
0x5d9: {  	v8 =	vadd.s32 s31, v0;
	s25 =	simm.s32 $0xA;
	v12 =	vld.idx.msk [tilespmem:v4+s3+$0x0], $0xffff  }
0x5da: {  	s24 =	simm.s32 $0x9;
	v15 =	vadd.s32 s25, v0;
	v14 =	vld.idx.msk [tilespmem:v5+s3+$0x0], $0xffff  }
0x5db: {  	s21 =	simm.s32 $0x18BF0;
	s26 =	simm.s32 $0xB;
	v13 =	vadd.s32 s24, v0;
	v5 =	vld.idx.msk [tilespmem:v6+s3+$0x0], $0xffff  }
0x5dc: {  	s28 =	simm.s32 $0xC;
	v10 =	vadd.s32 s26, v0;
	v4 =	vld.idx.msk [tilespmem:v7+s3+$0x0], $0xffff;
	[tilespmem:s21+$0x0] =	vst v1  }
0x5dd: {  	s29 =	simm.s32 $0xD;
	[tilespmem:s21+$0xFFFFFD00] =	vst v2;
	v1 =	vld.idx.msk [tilespmem:v11+s3+$0x0], $0xffff;
	v11 =	vadd.s32 s28, v0  }
0x5de: {  	s31 =	simm.s32 $0xE;
	v3 =	vld.idx.msk [tilespmem:v8+s3+$0x0], $0xffff;
	v8 =	vadd.s32 s29, v0;
	[tilespmem:s21+$0xFFFFFD80] =	vst v9  }
0x5df: {  	s30 =	simm.s32 $0x8;
	v6 =	vld.idx.msk [tilespmem:v15+s3+$0x0], $0xffff;
	[tilespmem:s21+$0xFFFFFE00] =	vst v12;
	v9 =	vadd.s32 s31, v0  }
0x5e0: {  	s22 =	simm.s32 $0x10;
	s24 =	simm.s32 $0x17;
	s23 =	simm.s32 $0x18;
	v7 =	vadd.s32 s30, v0;
	v2 =	vld.idx.msk [tilespmem:v13+s3+$0x0], $0xffff;
	[tilespmem:s21+$0xFFFFFE80] =	vst v14  }
.LBB2_65:
0x5e1: {  	p0 =	slt.u32 s23, $0x38;
	s25 =	sadd.s32 $0x1, s22;
	v12 =	vadd.s32 s24, v0;
	v13 =	vld.idx.msk [tilespmem:v10+s3+$0x0], $0xffff;
	[tilespmem:s21+$0xFFFFFF00] =	vst v5  }
0x5e2: {  	s24 =	sadd.s32 $0x2, s22;
	v14 =	vadd.s32 s25, v0;
	v15 =	vld.idx.msk [tilespmem:v11+s3+$0x0], $0xffff;
	[tilespmem:s21+$0xFFFFFF80] =	vst v4  }
0x5e3: {  	v16 =	vadd.s32 s24, v0;
	s24 =	sadd.s32 $0x3, s22;
	v5 =	vld.idx.msk [tilespmem:v8+s3+$0x0], $0xffff;
	[tilespmem:s21+$0xFFFFFC80] =	vst v3;
	s21 =	sadd.s32 $0x400, s21  }
.Ltmp31:
0x5e4: {  	v10 =	vadd.s32 s24, v0;
	s24 =	sadd.s32 $0x4, s22;
	v4 =	vld.idx.msk [tilespmem:v9+s3+$0x0], $0xffff;
	[tilespmem:s21+$0x0] =	vst v1;
	(pc) =	sbr.rel @p0 .LBB2_65-.Ltmp31, $4  }
0x5e5: {  	v11 =	vadd.s32 s24, v0;
	s24 =	sadd.s32 $0x5, s22;
	v3 =	vld.idx.msk [tilespmem:v7+s3+$0x0], $0xffff;
	[tilespmem:s21+$0xFFFFFD00] =	vst v2  }
0x5e6: {  	v8 =	vadd.s32 s24, v0;
	s24 =	sadd.s32 $0x6, s22;
	v1 =	vld.idx.msk [tilespmem:v12+s3+$0x0], $0xffff;
	[tilespmem:s21+$0xFFFFFD80] =	vst v6  }
0x5e7: {  	v9 =	vadd.s32 s24, v0;
	v2 =	vld.idx.msk [tilespmem:v14+s3+$0x0], $0xffff;
	[tilespmem:s21+$0xFFFFFE00] =	vst v13  }
0x5e8: {  	v7 =	vadd.s32 s22, v0;
	s22 =	smov.u32 s23;
	s24 =	sadd.s32 $0x7, s23;
	s23 =	sadd.s32 $0x8, s23;
	v6 =	vld.idx.msk [tilespmem:v16+s3+$0x0], $0xffff;
	[tilespmem:s21+$0xFFFFFE80] =	vst v15  }
0x5e9: {  	_ =	sdelay $0x2  }
0x5ea: {  	[tilespmem:s21+$0xFFFFFF00] =	vst v5  }
0x5eb: {  	v55 =	vadd.s32 s24, v0;
	v10 =	vld.idx.msk [tilespmem:v10+s3+$0x0], $0xffff;
	[tilespmem:s21+$0xFFFFFF80] =	vst v4  }
0x5ec: {  	s23 =	sadd.s32 $0x1, s22;
	v11 =	vld.idx.msk [tilespmem:v11+s3+$0x0], $0xffff;
	s26 =	sadd.s32 $0x400, s21;
	v62 =	vadd.s32 s22, v0;
	[tilespmem:s21+$0xFFFFFC80] =	vst v3  }
0x5ed: {  	s25 =	sadd.s32 $0x2, s22;
	v8 =	vld.idx.msk [tilespmem:v8+s3+$0x0], $0xffff;
	v56 =	vadd.s32 s23, v0;
	[tilespmem:s26+$0x0] =	vst v1  }
0x5ee: {  	s28 =	sadd.s32 $0x3, s22;
	v9 =	vld.idx.msk [tilespmem:v9+s3+$0x0], $0xffff;
	v57 =	vadd.s32 s25, v0;
	[tilespmem:s26+$0xFFFFFD00] =	vst v2  }
0x5ef: {  	s29 =	sadd.s32 $0x4, s22;
	v7 =	vld.idx.msk [tilespmem:v7+s3+$0x0], $0xffff;
	v58 =	vadd.s32 s28, v0;
	[tilespmem:s26+$0xFFFFFD80] =	vst v6  }
0x5f0: {  	s30 =	sadd.s32 $0x5, s22;
	s31 =	sadd.s32 $0x6, s22;
	v59 =	vadd.s32 s29, v0;
	v5 =	vld.idx.msk [tilespmem:v55+s3+$0x0], $0xffff;
	[tilespmem:s26+$0xFFFFFE00] =	vst v10  }
0x5f1: {  	v60 =	vadd.s32 s30, v0;
	v61 =	vadd.s32 s31, v0;
	[tilespmem:s26+$0xFFFFFE80] =	vst v11;
	v0 =	vld.idx.msk [tilespmem:v62+s3+$0x0], $0xffff  }
0x5f2: {  	[tilespmem:s26+$0xFFFFFF00] =	vst v8;
	v4 =	vld.idx.msk [tilespmem:v56+s3+$0x0], $0xffff  }
0x5f3: {  	[tilespmem:s26+$0xFFFFFF80] =	vst v9;
	v3 =	vld.idx.msk [tilespmem:v57+s3+$0x0], $0xffff  }
0x5f4: {  	s21 =	sadd.s32 $0x400, s26;
	[tilespmem:s26+$0xFFFFFC80] =	vst v7;
	v1 =	vld.idx.msk [tilespmem:v58+s3+$0x0], $0xffff  }
0x5f5: {  	v2 =	vld.idx.msk [tilespmem:v59+s3+$0x0], $0xffff;
	[tilespmem:s21+$0x0] =	vst v5  }
0x5f6: {  	v6 =	vld.idx.msk [tilespmem:v60+s3+$0x0], $0xffff;
	[tilespmem:s21+$0xFFFFFC80] =	vst v0  }
0x5f7: {  	s19 =	sadd.s32 $0x1, s19;
	v63 =	vld.idx.msk [tilespmem:v61+s3+$0x0], $0xffff;
	[tilespmem:s21+$0xFFFFFD00] =	vst v4  }
0x5f8: {  	p0 =	sne.s32 s19, $0x64;
	[tilespmem:s21+$0xFFFFFD80] =	vst v3  }
.Ltmp32:
0x5f9: {  	s20 =	sshll.u32 s20, $0x12;
	[tilespmem:s21+$0xFFFFFE00] =	vst v1;
	(pc) =	sbr.rel @p0 .LBB2_34-.Ltmp32, $4  }
0x5fa: {  	s20 =	sor.u32 s7, s20;
	[tilespmem:s21+$0xFFFFFE80] =	vst v2  }
0x5fb: {  	s20 =	sshrl.u32 s20, $0x3;
	[tilespmem:s21+$0xFFFFFF00] =	vst v6  }
0x5fc: {  	s20 =	sadd.s32 s2, s20;
	[tilespmem:s21+$0xFFFFFF80] =	vst v63  }
0x5fd: {  	[hbm4b:s20+s12] =	stream.strided.scatter [tilespmem:s15], [sflag:$0x2], $0x2000, s13, s12, $0x38;
	[tilespmem:$0x1A800] =	vst v63  }
0x5fe: {  	s18 =	sadd.s32 $0x1, s18  }
0x5ff: {  	_ =	swait.ge [sflag:s16], $0x2000;
	p0 =	sne.s32 s18, s9  }
.Ltmp33:
0x600: {  	[sflag:s16] =	ssyncset.done $0x0;
	(pc) =	sbr.rel @p0 .LBB2_1-.Ltmp33, $4  }
0x601: {  	[sflag:s16] =	ssyncadd.s32 $0xFFFFE000  }
0x602: {  	_ =	swait.ge [sflag:s17], $0x2000  }
0x603: {  	[sflag:s17] =	ssyncset.done $0x0  }
0x604: {  	[sflag:s17] =	ssyncadd.s32 $0xFFFFE000  }
0x605: {  	_ =	sfence.sel $0x180000  }
0x606: {  	[bflag:$0x0] =	sbarrier.arrive $0xFFFF  }
0x607: {  	p0 =	sne.s32 s0, $0x0;
	_ =	strace $0x90000047  }
0x608: {  	s0 =	sadd.s32 @!p0 $0x100000, s1;
	[bflag:$0x2] =	sbarrier.arrive $0xFFFF  }
0x609: {  	[sflag:s0] =	ssyncadd.tile.s32 @!p0 $0x1;
	_ =	shalt  }
.Lfunc_end2:
_tile_overlayer_lowered:
.L_overlay_start_2:
0x60a: {  	(tag) =	ssettag $0x2  }
0x60b: {  	s0 =	rddreg [dreg:$0x0];
	s2 =	stileid.u32  }
0x60c: {  	s1 =	rddreg [dreg:$0x1];
	p0 =	sne.s32 s2, $0x0  }
0x60d: {  	s3 =	rddreg [dreg:$0x2];
	[bflag:$0x3] =	sbarrier.arrive $0xFFFF;
	s2 =	simm.s32 @!p0 $0x1C03  }
0x60e: {  	[timem:s3], [sflag:s2] =	dma.local @!p0 [hbm:s0], s1  }
0x60f: {  	s0 =	simm.s32 @!p0 $0x3  }
0x610: {  	_ =	swait.ge @!p0 [sflag:s0], s1  }
0x611: {  	s1 =	ssub.s32 @!p0 $0x0, s1;
	[sflag:s0] =	ssyncset.done @!p0 $0x0  }
0x612: {  	[sflag:s0] =	ssyncadd.s32 @!p0 s1  }
0x613: {  	[bflag:$0x3] =	sbarrier.arrive $0xFFFF  }
0x614: {  	_ =	shalt  }

</sc_bundles>
